<compile_context>
chip_gen: v7x
topology: tpu7x:2x2x1
jax: 0.10.2.dev20260603
libtpu: 0.0.44.dev20260713+nightly
codegen_flags: <defaults>
</compile_context>

<pallas_src>
import functools

import jax
import jax.numpy as jnp
from jax.experimental import pallas as pl
from jax.experimental.pallas import tpu as pltpu

N = 10000
H = 64
D_IN = 128
EMB = 32

_HIGH = jax.lax.Precision.HIGHEST


def _dot(a, b):
    return jax.lax.dot(a, b, precision=_HIGH, preferred_element_type=jnp.float32)




def _matmul_bias_kernel(x_ref, w_ref, b_ref, o_ref):
    o_ref[...] = _dot(x_ref[...], w_ref[...]) + b_ref[...]


def _matmul_bias(x, w, b, block=1000):
    m, k = x.shape
    n = w.shape[1]
    return pl.pallas_call(
        _matmul_bias_kernel,
        grid=(m // block,),
        in_specs=[
            pl.BlockSpec((block, k), lambda i: (i, 0)),
            pl.BlockSpec((k, n), lambda i: (0, 0)),
            pl.BlockSpec((1, n), lambda i: (0, 0)),
        ],
        out_specs=pl.BlockSpec((block, n), lambda i: (i, 0)),
        out_shape=jax.ShapeDtypeStruct((m, n), jnp.float32),
    )(x, w, b)


def _bdot(a, b):
    return jax.lax.dot(a, b, preferred_element_type=jnp.float32)


def _rdot3(h, wh, wl):
    hh = h.astype(jnp.bfloat16)
    hl = (h - hh.astype(jnp.float32)).astype(jnp.bfloat16)
    return _bdot(hh, wh) + (_bdot(hh, wl) + _bdot(hl, wh))


def _cell(g, c):
    i = jax.nn.sigmoid(g[:, 0:64])
    f = jax.nn.sigmoid(g[:, 64:128])
    gg = jnp.tanh(g[:, 128:192])
    o = jax.nn.sigmoid(g[:, 192:256])
    c = f * c + i * gg
    h = o * jnp.tanh(c)
    return h, c


_UNROLL = 8


def _lstm1_kernel(pre1_ref, rfh_ref, rfl_ref, rbh_ref, rbl_ref, out1_ref):
    rfh, rfl = rfh_ref[...], rfl_ref[...]
    rbh, rbl = rbh_ref[...], rbl_ref[...]

    def step1(j, carry):
        hf, cf, hb, cb = carry
        base_f = j * _UNROLL
        base_b = N - _UNROLL - j * _UNROLL
        pf = pre1_ref[pl.ds(base_f, _UNROLL), 0:256]
        pb = pre1_ref[pl.ds(base_b, _UNROLL), 256:512]
        hfs, hbs = [], []
        for i in range(_UNROLL):
            gf = pf[i:i + 1, :] + _rdot3(hf, rfh, rfl)
            gb = pb[_UNROLL - 1 - i:_UNROLL - i, :] + _rdot3(hb, rbh, rbl)
            hf, cf = _cell(gf, cf)
            hb, cb = _cell(gb, cb)
            hfs.append(hf)
            hbs.append(hb)
        out1_ref[pl.ds(base_f, _UNROLL), 0:64] = jnp.concatenate(hfs, axis=0)
        out1_ref[pl.ds(base_b, _UNROLL), 64:128] = jnp.concatenate(
            hbs[::-1], axis=0)
        return hf, cf, hb, cb

    z = jnp.zeros((1, 64), jnp.float32)
    jax.lax.fori_loop(0, N // _UNROLL, step1, (z, z, z, z))


def _lstm2_heads_kernel(pre2_ref, rfh_ref, rfl_ref, rbh_ref, rbl_ref,
                        hw_ref, hb_ref, out_ref):
    rfh, rfl = rfh_ref[...], rfl_ref[...]
    rbh, rbl = rbh_ref[...], rbl_ref[...]

    def step2(j, carry):
        hf, cf, hb, cb, af, ab = carry
        base_f = j * _UNROLL
        base_b = N - _UNROLL - j * _UNROLL
        pf = pre2_ref[pl.ds(base_f, _UNROLL), 0:256]
        pb = pre2_ref[pl.ds(base_b, _UNROLL), 256:512]
        for i in range(_UNROLL):
            gf = pf[i:i + 1, :] + _rdot3(hf, rfh, rfl)
            gb = pb[_UNROLL - 1 - i:_UNROLL - i, :] + _rdot3(hb, rbh, rbl)
            hf, cf = _cell(gf, cf)
            hb, cb = _cell(gb, cb)
            af = af + hf
            ab = ab + hb
        return hf, cf, hb, cb, af, ab

    z = jnp.zeros((1, 64), jnp.float32)
    _, _, _, _, sf, sb = jax.lax.fori_loop(
        0, N // _UNROLL, step2, (z, z, z, z, z, z))

    xm = jnp.concatenate([sf, sb], axis=1) * (1.0 / N)

    emb = _dot(xm, hw_ref[:, 0:32]) + hb_ref[0:1, 0:32]
    c1 = hw_ref[0:32, 32:96]
    a1 = hw_ref[32:64, 32:96]
    c2 = hw_ref[64:128, 96:98]
    a2 = hw_ref[64:128, 98:99]
    hc = jnp.maximum(_dot(emb, c1) + hb_ref[1:2, 0:64], 0.0)
    logits = _dot(hc, c2) + hb_ref[3:4, 0:2]
    ha = jnp.maximum(_dot(emb, a1) + hb_ref[2:3, 0:64], 0.0)
    anom = _dot(ha, a2) + hb_ref[3:4, 2:3]

    out_ref[...] = jnp.zeros((8, 128), jnp.float32)
    out_ref[0:1, 0:32] = emb
    out_ref[1:2, 0:2] = logits
    out_ref[2:3, 0:1] = anom


def _lstm_heads(x, p):
    def cat2(a, b):
        return jnp.concatenate([a, b], axis=1)

    def blockdiag(a, b):
        z = jnp.zeros((64, 256), jnp.float32)
        return jnp.concatenate(
            [jnp.concatenate([a, z], axis=1), jnp.concatenate([z, b], axis=1)],
            axis=0,
        )

    a1c = cat2(p['lstm_l0f_Wih'].T, p['lstm_l0b_Wih'].T)
    rf1 = p['lstm_l0f_Whh'].T
    rb1 = p['lstm_l0b_Whh'].T
    b1 = cat2(
        (p['lstm_l0f_bih'] + p['lstm_l0f_bhh'])[None, :],
        (p['lstm_l0b_bih'] + p['lstm_l0b_bhh'])[None, :],
    )
    a2c = cat2(p['lstm_l1f_Wih'].T, p['lstm_l1b_Wih'].T)
    rf2 = p['lstm_l1f_Whh'].T
    rb2 = p['lstm_l1b_Whh'].T
    b2 = cat2(
        (p['lstm_l1f_bih'] + p['lstm_l1f_bhh'])[None, :],
        (p['lstm_l1b_bih'] + p['lstm_l1b_bhh'])[None, :],
    )

    hw = jnp.zeros((128, 128), jnp.float32)
    hw = hw.at[0:128, 0:32].set(p['emb_W'])
    hw = hw.at[0:32, 32:96].set(p['c1_W'])
    hw = hw.at[32:64, 32:96].set(p['a1_W'])
    hw = hw.at[64:128, 96:98].set(p['c2_W'])
    hw = hw.at[64:128, 98:99].set(p['a2_W'])
    hb = jnp.zeros((8, 128), jnp.float32)
    hb = hb.at[0, 0:32].set(p['emb_b'])
    hb = hb.at[1, 0:64].set(p['c1_b'])
    hb = hb.at[2, 0:64].set(p['a1_b'])
    hb = hb.at[3, 0:2].set(p['c2_b'])
    hb = hb.at[3, 2:3].set(p['a2_b'])

    def hilo(w):
        wh = w.astype(jnp.bfloat16)
        wl = (w - wh.astype(jnp.float32)).astype(jnp.bfloat16)
        return wh, wl

    rf1h, rf1l = hilo(rf1)
    rb1h, rb1l = hilo(rb1)
    rf2h, rf2l = hilo(rf2)
    rb2h, rb2l = hilo(rb2)

    pre1 = _matmul_bias(x, a1c, b1)
    out1 = pl.pallas_call(
        _lstm1_kernel,
        out_shape=jax.ShapeDtypeStruct((N, 128), jnp.float32),
    )(pre1, rf1h, rf1l, rb1h, rb1l)
    pre2 = _matmul_bias(out1, a2c, b2)
    out = pl.pallas_call(
        _lstm2_heads_kernel,
        out_shape=jax.ShapeDtypeStruct((8, 128), jnp.float32),
    )(pre2, rf2h, rf2l, rb2h, rb2l, hw, hb)

    emb = out[0, 0:32]
    logits = out[1, 0:2]
    anom = out[2, 0:1]
    return logits, anom, emb




def _gcn_t(x, src, dst, W, b, n):
    h = x @ W
    loop = jnp.arange(n)
    s = jnp.concatenate([src, loop])
    d = jnp.concatenate([dst, loop])
    ones = jnp.ones(s.shape[0], dtype=h.dtype)
    deg = jax.ops.segment_sum(ones, d, num_segments=n)
    dinv = jax.lax.rsqrt(jnp.maximum(deg, 1.0))
    norm = dinv[s] * dinv[d]
    return jax.ops.segment_sum(h[s] * norm[:, None], d, num_segments=n) + b


def _gat_t(x, src, dst, p, n, heads=2):
    h = (x @ p['gat_W']).reshape(n, heads, -1)
    loop = jnp.arange(n)
    s = jnp.concatenate([src, loop])
    d = jnp.concatenate([dst, loop])
    a_s = jnp.einsum('nhc,hc->nh', h, p['gat_a_src'])
    a_d = jnp.einsum('nhc,hc->nh', h, p['gat_a_dst'])
    e = jax.nn.leaky_relu(a_s[s] + a_d[d], 0.2)
    emax = jax.ops.segment_max(e, d, num_segments=n)
    emax = jnp.where(jnp.isfinite(emax), emax, 0.0)
    w = jnp.exp(e - emax[d])
    denom = jax.ops.segment_sum(w, d, num_segments=n)
    attn = w / (denom[d] + 1e-16)
    out = jax.ops.segment_sum(h[s] * attn[:, :, None], d, num_segments=n)
    return out.mean(axis=1) + p['gat_b']


def _graph_part(x, edge_index, p):
    n = x.shape[0]
    src, dst = edge_index[0], edge_index[1]
    h = jax.nn.relu(_gcn_t(x, src, dst, p['gcn1_W'], p['gcn1_b'], n))
    h = jax.nn.relu(_gcn_t(h, src, dst, p['gcn2_W'], p['gcn2_b'], n))
    return _gat_t(h, src, dst, p, n)


def kernel(x, edge_index, params):
    h = _graph_part(x, edge_index, params)
    return _lstm_heads(h, params)

# --- scband reference (transcript-rebuilt; emitter-appended) ---
"""Pipeline reference for scband-advanced-fraud-detection-model-70385924047305 (READ-ONLY COPY).

The authoritative reference and input builder live on the scoring server;
editing this copy changes nothing except your own understanding.
"""

import jax, jax.numpy as jnp
import numpy as np

N = 10000
E = 320000
D_IN = 128
H = 64
EMB = 32


def _init_params(key):
    ks = jax.random.split(key, 32)
    it = iter(list(ks))

    def nrm(shape, s=0.1):
        return jax.random.normal(next(it), shape, dtype=jnp.float32) * s

    p = {
        'gcn1_W': nrm((D_IN, H)), 'gcn1_b': jnp.zeros((H,), jnp.float32),
        'gcn2_W': nrm((H, H)), 'gcn2_b': jnp.zeros((H,), jnp.float32),
        'gat_W': nrm((H, 2 * H)), 'gat_a_src': nrm((2, H)), 'gat_a_dst': nrm((2, H)), 'gat_b': jnp.zeros((H,), jnp.float32),
        'emb_W': nrm((2 * H, EMB)), 'emb_b': jnp.zeros((EMB,), jnp.float32),
        'c1_W': nrm((EMB, H)), 'c1_b': jnp.zeros((H,), jnp.float32),
        'c2_W': nrm((H, 2)), 'c2_b': jnp.zeros((2,), jnp.float32),
        'a1_W': nrm((EMB, H)), 'a1_b': jnp.zeros((H,), jnp.float32),
        'a2_W': nrm((H, 1)), 'a2_b': jnp.zeros((1,), jnp.float32),
    }
    for l in range(2):
        in_dim = H if l == 0 else 2 * H
        for d in ('f', 'b'):
            p['lstm_l%d%s_Wih' % (l, d)] = nrm((4 * H, in_dim))
            p['lstm_l%d%s_Whh' % (l, d)] = nrm((4 * H, H))
            p['lstm_l%d%s_bih' % (l, d)] = jnp.zeros((4 * H,), jnp.float32)
            p['lstm_l%d%s_bhh' % (l, d)] = jnp.zeros((4 * H,), jnp.float32)
    return p


def setup_inputs(seed: int = 0):
    key = jax.random.key(seed)
    k1, k2, k3 = jax.random.split(key, 3)
    x = jax.random.normal(k1, (N, D_IN), dtype=jnp.float32)
    edge_index = jax.random.randint(k2, (2, E), 0, N)
    params = _init_params(k3)
    return {'x': x, 'edge_index': edge_index, 'params': params}


def _gcn(x, src, dst, W, b, n):
    h = x @ W
    loop = jnp.arange(n)
    s = jnp.concatenate([src, loop])
    d = jnp.concatenate([dst, loop])
    ones = jnp.ones(s.shape[0], dtype=h.dtype)
    deg = jax.ops.segment_sum(ones, d, num_segments=n)
    dinv = jax.lax.rsqrt(jnp.maximum(deg, 1.0))
    norm = dinv[s] * dinv[d]
    return jax.ops.segment_sum(h[s] * norm[:, None], d, num_segments=n) + b


def _gat(x, src, dst, p, n, heads=2):
    h = (x @ p['gat_W']).reshape(n, heads, -1)
    loop = jnp.arange(n)
    s = jnp.concatenate([src, loop])
    d = jnp.concatenate([dst, loop])
    a_s = jnp.einsum('nhc,hc->nh', h, p['gat_a_src'])
    a_d = jnp.einsum('nhc,hc->nh', h, p['gat_a_dst'])
    e = jax.nn.leaky_relu(a_s[s] + a_d[d], 0.2)
    emax = jax.lax.stop_gradient(jax.ops.segment_max(e, d, num_segments=n))
    emax = jnp.where(jnp.isfinite(emax), emax, 0.0)
    w = jnp.exp(e - emax[d])
    denom = jax.ops.segment_sum(w, d, num_segments=n)
    attn = w / (denom[d] + 1e-16)
    out = jax.ops.segment_sum(h[s] * attn[:, :, None], d, num_segments=n)
    return out.mean(axis=1) + p['gat_b']


def _lstm_dir(xs, Wih, Whh, bih, bhh, reverse):
    Hh = Whh.shape[1]

    def step(carry, xt):
        h, c = carry
        g = Wih @ xt + Whh @ h + bih + bhh
        i, f, gg, o = jnp.split(g, 4)
        i = jax.nn.sigmoid(i)
        f = jax.nn.sigmoid(f)
        gg = jnp.tanh(gg)
        o = jax.nn.sigmoid(o)
        c = f * c + i * gg
        h = o * jnp.tanh(c)
        return (h, c), h

    init = (jnp.zeros((Hh,), xs.dtype), jnp.zeros((Hh,), xs.dtype))
    seq = xs[::-1] if reverse else xs
    _, hs = jax.lax.scan(step, init, seq)
    return hs[::-1] if reverse else hs


def _bilstm(xs, p):
    out = xs
    for l in range(2):
        f = _lstm_dir(out, p['lstm_l%df_Wih' % l], p['lstm_l%df_Whh' % l], p['lstm_l%df_bih' % l], p['lstm_l%df_bhh' % l], False)
        b = _lstm_dir(out, p['lstm_l%db_Wih' % l], p['lstm_l%db_Whh' % l], p['lstm_l%db_bih' % l], p['lstm_l%db_bhh' % l], True)
        out = jnp.concatenate([f, b], axis=-1)
    return out


def _forward(x, edge_index, p):
    n = x.shape[0]
    src, dst = edge_index[0], edge_index[1]
    h = jax.nn.relu(_gcn(x, src, dst, p['gcn1_W'], p['gcn1_b'], n))
    # dropout is identity in eval mode
    h = jax.nn.relu(_gcn(h, src, dst, p['gcn2_W'], p['gcn2_b'], n))
    h = _gat(h, src, dst, p, n)
    lstm_out = _bilstm(h, p)  # batch=None path: whole graph is one sequence
    xm = jnp.mean(lstm_out, axis=0)
    emb = xm @ p['emb_W'] + p['emb_b']
    logits = jax.nn.relu(emb @ p['c1_W'] + p['c1_b']) @ p['c2_W'] + p['c2_b']
    anom = jax.nn.relu(emb @ p['a1_W'] + p['a1_b']) @ p['a2_W'] + p['a2_b']
    return (logits, anom, emb)


def reference(x, edge_index, params):
    return _forward(x, edge_index, params)

if __name__ == "__main__":
    import jax
    _d = setup_inputs()
    print(jax.jit(kernel)(*tuple(_d.values())))

</pallas_src>

<mosaic_0001>
module attributes {stable_mosaic.version = 14 : i64} {
  func.func @_matmul_bias_kernel(%arg0: i32, %arg1: memref<1000x64xf32, #tpu.memory_space<vmem>>, %arg2: memref<64x512xf32, #tpu.memory_space<vmem>>, %arg3: memref<1x512xf32, #tpu.memory_space<vmem>>, %arg4: memref<1000x512xf32, #tpu.memory_space<vmem>>) attributes {dimension_semantics = [#tpu.dimension_semantics<arbitrary>], iteration_bounds = array<i64: 10>, scalar_prefetch = 0 : i64, scratch_operands = 0 : i64, tpu.core_type = #tpu.core_type<tc>, window_params = [{transform_indices = @transform_0, window_bounds = array<i64: 1000, 64>}, {pipeline_mode = #tpu.pipeline_mode<synchronous>, transform_indices = @transform_1, window_bounds = array<i64: 64, 512>}, {pipeline_mode = #tpu.pipeline_mode<synchronous>, transform_indices = @transform_2, window_bounds = array<i64: 1, 512>}, {transform_indices = @transform_3, window_bounds = array<i64: 1000, 512>}]} {
    %get3A = arith.constant 0 : index
    %get3A_0 = arith.constant 0 : index
    %get3A_1 = vector.load %arg1[%get3A, %get3A_0] : memref<1000x64xf32, #tpu.memory_space<vmem>>, vector<1000x64xf32>
    %get3A_2 = arith.constant 0 : index
    %get3A_3 = arith.constant 0 : index
    %get3A_4 = vector.load %arg2[%get3A_2, %get3A_3] : memref<64x512xf32, #tpu.memory_space<vmem>>, vector<64x512xf32>
    %dot_general3A = arith.constant dense<0.000000e+00> : vector<1000x512xf32>
    %dot_general3A_5 = tpu.matmul %get3A_1, %get3A_4, %dot_general3A {dimension_numbers = #tpu.dot_dimension_numbers<[1], [0], [0], [1], [0, 0, 1, 1], [], []>, precision = #tpu.contract_precision<fp32>, transpose_lhs_hint = false} : vector<1000x64xf32>, vector<64x512xf32>, vector<1000x512xf32> -> vector<1000x512xf32>
    %get3A_6 = arith.constant 0 : index
    %get3A_7 = arith.constant 0 : index
    %get3A_8 = vector.load %arg3[%get3A_6, %get3A_7] : memref<1x512xf32, #tpu.memory_space<vmem>>, vector<1x512xf32>
    %add3A = vector.broadcast %get3A_8 : vector<1x512xf32> to vector<1000x512xf32>
    %add3A_9 = arith.addf %dot_general3A_5, %add3A : vector<1000x512xf32>
    %swap3A = arith.constant 0 : index
    %swap3A_10 = arith.constant 0 : index
    %swap3A_11 = vector.load %arg4[%swap3A, %swap3A_10] : memref<1000x512xf32, #tpu.memory_space<vmem>>, vector<1000x512xf32>
    tpu.vector_store %arg4[%swap3A, %swap3A_10], %add3A_9 {strides = array<i32>} : memref<1000x512xf32, #tpu.memory_space<vmem>>, vector<1000x512xf32>,
    return
  }
  func.func @transform_0(%arg0: i32) -> (i32, i32) {
    %c0_i32 = arith.constant 0 : i32
    %c0_i32_0 = arith.constant 0 : i32
    return %arg0, %c0_i32 : i32, i32
  }
  func.func @transform_1(%arg0: i32) -> (i32, i32) {
    %c0_i32 = arith.constant 0 : i32
    %c0_i32_0 = arith.constant 0 : i32
    %c0_i32_1 = arith.constant 0 : i32
    return %c0_i32, %c0_i32_0 : i32, i32
  }
  func.func @transform_2(%arg0: i32) -> (i32, i32) {
    %c0_i32 = arith.constant 0 : i32
    %c0_i32_0 = arith.constant 0 : i32
    %c0_i32_1 = arith.constant 0 : i32
    return %c0_i32, %c0_i32_0 : i32, i32
  }
  func.func @transform_3(%arg0: i32) -> (i32, i32) {
    %c0_i32 = arith.constant 0 : i32
    %c0_i32_0 = arith.constant 0 : i32
    return %arg0, %c0_i32 : i32, i32
  }
}

module attributes {stable_mosaic.version = 14 : i64} {
  func.func @_lstm1_kernel(%arg0: memref<10000x512xf32, #tpu.memory_space<vmem>>, %arg1: memref<64x256xbf16, #tpu.memory_space<vmem>>, %arg2: memref<64x256xbf16, #tpu.memory_space<vmem>>, %arg3: memref<64x256xbf16, #tpu.memory_space<vmem>>, %arg4: memref<64x256xbf16, #tpu.memory_space<vmem>>, %arg5: memref<10000x128xf32, #tpu.memory_space<vmem>>) attributes {dimension_semantics = [], scalar_prefetch = 0 : i64, scratch_operands = 0 : i64, tpu.core_type = #tpu.core_type<tc>} {
    %get3A = arith.constant 0 : index
    %get3A_0 = arith.constant 0 : index
    %get3A_1 = vector.load %arg1[%get3A, %get3A_0] : memref<64x256xbf16, #tpu.memory_space<vmem>>, vector<64x256xbf16>
    %get3A_2 = arith.constant 0 : index
    %get3A_3 = arith.constant 0 : index
    %get3A_4 = vector.load %arg2[%get3A_2, %get3A_3] : memref<64x256xbf16, #tpu.memory_space<vmem>>, vector<64x256xbf16>
    %get3A_5 = arith.constant 0 : index
    %get3A_6 = arith.constant 0 : index
    %get3A_7 = vector.load %arg3[%get3A_5, %get3A_6] : memref<64x256xbf16, #tpu.memory_space<vmem>>, vector<64x256xbf16>
    %get3A_8 = arith.constant 0 : index
    %get3A_9 = arith.constant 0 : index
    %get3A_10 = vector.load %arg4[%get3A_8, %get3A_9] : memref<64x256xbf16, #tpu.memory_space<vmem>>, vector<64x256xbf16>
    %broadcast_in_dim3A = arith.constant 0.000000e+00 : f32
    %broadcast_in_dim3A_11 = vector.broadcast %broadcast_in_dim3A : f32 to vector<1x64xf32>
    %scan3A = arith.constant 0 : i32
    %scan3A_12 = arith.constant 1250 : i32
    %scan3A_13 = arith.addi %scan3A, %scan3A_12 : i32
    %scan3A_14 = arith.constant 1 : i32
    %scan3A_15:4 = scf.for %scan3A_17 = %scan3A to %scan3A_13 step %scan3A_14 iter_args(%scan3A_18 = %broadcast_in_dim3A_11, %scan3A_19 = %broadcast_in_dim3A_11, %scan3A_20 = %broadcast_in_dim3A_11, %scan3A_21 = %broadcast_in_dim3A_11) -> (vector<1x64xf32>, vector<1x64xf32>, vector<1x64xf32>, vector<1x64xf32>)  : i32 {
      %mul3A = arith.constant 8 : i32
      %mul3A_22 = arith.muli %scan3A_17, %mul3A : i32
      %mul3A_23 = arith.constant 8 : i32
      %mul3A_24 = arith.muli %scan3A_17, %mul3A_23 : i32
      %sub3A = arith.constant 9992 : i32
      %sub3A_25 = arith.subi %sub3A, %mul3A_24 : i32
      %get3A_26 = arith.index_cast %mul3A_22 : i32 to index
      %get3A_27 = arith.constant 0 : index
      %get3A_28 = vector.load %arg0[%get3A_26, %get3A_27] : memref<10000x512xf32, #tpu.memory_space<vmem>>, vector<8x256xf32>
      %get3A_29 = arith.index_cast %sub3A_25 : i32 to index
      %get3A_30 = arith.constant 256 : index
      %get3A_31 = vector.load %arg0[%get3A_29, %get3A_30] : memref<10000x512xf32, #tpu.memory_space<vmem>>, vector<8x256xf32>
      %slice3A = vector.extract_strided_slice %get3A_28 {offsets = [0, 0], sizes = [1, 256], strides = [1, 1]} : vector<8x256xf32> to vector<1x256xf32>
      %convert_element_type3A = arith.truncf %scan3A_18 : vector<1x64xf32> to vector<1x64xbf16>
      %convert_element_type3A_32 = arith.extf %convert_element_type3A : vector<1x64xbf16> to vector<1x64xf32>
      %sub3A_33 = arith.subf %scan3A_18, %convert_element_type3A_32 : vector<1x64xf32>
      %convert_element_type3A_34 = arith.truncf %sub3A_33 : vector<1x64xf32> to vector<1x64xbf16>
      %dot_general3A = arith.constant dense<0.000000e+00> : vector<1x256xf32>
      %dot_general3A_35 = tpu.matmul %convert_element_type3A, %get3A_1, %dot_general3A {dimension_numbers = #tpu.dot_dimension_numbers<[1], [0], [0], [1], [0, 0, 1, 1], [], []>, transpose_lhs_hint = false} : vector<1x64xbf16>, vector<64x256xbf16>, vector<1x256xf32> -> vector<1x256xf32>
      %dot_general3A_36 = arith.constant dense<0.000000e+00> : vector<1x256xf32>
      %dot_general3A_37 = tpu.matmul %convert_element_type3A, %get3A_4, %dot_general3A_36 {dimension_numbers = #tpu.dot_dimension_numbers<[1], [0], [0], [1], [0, 0, 1, 1], [], []>, transpose_lhs_hint = false} : vector<1x64xbf16>, vector<64x256xbf16>, vector<1x256xf32> -> vector<1x256xf32>
      %dot_general3A_38 = arith.constant dense<0.000000e+00> : vector<1x256xf32>
      %dot_general3A_39 = tpu.matmul %convert_element_type3A_34, %get3A_1, %dot_general3A_38 {dimension_numbers = #tpu.dot_dimension_numbers<[1], [0], [0], [1], [0, 0, 1, 1], [], []>, transpose_lhs_hint = false} : vector<1x64xbf16>, vector<64x256xbf16>, vector<1x256xf32> -> vector<1x256xf32>
      %add3A = arith.addf %dot_general3A_37, %dot_general3A_39 : vector<1x256xf32>
      %add3A_40 = arith.addf %dot_general3A_35, %add3A : vector<1x256xf32>
      %add3A_41 = arith.addf %slice3A, %add3A_40 : vector<1x256xf32>
      %slice3A_42 = vector.extract_strided_slice %get3A_31 {offsets = [7, 0], sizes = [1, 256], strides = [1, 1]} : vector<8x256xf32> to vector<1x256xf32>
      %convert_element_type3A_43 = arith.truncf %scan3A_20 : vector<1x64xf32> to vector<1x64xbf16>
      %convert_element_type3A_44 = arith.extf %convert_element_type3A_43 : vector<1x64xbf16> to vector<1x64xf32>
      %sub3A_45 = arith.subf %scan3A_20, %convert_element_type3A_44 : vector<1x64xf32>
      %convert_element_type3A_46 = arith.truncf %sub3A_45 : vector<1x64xf32> to vector<1x64xbf16>
      %dot_general3A_47 = arith.constant dense<0.000000e+00> : vector<1x256xf32>
      %dot_general3A_48 = tpu.matmul %convert_element_type3A_43, %get3A_7, %dot_general3A_47 {dimension_numbers = #tpu.dot_dimension_numbers<[1], [0], [0], [1], [0, 0, 1, 1], [], []>, transpose_lhs_hint = false} : vector<1x64xbf16>, vector<64x256xbf16>, vector<1x256xf32> -> vector<1x256xf32>
      %dot_general3A_49 = arith.constant dense<0.000000e+00> : vector<1x256xf32>
      %dot_general3A_50 = tpu.matmul %convert_element_type3A_43, %get3A_10, %dot_general3A_49 {dimension_numbers = #tpu.dot_dimension_numbers<[1], [0], [0], [1], [0, 0, 1, 1], [], []>, transpose_lhs_hint = false} : vector<1x64xbf16>, vector<64x256xbf16>, vector<1x256xf32> -> vector<1x256xf32>
      %dot_general3A_51 = arith.constant dense<0.000000e+00> : vector<1x256xf32>
      %dot_general3A_52 = tpu.matmul %convert_element_type3A_46, %get3A_7, %dot_general3A_51 {dimension_numbers = #tpu.dot_dimension_numbers<[1], [0], [0], [1], [0, 0, 1, 1], [], []>, transpose_lhs_hint = false} : vector<1x64xbf16>, vector<64x256xbf16>, vector<1x256xf32> -> vector<1x256xf32>
      %add3A_53 = arith.addf %dot_general3A_50, %dot_general3A_52 : vector<1x256xf32>
      %add3A_54 = arith.addf %dot_general3A_48, %add3A_53 : vector<1x256xf32>
      %add3A_55 = arith.addf %slice3A_42, %add3A_54 : vector<1x256xf32>
      %slice3A_56 = vector.extract_strided_slice %add3A_41 {offsets = [0, 0], sizes = [1, 64], strides = [1, 1]} : vector<1x256xf32> to vector<1x64xf32>
      %logistic3A = arith.negf %slice3A_56 : vector<1x64xf32>
      %logistic3A_57 = math.exp %logistic3A : vector<1x64xf32>
      %logistic3A_58 = arith.constant 1.000000e+00 : f32
      %logistic3A_59 = vector.broadcast %logistic3A_58 : f32 to vector<1x64xf32>
      %logistic3A_60 = arith.addf %logistic3A_59, %logistic3A_57 : vector<1x64xf32>
      %logistic3A_61 = arith.divf %logistic3A_59, %logistic3A_60 : vector<1x64xf32>
      %slice3A_62 = vector.extract_strided_slice %add3A_41 {offsets = [0, 64], sizes = [1, 64], strides = [1, 1]} : vector<1x256xf32> to vector<1x64xf32>
      %logistic3A_63 = arith.negf %slice3A_62 : vector<1x64xf32>
      %logistic3A_64 = math.exp %logistic3A_63 : vector<1x64xf32>
      %logistic3A_65 = arith.constant 1.000000e+00 : f32
      %logistic3A_66 = vector.broadcast %logistic3A_65 : f32 to vector<1x64xf32>
      %logistic3A_67 = arith.addf %logistic3A_66, %logistic3A_64 : vector<1x64xf32>
      %logistic3A_68 = arith.divf %logistic3A_66, %logistic3A_67 : vector<1x64xf32>
      %slice3A_69 = vector.extract_strided_slice %add3A_41 {offsets = [0, 128], sizes = [1, 64], strides = [1, 1]} : vector<1x256xf32> to vector<1x64xf32>
      %tanh3A = math.tanh %slice3A_69 : vector<1x64xf32>
      %slice3A_70 = vector.extract_strided_slice %add3A_41 {offsets = [0, 192], sizes = [1, 64], strides = [1, 1]} : vector<1x256xf32> to vector<1x64xf32>
      %logistic3A_71 = arith.negf %slice3A_70 : vector<1x64xf32>
      %logistic3A_72 = math.exp %logistic3A_71 : vector<1x64xf32>
      %logistic3A_73 = arith.constant 1.000000e+00 : f32
      %logistic3A_74 = vector.broadcast %logistic3A_73 : f32 to vector<1x64xf32>
      %logistic3A_75 = arith.addf %logistic3A_74, %logistic3A_72 : vector<1x64xf32>
      %logistic3A_76 = arith.divf %logistic3A_74, %logistic3A_75 : vector<1x64xf32>
      %mul3A_77 = arith.mulf %logistic3A_68, %scan3A_19 : vector<1x64xf32>
      %mul3A_78 = arith.mulf %logistic3A_61, %tanh3A : vector<1x64xf32>
      %add3A_79 = arith.addf %mul3A_77, %mul3A_78 : vector<1x64xf32>
      %tanh3A_80 = math.tanh %add3A_79 : vector<1x64xf32>
      %mul3A_81 = arith.mulf %logistic3A_76, %tanh3A_80 : vector<1x64xf32>
      %slice3A_82 = vector.extract_strided_slice %add3A_55 {offsets = [0, 0], sizes = [1, 64], strides = [1, 1]} : vector<1x256xf32> to vector<1x64xf32>
      %logistic3A_83 = arith.negf %slice3A_82 : vector<1x64xf32>
      %logistic3A_84 = math.exp %logistic3A_83 : vector<1x64xf32>
      %logistic3A_85 = arith.constant 1.000000e+00 : f32
      %logistic3A_86 = vector.broadcast %logistic3A_85 : f32 to vector<1x64xf32>
      %logistic3A_87 = arith.addf %logistic3A_86, %logistic3A_84 : vector<1x64xf32>
      %logistic3A_88 = arith.divf %logistic3A_86, %logistic3A_87 : vector<1x64xf32>
      %slice3A_89 = vector.extract_strided_slice %add3A_55 {offsets = [0, 64], sizes = [1, 64], strides = [1, 1]} : vector<1x256xf32> to vector<1x64xf32>
      %logistic3A_90 = arith.negf %slice3A_89 : vector<1x64xf32>
      %logistic3A_91 = math.exp %logistic3A_90 : vector<1x64xf32>
      %logistic3A_92 = arith.constant 1.000000e+00 : f32
      %logistic3A_93 = vector.broadcast %logistic3A_92 : f32 to vector<1x64xf32>
      %logistic3A_94 = arith.addf %logistic3A_93, %logistic3A_91 : vector<1x64xf32>
      %logistic3A_95 = arith.divf %logistic3A_93, %logistic3A_94 : vector<1x64xf32>
      %slice3A_96 = vector.extract_strided_slice %add3A_55 {offsets = [0, 128], sizes = [1, 64], strides = [1, 1]} : vector<1x256xf32> to vector<1x64xf32>
      %tanh3A_97 = math.tanh %slice3A_96 : vector<1x64xf32>
      %slice3A_98 = vector.extract_strided_slice %add3A_55 {offsets = [0, 192], sizes = [1, 64], strides = [1, 1]} : vector<1x256xf32> to vector<1x64xf32>
      %logistic3A_99 = arith.negf %slice3A_98 : vector<1x64xf32>
      %logistic3A_100 = math.exp %logistic3A_99 : vector<1x64xf32>
      %logistic3A_101 = arith.constant 1.000000e+00 : f32
      %logistic3A_102 = vector.broadcast %logistic3A_101 : f32 to vector<1x64xf32>
      %logistic3A_103 = arith.addf %logistic3A_102, %logistic3A_100 : vector<1x64xf32>
      %logistic3A_104 = arith.divf %logistic3A_102, %logistic3A_103 : vector<1x64xf32>
      %mul3A_105 = arith.mulf %logistic3A_95, %scan3A_21 : vector<1x64xf32>
      %mul3A_106 = arith.mulf %logistic3A_88, %tanh3A_97 : vector<1x64xf32>
      %add3A_107 = arith.addf %mul3A_105, %mul3A_106 : vector<1x64xf32>
      %tanh3A_108 = math.tanh %add3A_107 : vector<1x64xf32>
      %mul3A_109 = arith.mulf %logistic3A_104, %tanh3A_108 : vector<1x64xf32>
      %slice3A_110 = vector.extract_strided_slice %get3A_28 {offsets = [1, 0], sizes = [1, 256], strides = [1, 1]} : vector<8x256xf32> to vector<1x256xf32>
      %convert_element_type3A_111 = arith.truncf %mul3A_81 : vector<1x64xf32> to vector<1x64xbf16>
      %convert_element_type3A_112 = arith.extf %convert_element_type3A_111 : vector<1x64xbf16> to vector<1x64xf32>
      %sub3A_113 = arith.subf %mul3A_81, %convert_element_type3A_112 : vector<1x64xf32>
      %convert_element_type3A_114 = arith.truncf %sub3A_113 : vector<1x64xf32> to vector<1x64xbf16>
      %dot_general3A_115 = arith.constant dense<0.000000e+00> : vector<1x256xf32>
      %dot_general3A_116 = tpu.matmul %convert_element_type3A_111, %get3A_1, %dot_general3A_115 {dimension_numbers = #tpu.dot_dimension_numbers<[1], [0], [0], [1], [0, 0, 1, 1], [], []>, transpose_lhs_hint = false} : vector<1x64xbf16>, vector<64x256xbf16>, vector<1x256xf32> -> vector<1x256xf32>
      %dot_general3A_117 = arith.constant dense<0.000000e+00> : vector<1x256xf32>
      %dot_general3A_118 = tpu.matmul %convert_element_type3A_111, %get3A_4, %dot_general3A_117 {dimension_numbers = #tpu.dot_dimension_numbers<[1], [0], [0], [1], [0, 0, 1, 1], [], []>, transpose_lhs_hint = false} : vector<1x64xbf16>, vector<64x256xbf16>, vector<1x256xf32> -> vector<1x256xf32>
      %dot_general3A_119 = arith.constant dense<0.000000e+00> : vector<1x256xf32>
      %dot_general3A_120 = tpu.matmul %convert_element_type3A_114, %get3A_1, %dot_general3A_119 {dimension_numbers = #tpu.dot_dimension_numbers<[1], [0], [0], [1], [0, 0, 1, 1], [], []>, transpose_lhs_hint = false} : vector<1x64xbf16>, vector<64x256xbf16>, vector<1x256xf32> -> vector<1x256xf32>
      %add3A_121 = arith.addf %dot_general3A_118, %dot_general3A_120 : vector<1x256xf32>
      %add3A_122 = arith.addf %dot_general3A_116, %add3A_121 : vector<1x256xf32>
      %add3A_123 = arith.addf %slice3A_110, %add3A_122 : vector<1x256xf32>
      %slice3A_124 = vector.extract_strided_slice %get3A_31 {offsets = [6, 0], sizes = [1, 256], strides = [1, 1]} : vector<8x256xf32> to vector<1x256xf32>
      %convert_element_type3A_125 = arith.truncf %mul3A_109 : vector<1x64xf32> to vector<1x64xbf16>
      %convert_element_type3A_126 = arith.extf %convert_element_type3A_125 : vector<1x64xbf16> to vector<1x64xf32>
      %sub3A_127 = arith.subf %mul3A_109, %convert_element_type3A_126 : vector<1x64xf32>
      %convert_element_type3A_128 = arith.truncf %sub3A_127 : vector<1x64xf32> to vector<1x64xbf16>
      %dot_general3A_129 = arith.constant dense<0.000000e+00> : vector<1x256xf32>
      %dot_general3A_130 = tpu.matmul %convert_element_type3A_125, %get3A_7, %dot_general3A_129 {dimension_numbers = #tpu.dot_dimension_numbers<[1], [0], [0], [1], [0, 0, 1, 1], [], []>, transpose_lhs_hint = false} : vector<1x64xbf16>, vector<64x256xbf16>, vector<1x256xf32> -> vector<1x256xf32>
      %dot_general3A_131 = arith.constant dense<0.000000e+00> : vector<1x256xf32>
      %dot_general3A_132 = tpu.matmul %convert_element_type3A_125, %get3A_10, %dot_general3A_131 {dimension_numbers = #tpu.dot_dimension_numbers<[1], [0], [0], [1], [0, 0, 1, 1], [], []>, transpose_lhs_hint = false} : vector<1x64xbf16>, vector<64x256xbf16>, vector<1x256xf32> -> vector<1x256xf32>
      %dot_general3A_133 = arith.constant dense<0.000000e+00> : vector<1x256xf32>
      %dot_general3A_134 = tpu.matmul %convert_element_type3A_128, %get3A_7, %dot_general3A_133 {dimension_numbers = #tpu.dot_dimension_numbers<[1], [0], [0], [1], [0, 0, 1, 1], [], []>, transpose_lhs_hint = false} : vector<1x64xbf16>, vector<64x256xbf16>, vector<1x256xf32> -> vector<1x256xf32>
      %add3A_135 = arith.addf %dot_general3A_132, %dot_general3A_134 : vector<1x256xf32>
      %add3A_136 = arith.addf %dot_general3A_130, %add3A_135 : vector<1x256xf32>
      %add3A_137 = arith.addf %slice3A_124, %add3A_136 : vector<1x256xf32>
      %slice3A_138 = vector.extract_strided_slice %add3A_123 {offsets = [0, 0], sizes = [1, 64], strides = [1, 1]} : vector<1x256xf32> to vector<1x64xf32>
      %logistic3A_139 = arith.negf %slice3A_138 : vector<1x64xf32>
      %logistic3A_140 = math.exp %logistic3A_139 : vector<1x64xf32>
      %logistic3A_141 = arith.constant 1.000000e+00 : f32
      %logistic3A_142 = vector.broadcast %logistic3A_141 : f32 to vector<1x64xf32>
      %logistic3A_143 = arith.addf %logistic3A_142, %logistic3A_140 : vector<1x64xf32>
      %logistic3A_144 = arith.divf %logistic3A_142, %logistic3A_143 : vector<1x64xf32>
      %slice3A_145 = vector.extract_strided_slice %add3A_123 {offsets = [0, 64], sizes = [1, 64], strides = [1, 1]} : vector<1x256xf32> to vector<1x64xf32>
      %logistic3A_146 = arith.negf %slice3A_145 : vector<1x64xf32>
      %logistic3A_147 = math.exp %logistic3A_146 : vector<1x64xf32>
      %logistic3A_148 = arith.constant 1.000000e+00 : f32
      %logistic3A_149 = vector.broadcast %logistic3A_148 : f32 to vector<1x64xf32>
      %logistic3A_150 = arith.addf %logistic3A_149, %logistic3A_147 : vector<1x64xf32>
      %logistic3A_151 = arith.divf %logistic3A_149, %logistic3A_150 : vector<1x64xf32>
      %slice3A_152 = vector.extract_strided_slice %add3A_123 {offsets = [0, 128], sizes = [1, 64], strides = [1, 1]} : vector<1x256xf32> to vector<1x64xf32>
      %tanh3A_153 = math.tanh %slice3A_152 : vector<1x64xf32>
      %slice3A_154 = vector.extract_strided_slice %add3A_123 {offsets = [0, 192], sizes = [1, 64], strides = [1, 1]} : vector<1x256xf32> to vector<1x64xf32>
      %logistic3A_155 = arith.negf %slice3A_154 : vector<1x64xf32>
      %logistic3A_156 = math.exp %logistic3A_155 : vector<1x64xf32>
      %logistic3A_157 = arith.constant 1.000000e+00 : f32
      %logistic3A_158 = vector.broadcast %logistic3A_157 : f32 to vector<1x64xf32>
      %logistic3A_159 = arith.addf %logistic3A_158, %logistic3A_156 : vector<1x64xf32>
      %logistic3A_160 = arith.divf %logistic3A_158, %logistic3A_159 : vector<1x64xf32>
      %mul3A_161 = arith.mulf %logistic3A_151, %add3A_79 : vector<1x64xf32>
      %mul3A_162 = arith.mulf %logistic3A_144, %tanh3A_153 : vector<1x64xf32>
      %add3A_163 = arith.addf %mul3A_161, %mul3A_162 : vector<1x64xf32>
      %tanh3A_164 = math.tanh %add3A_163 : vector<1x64xf32>
      %mul3A_165 = arith.mulf %logistic3A_160, %tanh3A_164 : vector<1x64xf32>
      %slice3A_166 = vector.extract_strided_slice %add3A_137 {offsets = [0, 0], sizes = [1, 64], strides = [1, 1]} : vector<1x256xf32> to vector<1x64xf32>
      %logistic3A_167 = arith.negf %slice3A_166 : vector<1x64xf32>
      %logistic3A_168 = math.exp %logistic3A_167 : vector<1x64xf32>
      %logistic3A_169 = arith.constant 1.000000e+00 : f32
      %logistic3A_170 = vector.broadcast %logistic3A_169 : f32 to vector<1x64xf32>
      %logistic3A_171 = arith.addf %logistic3A_170, %logistic3A_168 : vector<1x64xf32>
      %logistic3A_172 = arith.divf %logistic3A_170, %logistic3A_171 : vector<1x64xf32>
      %slice3A_173 = vector.extract_strided_slice %add3A_137 {offsets = [0, 64], sizes = [1, 64], strides = [1, 1]} : vector<1x256xf32> to vector<1x64xf32>
      %logistic3A_174 = arith.negf %slice3A_173 : vector<1x64xf32>
      %logistic3A_175 = math.exp %logistic3A_174 : vector<1x64xf32>
      %logistic3A_176 = arith.constant 1.000000e+00 : f32
      %logistic3A_177 = vector.broadcast %logistic3A_176 : f32 to vector<1x64xf32>
      %logistic3A_178 = arith.addf %logistic3A_177, %logistic3A_175 : vector<1x64xf32>
      %logistic3A_179 = arith.divf %logistic3A_177, %logistic3A_178 : vector<1x64xf32>
      %slice3A_180 = vector.extract_strided_slice %add3A_137 {offsets = [0, 128], sizes = [1, 64], strides = [1, 1]} : vector<1x256xf32> to vector<1x64xf32>
      %tanh3A_181 = math.tanh %slice3A_180 : vector<1x64xf32>
      %slice3A_182 = vector.extract_strided_slice %add3A_137 {offsets = [0, 192], sizes = [1, 64], strides = [1, 1]} : vector<1x256xf32> to vector<1x64xf32>
      %logistic3A_183 = arith.negf %slice3A_182 : vector<1x64xf32>
      %logistic3A_184 = math.exp %logistic3A_183 : vector<1x64xf32>
      %logistic3A_185 = arith.constant 1.000000e+00 : f32
      %logistic3A_186 = vector.broadcast %logistic3A_185 : f32 to vector<1x64xf32>
      %logistic3A_187 = arith.addf %logistic3A_186, %logistic3A_184 : vector<1x64xf32>
      %logistic3A_188 = arith.divf %logistic3A_186, %logistic3A_187 : vector<1x64xf32>
      %mul3A_189 = arith.mulf %logistic3A_179, %add3A_107 : vector<1x64xf32>
      %mul3A_190 = arith.mulf %logistic3A_172, %tanh3A_181 : vector<1x64xf32>
      %add3A_191 = arith.addf %mul3A_189, %mul3A_190 : vector<1x64xf32>
      %tanh3A_192 = math.tanh %add3A_191 : vector<1x64xf32>
      %mul3A_193 = arith.mulf %logistic3A_188, %tanh3A_192 : vector<1x64xf32>
      %slice3A_194 = vector.extract_strided_slice %get3A_28 {offsets = [2, 0], sizes = [1, 256], strides = [1, 1]} : vector<8x256xf32> to vector<1x256xf32>
      %convert_element_type3A_195 = arith.truncf %mul3A_165 : vector<1x64xf32> to vector<1x64xbf16>
      %convert_element_type3A_196 = arith.extf %convert_element_type3A_195 : vector<1x64xbf16> to vector<1x64xf32>
      %sub3A_197 = arith.subf %mul3A_165, %convert_element_type3A_196 : vector<1x64xf32>
      %convert_element_type3A_198 = arith.truncf %sub3A_197 : vector<1x64xf32> to vector<1x64xbf16>
      %dot_general3A_199 = arith.constant dense<0.000000e+00> : vector<1x256xf32>
      %dot_general3A_200 = tpu.matmul %convert_element_type3A_195, %get3A_1, %dot_general3A_199 {dimension_numbers = #tpu.dot_dimension_numbers<[1], [0], [0], [1], [0, 0, 1, 1], [], []>, transpose_lhs_hint = false} : vector<1x64xbf16>, vector<64x256xbf16>, vector<1x256xf32> -> vector<1x256xf32>
      %dot_general3A_201 = arith.constant dense<0.000000e+00> : vector<1x256xf32>
      %dot_general3A_202 = tpu.matmul %convert_element_type3A_195, %get3A_4, %dot_general3A_201 {dimension_numbers = #tpu.dot_dimension_numbers<[1], [0], [0], [1], [0, 0, 1, 1], [], []>, transpose_lhs_hint = false} : vector<1x64xbf16>, vector<64x256xbf16>, vector<1x256xf32> -> vector<1x256xf32>
      %dot_general3A_203 = arith.constant dense<0.000000e+00> : vector<1x256xf32>
      %dot_general3A_204 = tpu.matmul %convert_element_type3A_198, %get3A_1, %dot_general3A_203 {dimension_numbers = #tpu.dot_dimension_numbers<[1], [0], [0], [1], [0, 0, 1, 1], [], []>, transpose_lhs_hint = false} : vector<1x64xbf16>, vector<64x256xbf16>, vector<1x256xf32> -> vector<1x256xf32>
      %add3A_205 = arith.addf %dot_general3A_202, %dot_general3A_204 : vector<1x256xf32>
      %add3A_206 = arith.addf %dot_general3A_200, %add3A_205 : vector<1x256xf32>
      %add3A_207 = arith.addf %slice3A_194, %add3A_206 : vector<1x256xf32>
      %slice3A_208 = vector.extract_strided_slice %get3A_31 {offsets = [5, 0], sizes = [1, 256], strides = [1, 1]} : vector<8x256xf32> to vector<1x256xf32>
      %convert_element_type3A_209 = arith.truncf %mul3A_193 : vector<1x64xf32> to vector<1x64xbf16>
      %convert_element_type3A_210 = arith.extf %convert_element_type3A_209 : vector<1x64xbf16> to vector<1x64xf32>
      %sub3A_211 = arith.subf %mul3A_193, %convert_element_type3A_210 : vector<1x64xf32>
      %convert_element_type3A_212 = arith.truncf %sub3A_211 : vector<1x64xf32> to vector<1x64xbf16>
      %dot_general3A_213 = arith.constant dense<0.000000e+00> : vector<1x256xf32>
      %dot_general3A_214 = tpu.matmul %convert_element_type3A_209, %get3A_7, %dot_general3A_213 {dimension_numbers = #tpu.dot_dimension_numbers<[1], [0], [0], [1], [0, 0, 1, 1], [], []>, transpose_lhs_hint = false} : vector<1x64xbf16>, vector<64x256xbf16>, vector<1x256xf32> -> vector<1x256xf32>
      %dot_general3A_215 = arith.constant dense<0.000000e+00> : vector<1x256xf32>
      %dot_general3A_216 = tpu.matmul %convert_element_type3A_209, %get3A_10, %dot_general3A_215 {dimension_numbers = #tpu.dot_dimension_numbers<[1], [0], [0], [1], [0, 0, 1, 1], [], []>, transpose_lhs_hint = false} : vector<1x64xbf16>, vector<64x256xbf16>, vector<1x256xf32> -> vector<1x256xf32>
      %dot_general3A_217 = arith.constant dense<0.000000e+00> : vector<1x256xf32>
      %dot_general3A_218 = tpu.matmul %convert_element_type3A_212, %get3A_7, %dot_general3A_217 {dimension_numbers = #tpu.dot_dimension_numbers<[1], [0], [0], [1], [0, 0, 1, 1], [], []>, transpose_lhs_hint = false} : vector<1x64xbf16>, vector<64x256xbf16>, vector<1x256xf32> -> vector<1x256xf32>
      %add3A_219 = arith.addf %dot_general3A_216, %dot_general3A_218 : vector<1x256xf32>
      %add3A_220 = arith.addf %dot_general3A_214, %add3A_219 : vector<1x256xf32>
      %add3A_221 = arith.addf %slice3A_208, %add3A_220 : vector<1x256xf32>
      %slice3A_222 = vector.extract_strided_slice %add3A_207 {offsets = [0, 0], sizes = [1, 64], strides = [1, 1]} : vector<1x256xf32> to vector<1x64xf32>
      %logistic3A_223 = arith.negf %slice3A_222 : vector<1x64xf32>
      %logistic3A_224 = math.exp %logistic3A_223 : vector<1x64xf32>
      %logistic3A_225 = arith.constant 1.000000e+00 : f32
      %logistic3A_226 = vector.broadcast %logistic3A_225 : f32 to vector<1x64xf32>
      %logistic3A_227 = arith.addf %logistic3A_226, %logistic3A_224 : vector<1x64xf32>
      %logistic3A_228 = arith.divf %logistic3A_226, %logistic3A_227 : vector<1x64xf32>
      %slice3A_229 = vector.extract_strided_slice %add3A_207 {offsets = [0, 64], sizes = [1, 64], strides = [1, 1]} : vector<1x256xf32> to vector<1x64xf32>
      %logistic3A_230 = arith.negf %slice3A_229 : vector<1x64xf32>
      %logistic3A_231 = math.exp %logistic3A_230 : vector<1x64xf32>
      %logistic3A_232 = arith.constant 1.000000e+00 : f32
      %logistic3A_233 = vector.broadcast %logistic3A_232 : f32 to vector<1x64xf32>
      %logistic3A_234 = arith.addf %logistic3A_233, %logistic3A_231 : vector<1x64xf32>
      %logistic3A_235 = arith.divf %logistic3A_233, %logistic3A_234 : vector<1x64xf32>
      %slice3A_236 = vector.extract_strided_slice %add3A_207 {offsets = [0, 128], sizes = [1, 64], strides = [1, 1]} : vector<1x256xf32> to vector<1x64xf32>
      %tanh3A_237 = math.tanh %slice3A_236 : vector<1x64xf32>
      %slice3A_238 = vector.extract_strided_slice %add3A_207 {offsets = [0, 192], sizes = [1, 64], strides = [1, 1]} : vector<1x256xf32> to vector<1x64xf32>
      %logistic3A_239 = arith.negf %slice3A_238 : vector<1x64xf32>
      %logistic3A_240 = math.exp %logistic3A_239 : vector<1x64xf32>
      %logistic3A_241 = arith.constant 1.000000e+00 : f32
      %logistic3A_242 = vector.broadcast %logistic3A_241 : f32 to vector<1x64xf32>
      %logistic3A_243 = arith.addf %logistic3A_242, %logistic3A_240 : vector<1x64xf32>
      %logistic3A_244 = arith.divf %logistic3A_242, %logistic3A_243 : vector<1x64xf32>
      %mul3A_245 = arith.mulf %logistic3A_235, %add3A_163 : vector<1x64xf32>
      %mul3A_246 = arith.mulf %logistic3A_228, %tanh3A_237 : vector<1x64xf32>
      %add3A_247 = arith.addf %mul3A_245, %mul3A_246 : vector<1x64xf32>
      %tanh3A_248 = math.tanh %add3A_247 : vector<1x64xf32>
      %mul3A_249 = arith.mulf %logistic3A_244, %tanh3A_248 : vector<1x64xf32>
      %slice3A_250 = vector.extract_strided_slice %add3A_221 {offsets = [0, 0], sizes = [1, 64], strides = [1, 1]} : vector<1x256xf32> to vector<1x64xf32>
      %logistic3A_251 = arith.negf %slice3A_250 : vector<1x64xf32>
      %logistic3A_252 = math.exp %logistic3A_251 : vector<1x64xf32>
      %logistic3A_253 = arith.constant 1.000000e+00 : f32
      %logistic3A_254 = vector.broadcast %logistic3A_253 : f32 to vector<1x64xf32>
      %logistic3A_255 = arith.addf %logistic3A_254, %logistic3A_252 : vector<1x64xf32>
      %logistic3A_256 = arith.divf %logistic3A_254, %logistic3A_255 : vector<1x64xf32>
      %slice3A_257 = vector.extract_strided_slice %add3A_221 {offsets = [0, 64], sizes = [1, 64], strides = [1, 1]} : vector<1x256xf32> to vector<1x64xf32>
      %logistic3A_258 = arith.negf %slice3A_257 : vector<1x64xf32>
      %logistic3A_259 = math.exp %logistic3A_258 : vector<1x64xf32>
      %logistic3A_260 = arith.constant 1.000000e+00 : f32
      %logistic3A_261 = vector.broadcast %logistic3A_260 : f32 to vector<1x64xf32>
      %logistic3A_262 = arith.addf %logistic3A_261, %logistic3A_259 : vector<1x64xf32>
      %logistic3A_263 = arith.divf %logistic3A_261, %logistic3A_262 : vector<1x64xf32>
      %slice3A_264 = vector.extract_strided_slice %add3A_221 {offsets = [0, 128], sizes = [1, 64], strides = [1, 1]} : vector<1x256xf32> to vector<1x64xf32>
      %tanh3A_265 = math.tanh %slice3A_264 : vector<1x64xf32>
      %slice3A_266 = vector.extract_strided_slice %add3A_221 {offsets = [0, 192], sizes = [1, 64], strides = [1, 1]} : vector<1x256xf32> to vector<1x64xf32>
      %logistic3A_267 = arith.negf %slice3A_266 : vector<1x64xf32>
      %logistic3A_268 = math.exp %logistic3A_267 : vector<1x64xf32>
      %logistic3A_269 = arith.constant 1.000000e+00 : f32
      %logistic3A_270 = vector.broadcast %logistic3A_269 : f32 to vector<1x64xf32>
      %logistic3A_271 = arith.addf %logistic3A_270, %logistic3A_268 : vector<1x64xf32>
      %logistic3A_272 = arith.divf %logistic3A_270, %logistic3A_271 : vector<1x64xf32>
      %mul3A_273 = arith.mulf %logistic3A_263, %add3A_191 : vector<1x64xf32>
      %mul3A_274 = arith.mulf %logistic3A_256, %tanh3A_265 : vector<1x64xf32>
      %add3A_275 = arith.addf %mul3A_273, %mul3A_274 : vector<1x64xf32>
      %tanh3A_276 = math.tanh %add3A_275 : vector<1x64xf32>
      %mul3A_277 = arith.mulf %logistic3A_272, %tanh3A_276 : vector<1x64xf32>
      %slice3A_278 = vector.extract_strided_slice %get3A_28 {offsets = [3, 0], sizes = [1, 256], strides = [1, 1]} : vector<8x256xf32> to vector<1x256xf32>
      %convert_element_type3A_279 = arith.truncf %mul3A_249 : vector<1x64xf32> to vector<1x64xbf16>
      %convert_element_type3A_280 = arith.extf %convert_element_type3A_279 : vector<1x64xbf16> to vector<1x64xf32>
      %sub3A_281 = arith.subf %mul3A_249, %convert_element_type3A_280 : vector<1x64xf32>
      %convert_element_type3A_282 = arith.truncf %sub3A_281 : vector<1x64xf32> to vector<1x64xbf16>
      %dot_general3A_283 = arith.constant dense<0.000000e+00> : vector<1x256xf32>
      %dot_general3A_284 = tpu.matmul %convert_element_type3A_279, %get3A_1, %dot_general3A_283 {dimension_numbers = #tpu.dot_dimension_numbers<[1], [0], [0], [1], [0, 0, 1, 1], [], []>, transpose_lhs_hint = false} : vector<1x64xbf16>, vector<64x256xbf16>, vector<1x256xf32> -> vector<1x256xf32>
      %dot_general3A_285 = arith.constant dense<0.000000e+00> : vector<1x256xf32>
      %dot_general3A_286 = tpu.matmul %convert_element_type3A_279, %get3A_4, %dot_general3A_285 {dimension_numbers = #tpu.dot_dimension_numbers<[1], [0], [0], [1], [0, 0, 1, 1], [], []>, transpose_lhs_hint = false} : vector<1x64xbf16>, vector<64x256xbf16>, vector<1x256xf32> -> vector<1x256xf32>
      %dot_general3A_287 = arith.constant dense<0.000000e+00> : vector<1x256xf32>
      %dot_general3A_288 = tpu.matmul %convert_element_type3A_282, %get3A_1, %dot_general3A_287 {dimension_numbers = #tpu.dot_dimension_numbers<[1], [0], [0], [1], [0, 0, 1, 1], [], []>, transpose_lhs_hint = false} : vector<1x64xbf16>, vector<64x256xbf16>, vector<1x256xf32> -> vector<1x256xf32>
      %add3A_289 = arith.addf %dot_general3A_286, %dot_general3A_288 : vector<1x256xf32>
      %add3A_290 = arith.addf %dot_general3A_284, %add3A_289 : vector<1x256xf32>
      %add3A_291 = arith.addf %slice3A_278, %add3A_290 : vector<1x256xf32>
      %slice3A_292 = vector.extract_strided_slice %get3A_31 {offsets = [4, 0], sizes = [1, 256], strides = [1, 1]} : vector<8x256xf32> to vector<1x256xf32>
      %convert_element_type3A_293 = arith.truncf %mul3A_277 : vector<1x64xf32> to vector<1x64xbf16>
      %convert_element_type3A_294 = arith.extf %convert_element_type3A_293 : vector<1x64xbf16> to vector<1x64xf32>
      %sub3A_295 = arith.subf %mul3A_277, %convert_element_type3A_294 : vector<1x64xf32>
      %convert_element_type3A_296 = arith.truncf %sub3A_295 : vector<1x64xf32> to vector<1x64xbf16>
      %dot_general3A_297 = arith.constant dense<0.000000e+00> : vector<1x256xf32>
      %dot_general3A_298 = tpu.matmul %convert_element_type3A_293, %get3A_7, %dot_general3A_297 {dimension_numbers = #tpu.dot_dimension_numbers<[1], [0], [0], [1], [0, 0, 1, 1], [], []>, transpose_lhs_hint = false} : vector<1x64xbf16>, vector<64x256xbf16>, vector<1x256xf32> -> vector<1x256xf32>
      %dot_general3A_299 = arith.constant dense<0.000000e+00> : vector<1x256xf32>
      %dot_general3A_300 = tpu.matmul %convert_element_type3A_293, %get3A_10, %dot_general3A_299 {dimension_numbers = #tpu.dot_dimension_numbers<[1], [0], [0], [1], [0, 0, 1, 1], [], []>, transpose_lhs_hint = false} : vector<1x64xbf16>, vector<64x256xbf16>, vector<1x256xf32> -> vector<1x256xf32>
      %dot_general3A_301 = arith.constant dense<0.000000e+00> : vector<1x256xf32>
      %dot_general3A_302 = tpu.matmul %convert_element_type3A_296, %get3A_7, %dot_general3A_301 {dimension_numbers = #tpu.dot_dimension_numbers<[1], [0], [0], [1], [0, 0, 1, 1], [], []>, transpose_lhs_hint = false} : vector<1x64xbf16>, vector<64x256xbf16>, vector<1x256xf32> -> vector<1x256xf32>
      %add3A_303 = arith.addf %dot_general3A_300, %dot_general3A_302 : vector<1x256xf32>
      %add3A_304 = arith.addf %dot_general3A_298, %add3A_303 : vector<1x256xf32>
      %add3A_305 = arith.addf %slice3A_292, %add3A_304 : vector<1x256xf32>
      %slice3A_306 = vector.extract_strided_slice %add3A_291 {offsets = [0, 0], sizes = [1, 64], strides = [1, 1]} : vector<1x256xf32> to vector<1x64xf32>
      %logistic3A_307 = arith.negf %slice3A_306 : vector<1x64xf32>
      %logistic3A_308 = math.exp %logistic3A_307 : vector<1x64xf32>
      %logistic3A_309 = arith.constant 1.000000e+00 : f32
      %logistic3A_310 = vector.broadcast %logistic3A_309 : f32 to vector<1x64xf32>
      %logistic3A_311 = arith.addf %logistic3A_310, %logistic3A_308 : vector<1x64xf32>
      %logistic3A_312 = arith.divf %logistic3A_310, %logistic3A_311 : vector<1x64xf32>
      %slice3A_313 = vector.extract_strided_slice %add3A_291 {offsets = [0, 64], sizes = [1, 64], strides = [1, 1]} : vector<1x256xf32> to vector<1x64xf32>
      %logistic3A_314 = arith.negf %slice3A_313 : vector<1x64xf32>
      %logistic3A_315 = math.exp %logistic3A_314 : vector<1x64xf32>
      %logistic3A_316 = arith.constant 1.000000e+00 : f32
      %logistic3A_317 = vector.broadcast %logistic3A_316 : f32 to vector<1x64xf32>
      %logistic3A_318 = arith.addf %logistic3A_317, %logistic3A_315 : vector<1x64xf32>
      %logistic3A_319 = arith.divf %logistic3A_317, %logistic3A_318 : vector<1x64xf32>
      %slice3A_320 = vector.extract_strided_slice %add3A_291 {offsets = [0, 128], sizes = [1, 64], strides = [1, 1]} : vector<1x256xf32> to vector<1x64xf32>
      %tanh3A_321 = math.tanh %slice3A_320 : vector<1x64xf32>
      %slice3A_322 = vector.extract_strided_slice %add3A_291 {offsets = [0, 192], sizes = [1, 64], strides = [1, 1]} : vector<1x256xf32> to vector<1x64xf32>
      %logistic3A_323 = arith.negf %slice3A_322 : vector<1x64xf32>
      %logistic3A_324 = math.exp %logistic3A_323 : vector<1x64xf32>
      %logistic3A_325 = arith.constant 1.000000e+00 : f32
      %logistic3A_326 = vector.broadcast %logistic3A_325 : f32 to vector<1x64xf32>
      %logistic3A_327 = arith.addf %logistic3A_326, %logistic3A_324 : vector<1x64xf32>
      %logistic3A_328 = arith.divf %logistic3A_326, %logistic3A_327 : vector<1x64xf32>
      %mul3A_329 = arith.mulf %logistic3A_319, %add3A_247 : vector<1x64xf32>
      %mul3A_330 = arith.mulf %logistic3A_312, %tanh3A_321 : vector<1x64xf32>
      %add3A_331 = arith.addf %mul3A_329, %mul3A_330 : vector<1x64xf32>
      %tanh3A_332 = math.tanh %add3A_331 : vector<1x64xf32>
      %mul3A_333 = arith.mulf %logistic3A_328, %tanh3A_332 : vector<1x64xf32>
      %slice3A_334 = vector.extract_strided_slice %add3A_305 {offsets = [0, 0], sizes = [1, 64], strides = [1, 1]} : vector<1x256xf32> to vector<1x64xf32>
      %logistic3A_335 = arith.negf %slice3A_334 : vector<1x64xf32>
      %logistic3A_336 = math.exp %logistic3A_335 : vector<1x64xf32>
      %logistic3A_337 = arith.constant 1.000000e+00 : f32
      %logistic3A_338 = vector.broadcast %logistic3A_337 : f32 to vector<1x64xf32>
      %logistic3A_339 = arith.addf %logistic3A_338, %logistic3A_336 : vector<1x64xf32>
      %logistic3A_340 = arith.divf %logistic3A_338, %logistic3A_339 : vector<1x64xf32>
      %slice3A_341 = vector.extract_strided_slice %add3A_305 {offsets = [0, 64], sizes = [1, 64], strides = [1, 1]} : vector<1x256xf32> to vector<1x64xf32>
      %logistic3A_342 = arith.negf %slice3A_341 : vector<1x64xf32>
      %logistic3A_343 = math.exp %logistic3A_342 : vector<1x64xf32>
      %logistic3A_344 = arith.constant 1.000000e+00 : f32
      %logistic3A_345 = vector.broadcast %logistic3A_344 : f32 to vector<1x64xf32>
      %logistic3A_346 = arith.addf %logistic3A_345, %logistic3A_343 : vector<1x64xf32>
      %logistic3A_347 = arith.divf %logistic3A_345, %logistic3A_346 : vector<1x64xf32>
      %slice3A_348 = vector.extract_strided_slice %add3A_305 {offsets = [0, 128], sizes = [1, 64], strides = [1, 1]} : vector<1x256xf32> to vector<1x64xf32>
      %tanh3A_349 = math.tanh %slice3A_348 : vector<1x64xf32>
      %slice3A_350 = vector.extract_strided_slice %add3A_305 {offsets = [0, 192], sizes = [1, 64], strides = [1, 1]} : vector<1x256xf32> to vector<1x64xf32>
      %logistic3A_351 = arith.negf %slice3A_350 : vector<1x64xf32>
      %logistic3A_352 = math.exp %logistic3A_351 : vector<1x64xf32>
      %logistic3A_353 = arith.constant 1.000000e+00 : f32
      %logistic3A_354 = vector.broadcast %logistic3A_353 : f32 to vector<1x64xf32>
      %logistic3A_355 = arith.addf %logistic3A_354, %logistic3A_352 : vector<1x64xf32>
      %logistic3A_356 = arith.divf %logistic3A_354, %logistic3A_355 : vector<1x64xf32>
      %mul3A_357 = arith.mulf %logistic3A_347, %add3A_275 : vector<1x64xf32>
      %mul3A_358 = arith.mulf %logistic3A_340, %tanh3A_349 : vector<1x64xf32>
      %add3A_359 = arith.addf %mul3A_357, %mul3A_358 : vector<1x64xf32>
      %tanh3A_360 = math.tanh %add3A_359 : vector<1x64xf32>
      %mul3A_361 = arith.mulf %logistic3A_356, %tanh3A_360 : vector<1x64xf32>
      %slice3A_362 = vector.extract_strided_slice %get3A_28 {offsets = [4, 0], sizes = [1, 256], strides = [1, 1]} : vector<8x256xf32> to vector<1x256xf32>
      %convert_element_type3A_363 = arith.truncf %mul3A_333 : vector<1x64xf32> to vector<1x64xbf16>
      %convert_element_type3A_364 = arith.extf %convert_element_type3A_363 : vector<1x64xbf16> to vector<1x64xf32>
      %sub3A_365 = arith.subf %mul3A_333, %convert_element_type3A_364 : vector<1x64xf32>
      %convert_element_type3A_366 = arith.truncf %sub3A_365 : vector<1x64xf32> to vector<1x64xbf16>
      %dot_general3A_367 = arith.constant dense<0.000000e+00> : vector<1x256xf32>
      %dot_general3A_368 = tpu.matmul %convert_element_type3A_363, %get3A_1, %dot_general3A_367 {dimension_numbers = #tpu.dot_dimension_numbers<[1], [0], [0], [1], [0, 0, 1, 1], [], []>, transpose_lhs_hint = false} : vector<1x64xbf16>, vector<64x256xbf16>, vector<1x256xf32> -> vector<1x256xf32>
      %dot_general3A_369 = arith.constant dense<0.000000e+00> : vector<1x256xf32>
      %dot_general3A_370 = tpu.matmul %convert_element_type3A_363, %get3A_4, %dot_general3A_369 {dimension_numbers = #tpu.dot_dimension_numbers<[1], [0], [0], [1], [0, 0, 1, 1], [], []>, transpose_lhs_hint = false} : vector<1x64xbf16>, vector<64x256xbf16>, vector<1x256xf32> -> vector<1x256xf32>
      %dot_general3A_371 = arith.constant dense<0.000000e+00> : vector<1x256xf32>
      %dot_general3A_372 = tpu.matmul %convert_element_type3A_366, %get3A_1, %dot_general3A_371 {dimension_numbers = #tpu.dot_dimension_numbers<[1], [0], [0], [1], [0, 0, 1, 1], [], []>, transpose_lhs_hint = false} : vector<1x64xbf16>, vector<64x256xbf16>, vector<1x256xf32> -> vector<1x256xf32>
      %add3A_373 = arith.addf %dot_general3A_370, %dot_general3A_372 : vector<1x256xf32>
      %add3A_374 = arith.addf %dot_general3A_368, %add3A_373 : vector<1x256xf32>
      %add3A_375 = arith.addf %slice3A_362, %add3A_374 : vector<1x256xf32>
      %slice3A_376 = vector.extract_strided_slice %get3A_31 {offsets = [3, 0], sizes = [1, 256], strides = [1, 1]} : vector<8x256xf32> to vector<1x256xf32>
      %convert_element_type3A_377 = arith.truncf %mul3A_361 : vector<1x64xf32> to vector<1x64xbf16>
      %convert_element_type3A_378 = arith.extf %convert_element_type3A_377 : vector<1x64xbf16> to vector<1x64xf32>
      %sub3A_379 = arith.subf %mul3A_361, %convert_element_type3A_378 : vector<1x64xf32>
      %convert_element_type3A_380 = arith.truncf %sub3A_379 : vector<1x64xf32> to vector<1x64xbf16>
      %dot_general3A_381 = arith.constant dense<0.000000e+00> : vector<1x256xf32>
      %dot_general3A_382 = tpu.matmul %convert_element_type3A_377, %get3A_7, %dot_general3A_381 {dimension_numbers = #tpu.dot_dimension_numbers<[1], [0], [0], [1], [0, 0, 1, 1], [], []>, transpose_lhs_hint = false} : vector<1x64xbf16>, vector<64x256xbf16>, vector<1x256xf32> -> vector<1x256xf32>
      %dot_general3A_383 = arith.constant dense<0.000000e+00> : vector<1x256xf32>
      %dot_general3A_384 = tpu.matmul %convert_element_type3A_377, %get3A_10, %dot_general3A_383 {dimension_numbers = #tpu.dot_dimension_numbers<[1], [0], [0], [1], [0, 0, 1, 1], [], []>, transpose_lhs_hint = false} : vector<1x64xbf16>, vector<64x256xbf16>, vector<1x256xf32> -> vector<1x256xf32>
      %dot_general3A_385 = arith.constant dense<0.000000e+00> : vector<1x256xf32>
      %dot_general3A_386 = tpu.matmul %convert_element_type3A_380, %get3A_7, %dot_general3A_385 {dimension_numbers = #tpu.dot_dimension_numbers<[1], [0], [0], [1], [0, 0, 1, 1], [], []>, transpose_lhs_hint = false} : vector<1x64xbf16>, vector<64x256xbf16>, vector<1x256xf32> -> vector<1x256xf32>
      %add3A_387 = arith.addf %dot_general3A_384, %dot_general3A_386 : vector<1x256xf32>
      %add3A_388 = arith.addf %dot_general3A_382, %add3A_387 : vector<1x256xf32>
      %add3A_389 = arith.addf %slice3A_376, %add3A_388 : vector<1x256xf32>
      %slice3A_390 = vector.extract_strided_slice %add3A_375 {offsets = [0, 0], sizes = [1, 64], strides = [1, 1]} : vector<1x256xf32> to vector<1x64xf32>
      %logistic3A_391 = arith.negf %slice3A_390 : vector<1x64xf32>
      %logistic3A_392 = math.exp %logistic3A_391 : vector<1x64xf32>
      %logistic3A_393 = arith.constant 1.000000e+00 : f32
      %logistic3A_394 = vector.broadcast %logistic3A_393 : f32 to vector<1x64xf32>
      %logistic3A_395 = arith.addf %logistic3A_394, %logistic3A_392 : vector<1x64xf32>
      %logistic3A_396 = arith.divf %logistic3A_394, %logistic3A_395 : vector<1x64xf32>
      %slice3A_397 = vector.extract_strided_slice %add3A_375 {offsets = [0, 64], sizes = [1, 64], strides = [1, 1]} : vector<1x256xf32> to vector<1x64xf32>
      %logistic3A_398 = arith.negf %slice3A_397 : vector<1x64xf32>
      %logistic3A_399 = math.exp %logistic3A_398 : vector<1x64xf32>
      %logistic3A_400 = arith.constant 1.000000e+00 : f32
      %logistic3A_401 = vector.broadcast %logistic3A_400 : f32 to vector<1x64xf32>
      %logistic3A_402 = arith.addf %logistic3A_401, %logistic3A_399 : vector<1x64xf32>
      %logistic3A_403 = arith.divf %logistic3A_401, %logistic3A_402 : vector<1x64xf32>
      %slice3A_404 = vector.extract_strided_slice %add3A_375 {offsets = [0, 128], sizes = [1, 64], strides = [1, 1]} : vector<1x256xf32> to vector<1x64xf32>
      %tanh3A_405 = math.tanh %slice3A_404 : vector<1x64xf32>
      %slice3A_406 = vector.extract_strided_slice %add3A_375 {offsets = [0, 192], sizes = [1, 64], strides = [1, 1]} : vector<1x256xf32> to vector<1x64xf32>
      %logistic3A_407 = arith.negf %slice3A_406 : vector<1x64xf32>
      %logistic3A_408 = math.exp %logistic3A_407 : vector<1x64xf32>
      %logistic3A_409 = arith.constant 1.000000e+00 : f32
      %logistic3A_410 = vector.broadcast %logistic3A_409 : f32 to vector<1x64xf32>
      %logistic3A_411 = arith.addf %logistic3A_410, %logistic3A_408 : vector<1x64xf32>
      %logistic3A_412 = arith.divf %logistic3A_410, %logistic3A_411 : vector<1x64xf32>
      %mul3A_413 = arith.mulf %logistic3A_403, %add3A_331 : vector<1x64xf32>
      %mul3A_414 = arith.mulf %logistic3A_396, %tanh3A_405 : vector<1x64xf32>
      %add3A_415 = arith.addf %mul3A_413, %mul3A_414 : vector<1x64xf32>
      %tanh3A_416 = math.tanh %add3A_415 : vector<1x64xf32>
      %mul3A_417 = arith.mulf %logistic3A_412, %tanh3A_416 : vector<1x64xf32>
      %slice3A_418 = vector.extract_strided_slice %add3A_389 {offsets = [0, 0], sizes = [1, 64], strides = [1, 1]} : vector<1x256xf32> to vector<1x64xf32>
      %logistic3A_419 = arith.negf %slice3A_418 : vector<1x64xf32>
      %logistic3A_420 = math.exp %logistic3A_419 : vector<1x64xf32>
      %logistic3A_421 = arith.constant 1.000000e+00 : f32
      %logistic3A_422 = vector.broadcast %logistic3A_421 : f32 to vector<1x64xf32>
      %logistic3A_423 = arith.addf %logistic3A_422, %logistic3A_420 : vector<1x64xf32>
      %logistic3A_424 = arith.divf %logistic3A_422, %logistic3A_423 : vector<1x64xf32>
      %slice3A_425 = vector.extract_strided_slice %add3A_389 {offsets = [0, 64], sizes = [1, 64], strides = [1, 1]} : vector<1x256xf32> to vector<1x64xf32>
      %logistic3A_426 = arith.negf %slice3A_425 : vector<1x64xf32>
      %logistic3A_427 = math.exp %logistic3A_426 : vector<1x64xf32>
      %logistic3A_428 = arith.constant 1.000000e+00 : f32
      %logistic3A_429 = vector.broadcast %logistic3A_428 : f32 to vector<1x64xf32>
      %logistic3A_430 = arith.addf %logistic3A_429, %logistic3A_427 : vector<1x64xf32>
      %logistic3A_431 = arith.divf %logistic3A_429, %logistic3A_430 : vector<1x64xf32>
      %slice3A_432 = vector.extract_strided_slice %add3A_389 {offsets = [0, 128], sizes = [1, 64], strides = [1, 1]} : vector<1x256xf32> to vector<1x64xf32>
      %tanh3A_433 = math.tanh %slice3A_432 : vector<1x64xf32>
      %slice3A_434 = vector.extract_strided_slice %add3A_389 {offsets = [0, 192], sizes = [1, 64], strides = [1, 1]} : vector<1x256xf32> to vector<1x64xf32>
      %logistic3A_435 = arith.negf %slice3A_434 : vector<1x64xf32>
      %logistic3A_436 = math.exp %logistic3A_435 : vector<1x64xf32>
      %logistic3A_437 = arith.constant 1.000000e+00 : f32
      %logistic3A_438 = vector.broadcast %logistic3A_437 : f32 to vector<1x64xf32>
      %logistic3A_439 = arith.addf %logistic3A_438, %logistic3A_436 : vector<1x64xf32>
      %logistic3A_440 = arith.divf %logistic3A_438, %logistic3A_439 : vector<1x64xf32>
      %mul3A_441 = arith.mulf %logistic3A_431, %add3A_359 : vector<1x64xf32>
      %mul3A_442 = arith.mulf %logistic3A_424, %tanh3A_433 : vector<1x64xf32>
      %add3A_443 = arith.addf %mul3A_441, %mul3A_442 : vector<1x64xf32>
      %tanh3A_444 = math.tanh %add3A_443 : vector<1x64xf32>
      %mul3A_445 = arith.mulf %logistic3A_440, %tanh3A_444 : vector<1x64xf32>
      %slice3A_446 = vector.extract_strided_slice %get3A_28 {offsets = [5, 0], sizes = [1, 256], strides = [1, 1]} : vector<8x256xf32> to vector<1x256xf32>
      %convert_element_type3A_447 = arith.truncf %mul3A_417 : vector<1x64xf32> to vector<1x64xbf16>
      %convert_element_type3A_448 = arith.extf %convert_element_type3A_447 : vector<1x64xbf16> to vector<1x64xf32>
      %sub3A_449 = arith.subf %mul3A_417, %convert_element_type3A_448 : vector<1x64xf32>
      %convert_element_type3A_450 = arith.truncf %sub3A_449 : vector<1x64xf32> to vector<1x64xbf16>
      %dot_general3A_451 = arith.constant dense<0.000000e+00> : vector<1x256xf32>
      %dot_general3A_452 = tpu.matmul %convert_element_type3A_447, %get3A_1, %dot_general3A_451 {dimension_numbers = #tpu.dot_dimension_numbers<[1], [0], [0], [1], [0, 0, 1, 1], [], []>, transpose_lhs_hint = false} : vector<1x64xbf16>, vector<64x256xbf16>, vector<1x256xf32> -> vector<1x256xf32>
      %dot_general3A_453 = arith.constant dense<0.000000e+00> : vector<1x256xf32>
      %dot_general3A_454 = tpu.matmul %convert_element_type3A_447, %get3A_4, %dot_general3A_453 {dimension_numbers = #tpu.dot_dimension_numbers<[1], [0], [0], [1], [0, 0, 1, 1], [], []>, transpose_lhs_hint = false} : vector<1x64xbf16>, vector<64x256xbf16>, vector<1x256xf32> -> vector<1x256xf32>
      %dot_general3A_455 = arith.constant dense<0.000000e+00> : vector<1x256xf32>
      %dot_general3A_456 = tpu.matmul %convert_element_type3A_450, %get3A_1, %dot_general3A_455 {dimension_numbers = #tpu.dot_dimension_numbers<[1], [0], [0], [1], [0, 0, 1, 1], [], []>, transpose_lhs_hint = false} : vector<1x64xbf16>, vector<64x256xbf16>, vector<1x256xf32> -> vector<1x256xf32>
      %add3A_457 = arith.addf %dot_general3A_454, %dot_general3A_456 : vector<1x256xf32>
      %add3A_458 = arith.addf %dot_general3A_452, %add3A_457 : vector<1x256xf32>
      %add3A_459 = arith.addf %slice3A_446, %add3A_458 : vector<1x256xf32>
      %slice3A_460 = vector.extract_strided_slice %get3A_31 {offsets = [2, 0], sizes = [1, 256], strides = [1, 1]} : vector<8x256xf32> to vector<1x256xf32>
      %convert_element_type3A_461 = arith.truncf %mul3A_445 : vector<1x64xf32> to vector<1x64xbf16>
      %convert_element_type3A_462 = arith.extf %convert_element_type3A_461 : vector<1x64xbf16> to vector<1x64xf32>
      %sub3A_463 = arith.subf %mul3A_445, %convert_element_type3A_462 : vector<1x64xf32>
      %convert_element_type3A_464 = arith.truncf %sub3A_463 : vector<1x64xf32> to vector<1x64xbf16>
      %dot_general3A_465 = arith.constant dense<0.000000e+00> : vector<1x256xf32>
      %dot_general3A_466 = tpu.matmul %convert_element_type3A_461, %get3A_7, %dot_general3A_465 {dimension_numbers = #tpu.dot_dimension_numbers<[1], [0], [0], [1], [0, 0, 1, 1], [], []>, transpose_lhs_hint = false} : vector<1x64xbf16>, vector<64x256xbf16>, vector<1x256xf32> -> vector<1x256xf32>
      %dot_general3A_467 = arith.constant dense<0.000000e+00> : vector<1x256xf32>
      %dot_general3A_468 = tpu.matmul %convert_element_type3A_461, %get3A_10, %dot_general3A_467 {dimension_numbers = #tpu.dot_dimension_numbers<[1], [0], [0], [1], [0, 0, 1, 1], [], []>, transpose_lhs_hint = false} : vector<1x64xbf16>, vector<64x256xbf16>, vector<1x256xf32> -> vector<1x256xf32>
      %dot_general3A_469 = arith.constant dense<0.000000e+00> : vector<1x256xf32>
      %dot_general3A_470 = tpu.matmul %convert_element_type3A_464, %get3A_7, %dot_general3A_469 {dimension_numbers = #tpu.dot_dimension_numbers<[1], [0], [0], [1], [0, 0, 1, 1], [], []>, transpose_lhs_hint = false} : vector<1x64xbf16>, vector<64x256xbf16>, vector<1x256xf32> -> vector<1x256xf32>
      %add3A_471 = arith.addf %dot_general3A_468, %dot_general3A_470 : vector<1x256xf32>
      %add3A_472 = arith.addf %dot_general3A_466, %add3A_471 : vector<1x256xf32>
      %add3A_473 = arith.addf %slice3A_460, %add3A_472 : vector<1x256xf32>
      %slice3A_474 = vector.extract_strided_slice %add3A_459 {offsets = [0, 0], sizes = [1, 64], strides = [1, 1]} : vector<1x256xf32> to vector<1x64xf32>
      %logistic3A_475 = arith.negf %slice3A_474 : vector<1x64xf32>
      %logistic3A_476 = math.exp %logistic3A_475 : vector<1x64xf32>
      %logistic3A_477 = arith.constant 1.000000e+00 : f32
      %logistic3A_478 = vector.broadcast %logistic3A_477 : f32 to vector<1x64xf32>
      %logistic3A_479 = arith.addf %logistic3A_478, %logistic3A_476 : vector<1x64xf32>
      %logistic3A_480 = arith.divf %logistic3A_478, %logistic3A_479 : vector<1x64xf32>
      %slice3A_481 = vector.extract_strided_slice %add3A_459 {offsets = [0, 64], sizes = [1, 64], strides = [1, 1]} : vector<1x256xf32> to vector<1x64xf32>
      %logistic3A_482 = arith.negf %slice3A_481 : vector<1x64xf32>
      %logistic3A_483 = math.exp %logistic3A_482 : vector<1x64xf32>
      %logistic3A_484 = arith.constant 1.000000e+00 : f32
      %logistic3A_485 = vector.broadcast %logistic3A_484 : f32 to vector<1x64xf32>
      %logistic3A_486 = arith.addf %logistic3A_485, %logistic3A_483 : vector<1x64xf32>
      %logistic3A_487 = arith.divf %logistic3A_485, %logistic3A_486 : vector<1x64xf32>
      %slice3A_488 = vector.extract_strided_slice %add3A_459 {offsets = [0, 128], sizes = [1, 64], strides = [1, 1]} : vector<1x256xf32> to vector<1x64xf32>
      %tanh3A_489 = math.tanh %slice3A_488 : vector<1x64xf32>
      %slice3A_490 = vector.extract_strided_slice %add3A_459 {offsets = [0, 192], sizes = [1, 64], strides = [1, 1]} : vector<1x256xf32> to vector<1x64xf32>
      %logistic3A_491 = arith.negf %slice3A_490 : vector<1x64xf32>
      %logistic3A_492 = math.exp %logistic3A_491 : vector<1x64xf32>
      %logistic3A_493 = arith.constant 1.000000e+00 : f32
      %logistic3A_494 = vector.broadcast %logistic3A_493 : f32 to vector<1x64xf32>
      %logistic3A_495 = arith.addf %logistic3A_494, %logistic3A_492 : vector<1x64xf32>
      %logistic3A_496 = arith.divf %logistic3A_494, %logistic3A_495 : vector<1x64xf32>
      %mul3A_497 = arith.mulf %logistic3A_487, %add3A_415 : vector<1x64xf32>
      %mul3A_498 = arith.mulf %logistic3A_480, %tanh3A_489 : vector<1x64xf32>
      %add3A_499 = arith.addf %mul3A_497, %mul3A_498 : vector<1x64xf32>
      %tanh3A_500 = math.tanh %add3A_499 : vector<1x64xf32>
      %mul3A_501 = arith.mulf %logistic3A_496, %tanh3A_500 : vector<1x64xf32>
      %slice3A_502 = vector.extract_strided_slice %add3A_473 {offsets = [0, 0], sizes = [1, 64], strides = [1, 1]} : vector<1x256xf32> to vector<1x64xf32>
      %logistic3A_503 = arith.negf %slice3A_502 : vector<1x64xf32>
      %logistic3A_504 = math.exp %logistic3A_503 : vector<1x64xf32>
      %logistic3A_505 = arith.constant 1.000000e+00 : f32
      %logistic3A_506 = vector.broadcast %logistic3A_505 : f32 to vector<1x64xf32>
      %logistic3A_507 = arith.addf %logistic3A_506, %logistic3A_504 : vector<1x64xf32>
      %logistic3A_508 = arith.divf %logistic3A_506, %logistic3A_507 : vector<1x64xf32>
      %slice3A_509 = vector.extract_strided_slice %add3A_473 {offsets = [0, 64], sizes = [1, 64], strides = [1, 1]} : vector<1x256xf32> to vector<1x64xf32>
      %logistic3A_510 = arith.negf %slice3A_509 : vector<1x64xf32>
      %logistic3A_511 = math.exp %logistic3A_510 : vector<1x64xf32>
      %logistic3A_512 = arith.constant 1.000000e+00 : f32
      %logistic3A_513 = vector.broadcast %logistic3A_512 : f32 to vector<1x64xf32>
      %logistic3A_514 = arith.addf %logistic3A_513, %logistic3A_511 : vector<1x64xf32>
      %logistic3A_515 = arith.divf %logistic3A_513, %logistic3A_514 : vector<1x64xf32>
      %slice3A_516 = vector.extract_strided_slice %add3A_473 {offsets = [0, 128], sizes = [1, 64], strides = [1, 1]} : vector<1x256xf32> to vector<1x64xf32>
      %tanh3A_517 = math.tanh %slice3A_516 : vector<1x64xf32>
      %slice3A_518 = vector.extract_strided_slice %add3A_473 {offsets = [0, 192], sizes = [1, 64], strides = [1, 1]} : vector<1x256xf32> to vector<1x64xf32>
      %logistic3A_519 = arith.negf %slice3A_518 : vector<1x64xf32>
      %logistic3A_520 = math.exp %logistic3A_519 : vector<1x64xf32>
      %logistic3A_521 = arith.constant 1.000000e+00 : f32
      %logistic3A_522 = vector.broadcast %logistic3A_521 : f32 to vector<1x64xf32>
      %logistic3A_523 = arith.addf %logistic3A_522, %logistic3A_520 : vector<1x64xf32>
      %logistic3A_524 = arith.divf %logistic3A_522, %logistic3A_523 : vector<1x64xf32>
      %mul3A_525 = arith.mulf %logistic3A_515, %add3A_443 : vector<1x64xf32>
      %mul3A_526 = arith.mulf %logistic3A_508, %tanh3A_517 : vector<1x64xf32>
      %add3A_527 = arith.addf %mul3A_525, %mul3A_526 : vector<1x64xf32>
      %tanh3A_528 = math.tanh %add3A_527 : vector<1x64xf32>
      %mul3A_529 = arith.mulf %logistic3A_524, %tanh3A_528 : vector<1x64xf32>
      %slice3A_530 = vector.extract_strided_slice %get3A_28 {offsets = [6, 0], sizes = [1, 256], strides = [1, 1]} : vector<8x256xf32> to vector<1x256xf32>
      %convert_element_type3A_531 = arith.truncf %mul3A_501 : vector<1x64xf32> to vector<1x64xbf16>
      %convert_element_type3A_532 = arith.extf %convert_element_type3A_531 : vector<1x64xbf16> to vector<1x64xf32>
      %sub3A_533 = arith.subf %mul3A_501, %convert_element_type3A_532 : vector<1x64xf32>
      %convert_element_type3A_534 = arith.truncf %sub3A_533 : vector<1x64xf32> to vector<1x64xbf16>
      %dot_general3A_535 = arith.constant dense<0.000000e+00> : vector<1x256xf32>
      %dot_general3A_536 = tpu.matmul %convert_element_type3A_531, %get3A_1, %dot_general3A_535 {dimension_numbers = #tpu.dot_dimension_numbers<[1], [0], [0], [1], [0, 0, 1, 1], [], []>, transpose_lhs_hint = false} : vector<1x64xbf16>, vector<64x256xbf16>, vector<1x256xf32> -> vector<1x256xf32>
      %dot_general3A_537 = arith.constant dense<0.000000e+00> : vector<1x256xf32>
      %dot_general3A_538 = tpu.matmul %convert_element_type3A_531, %get3A_4, %dot_general3A_537 {dimension_numbers = #tpu.dot_dimension_numbers<[1], [0], [0], [1], [0, 0, 1, 1], [], []>, transpose_lhs_hint = false} : vector<1x64xbf16>, vector<64x256xbf16>, vector<1x256xf32> -> vector<1x256xf32>
      %dot_general3A_539 = arith.constant dense<0.000000e+00> : vector<1x256xf32>
      %dot_general3A_540 = tpu.matmul %convert_element_type3A_534, %get3A_1, %dot_general3A_539 {dimension_numbers = #tpu.dot_dimension_numbers<[1], [0], [0], [1], [0, 0, 1, 1], [], []>, transpose_lhs_hint = false} : vector<1x64xbf16>, vector<64x256xbf16>, vector<1x256xf32> -> vector<1x256xf32>
      %add3A_541 = arith.addf %dot_general3A_538, %dot_general3A_540 : vector<1x256xf32>
      %add3A_542 = arith.addf %dot_general3A_536, %add3A_541 : vector<1x256xf32>
      %add3A_543 = arith.addf %slice3A_530, %add3A_542 : vector<1x256xf32>
      %slice3A_544 = vector.extract_strided_slice %get3A_31 {offsets = [1, 0], sizes = [1, 256], strides = [1, 1]} : vector<8x256xf32> to vector<1x256xf32>
      %convert_element_type3A_545 = arith.truncf %mul3A_529 : vector<1x64xf32> to vector<1x64xbf16>
      %convert_element_type3A_546 = arith.extf %convert_element_type3A_545 : vector<1x64xbf16> to vector<1x64xf32>
      %sub3A_547 = arith.subf %mul3A_529, %convert_element_type3A_546 : vector<1x64xf32>
      %convert_element_type3A_548 = arith.truncf %sub3A_547 : vector<1x64xf32> to vector<1x64xbf16>
      %dot_general3A_549 = arith.constant dense<0.000000e+00> : vector<1x256xf32>
      %dot_general3A_550 = tpu.matmul %convert_element_type3A_545, %get3A_7, %dot_general3A_549 {dimension_numbers = #tpu.dot_dimension_numbers<[1], [0], [0], [1], [0, 0, 1, 1], [], []>, transpose_lhs_hint = false} : vector<1x64xbf16>, vector<64x256xbf16>, vector<1x256xf32> -> vector<1x256xf32>
      %dot_general3A_551 = arith.constant dense<0.000000e+00> : vector<1x256xf32>
      %dot_general3A_552 = tpu.matmul %convert_element_type3A_545, %get3A_10, %dot_general3A_551 {dimension_numbers = #tpu.dot_dimension_numbers<[1], [0], [0], [1], [0, 0, 1, 1], [], []>, transpose_lhs_hint = false} : vector<1x64xbf16>, vector<64x256xbf16>, vector<1x256xf32> -> vector<1x256xf32>
      %dot_general3A_553 = arith.constant dense<0.000000e+00> : vector<1x256xf32>
      %dot_general3A_554 = tpu.matmul %convert_element_type3A_548, %get3A_7, %dot_general3A_553 {dimension_numbers = #tpu.dot_dimension_numbers<[1], [0], [0], [1], [0, 0, 1, 1], [], []>, transpose_lhs_hint = false} : vector<1x64xbf16>, vector<64x256xbf16>, vector<1x256xf32> -> vector<1x256xf32>
      %add3A_555 = arith.addf %dot_general3A_552, %dot_general3A_554 : vector<1x256xf32>
      %add3A_556 = arith.addf %dot_general3A_550, %add3A_555 : vector<1x256xf32>
      %add3A_557 = arith.addf %slice3A_544, %add3A_556 : vector<1x256xf32>
      %slice3A_558 = vector.extract_strided_slice %add3A_543 {offsets = [0, 0], sizes = [1, 64], strides = [1, 1]} : vector<1x256xf32> to vector<1x64xf32>
      %logistic3A_559 = arith.negf %slice3A_558 : vector<1x64xf32>
      %logistic3A_560 = math.exp %logistic3A_559 : vector<1x64xf32>
      %logistic3A_561 = arith.constant 1.000000e+00 : f32
      %logistic3A_562 = vector.broadcast %logistic3A_561 : f32 to vector<1x64xf32>
      %logistic3A_563 = arith.addf %logistic3A_562, %logistic3A_560 : vector<1x64xf32>
      %logistic3A_564 = arith.divf %logistic3A_562, %logistic3A_563 : vector<1x64xf32>
      %slice3A_565 = vector.extract_strided_slice %add3A_543 {offsets = [0, 64], sizes = [1, 64], strides = [1, 1]} : vector<1x256xf32> to vector<1x64xf32>
      %logistic3A_566 = arith.negf %slice3A_565 : vector<1x64xf32>
      %logistic3A_567 = math.exp %logistic3A_566 : vector<1x64xf32>
      %logistic3A_568 = arith.constant 1.000000e+00 : f32
      %logistic3A_569 = vector.broadcast %logistic3A_568 : f32 to vector<1x64xf32>
      %logistic3A_570 = arith.addf %logistic3A_569, %logistic3A_567 : vector<1x64xf32>
      %logistic3A_571 = arith.divf %logistic3A_569, %logistic3A_570 : vector<1x64xf32>
      %slice3A_572 = vector.extract_strided_slice %add3A_543 {offsets = [0, 128], sizes = [1, 64], strides = [1, 1]} : vector<1x256xf32> to vector<1x64xf32>
      %tanh3A_573 = math.tanh %slice3A_572 : vector<1x64xf32>
      %slice3A_574 = vector.extract_strided_slice %add3A_543 {offsets = [0, 192], sizes = [1, 64], strides = [1, 1]} : vector<1x256xf32> to vector<1x64xf32>
      %logistic3A_575 = arith.negf %slice3A_574 : vector<1x64xf32>
      %logistic3A_576 = math.exp %logistic3A_575 : vector<1x64xf32>
      %logistic3A_577 = arith.constant 1.000000e+00 : f32
      %logistic3A_578 = vector.broadcast %logistic3A_577 : f32 to vector<1x64xf32>
      %logistic3A_579 = arith.addf %logistic3A_578, %logistic3A_576 : vector<1x64xf32>
      %logistic3A_580 = arith.divf %logistic3A_578, %logistic3A_579 : vector<1x64xf32>
      %mul3A_581 = arith.mulf %logistic3A_571, %add3A_499 : vector<1x64xf32>
      %mul3A_582 = arith.mulf %logistic3A_564, %tanh3A_573 : vector<1x64xf32>
      %add3A_583 = arith.addf %mul3A_581, %mul3A_582 : vector<1x64xf32>
      %tanh3A_584 = math.tanh %add3A_583 : vector<1x64xf32>
      %mul3A_585 = arith.mulf %logistic3A_580, %tanh3A_584 : vector<1x64xf32>
      %slice3A_586 = vector.extract_strided_slice %add3A_557 {offsets = [0, 0], sizes = [1, 64], strides = [1, 1]} : vector<1x256xf32> to vector<1x64xf32>
      %logistic3A_587 = arith.negf %slice3A_586 : vector<1x64xf32>
      %logistic3A_588 = math.exp %logistic3A_587 : vector<1x64xf32>
      %logistic3A_589 = arith.constant 1.000000e+00 : f32
      %logistic3A_590 = vector.broadcast %logistic3A_589 : f32 to vector<1x64xf32>
      %logistic3A_591 = arith.addf %logistic3A_590, %logistic3A_588 : vector<1x64xf32>
      %logistic3A_592 = arith.divf %logistic3A_590, %logistic3A_591 : vector<1x64xf32>
      %slice3A_593 = vector.extract_strided_slice %add3A_557 {offsets = [0, 64], sizes = [1, 64], strides = [1, 1]} : vector<1x256xf32> to vector<1x64xf32>
      %logistic3A_594 = arith.negf %slice3A_593 : vector<1x64xf32>
      %logistic3A_595 = math.exp %logistic3A_594 : vector<1x64xf32>
      %logistic3A_596 = arith.constant 1.000000e+00 : f32
      %logistic3A_597 = vector.broadcast %logistic3A_596 : f32 to vector<1x64xf32>
      %logistic3A_598 = arith.addf %logistic3A_597, %logistic3A_595 : vector<1x64xf32>
      %logistic3A_599 = arith.divf %logistic3A_597, %logistic3A_598 : vector<1x64xf32>
      %slice3A_600 = vector.extract_strided_slice %add3A_557 {offsets = [0, 128], sizes = [1, 64], strides = [1, 1]} : vector<1x256xf32> to vector<1x64xf32>
      %tanh3A_601 = math.tanh %slice3A_600 : vector<1x64xf32>
      %slice3A_602 = vector.extract_strided_slice %add3A_557 {offsets = [0, 192], sizes = [1, 64], strides = [1, 1]} : vector<1x256xf32> to vector<1x64xf32>
      %logistic3A_603 = arith.negf %slice3A_602 : vector<1x64xf32>
      %logistic3A_604 = math.exp %logistic3A_603 : vector<1x64xf32>
      %logistic3A_605 = arith.constant 1.000000e+00 : f32
      %logistic3A_606 = vector.broadcast %logistic3A_605 : f32 to vector<1x64xf32>
      %logistic3A_607 = arith.addf %logistic3A_606, %logistic3A_604 : vector<1x64xf32>
      %logistic3A_608 = arith.divf %logistic3A_606, %logistic3A_607 : vector<1x64xf32>
      %mul3A_609 = arith.mulf %logistic3A_599, %add3A_527 : vector<1x64xf32>
      %mul3A_610 = arith.mulf %logistic3A_592, %tanh3A_601 : vector<1x64xf32>
      %add3A_611 = arith.addf %mul3A_609, %mul3A_610 : vector<1x64xf32>
      %tanh3A_612 = math.tanh %add3A_611 : vector<1x64xf32>
      %mul3A_613 = arith.mulf %logistic3A_608, %tanh3A_612 : vector<1x64xf32>
      %slice3A_614 = vector.extract_strided_slice %get3A_28 {offsets = [7, 0], sizes = [1, 256], strides = [1, 1]} : vector<8x256xf32> to vector<1x256xf32>
      %convert_element_type3A_615 = arith.truncf %mul3A_585 : vector<1x64xf32> to vector<1x64xbf16>
      %convert_element_type3A_616 = arith.extf %convert_element_type3A_615 : vector<1x64xbf16> to vector<1x64xf32>
      %sub3A_617 = arith.subf %mul3A_585, %convert_element_type3A_616 : vector<1x64xf32>
      %convert_element_type3A_618 = arith.truncf %sub3A_617 : vector<1x64xf32> to vector<1x64xbf16>
      %dot_general3A_619 = arith.constant dense<0.000000e+00> : vector<1x256xf32>
      %dot_general3A_620 = tpu.matmul %convert_element_type3A_615, %get3A_1, %dot_general3A_619 {dimension_numbers = #tpu.dot_dimension_numbers<[1], [0], [0], [1], [0, 0, 1, 1], [], []>, transpose_lhs_hint = false} : vector<1x64xbf16>, vector<64x256xbf16>, vector<1x256xf32> -> vector<1x256xf32>
      %dot_general3A_621 = arith.constant dense<0.000000e+00> : vector<1x256xf32>
      %dot_general3A_622 = tpu.matmul %convert_element_type3A_615, %get3A_4, %dot_general3A_621 {dimension_numbers = #tpu.dot_dimension_numbers<[1], [0], [0], [1], [0, 0, 1, 1], [], []>, transpose_lhs_hint = false} : vector<1x64xbf16>, vector<64x256xbf16>, vector<1x256xf32> -> vector<1x256xf32>
      %dot_general3A_623 = arith.constant dense<0.000000e+00> : vector<1x256xf32>
      %dot_general3A_624 = tpu.matmul %convert_element_type3A_618, %get3A_1, %dot_general3A_623 {dimension_numbers = #tpu.dot_dimension_numbers<[1], [0], [0], [1], [0, 0, 1, 1], [], []>, transpose_lhs_hint = false} : vector<1x64xbf16>, vector<64x256xbf16>, vector<1x256xf32> -> vector<1x256xf32>
      %add3A_625 = arith.addf %dot_general3A_622, %dot_general3A_624 : vector<1x256xf32>
      %add3A_626 = arith.addf %dot_general3A_620, %add3A_625 : vector<1x256xf32>
      %add3A_627 = arith.addf %slice3A_614, %add3A_626 : vector<1x256xf32>
      %slice3A_628 = vector.extract_strided_slice %get3A_31 {offsets = [0, 0], sizes = [1, 256], strides = [1, 1]} : vector<8x256xf32> to vector<1x256xf32>
      %convert_element_type3A_629 = arith.truncf %mul3A_613 : vector<1x64xf32> to vector<1x64xbf16>
      %convert_element_type3A_630 = arith.extf %convert_element_type3A_629 : vector<1x64xbf16> to vector<1x64xf32>
      %sub3A_631 = arith.subf %mul3A_613, %convert_element_type3A_630 : vector<1x64xf32>
      %convert_element_type3A_632 = arith.truncf %sub3A_631 : vector<1x64xf32> to vector<1x64xbf16>
      %dot_general3A_633 = arith.constant dense<0.000000e+00> : vector<1x256xf32>
      %dot_general3A_634 = tpu.matmul %convert_element_type3A_629, %get3A_7, %dot_general3A_633 {dimension_numbers = #tpu.dot_dimension_numbers<[1], [0], [0], [1], [0, 0, 1, 1], [], []>, transpose_lhs_hint = false} : vector<1x64xbf16>, vector<64x256xbf16>, vector<1x256xf32> -> vector<1x256xf32>
      %dot_general3A_635 = arith.constant dense<0.000000e+00> : vector<1x256xf32>
      %dot_general3A_636 = tpu.matmul %convert_element_type3A_629, %get3A_10, %dot_general3A_635 {dimension_numbers = #tpu.dot_dimension_numbers<[1], [0], [0], [1], [0, 0, 1, 1], [], []>, transpose_lhs_hint = false} : vector<1x64xbf16>, vector<64x256xbf16>, vector<1x256xf32> -> vector<1x256xf32>
      %dot_general3A_637 = arith.constant dense<0.000000e+00> : vector<1x256xf32>
      %dot_general3A_638 = tpu.matmul %convert_element_type3A_632, %get3A_7, %dot_general3A_637 {dimension_numbers = #tpu.dot_dimension_numbers<[1], [0], [0], [1], [0, 0, 1, 1], [], []>, transpose_lhs_hint = false} : vector<1x64xbf16>, vector<64x256xbf16>, vector<1x256xf32> -> vector<1x256xf32>
      %add3A_639 = arith.addf %dot_general3A_636, %dot_general3A_638 : vector<1x256xf32>
      %add3A_640 = arith.addf %dot_general3A_634, %add3A_639 : vector<1x256xf32>
      %add3A_641 = arith.addf %slice3A_628, %add3A_640 : vector<1x256xf32>
      %slice3A_642 = vector.extract_strided_slice %add3A_627 {offsets = [0, 0], sizes = [1, 64], strides = [1, 1]} : vector<1x256xf32> to vector<1x64xf32>
      %logistic3A_643 = arith.negf %slice3A_642 : vector<1x64xf32>
      %logistic3A_644 = math.exp %logistic3A_643 : vector<1x64xf32>
      %logistic3A_645 = arith.constant 1.000000e+00 : f32
      %logistic3A_646 = vector.broadcast %logistic3A_645 : f32 to vector<1x64xf32>
      %logistic3A_647 = arith.addf %logistic3A_646, %logistic3A_644 : vector<1x64xf32>
      %logistic3A_648 = arith.divf %logistic3A_646, %logistic3A_647 : vector<1x64xf32>
      %slice3A_649 = vector.extract_strided_slice %add3A_627 {offsets = [0, 64], sizes = [1, 64], strides = [1, 1]} : vector<1x256xf32> to vector<1x64xf32>
      %logistic3A_650 = arith.negf %slice3A_649 : vector<1x64xf32>
      %logistic3A_651 = math.exp %logistic3A_650 : vector<1x64xf32>
      %logistic3A_652 = arith.constant 1.000000e+00 : f32
      %logistic3A_653 = vector.broadcast %logistic3A_652 : f32 to vector<1x64xf32>
      %logistic3A_654 = arith.addf %logistic3A_653, %logistic3A_651 : vector<1x64xf32>
      %logistic3A_655 = arith.divf %logistic3A_653, %logistic3A_654 : vector<1x64xf32>
      %slice3A_656 = vector.extract_strided_slice %add3A_627 {offsets = [0, 128], sizes = [1, 64], strides = [1, 1]} : vector<1x256xf32> to vector<1x64xf32>
      %tanh3A_657 = math.tanh %slice3A_656 : vector<1x64xf32>
      %slice3A_658 = vector.extract_strided_slice %add3A_627 {offsets = [0, 192], sizes = [1, 64], strides = [1, 1]} : vector<1x256xf32> to vector<1x64xf32>
      %logistic3A_659 = arith.negf %slice3A_658 : vector<1x64xf32>
      %logistic3A_660 = math.exp %logistic3A_659 : vector<1x64xf32>
      %logistic3A_661 = arith.constant 1.000000e+00 : f32
      %logistic3A_662 = vector.broadcast %logistic3A_661 : f32 to vector<1x64xf32>
      %logistic3A_663 = arith.addf %logistic3A_662, %logistic3A_660 : vector<1x64xf32>
      %logistic3A_664 = arith.divf %logistic3A_662, %logistic3A_663 : vector<1x64xf32>
      %mul3A_665 = arith.mulf %logistic3A_655, %add3A_583 : vector<1x64xf32>
      %mul3A_666 = arith.mulf %logistic3A_648, %tanh3A_657 : vector<1x64xf32>
      %add3A_667 = arith.addf %mul3A_665, %mul3A_666 : vector<1x64xf32>
      %tanh3A_668 = math.tanh %add3A_667 : vector<1x64xf32>
      %mul3A_669 = arith.mulf %logistic3A_664, %tanh3A_668 : vector<1x64xf32>
      %slice3A_670 = vector.extract_strided_slice %add3A_641 {offsets = [0, 0], sizes = [1, 64], strides = [1, 1]} : vector<1x256xf32> to vector<1x64xf32>
      %logistic3A_671 = arith.negf %slice3A_670 : vector<1x64xf32>
      %logistic3A_672 = math.exp %logistic3A_671 : vector<1x64xf32>
      %logistic3A_673 = arith.constant 1.000000e+00 : f32
      %logistic3A_674 = vector.broadcast %logistic3A_673 : f32 to vector<1x64xf32>
      %logistic3A_675 = arith.addf %logistic3A_674, %logistic3A_672 : vector<1x64xf32>
      %logistic3A_676 = arith.divf %logistic3A_674, %logistic3A_675 : vector<1x64xf32>
      %slice3A_677 = vector.extract_strided_slice %add3A_641 {offsets = [0, 64], sizes = [1, 64], strides = [1, 1]} : vector<1x256xf32> to vector<1x64xf32>
      %logistic3A_678 = arith.negf %slice3A_677 : vector<1x64xf32>
      %logistic3A_679 = math.exp %logistic3A_678 : vector<1x64xf32>
      %logistic3A_680 = arith.constant 1.000000e+00 : f32
      %logistic3A_681 = vector.broadcast %logistic3A_680 : f32 to vector<1x64xf32>
      %logistic3A_682 = arith.addf %logistic3A_681, %logistic3A_679 : vector<1x64xf32>
      %logistic3A_683 = arith.divf %logistic3A_681, %logistic3A_682 : vector<1x64xf32>
      %slice3A_684 = vector.extract_strided_slice %add3A_641 {offsets = [0, 128], sizes = [1, 64], strides = [1, 1]} : vector<1x256xf32> to vector<1x64xf32>
      %tanh3A_685 = math.tanh %slice3A_684 : vector<1x64xf32>
      %slice3A_686 = vector.extract_strided_slice %add3A_641 {offsets = [0, 192], sizes = [1, 64], strides = [1, 1]} : vector<1x256xf32> to vector<1x64xf32>
      %logistic3A_687 = arith.negf %slice3A_686 : vector<1x64xf32>
      %logistic3A_688 = math.exp %logistic3A_687 : vector<1x64xf32>
      %logistic3A_689 = arith.constant 1.000000e+00 : f32
      %logistic3A_690 = vector.broadcast %logistic3A_689 : f32 to vector<1x64xf32>
      %logistic3A_691 = arith.addf %logistic3A_690, %logistic3A_688 : vector<1x64xf32>
      %logistic3A_692 = arith.divf %logistic3A_690, %logistic3A_691 : vector<1x64xf32>
      %mul3A_693 = arith.mulf %logistic3A_683, %add3A_611 : vector<1x64xf32>
      %mul3A_694 = arith.mulf %logistic3A_676, %tanh3A_685 : vector<1x64xf32>
      %add3A_695 = arith.addf %mul3A_693, %mul3A_694 : vector<1x64xf32>
      %tanh3A_696 = math.tanh %add3A_695 : vector<1x64xf32>
      %mul3A_697 = arith.mulf %logistic3A_692, %tanh3A_696 : vector<1x64xf32>
      %concatenate3A = tpu.concatenate %mul3A_81, %mul3A_165, %mul3A_249, %mul3A_333, %mul3A_417, %mul3A_501, %mul3A_585, %mul3A_669 in 0 : vector<1x64xf32>, vector<1x64xf32>, vector<1x64xf32>, vector<1x64xf32>, vector<1x64xf32>, vector<1x64xf32>, vector<1x64xf32>, vector<1x64xf32> -> vector<8x64xf32>
      %swap3A = arith.index_cast %mul3A_22 : i32 to index
      %swap3A_698 = arith.constant 0 : index
      %swap3A_699 = vector.load %arg5[%swap3A, %swap3A_698] : memref<10000x128xf32, #tpu.memory_space<vmem>>, vector<8x64xf32>
      tpu.vector_store %arg5[%swap3A, %swap3A_698], %concatenate3A {strides = array<i32>} : memref<10000x128xf32, #tpu.memory_space<vmem>>, vector<8x64xf32>,
      %concatenate3A_700 = tpu.concatenate %mul3A_697, %mul3A_613, %mul3A_529, %mul3A_445, %mul3A_361, %mul3A_277, %mul3A_193, %mul3A_109 in 0 : vector<1x64xf32>, vector<1x64xf32>, vector<1x64xf32>, vector<1x64xf32>, vector<1x64xf32>, vector<1x64xf32>, vector<1x64xf32>, vector<1x64xf32> -> vector<8x64xf32>
      %swap3A_701 = arith.index_cast %sub3A_25 : i32 to index
      %swap3A_702 = arith.constant 64 : index
      %swap3A_703 = vector.load %arg5[%swap3A_701, %swap3A_702] : memref<10000x128xf32, #tpu.memory_space<vmem>>, vector<8x64xf32>
      tpu.vector_store %arg5[%swap3A_701, %swap3A_702], %concatenate3A_700 {strides = array<i32>} : memref<10000x128xf32, #tpu.memory_space<vmem>>, vector<8x64xf32>,
      scf.yield %mul3A_669, %add3A_667, %mul3A_697, %add3A_695 : vector<1x64xf32>, vector<1x64xf32>, vector<1x64xf32>, vector<1x64xf32>
    }
    %scan3A_16 = arith.constant 1250 : i32
    return
  }
}

module attributes {stable_mosaic.version = 14 : i64} {
  func.func @_matmul_bias_kernel(%arg0: i32, %arg1: memref<1000x128xf32, #tpu.memory_space<vmem>>, %arg2: memref<128x512xf32, #tpu.memory_space<vmem>>, %arg3: memref<1x512xf32, #tpu.memory_space<vmem>>, %arg4: memref<1000x512xf32, #tpu.memory_space<vmem>>) attributes {dimension_semantics = [#tpu.dimension_semantics<arbitrary>], iteration_bounds = array<i64: 10>, scalar_prefetch = 0 : i64, scratch_operands = 0 : i64, tpu.core_type = #tpu.core_type<tc>, window_params = [{transform_indices = @transform_0, window_bounds = array<i64: 1000, 128>}, {pipeline_mode = #tpu.pipeline_mode<synchronous>, transform_indices = @transform_1, window_bounds = array<i64: 128, 512>}, {pipeline_mode = #tpu.pipeline_mode<synchronous>, transform_indices = @transform_2, window_bounds = array<i64: 1, 512>}, {transform_indices = @transform_3, window_bounds = array<i64: 1000, 512>}]} {
    %get3A = arith.constant 0 : index
    %get3A_0 = arith.constant 0 : index
    %get3A_1 = vector.load %arg1[%get3A, %get3A_0] : memref<1000x128xf32, #tpu.memory_space<vmem>>, vector<1000x128xf32>
    %get3A_2 = arith.constant 0 : index
    %get3A_3 = arith.constant 0 : index
    %get3A_4 = vector.load %arg2[%get3A_2, %get3A_3] : memref<128x512xf32, #tpu.memory_space<vmem>>, vector<128x512xf32>
    %dot_general3A = arith.constant dense<0.000000e+00> : vector<1000x512xf32>
    %dot_general3A_5 = tpu.matmul %get3A_1, %get3A_4, %dot_general3A {dimension_numbers = #tpu.dot_dimension_numbers<[1], [0], [0], [1], [0, 0, 1, 1], [], []>, precision = #tpu.contract_precision<fp32>, transpose_lhs_hint = false} : vector<1000x128xf32>, vector<128x512xf32>, vector<1000x512xf32> -> vector<1000x512xf32>
    %get3A_6 = arith.constant 0 : index
    %get3A_7 = arith.constant 0 : index
    %get3A_8 = vector.load %arg3[%get3A_6, %get3A_7] : memref<1x512xf32, #tpu.memory_space<vmem>>, vector<1x512xf32>
    %add3A = vector.broadcast %get3A_8 : vector<1x512xf32> to vector<1000x512xf32>
    %add3A_9 = arith.addf %dot_general3A_5, %add3A : vector<1000x512xf32>
    %swap3A = arith.constant 0 : index
    %swap3A_10 = arith.constant 0 : index
    %swap3A_11 = vector.load %arg4[%swap3A, %swap3A_10] : memref<1000x512xf32, #tpu.memory_space<vmem>>, vector<1000x512xf32>
    tpu.vector_store %arg4[%swap3A, %swap3A_10], %add3A_9 {strides = array<i32>} : memref<1000x512xf32, #tpu.memory_space<vmem>>, vector<1000x512xf32>,
    return
  }
  func.func @transform_0(%arg0: i32) -> (i32, i32) {
    %c0_i32 = arith.constant 0 : i32
    %c0_i32_0 = arith.constant 0 : i32
    return %arg0, %c0_i32 : i32, i32
  }
  func.func @transform_1(%arg0: i32) -> (i32, i32) {
    %c0_i32 = arith.constant 0 : i32
    %c0_i32_0 = arith.constant 0 : i32
    %c0_i32_1 = arith.constant 0 : i32
    return %c0_i32, %c0_i32_0 : i32, i32
  }
  func.func @transform_2(%arg0: i32) -> (i32, i32) {
    %c0_i32 = arith.constant 0 : i32
    %c0_i32_0 = arith.constant 0 : i32
    %c0_i32_1 = arith.constant 0 : i32
    return %c0_i32, %c0_i32_0 : i32, i32
  }
  func.func @transform_3(%arg0: i32) -> (i32, i32) {
    %c0_i32 = arith.constant 0 : i32
    %c0_i32_0 = arith.constant 0 : i32
    return %arg0, %c0_i32 : i32, i32
  }
}

module attributes {stable_mosaic.version = 14 : i64} {
  func.func @_lstm2_heads_kernel(%arg0: memref<10000x512xf32, #tpu.memory_space<vmem>>, %arg1: memref<64x256xbf16, #tpu.memory_space<vmem>>, %arg2: memref<64x256xbf16, #tpu.memory_space<vmem>>, %arg3: memref<64x256xbf16, #tpu.memory_space<vmem>>, %arg4: memref<64x256xbf16, #tpu.memory_space<vmem>>, %arg5: memref<128x128xf32, #tpu.memory_space<vmem>>, %arg6: memref<8x128xf32, #tpu.memory_space<vmem>>, %arg7: memref<8x128xf32, #tpu.memory_space<vmem>>) attributes {dimension_semantics = [], scalar_prefetch = 0 : i64, scratch_operands = 0 : i64, tpu.core_type = #tpu.core_type<tc>} {
    %get3A = arith.constant 0 : index
    %get3A_0 = arith.constant 0 : index
    %get3A_1 = vector.load %arg1[%get3A, %get3A_0] : memref<64x256xbf16, #tpu.memory_space<vmem>>, vector<64x256xbf16>
    %get3A_2 = arith.constant 0 : index
    %get3A_3 = arith.constant 0 : index
    %get3A_4 = vector.load %arg2[%get3A_2, %get3A_3] : memref<64x256xbf16, #tpu.memory_space<vmem>>, vector<64x256xbf16>
    %get3A_5 = arith.constant 0 : index
    %get3A_6 = arith.constant 0 : index
    %get3A_7 = vector.load %arg3[%get3A_5, %get3A_6] : memref<64x256xbf16, #tpu.memory_space<vmem>>, vector<64x256xbf16>
    %get3A_8 = arith.constant 0 : index
    %get3A_9 = arith.constant 0 : index
    %get3A_10 = vector.load %arg4[%get3A_8, %get3A_9] : memref<64x256xbf16, #tpu.memory_space<vmem>>, vector<64x256xbf16>
    %broadcast_in_dim3A = arith.constant 0.000000e+00 : f32
    %broadcast_in_dim3A_11 = vector.broadcast %broadcast_in_dim3A : f32 to vector<1x64xf32>
    %scan3A = arith.constant 0 : i32
    %scan3A_12 = arith.constant 1250 : i32
    %scan3A_13 = arith.addi %scan3A, %scan3A_12 : i32
    %scan3A_14 = arith.constant 1 : i32
    %scan3A_15:6 = scf.for %scan3A_80 = %scan3A to %scan3A_13 step %scan3A_14 iter_args(%scan3A_81 = %broadcast_in_dim3A_11, %scan3A_82 = %broadcast_in_dim3A_11, %scan3A_83 = %broadcast_in_dim3A_11, %scan3A_84 = %broadcast_in_dim3A_11, %scan3A_85 = %broadcast_in_dim3A_11, %scan3A_86 = %broadcast_in_dim3A_11) -> (vector<1x64xf32>, vector<1x64xf32>, vector<1x64xf32>, vector<1x64xf32>, vector<1x64xf32>, vector<1x64xf32>)  : i32 {
      %mul3A_87 = arith.constant 8 : i32
      %mul3A_88 = arith.muli %scan3A_80, %mul3A_87 : i32
      %mul3A_89 = arith.constant 8 : i32
      %mul3A_90 = arith.muli %scan3A_80, %mul3A_89 : i32
      %sub3A = arith.constant 9992 : i32
      %sub3A_91 = arith.subi %sub3A, %mul3A_90 : i32
      %get3A_92 = arith.index_cast %mul3A_88 : i32 to index
      %get3A_93 = arith.constant 0 : index
      %get3A_94 = vector.load %arg0[%get3A_92, %get3A_93] : memref<10000x512xf32, #tpu.memory_space<vmem>>, vector<8x256xf32>
      %get3A_95 = arith.index_cast %sub3A_91 : i32 to index
      %get3A_96 = arith.constant 256 : index
      %get3A_97 = vector.load %arg0[%get3A_95, %get3A_96] : memref<10000x512xf32, #tpu.memory_space<vmem>>, vector<8x256xf32>
      %slice3A = vector.extract_strided_slice %get3A_94 {offsets = [0, 0], sizes = [1, 256], strides = [1, 1]} : vector<8x256xf32> to vector<1x256xf32>
      %convert_element_type3A = arith.truncf %scan3A_81 : vector<1x64xf32> to vector<1x64xbf16>
      %convert_element_type3A_98 = arith.extf %convert_element_type3A : vector<1x64xbf16> to vector<1x64xf32>
      %sub3A_99 = arith.subf %scan3A_81, %convert_element_type3A_98 : vector<1x64xf32>
      %convert_element_type3A_100 = arith.truncf %sub3A_99 : vector<1x64xf32> to vector<1x64xbf16>
      %dot_general3A_101 = arith.constant dense<0.000000e+00> : vector<1x256xf32>
      %dot_general3A_102 = tpu.matmul %convert_element_type3A, %get3A_1, %dot_general3A_101 {dimension_numbers = #tpu.dot_dimension_numbers<[1], [0], [0], [1], [0, 0, 1, 1], [], []>, transpose_lhs_hint = false} : vector<1x64xbf16>, vector<64x256xbf16>, vector<1x256xf32> -> vector<1x256xf32>
      %dot_general3A_103 = arith.constant dense<0.000000e+00> : vector<1x256xf32>
      %dot_general3A_104 = tpu.matmul %convert_element_type3A, %get3A_4, %dot_general3A_103 {dimension_numbers = #tpu.dot_dimension_numbers<[1], [0], [0], [1], [0, 0, 1, 1], [], []>, transpose_lhs_hint = false} : vector<1x64xbf16>, vector<64x256xbf16>, vector<1x256xf32> -> vector<1x256xf32>
      %dot_general3A_105 = arith.constant dense<0.000000e+00> : vector<1x256xf32>
      %dot_general3A_106 = tpu.matmul %convert_element_type3A_100, %get3A_1, %dot_general3A_105 {dimension_numbers = #tpu.dot_dimension_numbers<[1], [0], [0], [1], [0, 0, 1, 1], [], []>, transpose_lhs_hint = false} : vector<1x64xbf16>, vector<64x256xbf16>, vector<1x256xf32> -> vector<1x256xf32>
      %add3A_107 = arith.addf %dot_general3A_104, %dot_general3A_106 : vector<1x256xf32>
      %add3A_108 = arith.addf %dot_general3A_102, %add3A_107 : vector<1x256xf32>
      %add3A_109 = arith.addf %slice3A, %add3A_108 : vector<1x256xf32>
      %slice3A_110 = vector.extract_strided_slice %get3A_97 {offsets = [7, 0], sizes = [1, 256], strides = [1, 1]} : vector<8x256xf32> to vector<1x256xf32>
      %convert_element_type3A_111 = arith.truncf %scan3A_83 : vector<1x64xf32> to vector<1x64xbf16>
      %convert_element_type3A_112 = arith.extf %convert_element_type3A_111 : vector<1x64xbf16> to vector<1x64xf32>
      %sub3A_113 = arith.subf %scan3A_83, %convert_element_type3A_112 : vector<1x64xf32>
      %convert_element_type3A_114 = arith.truncf %sub3A_113 : vector<1x64xf32> to vector<1x64xbf16>
      %dot_general3A_115 = arith.constant dense<0.000000e+00> : vector<1x256xf32>
      %dot_general3A_116 = tpu.matmul %convert_element_type3A_111, %get3A_7, %dot_general3A_115 {dimension_numbers = #tpu.dot_dimension_numbers<[1], [0], [0], [1], [0, 0, 1, 1], [], []>, transpose_lhs_hint = false} : vector<1x64xbf16>, vector<64x256xbf16>, vector<1x256xf32> -> vector<1x256xf32>
      %dot_general3A_117 = arith.constant dense<0.000000e+00> : vector<1x256xf32>
      %dot_general3A_118 = tpu.matmul %convert_element_type3A_111, %get3A_10, %dot_general3A_117 {dimension_numbers = #tpu.dot_dimension_numbers<[1], [0], [0], [1], [0, 0, 1, 1], [], []>, transpose_lhs_hint = false} : vector<1x64xbf16>, vector<64x256xbf16>, vector<1x256xf32> -> vector<1x256xf32>
      %dot_general3A_119 = arith.constant dense<0.000000e+00> : vector<1x256xf32>
      %dot_general3A_120 = tpu.matmul %convert_element_type3A_114, %get3A_7, %dot_general3A_119 {dimension_numbers = #tpu.dot_dimension_numbers<[1], [0], [0], [1], [0, 0, 1, 1], [], []>, transpose_lhs_hint = false} : vector<1x64xbf16>, vector<64x256xbf16>, vector<1x256xf32> -> vector<1x256xf32>
      %add3A_121 = arith.addf %dot_general3A_118, %dot_general3A_120 : vector<1x256xf32>
      %add3A_122 = arith.addf %dot_general3A_116, %add3A_121 : vector<1x256xf32>
      %add3A_123 = arith.addf %slice3A_110, %add3A_122 : vector<1x256xf32>
      %slice3A_124 = vector.extract_strided_slice %add3A_109 {offsets = [0, 0], sizes = [1, 64], strides = [1, 1]} : vector<1x256xf32> to vector<1x64xf32>
      %logistic3A = arith.negf %slice3A_124 : vector<1x64xf32>
      %logistic3A_125 = math.exp %logistic3A : vector<1x64xf32>
      %logistic3A_126 = arith.constant 1.000000e+00 : f32
      %logistic3A_127 = vector.broadcast %logistic3A_126 : f32 to vector<1x64xf32>
      %logistic3A_128 = arith.addf %logistic3A_127, %logistic3A_125 : vector<1x64xf32>
      %logistic3A_129 = arith.divf %logistic3A_127, %logistic3A_128 : vector<1x64xf32>
      %slice3A_130 = vector.extract_strided_slice %add3A_109 {offsets = [0, 64], sizes = [1, 64], strides = [1, 1]} : vector<1x256xf32> to vector<1x64xf32>
      %logistic3A_131 = arith.negf %slice3A_130 : vector<1x64xf32>
      %logistic3A_132 = math.exp %logistic3A_131 : vector<1x64xf32>
      %logistic3A_133 = arith.constant 1.000000e+00 : f32
      %logistic3A_134 = vector.broadcast %logistic3A_133 : f32 to vector<1x64xf32>
      %logistic3A_135 = arith.addf %logistic3A_134, %logistic3A_132 : vector<1x64xf32>
      %logistic3A_136 = arith.divf %logistic3A_134, %logistic3A_135 : vector<1x64xf32>
      %slice3A_137 = vector.extract_strided_slice %add3A_109 {offsets = [0, 128], sizes = [1, 64], strides = [1, 1]} : vector<1x256xf32> to vector<1x64xf32>
      %tanh3A = math.tanh %slice3A_137 : vector<1x64xf32>
      %slice3A_138 = vector.extract_strided_slice %add3A_109 {offsets = [0, 192], sizes = [1, 64], strides = [1, 1]} : vector<1x256xf32> to vector<1x64xf32>
      %logistic3A_139 = arith.negf %slice3A_138 : vector<1x64xf32>
      %logistic3A_140 = math.exp %logistic3A_139 : vector<1x64xf32>
      %logistic3A_141 = arith.constant 1.000000e+00 : f32
      %logistic3A_142 = vector.broadcast %logistic3A_141 : f32 to vector<1x64xf32>
      %logistic3A_143 = arith.addf %logistic3A_142, %logistic3A_140 : vector<1x64xf32>
      %logistic3A_144 = arith.divf %logistic3A_142, %logistic3A_143 : vector<1x64xf32>
      %mul3A_145 = arith.mulf %logistic3A_136, %scan3A_82 : vector<1x64xf32>
      %mul3A_146 = arith.mulf %logistic3A_129, %tanh3A : vector<1x64xf32>
      %add3A_147 = arith.addf %mul3A_145, %mul3A_146 : vector<1x64xf32>
      %tanh3A_148 = math.tanh %add3A_147 : vector<1x64xf32>
      %mul3A_149 = arith.mulf %logistic3A_144, %tanh3A_148 : vector<1x64xf32>
      %slice3A_150 = vector.extract_strided_slice %add3A_123 {offsets = [0, 0], sizes = [1, 64], strides = [1, 1]} : vector<1x256xf32> to vector<1x64xf32>
      %logistic3A_151 = arith.negf %slice3A_150 : vector<1x64xf32>
      %logistic3A_152 = math.exp %logistic3A_151 : vector<1x64xf32>
      %logistic3A_153 = arith.constant 1.000000e+00 : f32
      %logistic3A_154 = vector.broadcast %logistic3A_153 : f32 to vector<1x64xf32>
      %logistic3A_155 = arith.addf %logistic3A_154, %logistic3A_152 : vector<1x64xf32>
      %logistic3A_156 = arith.divf %logistic3A_154, %logistic3A_155 : vector<1x64xf32>
      %slice3A_157 = vector.extract_strided_slice %add3A_123 {offsets = [0, 64], sizes = [1, 64], strides = [1, 1]} : vector<1x256xf32> to vector<1x64xf32>
      %logistic3A_158 = arith.negf %slice3A_157 : vector<1x64xf32>
      %logistic3A_159 = math.exp %logistic3A_158 : vector<1x64xf32>
      %logistic3A_160 = arith.constant 1.000000e+00 : f32
      %logistic3A_161 = vector.broadcast %logistic3A_160 : f32 to vector<1x64xf32>
      %logistic3A_162 = arith.addf %logistic3A_161, %logistic3A_159 : vector<1x64xf32>
      %logistic3A_163 = arith.divf %logistic3A_161, %logistic3A_162 : vector<1x64xf32>
      %slice3A_164 = vector.extract_strided_slice %add3A_123 {offsets = [0, 128], sizes = [1, 64], strides = [1, 1]} : vector<1x256xf32> to vector<1x64xf32>
      %tanh3A_165 = math.tanh %slice3A_164 : vector<1x64xf32>
      %slice3A_166 = vector.extract_strided_slice %add3A_123 {offsets = [0, 192], sizes = [1, 64], strides = [1, 1]} : vector<1x256xf32> to vector<1x64xf32>
      %logistic3A_167 = arith.negf %slice3A_166 : vector<1x64xf32>
      %logistic3A_168 = math.exp %logistic3A_167 : vector<1x64xf32>
      %logistic3A_169 = arith.constant 1.000000e+00 : f32
      %logistic3A_170 = vector.broadcast %logistic3A_169 : f32 to vector<1x64xf32>
      %logistic3A_171 = arith.addf %logistic3A_170, %logistic3A_168 : vector<1x64xf32>
      %logistic3A_172 = arith.divf %logistic3A_170, %logistic3A_171 : vector<1x64xf32>
      %mul3A_173 = arith.mulf %logistic3A_163, %scan3A_84 : vector<1x64xf32>
      %mul3A_174 = arith.mulf %logistic3A_156, %tanh3A_165 : vector<1x64xf32>
      %add3A_175 = arith.addf %mul3A_173, %mul3A_174 : vector<1x64xf32>
      %tanh3A_176 = math.tanh %add3A_175 : vector<1x64xf32>
      %mul3A_177 = arith.mulf %logistic3A_172, %tanh3A_176 : vector<1x64xf32>
      %add3A_178 = arith.addf %scan3A_85, %mul3A_149 : vector<1x64xf32>
      %add3A_179 = arith.addf %scan3A_86, %mul3A_177 : vector<1x64xf32>
      %slice3A_180 = vector.extract_strided_slice %get3A_94 {offsets = [1, 0], sizes = [1, 256], strides = [1, 1]} : vector<8x256xf32> to vector<1x256xf32>
      %convert_element_type3A_181 = arith.truncf %mul3A_149 : vector<1x64xf32> to vector<1x64xbf16>
      %convert_element_type3A_182 = arith.extf %convert_element_type3A_181 : vector<1x64xbf16> to vector<1x64xf32>
      %sub3A_183 = arith.subf %mul3A_149, %convert_element_type3A_182 : vector<1x64xf32>
      %convert_element_type3A_184 = arith.truncf %sub3A_183 : vector<1x64xf32> to vector<1x64xbf16>
      %dot_general3A_185 = arith.constant dense<0.000000e+00> : vector<1x256xf32>
      %dot_general3A_186 = tpu.matmul %convert_element_type3A_181, %get3A_1, %dot_general3A_185 {dimension_numbers = #tpu.dot_dimension_numbers<[1], [0], [0], [1], [0, 0, 1, 1], [], []>, transpose_lhs_hint = false} : vector<1x64xbf16>, vector<64x256xbf16>, vector<1x256xf32> -> vector<1x256xf32>
      %dot_general3A_187 = arith.constant dense<0.000000e+00> : vector<1x256xf32>
      %dot_general3A_188 = tpu.matmul %convert_element_type3A_181, %get3A_4, %dot_general3A_187 {dimension_numbers = #tpu.dot_dimension_numbers<[1], [0], [0], [1], [0, 0, 1, 1], [], []>, transpose_lhs_hint = false} : vector<1x64xbf16>, vector<64x256xbf16>, vector<1x256xf32> -> vector<1x256xf32>
      %dot_general3A_189 = arith.constant dense<0.000000e+00> : vector<1x256xf32>
      %dot_general3A_190 = tpu.matmul %convert_element_type3A_184, %get3A_1, %dot_general3A_189 {dimension_numbers = #tpu.dot_dimension_numbers<[1], [0], [0], [1], [0, 0, 1, 1], [], []>, transpose_lhs_hint = false} : vector<1x64xbf16>, vector<64x256xbf16>, vector<1x256xf32> -> vector<1x256xf32>
      %add3A_191 = arith.addf %dot_general3A_188, %dot_general3A_190 : vector<1x256xf32>
      %add3A_192 = arith.addf %dot_general3A_186, %add3A_191 : vector<1x256xf32>
      %add3A_193 = arith.addf %slice3A_180, %add3A_192 : vector<1x256xf32>
      %slice3A_194 = vector.extract_strided_slice %get3A_97 {offsets = [6, 0], sizes = [1, 256], strides = [1, 1]} : vector<8x256xf32> to vector<1x256xf32>
      %convert_element_type3A_195 = arith.truncf %mul3A_177 : vector<1x64xf32> to vector<1x64xbf16>
      %convert_element_type3A_196 = arith.extf %convert_element_type3A_195 : vector<1x64xbf16> to vector<1x64xf32>
      %sub3A_197 = arith.subf %mul3A_177, %convert_element_type3A_196 : vector<1x64xf32>
      %convert_element_type3A_198 = arith.truncf %sub3A_197 : vector<1x64xf32> to vector<1x64xbf16>
      %dot_general3A_199 = arith.constant dense<0.000000e+00> : vector<1x256xf32>
      %dot_general3A_200 = tpu.matmul %convert_element_type3A_195, %get3A_7, %dot_general3A_199 {dimension_numbers = #tpu.dot_dimension_numbers<[1], [0], [0], [1], [0, 0, 1, 1], [], []>, transpose_lhs_hint = false} : vector<1x64xbf16>, vector<64x256xbf16>, vector<1x256xf32> -> vector<1x256xf32>
      %dot_general3A_201 = arith.constant dense<0.000000e+00> : vector<1x256xf32>
      %dot_general3A_202 = tpu.matmul %convert_element_type3A_195, %get3A_10, %dot_general3A_201 {dimension_numbers = #tpu.dot_dimension_numbers<[1], [0], [0], [1], [0, 0, 1, 1], [], []>, transpose_lhs_hint = false} : vector<1x64xbf16>, vector<64x256xbf16>, vector<1x256xf32> -> vector<1x256xf32>
      %dot_general3A_203 = arith.constant dense<0.000000e+00> : vector<1x256xf32>
      %dot_general3A_204 = tpu.matmul %convert_element_type3A_198, %get3A_7, %dot_general3A_203 {dimension_numbers = #tpu.dot_dimension_numbers<[1], [0], [0], [1], [0, 0, 1, 1], [], []>, transpose_lhs_hint = false} : vector<1x64xbf16>, vector<64x256xbf16>, vector<1x256xf32> -> vector<1x256xf32>
      %add3A_205 = arith.addf %dot_general3A_202, %dot_general3A_204 : vector<1x256xf32>
      %add3A_206 = arith.addf %dot_general3A_200, %add3A_205 : vector<1x256xf32>
      %add3A_207 = arith.addf %slice3A_194, %add3A_206 : vector<1x256xf32>
      %slice3A_208 = vector.extract_strided_slice %add3A_193 {offsets = [0, 0], sizes = [1, 64], strides = [1, 1]} : vector<1x256xf32> to vector<1x64xf32>
      %logistic3A_209 = arith.negf %slice3A_208 : vector<1x64xf32>
      %logistic3A_210 = math.exp %logistic3A_209 : vector<1x64xf32>
      %logistic3A_211 = arith.constant 1.000000e+00 : f32
      %logistic3A_212 = vector.broadcast %logistic3A_211 : f32 to vector<1x64xf32>
      %logistic3A_213 = arith.addf %logistic3A_212, %logistic3A_210 : vector<1x64xf32>
      %logistic3A_214 = arith.divf %logistic3A_212, %logistic3A_213 : vector<1x64xf32>
      %slice3A_215 = vector.extract_strided_slice %add3A_193 {offsets = [0, 64], sizes = [1, 64], strides = [1, 1]} : vector<1x256xf32> to vector<1x64xf32>
      %logistic3A_216 = arith.negf %slice3A_215 : vector<1x64xf32>
      %logistic3A_217 = math.exp %logistic3A_216 : vector<1x64xf32>
      %logistic3A_218 = arith.constant 1.000000e+00 : f32
      %logistic3A_219 = vector.broadcast %logistic3A_218 : f32 to vector<1x64xf32>
      %logistic3A_220 = arith.addf %logistic3A_219, %logistic3A_217 : vector<1x64xf32>
      %logistic3A_221 = arith.divf %logistic3A_219, %logistic3A_220 : vector<1x64xf32>
      %slice3A_222 = vector.extract_strided_slice %add3A_193 {offsets = [0, 128], sizes = [1, 64], strides = [1, 1]} : vector<1x256xf32> to vector<1x64xf32>
      %tanh3A_223 = math.tanh %slice3A_222 : vector<1x64xf32>
      %slice3A_224 = vector.extract_strided_slice %add3A_193 {offsets = [0, 192], sizes = [1, 64], strides = [1, 1]} : vector<1x256xf32> to vector<1x64xf32>
      %logistic3A_225 = arith.negf %slice3A_224 : vector<1x64xf32>
      %logistic3A_226 = math.exp %logistic3A_225 : vector<1x64xf32>
      %logistic3A_227 = arith.constant 1.000000e+00 : f32
      %logistic3A_228 = vector.broadcast %logistic3A_227 : f32 to vector<1x64xf32>
      %logistic3A_229 = arith.addf %logistic3A_228, %logistic3A_226 : vector<1x64xf32>
      %logistic3A_230 = arith.divf %logistic3A_228, %logistic3A_229 : vector<1x64xf32>
      %mul3A_231 = arith.mulf %logistic3A_221, %add3A_147 : vector<1x64xf32>
      %mul3A_232 = arith.mulf %logistic3A_214, %tanh3A_223 : vector<1x64xf32>
      %add3A_233 = arith.addf %mul3A_231, %mul3A_232 : vector<1x64xf32>
      %tanh3A_234 = math.tanh %add3A_233 : vector<1x64xf32>
      %mul3A_235 = arith.mulf %logistic3A_230, %tanh3A_234 : vector<1x64xf32>
      %slice3A_236 = vector.extract_strided_slice %add3A_207 {offsets = [0, 0], sizes = [1, 64], strides = [1, 1]} : vector<1x256xf32> to vector<1x64xf32>
      %logistic3A_237 = arith.negf %slice3A_236 : vector<1x64xf32>
      %logistic3A_238 = math.exp %logistic3A_237 : vector<1x64xf32>
      %logistic3A_239 = arith.constant 1.000000e+00 : f32
      %logistic3A_240 = vector.broadcast %logistic3A_239 : f32 to vector<1x64xf32>
      %logistic3A_241 = arith.addf %logistic3A_240, %logistic3A_238 : vector<1x64xf32>
      %logistic3A_242 = arith.divf %logistic3A_240, %logistic3A_241 : vector<1x64xf32>
      %slice3A_243 = vector.extract_strided_slice %add3A_207 {offsets = [0, 64], sizes = [1, 64], strides = [1, 1]} : vector<1x256xf32> to vector<1x64xf32>
      %logistic3A_244 = arith.negf %slice3A_243 : vector<1x64xf32>
      %logistic3A_245 = math.exp %logistic3A_244 : vector<1x64xf32>
      %logistic3A_246 = arith.constant 1.000000e+00 : f32
      %logistic3A_247 = vector.broadcast %logistic3A_246 : f32 to vector<1x64xf32>
      %logistic3A_248 = arith.addf %logistic3A_247, %logistic3A_245 : vector<1x64xf32>
      %logistic3A_249 = arith.divf %logistic3A_247, %logistic3A_248 : vector<1x64xf32>
      %slice3A_250 = vector.extract_strided_slice %add3A_207 {offsets = [0, 128], sizes = [1, 64], strides = [1, 1]} : vector<1x256xf32> to vector<1x64xf32>
      %tanh3A_251 = math.tanh %slice3A_250 : vector<1x64xf32>
      %slice3A_252 = vector.extract_strided_slice %add3A_207 {offsets = [0, 192], sizes = [1, 64], strides = [1, 1]} : vector<1x256xf32> to vector<1x64xf32>
      %logistic3A_253 = arith.negf %slice3A_252 : vector<1x64xf32>
      %logistic3A_254 = math.exp %logistic3A_253 : vector<1x64xf32>
      %logistic3A_255 = arith.constant 1.000000e+00 : f32
      %logistic3A_256 = vector.broadcast %logistic3A_255 : f32 to vector<1x64xf32>
      %logistic3A_257 = arith.addf %logistic3A_256, %logistic3A_254 : vector<1x64xf32>
      %logistic3A_258 = arith.divf %logistic3A_256, %logistic3A_257 : vector<1x64xf32>
      %mul3A_259 = arith.mulf %logistic3A_249, %add3A_175 : vector<1x64xf32>
      %mul3A_260 = arith.mulf %logistic3A_242, %tanh3A_251 : vector<1x64xf32>
      %add3A_261 = arith.addf %mul3A_259, %mul3A_260 : vector<1x64xf32>
      %tanh3A_262 = math.tanh %add3A_261 : vector<1x64xf32>
      %mul3A_263 = arith.mulf %logistic3A_258, %tanh3A_262 : vector<1x64xf32>
      %add3A_264 = arith.addf %add3A_178, %mul3A_235 : vector<1x64xf32>
      %add3A_265 = arith.addf %add3A_179, %mul3A_263 : vector<1x64xf32>
      %slice3A_266 = vector.extract_strided_slice %get3A_94 {offsets = [2, 0], sizes = [1, 256], strides = [1, 1]} : vector<8x256xf32> to vector<1x256xf32>
      %convert_element_type3A_267 = arith.truncf %mul3A_235 : vector<1x64xf32> to vector<1x64xbf16>
      %convert_element_type3A_268 = arith.extf %convert_element_type3A_267 : vector<1x64xbf16> to vector<1x64xf32>
      %sub3A_269 = arith.subf %mul3A_235, %convert_element_type3A_268 : vector<1x64xf32>
      %convert_element_type3A_270 = arith.truncf %sub3A_269 : vector<1x64xf32> to vector<1x64xbf16>
      %dot_general3A_271 = arith.constant dense<0.000000e+00> : vector<1x256xf32>
      %dot_general3A_272 = tpu.matmul %convert_element_type3A_267, %get3A_1, %dot_general3A_271 {dimension_numbers = #tpu.dot_dimension_numbers<[1], [0], [0], [1], [0, 0, 1, 1], [], []>, transpose_lhs_hint = false} : vector<1x64xbf16>, vector<64x256xbf16>, vector<1x256xf32> -> vector<1x256xf32>
      %dot_general3A_273 = arith.constant dense<0.000000e+00> : vector<1x256xf32>
      %dot_general3A_274 = tpu.matmul %convert_element_type3A_267, %get3A_4, %dot_general3A_273 {dimension_numbers = #tpu.dot_dimension_numbers<[1], [0], [0], [1], [0, 0, 1, 1], [], []>, transpose_lhs_hint = false} : vector<1x64xbf16>, vector<64x256xbf16>, vector<1x256xf32> -> vector<1x256xf32>
      %dot_general3A_275 = arith.constant dense<0.000000e+00> : vector<1x256xf32>
      %dot_general3A_276 = tpu.matmul %convert_element_type3A_270, %get3A_1, %dot_general3A_275 {dimension_numbers = #tpu.dot_dimension_numbers<[1], [0], [0], [1], [0, 0, 1, 1], [], []>, transpose_lhs_hint = false} : vector<1x64xbf16>, vector<64x256xbf16>, vector<1x256xf32> -> vector<1x256xf32>
      %add3A_277 = arith.addf %dot_general3A_274, %dot_general3A_276 : vector<1x256xf32>
      %add3A_278 = arith.addf %dot_general3A_272, %add3A_277 : vector<1x256xf32>
      %add3A_279 = arith.addf %slice3A_266, %add3A_278 : vector<1x256xf32>
      %slice3A_280 = vector.extract_strided_slice %get3A_97 {offsets = [5, 0], sizes = [1, 256], strides = [1, 1]} : vector<8x256xf32> to vector<1x256xf32>
      %convert_element_type3A_281 = arith.truncf %mul3A_263 : vector<1x64xf32> to vector<1x64xbf16>
      %convert_element_type3A_282 = arith.extf %convert_element_type3A_281 : vector<1x64xbf16> to vector<1x64xf32>
      %sub3A_283 = arith.subf %mul3A_263, %convert_element_type3A_282 : vector<1x64xf32>
      %convert_element_type3A_284 = arith.truncf %sub3A_283 : vector<1x64xf32> to vector<1x64xbf16>
      %dot_general3A_285 = arith.constant dense<0.000000e+00> : vector<1x256xf32>
      %dot_general3A_286 = tpu.matmul %convert_element_type3A_281, %get3A_7, %dot_general3A_285 {dimension_numbers = #tpu.dot_dimension_numbers<[1], [0], [0], [1], [0, 0, 1, 1], [], []>, transpose_lhs_hint = false} : vector<1x64xbf16>, vector<64x256xbf16>, vector<1x256xf32> -> vector<1x256xf32>
      %dot_general3A_287 = arith.constant dense<0.000000e+00> : vector<1x256xf32>
      %dot_general3A_288 = tpu.matmul %convert_element_type3A_281, %get3A_10, %dot_general3A_287 {dimension_numbers = #tpu.dot_dimension_numbers<[1], [0], [0], [1], [0, 0, 1, 1], [], []>, transpose_lhs_hint = false} : vector<1x64xbf16>, vector<64x256xbf16>, vector<1x256xf32> -> vector<1x256xf32>
      %dot_general3A_289 = arith.constant dense<0.000000e+00> : vector<1x256xf32>
      %dot_general3A_290 = tpu.matmul %convert_element_type3A_284, %get3A_7, %dot_general3A_289 {dimension_numbers = #tpu.dot_dimension_numbers<[1], [0], [0], [1], [0, 0, 1, 1], [], []>, transpose_lhs_hint = false} : vector<1x64xbf16>, vector<64x256xbf16>, vector<1x256xf32> -> vector<1x256xf32>
      %add3A_291 = arith.addf %dot_general3A_288, %dot_general3A_290 : vector<1x256xf32>
      %add3A_292 = arith.addf %dot_general3A_286, %add3A_291 : vector<1x256xf32>
      %add3A_293 = arith.addf %slice3A_280, %add3A_292 : vector<1x256xf32>
      %slice3A_294 = vector.extract_strided_slice %add3A_279 {offsets = [0, 0], sizes = [1, 64], strides = [1, 1]} : vector<1x256xf32> to vector<1x64xf32>
      %logistic3A_295 = arith.negf %slice3A_294 : vector<1x64xf32>
      %logistic3A_296 = math.exp %logistic3A_295 : vector<1x64xf32>
      %logistic3A_297 = arith.constant 1.000000e+00 : f32
      %logistic3A_298 = vector.broadcast %logistic3A_297 : f32 to vector<1x64xf32>
      %logistic3A_299 = arith.addf %logistic3A_298, %logistic3A_296 : vector<1x64xf32>
      %logistic3A_300 = arith.divf %logistic3A_298, %logistic3A_299 : vector<1x64xf32>
      %slice3A_301 = vector.extract_strided_slice %add3A_279 {offsets = [0, 64], sizes = [1, 64], strides = [1, 1]} : vector<1x256xf32> to vector<1x64xf32>
      %logistic3A_302 = arith.negf %slice3A_301 : vector<1x64xf32>
      %logistic3A_303 = math.exp %logistic3A_302 : vector<1x64xf32>
      %logistic3A_304 = arith.constant 1.000000e+00 : f32
      %logistic3A_305 = vector.broadcast %logistic3A_304 : f32 to vector<1x64xf32>
      %logistic3A_306 = arith.addf %logistic3A_305, %logistic3A_303 : vector<1x64xf32>
      %logistic3A_307 = arith.divf %logistic3A_305, %logistic3A_306 : vector<1x64xf32>
      %slice3A_308 = vector.extract_strided_slice %add3A_279 {offsets = [0, 128], sizes = [1, 64], strides = [1, 1]} : vector<1x256xf32> to vector<1x64xf32>
      %tanh3A_309 = math.tanh %slice3A_308 : vector<1x64xf32>
      %slice3A_310 = vector.extract_strided_slice %add3A_279 {offsets = [0, 192], sizes = [1, 64], strides = [1, 1]} : vector<1x256xf32> to vector<1x64xf32>
      %logistic3A_311 = arith.negf %slice3A_310 : vector<1x64xf32>
      %logistic3A_312 = math.exp %logistic3A_311 : vector<1x64xf32>
      %logistic3A_313 = arith.constant 1.000000e+00 : f32
      %logistic3A_314 = vector.broadcast %logistic3A_313 : f32 to vector<1x64xf32>
      %logistic3A_315 = arith.addf %logistic3A_314, %logistic3A_312 : vector<1x64xf32>
      %logistic3A_316 = arith.divf %logistic3A_314, %logistic3A_315 : vector<1x64xf32>
      %mul3A_317 = arith.mulf %logistic3A_307, %add3A_233 : vector<1x64xf32>
      %mul3A_318 = arith.mulf %logistic3A_300, %tanh3A_309 : vector<1x64xf32>
      %add3A_319 = arith.addf %mul3A_317, %mul3A_318 : vector<1x64xf32>
      %tanh3A_320 = math.tanh %add3A_319 : vector<1x64xf32>
      %mul3A_321 = arith.mulf %logistic3A_316, %tanh3A_320 : vector<1x64xf32>
      %slice3A_322 = vector.extract_strided_slice %add3A_293 {offsets = [0, 0], sizes = [1, 64], strides = [1, 1]} : vector<1x256xf32> to vector<1x64xf32>
      %logistic3A_323 = arith.negf %slice3A_322 : vector<1x64xf32>
      %logistic3A_324 = math.exp %logistic3A_323 : vector<1x64xf32>
      %logistic3A_325 = arith.constant 1.000000e+00 : f32
      %logistic3A_326 = vector.broadcast %logistic3A_325 : f32 to vector<1x64xf32>
      %logistic3A_327 = arith.addf %logistic3A_326, %logistic3A_324 : vector<1x64xf32>
      %logistic3A_328 = arith.divf %logistic3A_326, %logistic3A_327 : vector<1x64xf32>
      %slice3A_329 = vector.extract_strided_slice %add3A_293 {offsets = [0, 64], sizes = [1, 64], strides = [1, 1]} : vector<1x256xf32> to vector<1x64xf32>
      %logistic3A_330 = arith.negf %slice3A_329 : vector<1x64xf32>
      %logistic3A_331 = math.exp %logistic3A_330 : vector<1x64xf32>
      %logistic3A_332 = arith.constant 1.000000e+00 : f32
      %logistic3A_333 = vector.broadcast %logistic3A_332 : f32 to vector<1x64xf32>
      %logistic3A_334 = arith.addf %logistic3A_333, %logistic3A_331 : vector<1x64xf32>
      %logistic3A_335 = arith.divf %logistic3A_333, %logistic3A_334 : vector<1x64xf32>
      %slice3A_336 = vector.extract_strided_slice %add3A_293 {offsets = [0, 128], sizes = [1, 64], strides = [1, 1]} : vector<1x256xf32> to vector<1x64xf32>
      %tanh3A_337 = math.tanh %slice3A_336 : vector<1x64xf32>
      %slice3A_338 = vector.extract_strided_slice %add3A_293 {offsets = [0, 192], sizes = [1, 64], strides = [1, 1]} : vector<1x256xf32> to vector<1x64xf32>
      %logistic3A_339 = arith.negf %slice3A_338 : vector<1x64xf32>
      %logistic3A_340 = math.exp %logistic3A_339 : vector<1x64xf32>
      %logistic3A_341 = arith.constant 1.000000e+00 : f32
      %logistic3A_342 = vector.broadcast %logistic3A_341 : f32 to vector<1x64xf32>
      %logistic3A_343 = arith.addf %logistic3A_342, %logistic3A_340 : vector<1x64xf32>
      %logistic3A_344 = arith.divf %logistic3A_342, %logistic3A_343 : vector<1x64xf32>
      %mul3A_345 = arith.mulf %logistic3A_335, %add3A_261 : vector<1x64xf32>
      %mul3A_346 = arith.mulf %logistic3A_328, %tanh3A_337 : vector<1x64xf32>
      %add3A_347 = arith.addf %mul3A_345, %mul3A_346 : vector<1x64xf32>
      %tanh3A_348 = math.tanh %add3A_347 : vector<1x64xf32>
      %mul3A_349 = arith.mulf %logistic3A_344, %tanh3A_348 : vector<1x64xf32>
      %add3A_350 = arith.addf %add3A_264, %mul3A_321 : vector<1x64xf32>
      %add3A_351 = arith.addf %add3A_265, %mul3A_349 : vector<1x64xf32>
      %slice3A_352 = vector.extract_strided_slice %get3A_94 {offsets = [3, 0], sizes = [1, 256], strides = [1, 1]} : vector<8x256xf32> to vector<1x256xf32>
      %convert_element_type3A_353 = arith.truncf %mul3A_321 : vector<1x64xf32> to vector<1x64xbf16>
      %convert_element_type3A_354 = arith.extf %convert_element_type3A_353 : vector<1x64xbf16> to vector<1x64xf32>
      %sub3A_355 = arith.subf %mul3A_321, %convert_element_type3A_354 : vector<1x64xf32>
      %convert_element_type3A_356 = arith.truncf %sub3A_355 : vector<1x64xf32> to vector<1x64xbf16>
      %dot_general3A_357 = arith.constant dense<0.000000e+00> : vector<1x256xf32>
      %dot_general3A_358 = tpu.matmul %convert_element_type3A_353, %get3A_1, %dot_general3A_357 {dimension_numbers = #tpu.dot_dimension_numbers<[1], [0], [0], [1], [0, 0, 1, 1], [], []>, transpose_lhs_hint = false} : vector<1x64xbf16>, vector<64x256xbf16>, vector<1x256xf32> -> vector<1x256xf32>
      %dot_general3A_359 = arith.constant dense<0.000000e+00> : vector<1x256xf32>
      %dot_general3A_360 = tpu.matmul %convert_element_type3A_353, %get3A_4, %dot_general3A_359 {dimension_numbers = #tpu.dot_dimension_numbers<[1], [0], [0], [1], [0, 0, 1, 1], [], []>, transpose_lhs_hint = false} : vector<1x64xbf16>, vector<64x256xbf16>, vector<1x256xf32> -> vector<1x256xf32>
      %dot_general3A_361 = arith.constant dense<0.000000e+00> : vector<1x256xf32>
      %dot_general3A_362 = tpu.matmul %convert_element_type3A_356, %get3A_1, %dot_general3A_361 {dimension_numbers = #tpu.dot_dimension_numbers<[1], [0], [0], [1], [0, 0, 1, 1], [], []>, transpose_lhs_hint = false} : vector<1x64xbf16>, vector<64x256xbf16>, vector<1x256xf32> -> vector<1x256xf32>
      %add3A_363 = arith.addf %dot_general3A_360, %dot_general3A_362 : vector<1x256xf32>
      %add3A_364 = arith.addf %dot_general3A_358, %add3A_363 : vector<1x256xf32>
      %add3A_365 = arith.addf %slice3A_352, %add3A_364 : vector<1x256xf32>
      %slice3A_366 = vector.extract_strided_slice %get3A_97 {offsets = [4, 0], sizes = [1, 256], strides = [1, 1]} : vector<8x256xf32> to vector<1x256xf32>
      %convert_element_type3A_367 = arith.truncf %mul3A_349 : vector<1x64xf32> to vector<1x64xbf16>
      %convert_element_type3A_368 = arith.extf %convert_element_type3A_367 : vector<1x64xbf16> to vector<1x64xf32>
      %sub3A_369 = arith.subf %mul3A_349, %convert_element_type3A_368 : vector<1x64xf32>
      %convert_element_type3A_370 = arith.truncf %sub3A_369 : vector<1x64xf32> to vector<1x64xbf16>
      %dot_general3A_371 = arith.constant dense<0.000000e+00> : vector<1x256xf32>
      %dot_general3A_372 = tpu.matmul %convert_element_type3A_367, %get3A_7, %dot_general3A_371 {dimension_numbers = #tpu.dot_dimension_numbers<[1], [0], [0], [1], [0, 0, 1, 1], [], []>, transpose_lhs_hint = false} : vector<1x64xbf16>, vector<64x256xbf16>, vector<1x256xf32> -> vector<1x256xf32>
      %dot_general3A_373 = arith.constant dense<0.000000e+00> : vector<1x256xf32>
      %dot_general3A_374 = tpu.matmul %convert_element_type3A_367, %get3A_10, %dot_general3A_373 {dimension_numbers = #tpu.dot_dimension_numbers<[1], [0], [0], [1], [0, 0, 1, 1], [], []>, transpose_lhs_hint = false} : vector<1x64xbf16>, vector<64x256xbf16>, vector<1x256xf32> -> vector<1x256xf32>
      %dot_general3A_375 = arith.constant dense<0.000000e+00> : vector<1x256xf32>
      %dot_general3A_376 = tpu.matmul %convert_element_type3A_370, %get3A_7, %dot_general3A_375 {dimension_numbers = #tpu.dot_dimension_numbers<[1], [0], [0], [1], [0, 0, 1, 1], [], []>, transpose_lhs_hint = false} : vector<1x64xbf16>, vector<64x256xbf16>, vector<1x256xf32> -> vector<1x256xf32>
      %add3A_377 = arith.addf %dot_general3A_374, %dot_general3A_376 : vector<1x256xf32>
      %add3A_378 = arith.addf %dot_general3A_372, %add3A_377 : vector<1x256xf32>
      %add3A_379 = arith.addf %slice3A_366, %add3A_378 : vector<1x256xf32>
      %slice3A_380 = vector.extract_strided_slice %add3A_365 {offsets = [0, 0], sizes = [1, 64], strides = [1, 1]} : vector<1x256xf32> to vector<1x64xf32>
      %logistic3A_381 = arith.negf %slice3A_380 : vector<1x64xf32>
      %logistic3A_382 = math.exp %logistic3A_381 : vector<1x64xf32>
      %logistic3A_383 = arith.constant 1.000000e+00 : f32
      %logistic3A_384 = vector.broadcast %logistic3A_383 : f32 to vector<1x64xf32>
      %logistic3A_385 = arith.addf %logistic3A_384, %logistic3A_382 : vector<1x64xf32>
      %logistic3A_386 = arith.divf %logistic3A_384, %logistic3A_385 : vector<1x64xf32>
      %slice3A_387 = vector.extract_strided_slice %add3A_365 {offsets = [0, 64], sizes = [1, 64], strides = [1, 1]} : vector<1x256xf32> to vector<1x64xf32>
      %logistic3A_388 = arith.negf %slice3A_387 : vector<1x64xf32>
      %logistic3A_389 = math.exp %logistic3A_388 : vector<1x64xf32>
      %logistic3A_390 = arith.constant 1.000000e+00 : f32
      %logistic3A_391 = vector.broadcast %logistic3A_390 : f32 to vector<1x64xf32>
      %logistic3A_392 = arith.addf %logistic3A_391, %logistic3A_389 : vector<1x64xf32>
      %logistic3A_393 = arith.divf %logistic3A_391, %logistic3A_392 : vector<1x64xf32>
      %slice3A_394 = vector.extract_strided_slice %add3A_365 {offsets = [0, 128], sizes = [1, 64], strides = [1, 1]} : vector<1x256xf32> to vector<1x64xf32>
      %tanh3A_395 = math.tanh %slice3A_394 : vector<1x64xf32>
      %slice3A_396 = vector.extract_strided_slice %add3A_365 {offsets = [0, 192], sizes = [1, 64], strides = [1, 1]} : vector<1x256xf32> to vector<1x64xf32>
      %logistic3A_397 = arith.negf %slice3A_396 : vector<1x64xf32>
      %logistic3A_398 = math.exp %logistic3A_397 : vector<1x64xf32>
      %logistic3A_399 = arith.constant 1.000000e+00 : f32
      %logistic3A_400 = vector.broadcast %logistic3A_399 : f32 to vector<1x64xf32>
      %logistic3A_401 = arith.addf %logistic3A_400, %logistic3A_398 : vector<1x64xf32>
      %logistic3A_402 = arith.divf %logistic3A_400, %logistic3A_401 : vector<1x64xf32>
      %mul3A_403 = arith.mulf %logistic3A_393, %add3A_319 : vector<1x64xf32>
      %mul3A_404 = arith.mulf %logistic3A_386, %tanh3A_395 : vector<1x64xf32>
      %add3A_405 = arith.addf %mul3A_403, %mul3A_404 : vector<1x64xf32>
      %tanh3A_406 = math.tanh %add3A_405 : vector<1x64xf32>
      %mul3A_407 = arith.mulf %logistic3A_402, %tanh3A_406 : vector<1x64xf32>
      %slice3A_408 = vector.extract_strided_slice %add3A_379 {offsets = [0, 0], sizes = [1, 64], strides = [1, 1]} : vector<1x256xf32> to vector<1x64xf32>
      %logistic3A_409 = arith.negf %slice3A_408 : vector<1x64xf32>
      %logistic3A_410 = math.exp %logistic3A_409 : vector<1x64xf32>
      %logistic3A_411 = arith.constant 1.000000e+00 : f32
      %logistic3A_412 = vector.broadcast %logistic3A_411 : f32 to vector<1x64xf32>
      %logistic3A_413 = arith.addf %logistic3A_412, %logistic3A_410 : vector<1x64xf32>
      %logistic3A_414 = arith.divf %logistic3A_412, %logistic3A_413 : vector<1x64xf32>
      %slice3A_415 = vector.extract_strided_slice %add3A_379 {offsets = [0, 64], sizes = [1, 64], strides = [1, 1]} : vector<1x256xf32> to vector<1x64xf32>
      %logistic3A_416 = arith.negf %slice3A_415 : vector<1x64xf32>
      %logistic3A_417 = math.exp %logistic3A_416 : vector<1x64xf32>
      %logistic3A_418 = arith.constant 1.000000e+00 : f32
      %logistic3A_419 = vector.broadcast %logistic3A_418 : f32 to vector<1x64xf32>
      %logistic3A_420 = arith.addf %logistic3A_419, %logistic3A_417 : vector<1x64xf32>
      %logistic3A_421 = arith.divf %logistic3A_419, %logistic3A_420 : vector<1x64xf32>
      %slice3A_422 = vector.extract_strided_slice %add3A_379 {offsets = [0, 128], sizes = [1, 64], strides = [1, 1]} : vector<1x256xf32> to vector<1x64xf32>
      %tanh3A_423 = math.tanh %slice3A_422 : vector<1x64xf32>
      %slice3A_424 = vector.extract_strided_slice %add3A_379 {offsets = [0, 192], sizes = [1, 64], strides = [1, 1]} : vector<1x256xf32> to vector<1x64xf32>
      %logistic3A_425 = arith.negf %slice3A_424 : vector<1x64xf32>
      %logistic3A_426 = math.exp %logistic3A_425 : vector<1x64xf32>
      %logistic3A_427 = arith.constant 1.000000e+00 : f32
      %logistic3A_428 = vector.broadcast %logistic3A_427 : f32 to vector<1x64xf32>
      %logistic3A_429 = arith.addf %logistic3A_428, %logistic3A_426 : vector<1x64xf32>
      %logistic3A_430 = arith.divf %logistic3A_428, %logistic3A_429 : vector<1x64xf32>
      %mul3A_431 = arith.mulf %logistic3A_421, %add3A_347 : vector<1x64xf32>
      %mul3A_432 = arith.mulf %logistic3A_414, %tanh3A_423 : vector<1x64xf32>
      %add3A_433 = arith.addf %mul3A_431, %mul3A_432 : vector<1x64xf32>
      %tanh3A_434 = math.tanh %add3A_433 : vector<1x64xf32>
      %mul3A_435 = arith.mulf %logistic3A_430, %tanh3A_434 : vector<1x64xf32>
      %add3A_436 = arith.addf %add3A_350, %mul3A_407 : vector<1x64xf32>
      %add3A_437 = arith.addf %add3A_351, %mul3A_435 : vector<1x64xf32>
      %slice3A_438 = vector.extract_strided_slice %get3A_94 {offsets = [4, 0], sizes = [1, 256], strides = [1, 1]} : vector<8x256xf32> to vector<1x256xf32>
      %convert_element_type3A_439 = arith.truncf %mul3A_407 : vector<1x64xf32> to vector<1x64xbf16>
      %convert_element_type3A_440 = arith.extf %convert_element_type3A_439 : vector<1x64xbf16> to vector<1x64xf32>
      %sub3A_441 = arith.subf %mul3A_407, %convert_element_type3A_440 : vector<1x64xf32>
      %convert_element_type3A_442 = arith.truncf %sub3A_441 : vector<1x64xf32> to vector<1x64xbf16>
      %dot_general3A_443 = arith.constant dense<0.000000e+00> : vector<1x256xf32>
      %dot_general3A_444 = tpu.matmul %convert_element_type3A_439, %get3A_1, %dot_general3A_443 {dimension_numbers = #tpu.dot_dimension_numbers<[1], [0], [0], [1], [0, 0, 1, 1], [], []>, transpose_lhs_hint = false} : vector<1x64xbf16>, vector<64x256xbf16>, vector<1x256xf32> -> vector<1x256xf32>
      %dot_general3A_445 = arith.constant dense<0.000000e+00> : vector<1x256xf32>
      %dot_general3A_446 = tpu.matmul %convert_element_type3A_439, %get3A_4, %dot_general3A_445 {dimension_numbers = #tpu.dot_dimension_numbers<[1], [0], [0], [1], [0, 0, 1, 1], [], []>, transpose_lhs_hint = false} : vector<1x64xbf16>, vector<64x256xbf16>, vector<1x256xf32> -> vector<1x256xf32>
      %dot_general3A_447 = arith.constant dense<0.000000e+00> : vector<1x256xf32>
      %dot_general3A_448 = tpu.matmul %convert_element_type3A_442, %get3A_1, %dot_general3A_447 {dimension_numbers = #tpu.dot_dimension_numbers<[1], [0], [0], [1], [0, 0, 1, 1], [], []>, transpose_lhs_hint = false} : vector<1x64xbf16>, vector<64x256xbf16>, vector<1x256xf32> -> vector<1x256xf32>
      %add3A_449 = arith.addf %dot_general3A_446, %dot_general3A_448 : vector<1x256xf32>
      %add3A_450 = arith.addf %dot_general3A_444, %add3A_449 : vector<1x256xf32>
      %add3A_451 = arith.addf %slice3A_438, %add3A_450 : vector<1x256xf32>
      %slice3A_452 = vector.extract_strided_slice %get3A_97 {offsets = [3, 0], sizes = [1, 256], strides = [1, 1]} : vector<8x256xf32> to vector<1x256xf32>
      %convert_element_type3A_453 = arith.truncf %mul3A_435 : vector<1x64xf32> to vector<1x64xbf16>
      %convert_element_type3A_454 = arith.extf %convert_element_type3A_453 : vector<1x64xbf16> to vector<1x64xf32>
      %sub3A_455 = arith.subf %mul3A_435, %convert_element_type3A_454 : vector<1x64xf32>
      %convert_element_type3A_456 = arith.truncf %sub3A_455 : vector<1x64xf32> to vector<1x64xbf16>
      %dot_general3A_457 = arith.constant dense<0.000000e+00> : vector<1x256xf32>
      %dot_general3A_458 = tpu.matmul %convert_element_type3A_453, %get3A_7, %dot_general3A_457 {dimension_numbers = #tpu.dot_dimension_numbers<[1], [0], [0], [1], [0, 0, 1, 1], [], []>, transpose_lhs_hint = false} : vector<1x64xbf16>, vector<64x256xbf16>, vector<1x256xf32> -> vector<1x256xf32>
      %dot_general3A_459 = arith.constant dense<0.000000e+00> : vector<1x256xf32>
      %dot_general3A_460 = tpu.matmul %convert_element_type3A_453, %get3A_10, %dot_general3A_459 {dimension_numbers = #tpu.dot_dimension_numbers<[1], [0], [0], [1], [0, 0, 1, 1], [], []>, transpose_lhs_hint = false} : vector<1x64xbf16>, vector<64x256xbf16>, vector<1x256xf32> -> vector<1x256xf32>
      %dot_general3A_461 = arith.constant dense<0.000000e+00> : vector<1x256xf32>
      %dot_general3A_462 = tpu.matmul %convert_element_type3A_456, %get3A_7, %dot_general3A_461 {dimension_numbers = #tpu.dot_dimension_numbers<[1], [0], [0], [1], [0, 0, 1, 1], [], []>, transpose_lhs_hint = false} : vector<1x64xbf16>, vector<64x256xbf16>, vector<1x256xf32> -> vector<1x256xf32>
      %add3A_463 = arith.addf %dot_general3A_460, %dot_general3A_462 : vector<1x256xf32>
      %add3A_464 = arith.addf %dot_general3A_458, %add3A_463 : vector<1x256xf32>
      %add3A_465 = arith.addf %slice3A_452, %add3A_464 : vector<1x256xf32>
      %slice3A_466 = vector.extract_strided_slice %add3A_451 {offsets = [0, 0], sizes = [1, 64], strides = [1, 1]} : vector<1x256xf32> to vector<1x64xf32>
      %logistic3A_467 = arith.negf %slice3A_466 : vector<1x64xf32>
      %logistic3A_468 = math.exp %logistic3A_467 : vector<1x64xf32>
      %logistic3A_469 = arith.constant 1.000000e+00 : f32
      %logistic3A_470 = vector.broadcast %logistic3A_469 : f32 to vector<1x64xf32>
      %logistic3A_471 = arith.addf %logistic3A_470, %logistic3A_468 : vector<1x64xf32>
      %logistic3A_472 = arith.divf %logistic3A_470, %logistic3A_471 : vector<1x64xf32>
      %slice3A_473 = vector.extract_strided_slice %add3A_451 {offsets = [0, 64], sizes = [1, 64], strides = [1, 1]} : vector<1x256xf32> to vector<1x64xf32>
      %logistic3A_474 = arith.negf %slice3A_473 : vector<1x64xf32>
      %logistic3A_475 = math.exp %logistic3A_474 : vector<1x64xf32>
      %logistic3A_476 = arith.constant 1.000000e+00 : f32
      %logistic3A_477 = vector.broadcast %logistic3A_476 : f32 to vector<1x64xf32>
      %logistic3A_478 = arith.addf %logistic3A_477, %logistic3A_475 : vector<1x64xf32>
      %logistic3A_479 = arith.divf %logistic3A_477, %logistic3A_478 : vector<1x64xf32>
      %slice3A_480 = vector.extract_strided_slice %add3A_451 {offsets = [0, 128], sizes = [1, 64], strides = [1, 1]} : vector<1x256xf32> to vector<1x64xf32>
      %tanh3A_481 = math.tanh %slice3A_480 : vector<1x64xf32>
      %slice3A_482 = vector.extract_strided_slice %add3A_451 {offsets = [0, 192], sizes = [1, 64], strides = [1, 1]} : vector<1x256xf32> to vector<1x64xf32>
      %logistic3A_483 = arith.negf %slice3A_482 : vector<1x64xf32>
      %logistic3A_484 = math.exp %logistic3A_483 : vector<1x64xf32>
      %logistic3A_485 = arith.constant 1.000000e+00 : f32
      %logistic3A_486 = vector.broadcast %logistic3A_485 : f32 to vector<1x64xf32>
      %logistic3A_487 = arith.addf %logistic3A_486, %logistic3A_484 : vector<1x64xf32>
      %logistic3A_488 = arith.divf %logistic3A_486, %logistic3A_487 : vector<1x64xf32>
      %mul3A_489 = arith.mulf %logistic3A_479, %add3A_405 : vector<1x64xf32>
      %mul3A_490 = arith.mulf %logistic3A_472, %tanh3A_481 : vector<1x64xf32>
      %add3A_491 = arith.addf %mul3A_489, %mul3A_490 : vector<1x64xf32>
      %tanh3A_492 = math.tanh %add3A_491 : vector<1x64xf32>
      %mul3A_493 = arith.mulf %logistic3A_488, %tanh3A_492 : vector<1x64xf32>
      %slice3A_494 = vector.extract_strided_slice %add3A_465 {offsets = [0, 0], sizes = [1, 64], strides = [1, 1]} : vector<1x256xf32> to vector<1x64xf32>
      %logistic3A_495 = arith.negf %slice3A_494 : vector<1x64xf32>
      %logistic3A_496 = math.exp %logistic3A_495 : vector<1x64xf32>
      %logistic3A_497 = arith.constant 1.000000e+00 : f32
      %logistic3A_498 = vector.broadcast %logistic3A_497 : f32 to vector<1x64xf32>
      %logistic3A_499 = arith.addf %logistic3A_498, %logistic3A_496 : vector<1x64xf32>
      %logistic3A_500 = arith.divf %logistic3A_498, %logistic3A_499 : vector<1x64xf32>
      %slice3A_501 = vector.extract_strided_slice %add3A_465 {offsets = [0, 64], sizes = [1, 64], strides = [1, 1]} : vector<1x256xf32> to vector<1x64xf32>
      %logistic3A_502 = arith.negf %slice3A_501 : vector<1x64xf32>
      %logistic3A_503 = math.exp %logistic3A_502 : vector<1x64xf32>
      %logistic3A_504 = arith.constant 1.000000e+00 : f32
      %logistic3A_505 = vector.broadcast %logistic3A_504 : f32 to vector<1x64xf32>
      %logistic3A_506 = arith.addf %logistic3A_505, %logistic3A_503 : vector<1x64xf32>
      %logistic3A_507 = arith.divf %logistic3A_505, %logistic3A_506 : vector<1x64xf32>
      %slice3A_508 = vector.extract_strided_slice %add3A_465 {offsets = [0, 128], sizes = [1, 64], strides = [1, 1]} : vector<1x256xf32> to vector<1x64xf32>
      %tanh3A_509 = math.tanh %slice3A_508 : vector<1x64xf32>
      %slice3A_510 = vector.extract_strided_slice %add3A_465 {offsets = [0, 192], sizes = [1, 64], strides = [1, 1]} : vector<1x256xf32> to vector<1x64xf32>
      %logistic3A_511 = arith.negf %slice3A_510 : vector<1x64xf32>
      %logistic3A_512 = math.exp %logistic3A_511 : vector<1x64xf32>
      %logistic3A_513 = arith.constant 1.000000e+00 : f32
      %logistic3A_514 = vector.broadcast %logistic3A_513 : f32 to vector<1x64xf32>
      %logistic3A_515 = arith.addf %logistic3A_514, %logistic3A_512 : vector<1x64xf32>
      %logistic3A_516 = arith.divf %logistic3A_514, %logistic3A_515 : vector<1x64xf32>
      %mul3A_517 = arith.mulf %logistic3A_507, %add3A_433 : vector<1x64xf32>
      %mul3A_518 = arith.mulf %logistic3A_500, %tanh3A_509 : vector<1x64xf32>
      %add3A_519 = arith.addf %mul3A_517, %mul3A_518 : vector<1x64xf32>
      %tanh3A_520 = math.tanh %add3A_519 : vector<1x64xf32>
      %mul3A_521 = arith.mulf %logistic3A_516, %tanh3A_520 : vector<1x64xf32>
      %add3A_522 = arith.addf %add3A_436, %mul3A_493 : vector<1x64xf32>
      %add3A_523 = arith.addf %add3A_437, %mul3A_521 : vector<1x64xf32>
      %slice3A_524 = vector.extract_strided_slice %get3A_94 {offsets = [5, 0], sizes = [1, 256], strides = [1, 1]} : vector<8x256xf32> to vector<1x256xf32>
      %convert_element_type3A_525 = arith.truncf %mul3A_493 : vector<1x64xf32> to vector<1x64xbf16>
      %convert_element_type3A_526 = arith.extf %convert_element_type3A_525 : vector<1x64xbf16> to vector<1x64xf32>
      %sub3A_527 = arith.subf %mul3A_493, %convert_element_type3A_526 : vector<1x64xf32>
      %convert_element_type3A_528 = arith.truncf %sub3A_527 : vector<1x64xf32> to vector<1x64xbf16>
      %dot_general3A_529 = arith.constant dense<0.000000e+00> : vector<1x256xf32>
      %dot_general3A_530 = tpu.matmul %convert_element_type3A_525, %get3A_1, %dot_general3A_529 {dimension_numbers = #tpu.dot_dimension_numbers<[1], [0], [0], [1], [0, 0, 1, 1], [], []>, transpose_lhs_hint = false} : vector<1x64xbf16>, vector<64x256xbf16>, vector<1x256xf32> -> vector<1x256xf32>
      %dot_general3A_531 = arith.constant dense<0.000000e+00> : vector<1x256xf32>
      %dot_general3A_532 = tpu.matmul %convert_element_type3A_525, %get3A_4, %dot_general3A_531 {dimension_numbers = #tpu.dot_dimension_numbers<[1], [0], [0], [1], [0, 0, 1, 1], [], []>, transpose_lhs_hint = false} : vector<1x64xbf16>, vector<64x256xbf16>, vector<1x256xf32> -> vector<1x256xf32>
      %dot_general3A_533 = arith.constant dense<0.000000e+00> : vector<1x256xf32>
      %dot_general3A_534 = tpu.matmul %convert_element_type3A_528, %get3A_1, %dot_general3A_533 {dimension_numbers = #tpu.dot_dimension_numbers<[1], [0], [0], [1], [0, 0, 1, 1], [], []>, transpose_lhs_hint = false} : vector<1x64xbf16>, vector<64x256xbf16>, vector<1x256xf32> -> vector<1x256xf32>
      %add3A_535 = arith.addf %dot_general3A_532, %dot_general3A_534 : vector<1x256xf32>
      %add3A_536 = arith.addf %dot_general3A_530, %add3A_535 : vector<1x256xf32>
      %add3A_537 = arith.addf %slice3A_524, %add3A_536 : vector<1x256xf32>
      %slice3A_538 = vector.extract_strided_slice %get3A_97 {offsets = [2, 0], sizes = [1, 256], strides = [1, 1]} : vector<8x256xf32> to vector<1x256xf32>
      %convert_element_type3A_539 = arith.truncf %mul3A_521 : vector<1x64xf32> to vector<1x64xbf16>
      %convert_element_type3A_540 = arith.extf %convert_element_type3A_539 : vector<1x64xbf16> to vector<1x64xf32>
      %sub3A_541 = arith.subf %mul3A_521, %convert_element_type3A_540 : vector<1x64xf32>
      %convert_element_type3A_542 = arith.truncf %sub3A_541 : vector<1x64xf32> to vector<1x64xbf16>
      %dot_general3A_543 = arith.constant dense<0.000000e+00> : vector<1x256xf32>
      %dot_general3A_544 = tpu.matmul %convert_element_type3A_539, %get3A_7, %dot_general3A_543 {dimension_numbers = #tpu.dot_dimension_numbers<[1], [0], [0], [1], [0, 0, 1, 1], [], []>, transpose_lhs_hint = false} : vector<1x64xbf16>, vector<64x256xbf16>, vector<1x256xf32> -> vector<1x256xf32>
      %dot_general3A_545 = arith.constant dense<0.000000e+00> : vector<1x256xf32>
      %dot_general3A_546 = tpu.matmul %convert_element_type3A_539, %get3A_10, %dot_general3A_545 {dimension_numbers = #tpu.dot_dimension_numbers<[1], [0], [0], [1], [0, 0, 1, 1], [], []>, transpose_lhs_hint = false} : vector<1x64xbf16>, vector<64x256xbf16>, vector<1x256xf32> -> vector<1x256xf32>
      %dot_general3A_547 = arith.constant dense<0.000000e+00> : vector<1x256xf32>
      %dot_general3A_548 = tpu.matmul %convert_element_type3A_542, %get3A_7, %dot_general3A_547 {dimension_numbers = #tpu.dot_dimension_numbers<[1], [0], [0], [1], [0, 0, 1, 1], [], []>, transpose_lhs_hint = false} : vector<1x64xbf16>, vector<64x256xbf16>, vector<1x256xf32> -> vector<1x256xf32>
      %add3A_549 = arith.addf %dot_general3A_546, %dot_general3A_548 : vector<1x256xf32>
      %add3A_550 = arith.addf %dot_general3A_544, %add3A_549 : vector<1x256xf32>
      %add3A_551 = arith.addf %slice3A_538, %add3A_550 : vector<1x256xf32>
      %slice3A_552 = vector.extract_strided_slice %add3A_537 {offsets = [0, 0], sizes = [1, 64], strides = [1, 1]} : vector<1x256xf32> to vector<1x64xf32>
      %logistic3A_553 = arith.negf %slice3A_552 : vector<1x64xf32>
      %logistic3A_554 = math.exp %logistic3A_553 : vector<1x64xf32>
      %logistic3A_555 = arith.constant 1.000000e+00 : f32
      %logistic3A_556 = vector.broadcast %logistic3A_555 : f32 to vector<1x64xf32>
      %logistic3A_557 = arith.addf %logistic3A_556, %logistic3A_554 : vector<1x64xf32>
      %logistic3A_558 = arith.divf %logistic3A_556, %logistic3A_557 : vector<1x64xf32>
      %slice3A_559 = vector.extract_strided_slice %add3A_537 {offsets = [0, 64], sizes = [1, 64], strides = [1, 1]} : vector<1x256xf32> to vector<1x64xf32>
      %logistic3A_560 = arith.negf %slice3A_559 : vector<1x64xf32>
      %logistic3A_561 = math.exp %logistic3A_560 : vector<1x64xf32>
      %logistic3A_562 = arith.constant 1.000000e+00 : f32
      %logistic3A_563 = vector.broadcast %logistic3A_562 : f32 to vector<1x64xf32>
      %logistic3A_564 = arith.addf %logistic3A_563, %logistic3A_561 : vector<1x64xf32>
      %logistic3A_565 = arith.divf %logistic3A_563, %logistic3A_564 : vector<1x64xf32>
      %slice3A_566 = vector.extract_strided_slice %add3A_537 {offsets = [0, 128], sizes = [1, 64], strides = [1, 1]} : vector<1x256xf32> to vector<1x64xf32>
      %tanh3A_567 = math.tanh %slice3A_566 : vector<1x64xf32>
      %slice3A_568 = vector.extract_strided_slice %add3A_537 {offsets = [0, 192], sizes = [1, 64], strides = [1, 1]} : vector<1x256xf32> to vector<1x64xf32>
      %logistic3A_569 = arith.negf %slice3A_568 : vector<1x64xf32>
      %logistic3A_570 = math.exp %logistic3A_569 : vector<1x64xf32>
      %logistic3A_571 = arith.constant 1.000000e+00 : f32
      %logistic3A_572 = vector.broadcast %logistic3A_571 : f32 to vector<1x64xf32>
      %logistic3A_573 = arith.addf %logistic3A_572, %logistic3A_570 : vector<1x64xf32>
      %logistic3A_574 = arith.divf %logistic3A_572, %logistic3A_573 : vector<1x64xf32>
      %mul3A_575 = arith.mulf %logistic3A_565, %add3A_491 : vector<1x64xf32>
      %mul3A_576 = arith.mulf %logistic3A_558, %tanh3A_567 : vector<1x64xf32>
      %add3A_577 = arith.addf %mul3A_575, %mul3A_576 : vector<1x64xf32>
      %tanh3A_578 = math.tanh %add3A_577 : vector<1x64xf32>
      %mul3A_579 = arith.mulf %logistic3A_574, %tanh3A_578 : vector<1x64xf32>
      %slice3A_580 = vector.extract_strided_slice %add3A_551 {offsets = [0, 0], sizes = [1, 64], strides = [1, 1]} : vector<1x256xf32> to vector<1x64xf32>
      %logistic3A_581 = arith.negf %slice3A_580 : vector<1x64xf32>
      %logistic3A_582 = math.exp %logistic3A_581 : vector<1x64xf32>
      %logistic3A_583 = arith.constant 1.000000e+00 : f32
      %logistic3A_584 = vector.broadcast %logistic3A_583 : f32 to vector<1x64xf32>
      %logistic3A_585 = arith.addf %logistic3A_584, %logistic3A_582 : vector<1x64xf32>
      %logistic3A_586 = arith.divf %logistic3A_584, %logistic3A_585 : vector<1x64xf32>
      %slice3A_587 = vector.extract_strided_slice %add3A_551 {offsets = [0, 64], sizes = [1, 64], strides = [1, 1]} : vector<1x256xf32> to vector<1x64xf32>
      %logistic3A_588 = arith.negf %slice3A_587 : vector<1x64xf32>
      %logistic3A_589 = math.exp %logistic3A_588 : vector<1x64xf32>
      %logistic3A_590 = arith.constant 1.000000e+00 : f32
      %logistic3A_591 = vector.broadcast %logistic3A_590 : f32 to vector<1x64xf32>
      %logistic3A_592 = arith.addf %logistic3A_591, %logistic3A_589 : vector<1x64xf32>
      %logistic3A_593 = arith.divf %logistic3A_591, %logistic3A_592 : vector<1x64xf32>
      %slice3A_594 = vector.extract_strided_slice %add3A_551 {offsets = [0, 128], sizes = [1, 64], strides = [1, 1]} : vector<1x256xf32> to vector<1x64xf32>
      %tanh3A_595 = math.tanh %slice3A_594 : vector<1x64xf32>
      %slice3A_596 = vector.extract_strided_slice %add3A_551 {offsets = [0, 192], sizes = [1, 64], strides = [1, 1]} : vector<1x256xf32> to vector<1x64xf32>
      %logistic3A_597 = arith.negf %slice3A_596 : vector<1x64xf32>
      %logistic3A_598 = math.exp %logistic3A_597 : vector<1x64xf32>
      %logistic3A_599 = arith.constant 1.000000e+00 : f32
      %logistic3A_600 = vector.broadcast %logistic3A_599 : f32 to vector<1x64xf32>
      %logistic3A_601 = arith.addf %logistic3A_600, %logistic3A_598 : vector<1x64xf32>
      %logistic3A_602 = arith.divf %logistic3A_600, %logistic3A_601 : vector<1x64xf32>
      %mul3A_603 = arith.mulf %logistic3A_593, %add3A_519 : vector<1x64xf32>
      %mul3A_604 = arith.mulf %logistic3A_586, %tanh3A_595 : vector<1x64xf32>
      %add3A_605 = arith.addf %mul3A_603, %mul3A_604 : vector<1x64xf32>
      %tanh3A_606 = math.tanh %add3A_605 : vector<1x64xf32>
      %mul3A_607 = arith.mulf %logistic3A_602, %tanh3A_606 : vector<1x64xf32>
      %add3A_608 = arith.addf %add3A_522, %mul3A_579 : vector<1x64xf32>
      %add3A_609 = arith.addf %add3A_523, %mul3A_607 : vector<1x64xf32>
      %slice3A_610 = vector.extract_strided_slice %get3A_94 {offsets = [6, 0], sizes = [1, 256], strides = [1, 1]} : vector<8x256xf32> to vector<1x256xf32>
      %convert_element_type3A_611 = arith.truncf %mul3A_579 : vector<1x64xf32> to vector<1x64xbf16>
      %convert_element_type3A_612 = arith.extf %convert_element_type3A_611 : vector<1x64xbf16> to vector<1x64xf32>
      %sub3A_613 = arith.subf %mul3A_579, %convert_element_type3A_612 : vector<1x64xf32>
      %convert_element_type3A_614 = arith.truncf %sub3A_613 : vector<1x64xf32> to vector<1x64xbf16>
      %dot_general3A_615 = arith.constant dense<0.000000e+00> : vector<1x256xf32>
      %dot_general3A_616 = tpu.matmul %convert_element_type3A_611, %get3A_1, %dot_general3A_615 {dimension_numbers = #tpu.dot_dimension_numbers<[1], [0], [0], [1], [0, 0, 1, 1], [], []>, transpose_lhs_hint = false} : vector<1x64xbf16>, vector<64x256xbf16>, vector<1x256xf32> -> vector<1x256xf32>
      %dot_general3A_617 = arith.constant dense<0.000000e+00> : vector<1x256xf32>
      %dot_general3A_618 = tpu.matmul %convert_element_type3A_611, %get3A_4, %dot_general3A_617 {dimension_numbers = #tpu.dot_dimension_numbers<[1], [0], [0], [1], [0, 0, 1, 1], [], []>, transpose_lhs_hint = false} : vector<1x64xbf16>, vector<64x256xbf16>, vector<1x256xf32> -> vector<1x256xf32>
      %dot_general3A_619 = arith.constant dense<0.000000e+00> : vector<1x256xf32>
      %dot_general3A_620 = tpu.matmul %convert_element_type3A_614, %get3A_1, %dot_general3A_619 {dimension_numbers = #tpu.dot_dimension_numbers<[1], [0], [0], [1], [0, 0, 1, 1], [], []>, transpose_lhs_hint = false} : vector<1x64xbf16>, vector<64x256xbf16>, vector<1x256xf32> -> vector<1x256xf32>
      %add3A_621 = arith.addf %dot_general3A_618, %dot_general3A_620 : vector<1x256xf32>
      %add3A_622 = arith.addf %dot_general3A_616, %add3A_621 : vector<1x256xf32>
      %add3A_623 = arith.addf %slice3A_610, %add3A_622 : vector<1x256xf32>
      %slice3A_624 = vector.extract_strided_slice %get3A_97 {offsets = [1, 0], sizes = [1, 256], strides = [1, 1]} : vector<8x256xf32> to vector<1x256xf32>
      %convert_element_type3A_625 = arith.truncf %mul3A_607 : vector<1x64xf32> to vector<1x64xbf16>
      %convert_element_type3A_626 = arith.extf %convert_element_type3A_625 : vector<1x64xbf16> to vector<1x64xf32>
      %sub3A_627 = arith.subf %mul3A_607, %convert_element_type3A_626 : vector<1x64xf32>
      %convert_element_type3A_628 = arith.truncf %sub3A_627 : vector<1x64xf32> to vector<1x64xbf16>
      %dot_general3A_629 = arith.constant dense<0.000000e+00> : vector<1x256xf32>
      %dot_general3A_630 = tpu.matmul %convert_element_type3A_625, %get3A_7, %dot_general3A_629 {dimension_numbers = #tpu.dot_dimension_numbers<[1], [0], [0], [1], [0, 0, 1, 1], [], []>, transpose_lhs_hint = false} : vector<1x64xbf16>, vector<64x256xbf16>, vector<1x256xf32> -> vector<1x256xf32>
      %dot_general3A_631 = arith.constant dense<0.000000e+00> : vector<1x256xf32>
      %dot_general3A_632 = tpu.matmul %convert_element_type3A_625, %get3A_10, %dot_general3A_631 {dimension_numbers = #tpu.dot_dimension_numbers<[1], [0], [0], [1], [0, 0, 1, 1], [], []>, transpose_lhs_hint = false} : vector<1x64xbf16>, vector<64x256xbf16>, vector<1x256xf32> -> vector<1x256xf32>
      %dot_general3A_633 = arith.constant dense<0.000000e+00> : vector<1x256xf32>
      %dot_general3A_634 = tpu.matmul %convert_element_type3A_628, %get3A_7, %dot_general3A_633 {dimension_numbers = #tpu.dot_dimension_numbers<[1], [0], [0], [1], [0, 0, 1, 1], [], []>, transpose_lhs_hint = false} : vector<1x64xbf16>, vector<64x256xbf16>, vector<1x256xf32> -> vector<1x256xf32>
      %add3A_635 = arith.addf %dot_general3A_632, %dot_general3A_634 : vector<1x256xf32>
      %add3A_636 = arith.addf %dot_general3A_630, %add3A_635 : vector<1x256xf32>
      %add3A_637 = arith.addf %slice3A_624, %add3A_636 : vector<1x256xf32>
      %slice3A_638 = vector.extract_strided_slice %add3A_623 {offsets = [0, 0], sizes = [1, 64], strides = [1, 1]} : vector<1x256xf32> to vector<1x64xf32>
      %logistic3A_639 = arith.negf %slice3A_638 : vector<1x64xf32>
      %logistic3A_640 = math.exp %logistic3A_639 : vector<1x64xf32>
      %logistic3A_641 = arith.constant 1.000000e+00 : f32
      %logistic3A_642 = vector.broadcast %logistic3A_641 : f32 to vector<1x64xf32>
      %logistic3A_643 = arith.addf %logistic3A_642, %logistic3A_640 : vector<1x64xf32>
      %logistic3A_644 = arith.divf %logistic3A_642, %logistic3A_643 : vector<1x64xf32>
      %slice3A_645 = vector.extract_strided_slice %add3A_623 {offsets = [0, 64], sizes = [1, 64], strides = [1, 1]} : vector<1x256xf32> to vector<1x64xf32>
      %logistic3A_646 = arith.negf %slice3A_645 : vector<1x64xf32>
      %logistic3A_647 = math.exp %logistic3A_646 : vector<1x64xf32>
      %logistic3A_648 = arith.constant 1.000000e+00 : f32
      %logistic3A_649 = vector.broadcast %logistic3A_648 : f32 to vector<1x64xf32>
      %logistic3A_650 = arith.addf %logistic3A_649, %logistic3A_647 : vector<1x64xf32>
      %logistic3A_651 = arith.divf %logistic3A_649, %logistic3A_650 : vector<1x64xf32>
      %slice3A_652 = vector.extract_strided_slice %add3A_623 {offsets = [0, 128], sizes = [1, 64], strides = [1, 1]} : vector<1x256xf32> to vector<1x64xf32>
      %tanh3A_653 = math.tanh %slice3A_652 : vector<1x64xf32>
      %slice3A_654 = vector.extract_strided_slice %add3A_623 {offsets = [0, 192], sizes = [1, 64], strides = [1, 1]} : vector<1x256xf32> to vector<1x64xf32>
      %logistic3A_655 = arith.negf %slice3A_654 : vector<1x64xf32>
      %logistic3A_656 = math.exp %logistic3A_655 : vector<1x64xf32>
      %logistic3A_657 = arith.constant 1.000000e+00 : f32
      %logistic3A_658 = vector.broadcast %logistic3A_657 : f32 to vector<1x64xf32>
      %logistic3A_659 = arith.addf %logistic3A_658, %logistic3A_656 : vector<1x64xf32>
      %logistic3A_660 = arith.divf %logistic3A_658, %logistic3A_659 : vector<1x64xf32>
      %mul3A_661 = arith.mulf %logistic3A_651, %add3A_577 : vector<1x64xf32>
      %mul3A_662 = arith.mulf %logistic3A_644, %tanh3A_653 : vector<1x64xf32>
      %add3A_663 = arith.addf %mul3A_661, %mul3A_662 : vector<1x64xf32>
      %tanh3A_664 = math.tanh %add3A_663 : vector<1x64xf32>
      %mul3A_665 = arith.mulf %logistic3A_660, %tanh3A_664 : vector<1x64xf32>
      %slice3A_666 = vector.extract_strided_slice %add3A_637 {offsets = [0, 0], sizes = [1, 64], strides = [1, 1]} : vector<1x256xf32> to vector<1x64xf32>
      %logistic3A_667 = arith.negf %slice3A_666 : vector<1x64xf32>
      %logistic3A_668 = math.exp %logistic3A_667 : vector<1x64xf32>
      %logistic3A_669 = arith.constant 1.000000e+00 : f32
      %logistic3A_670 = vector.broadcast %logistic3A_669 : f32 to vector<1x64xf32>
      %logistic3A_671 = arith.addf %logistic3A_670, %logistic3A_668 : vector<1x64xf32>
      %logistic3A_672 = arith.divf %logistic3A_670, %logistic3A_671 : vector<1x64xf32>
      %slice3A_673 = vector.extract_strided_slice %add3A_637 {offsets = [0, 64], sizes = [1, 64], strides = [1, 1]} : vector<1x256xf32> to vector<1x64xf32>
      %logistic3A_674 = arith.negf %slice3A_673 : vector<1x64xf32>
      %logistic3A_675 = math.exp %logistic3A_674 : vector<1x64xf32>
      %logistic3A_676 = arith.constant 1.000000e+00 : f32
      %logistic3A_677 = vector.broadcast %logistic3A_676 : f32 to vector<1x64xf32>
      %logistic3A_678 = arith.addf %logistic3A_677, %logistic3A_675 : vector<1x64xf32>
      %logistic3A_679 = arith.divf %logistic3A_677, %logistic3A_678 : vector<1x64xf32>
      %slice3A_680 = vector.extract_strided_slice %add3A_637 {offsets = [0, 128], sizes = [1, 64], strides = [1, 1]} : vector<1x256xf32> to vector<1x64xf32>
      %tanh3A_681 = math.tanh %slice3A_680 : vector<1x64xf32>
      %slice3A_682 = vector.extract_strided_slice %add3A_637 {offsets = [0, 192], sizes = [1, 64], strides = [1, 1]} : vector<1x256xf32> to vector<1x64xf32>
      %logistic3A_683 = arith.negf %slice3A_682 : vector<1x64xf32>
      %logistic3A_684 = math.exp %logistic3A_683 : vector<1x64xf32>
      %logistic3A_685 = arith.constant 1.000000e+00 : f32
      %logistic3A_686 = vector.broadcast %logistic3A_685 : f32 to vector<1x64xf32>
      %logistic3A_687 = arith.addf %logistic3A_686, %logistic3A_684 : vector<1x64xf32>
      %logistic3A_688 = arith.divf %logistic3A_686, %logistic3A_687 : vector<1x64xf32>
      %mul3A_689 = arith.mulf %logistic3A_679, %add3A_605 : vector<1x64xf32>
      %mul3A_690 = arith.mulf %logistic3A_672, %tanh3A_681 : vector<1x64xf32>
      %add3A_691 = arith.addf %mul3A_689, %mul3A_690 : vector<1x64xf32>
      %tanh3A_692 = math.tanh %add3A_691 : vector<1x64xf32>
      %mul3A_693 = arith.mulf %logistic3A_688, %tanh3A_692 : vector<1x64xf32>
      %add3A_694 = arith.addf %add3A_608, %mul3A_665 : vector<1x64xf32>
      %add3A_695 = arith.addf %add3A_609, %mul3A_693 : vector<1x64xf32>
      %slice3A_696 = vector.extract_strided_slice %get3A_94 {offsets = [7, 0], sizes = [1, 256], strides = [1, 1]} : vector<8x256xf32> to vector<1x256xf32>
      %convert_element_type3A_697 = arith.truncf %mul3A_665 : vector<1x64xf32> to vector<1x64xbf16>
      %convert_element_type3A_698 = arith.extf %convert_element_type3A_697 : vector<1x64xbf16> to vector<1x64xf32>
      %sub3A_699 = arith.subf %mul3A_665, %convert_element_type3A_698 : vector<1x64xf32>
      %convert_element_type3A_700 = arith.truncf %sub3A_699 : vector<1x64xf32> to vector<1x64xbf16>
      %dot_general3A_701 = arith.constant dense<0.000000e+00> : vector<1x256xf32>
      %dot_general3A_702 = tpu.matmul %convert_element_type3A_697, %get3A_1, %dot_general3A_701 {dimension_numbers = #tpu.dot_dimension_numbers<[1], [0], [0], [1], [0, 0, 1, 1], [], []>, transpose_lhs_hint = false} : vector<1x64xbf16>, vector<64x256xbf16>, vector<1x256xf32> -> vector<1x256xf32>
      %dot_general3A_703 = arith.constant dense<0.000000e+00> : vector<1x256xf32>
      %dot_general3A_704 = tpu.matmul %convert_element_type3A_697, %get3A_4, %dot_general3A_703 {dimension_numbers = #tpu.dot_dimension_numbers<[1], [0], [0], [1], [0, 0, 1, 1], [], []>, transpose_lhs_hint = false} : vector<1x64xbf16>, vector<64x256xbf16>, vector<1x256xf32> -> vector<1x256xf32>
      %dot_general3A_705 = arith.constant dense<0.000000e+00> : vector<1x256xf32>
      %dot_general3A_706 = tpu.matmul %convert_element_type3A_700, %get3A_1, %dot_general3A_705 {dimension_numbers = #tpu.dot_dimension_numbers<[1], [0], [0], [1], [0, 0, 1, 1], [], []>, transpose_lhs_hint = false} : vector<1x64xbf16>, vector<64x256xbf16>, vector<1x256xf32> -> vector<1x256xf32>
      %add3A_707 = arith.addf %dot_general3A_704, %dot_general3A_706 : vector<1x256xf32>
      %add3A_708 = arith.addf %dot_general3A_702, %add3A_707 : vector<1x256xf32>
      %add3A_709 = arith.addf %slice3A_696, %add3A_708 : vector<1x256xf32>
      %slice3A_710 = vector.extract_strided_slice %get3A_97 {offsets = [0, 0], sizes = [1, 256], strides = [1, 1]} : vector<8x256xf32> to vector<1x256xf32>
      %convert_element_type3A_711 = arith.truncf %mul3A_693 : vector<1x64xf32> to vector<1x64xbf16>
      %convert_element_type3A_712 = arith.extf %convert_element_type3A_711 : vector<1x64xbf16> to vector<1x64xf32>
      %sub3A_713 = arith.subf %mul3A_693, %convert_element_type3A_712 : vector<1x64xf32>
      %convert_element_type3A_714 = arith.truncf %sub3A_713 : vector<1x64xf32> to vector<1x64xbf16>
      %dot_general3A_715 = arith.constant dense<0.000000e+00> : vector<1x256xf32>
      %dot_general3A_716 = tpu.matmul %convert_element_type3A_711, %get3A_7, %dot_general3A_715 {dimension_numbers = #tpu.dot_dimension_numbers<[1], [0], [0], [1], [0, 0, 1, 1], [], []>, transpose_lhs_hint = false} : vector<1x64xbf16>, vector<64x256xbf16>, vector<1x256xf32> -> vector<1x256xf32>
      %dot_general3A_717 = arith.constant dense<0.000000e+00> : vector<1x256xf32>
      %dot_general3A_718 = tpu.matmul %convert_element_type3A_711, %get3A_10, %dot_general3A_717 {dimension_numbers = #tpu.dot_dimension_numbers<[1], [0], [0], [1], [0, 0, 1, 1], [], []>, transpose_lhs_hint = false} : vector<1x64xbf16>, vector<64x256xbf16>, vector<1x256xf32> -> vector<1x256xf32>
      %dot_general3A_719 = arith.constant dense<0.000000e+00> : vector<1x256xf32>
      %dot_general3A_720 = tpu.matmul %convert_element_type3A_714, %get3A_7, %dot_general3A_719 {dimension_numbers = #tpu.dot_dimension_numbers<[1], [0], [0], [1], [0, 0, 1, 1], [], []>, transpose_lhs_hint = false} : vector<1x64xbf16>, vector<64x256xbf16>, vector<1x256xf32> -> vector<1x256xf32>
      %add3A_721 = arith.addf %dot_general3A_718, %dot_general3A_720 : vector<1x256xf32>
      %add3A_722 = arith.addf %dot_general3A_716, %add3A_721 : vector<1x256xf32>
      %add3A_723 = arith.addf %slice3A_710, %add3A_722 : vector<1x256xf32>
      %slice3A_724 = vector.extract_strided_slice %add3A_709 {offsets = [0, 0], sizes = [1, 64], strides = [1, 1]} : vector<1x256xf32> to vector<1x64xf32>
      %logistic3A_725 = arith.negf %slice3A_724 : vector<1x64xf32>
      %logistic3A_726 = math.exp %logistic3A_725 : vector<1x64xf32>
      %logistic3A_727 = arith.constant 1.000000e+00 : f32
      %logistic3A_728 = vector.broadcast %logistic3A_727 : f32 to vector<1x64xf32>
      %logistic3A_729 = arith.addf %logistic3A_728, %logistic3A_726 : vector<1x64xf32>
      %logistic3A_730 = arith.divf %logistic3A_728, %logistic3A_729 : vector<1x64xf32>
      %slice3A_731 = vector.extract_strided_slice %add3A_709 {offsets = [0, 64], sizes = [1, 64], strides = [1, 1]} : vector<1x256xf32> to vector<1x64xf32>
      %logistic3A_732 = arith.negf %slice3A_731 : vector<1x64xf32>
      %logistic3A_733 = math.exp %logistic3A_732 : vector<1x64xf32>
      %logistic3A_734 = arith.constant 1.000000e+00 : f32
      %logistic3A_735 = vector.broadcast %logistic3A_734 : f32 to vector<1x64xf32>
      %logistic3A_736 = arith.addf %logistic3A_735, %logistic3A_733 : vector<1x64xf32>
      %logistic3A_737 = arith.divf %logistic3A_735, %logistic3A_736 : vector<1x64xf32>
      %slice3A_738 = vector.extract_strided_slice %add3A_709 {offsets = [0, 128], sizes = [1, 64], strides = [1, 1]} : vector<1x256xf32> to vector<1x64xf32>
      %tanh3A_739 = math.tanh %slice3A_738 : vector<1x64xf32>
      %slice3A_740 = vector.extract_strided_slice %add3A_709 {offsets = [0, 192], sizes = [1, 64], strides = [1, 1]} : vector<1x256xf32> to vector<1x64xf32>
      %logistic3A_741 = arith.negf %slice3A_740 : vector<1x64xf32>
      %logistic3A_742 = math.exp %logistic3A_741 : vector<1x64xf32>
      %logistic3A_743 = arith.constant 1.000000e+00 : f32
      %logistic3A_744 = vector.broadcast %logistic3A_743 : f32 to vector<1x64xf32>
      %logistic3A_745 = arith.addf %logistic3A_744, %logistic3A_742 : vector<1x64xf32>
      %logistic3A_746 = arith.divf %logistic3A_744, %logistic3A_745 : vector<1x64xf32>
      %mul3A_747 = arith.mulf %logistic3A_737, %add3A_663 : vector<1x64xf32>
      %mul3A_748 = arith.mulf %logistic3A_730, %tanh3A_739 : vector<1x64xf32>
      %add3A_749 = arith.addf %mul3A_747, %mul3A_748 : vector<1x64xf32>
      %tanh3A_750 = math.tanh %add3A_749 : vector<1x64xf32>
      %mul3A_751 = arith.mulf %logistic3A_746, %tanh3A_750 : vector<1x64xf32>
      %slice3A_752 = vector.extract_strided_slice %add3A_723 {offsets = [0, 0], sizes = [1, 64], strides = [1, 1]} : vector<1x256xf32> to vector<1x64xf32>
      %logistic3A_753 = arith.negf %slice3A_752 : vector<1x64xf32>
      %logistic3A_754 = math.exp %logistic3A_753 : vector<1x64xf32>
      %logistic3A_755 = arith.constant 1.000000e+00 : f32
      %logistic3A_756 = vector.broadcast %logistic3A_755 : f32 to vector<1x64xf32>
      %logistic3A_757 = arith.addf %logistic3A_756, %logistic3A_754 : vector<1x64xf32>
      %logistic3A_758 = arith.divf %logistic3A_756, %logistic3A_757 : vector<1x64xf32>
      %slice3A_759 = vector.extract_strided_slice %add3A_723 {offsets = [0, 64], sizes = [1, 64], strides = [1, 1]} : vector<1x256xf32> to vector<1x64xf32>
      %logistic3A_760 = arith.negf %slice3A_759 : vector<1x64xf32>
      %logistic3A_761 = math.exp %logistic3A_760 : vector<1x64xf32>
      %logistic3A_762 = arith.constant 1.000000e+00 : f32
      %logistic3A_763 = vector.broadcast %logistic3A_762 : f32 to vector<1x64xf32>
      %logistic3A_764 = arith.addf %logistic3A_763, %logistic3A_761 : vector<1x64xf32>
      %logistic3A_765 = arith.divf %logistic3A_763, %logistic3A_764 : vector<1x64xf32>
      %slice3A_766 = vector.extract_strided_slice %add3A_723 {offsets = [0, 128], sizes = [1, 64], strides = [1, 1]} : vector<1x256xf32> to vector<1x64xf32>
      %tanh3A_767 = math.tanh %slice3A_766 : vector<1x64xf32>
      %slice3A_768 = vector.extract_strided_slice %add3A_723 {offsets = [0, 192], sizes = [1, 64], strides = [1, 1]} : vector<1x256xf32> to vector<1x64xf32>
      %logistic3A_769 = arith.negf %slice3A_768 : vector<1x64xf32>
      %logistic3A_770 = math.exp %logistic3A_769 : vector<1x64xf32>
      %logistic3A_771 = arith.constant 1.000000e+00 : f32
      %logistic3A_772 = vector.broadcast %logistic3A_771 : f32 to vector<1x64xf32>
      %logistic3A_773 = arith.addf %logistic3A_772, %logistic3A_770 : vector<1x64xf32>
      %logistic3A_774 = arith.divf %logistic3A_772, %logistic3A_773 : vector<1x64xf32>
      %mul3A_775 = arith.mulf %logistic3A_765, %add3A_691 : vector<1x64xf32>
      %mul3A_776 = arith.mulf %logistic3A_758, %tanh3A_767 : vector<1x64xf32>
      %add3A_777 = arith.addf %mul3A_775, %mul3A_776 : vector<1x64xf32>
      %tanh3A_778 = math.tanh %add3A_777 : vector<1x64xf32>
      %mul3A_779 = arith.mulf %logistic3A_774, %tanh3A_778 : vector<1x64xf32>
      %add3A_780 = arith.addf %add3A_694, %mul3A_751 : vector<1x64xf32>
      %add3A_781 = arith.addf %add3A_695, %mul3A_779 : vector<1x64xf32>
      scf.yield %mul3A_751, %add3A_749, %mul3A_779, %add3A_777, %add3A_780, %add3A_781 : vector<1x64xf32>, vector<1x64xf32>, vector<1x64xf32>, vector<1x64xf32>, vector<1x64xf32>, vector<1x64xf32>
    }
    %scan3A_16 = arith.constant 1250 : i32
    %concatenate3A = tpu.concatenate %scan3A_15#4, %scan3A_15#5 in 1 : vector<1x64xf32>, vector<1x64xf32> -> vector<1x128xf32>
    %mul3A = arith.constant 9.99999974E-5 : f32
    %mul3A_17 = vector.broadcast %mul3A : f32 to vector<1x128xf32>
    %mul3A_18 = arith.mulf %concatenate3A, %mul3A_17 : vector<1x128xf32>
    %get3A_19 = arith.constant 0 : index
    %get3A_20 = arith.constant 0 : index
    %get3A_21 = vector.load %arg5[%get3A_19, %get3A_20] : memref<128x128xf32, #tpu.memory_space<vmem>>, vector<128x32xf32>
    %dot_general3A = arith.constant dense<0.000000e+00> : vector<1x32xf32>
    %dot_general3A_22 = tpu.matmul %mul3A_18, %get3A_21, %dot_general3A {dimension_numbers = #tpu.dot_dimension_numbers<[1], [0], [0], [1], [0, 0, 1, 1], [], []>, precision = #tpu.contract_precision<fp32>, transpose_lhs_hint = false} : vector<1x128xf32>, vector<128x32xf32>, vector<1x32xf32> -> vector<1x32xf32>
    %get3A_23 = arith.constant 0 : index
    %get3A_24 = arith.constant 0 : index
    %get3A_25 = vector.load %arg6[%get3A_23, %get3A_24] : memref<8x128xf32, #tpu.memory_space<vmem>>, vector<1x32xf32>
    %add3A = arith.addf %dot_general3A_22, %get3A_25 : vector<1x32xf32>
    %get3A_26 = arith.constant 0 : index
    %get3A_27 = arith.constant 32 : index
    %get3A_28 = vector.load %arg5[%get3A_26, %get3A_27] : memref<128x128xf32, #tpu.memory_space<vmem>>, vector<32x64xf32>
    %get3A_29 = arith.constant 32 : index
    %get3A_30 = arith.constant 32 : index
    %get3A_31 = vector.load %arg5[%get3A_29, %get3A_30] : memref<128x128xf32, #tpu.memory_space<vmem>>, vector<32x64xf32>
    %get3A_32 = arith.constant 64 : index
    %get3A_33 = arith.constant 96 : index
    %get3A_34 = vector.load %arg5[%get3A_32, %get3A_33] : memref<128x128xf32, #tpu.memory_space<vmem>>, vector<64x2xf32>
    %get3A_35 = arith.constant 64 : index
    %get3A_36 = arith.constant 98 : index
    %get3A_37 = vector.load %arg5[%get3A_35, %get3A_36] : memref<128x128xf32, #tpu.memory_space<vmem>>, vector<64x1xf32>
    %dot_general3A_38 = arith.constant dense<0.000000e+00> : vector<1x64xf32>
    %dot_general3A_39 = tpu.matmul %add3A, %get3A_28, %dot_general3A_38 {dimension_numbers = #tpu.dot_dimension_numbers<[1], [0], [0], [1], [0, 0, 1, 1], [], []>, precision = #tpu.contract_precision<fp32>, transpose_lhs_hint = false} : vector<1x32xf32>, vector<32x64xf32>, vector<1x64xf32> -> vector<1x64xf32>
    %get3A_40 = arith.constant 1 : index
    %get3A_41 = arith.constant 0 : index
    %get3A_42 = vector.load %arg6[%get3A_40, %get3A_41] : memref<8x128xf32, #tpu.memory_space<vmem>>, vector<1x64xf32>
    %add3A_43 = arith.addf %dot_general3A_39, %get3A_42 : vector<1x64xf32>
    %max3A = arith.constant 0.000000e+00 : f32
    %max3A_44 = vector.broadcast %max3A : f32 to vector<1x64xf32>
    %max3A_45 = arith.maximumf %add3A_43, %max3A_44 : vector<1x64xf32>
    %dot_general3A_46 = arith.constant dense<0.000000e+00> : vector<1x2xf32>
    %dot_general3A_47 = tpu.matmul %max3A_45, %get3A_34, %dot_general3A_46 {dimension_numbers = #tpu.dot_dimension_numbers<[1], [0], [0], [1], [0, 0, 1, 1], [], []>, precision = #tpu.contract_precision<fp32>, transpose_lhs_hint = false} : vector<1x64xf32>, vector<64x2xf32>, vector<1x2xf32> -> vector<1x2xf32>
    %get3A_48 = arith.constant 3 : index
    %get3A_49 = arith.constant 0 : index
    %get3A_50 = vector.load %arg6[%get3A_48, %get3A_49] : memref<8x128xf32, #tpu.memory_space<vmem>>, vector<1x2xf32>
    %add3A_51 = arith.addf %dot_general3A_47, %get3A_50 : vector<1x2xf32>
    %dot_general3A_52 = arith.constant dense<0.000000e+00> : vector<1x64xf32>
    %dot_general3A_53 = tpu.matmul %add3A, %get3A_31, %dot_general3A_52 {dimension_numbers = #tpu.dot_dimension_numbers<[1], [0], [0], [1], [0, 0, 1, 1], [], []>, precision = #tpu.contract_precision<fp32>, transpose_lhs_hint = false} : vector<1x32xf32>, vector<32x64xf32>, vector<1x64xf32> -> vector<1x64xf32>
    %get3A_54 = arith.constant 2 : index
    %get3A_55 = arith.constant 0 : index
    %get3A_56 = vector.load %arg6[%get3A_54, %get3A_55] : memref<8x128xf32, #tpu.memory_space<vmem>>, vector<1x64xf32>
    %add3A_57 = arith.addf %dot_general3A_53, %get3A_56 : vector<1x64xf32>
    %max3A_58 = arith.constant 0.000000e+00 : f32
    %max3A_59 = vector.broadcast %max3A_58 : f32 to vector<1x64xf32>
    %max3A_60 = arith.maximumf %add3A_57, %max3A_59 : vector<1x64xf32>
    %dot_general3A_61 = arith.constant dense<0.000000e+00> : vector<1x1xf32>
    %dot_general3A_62 = tpu.matmul %max3A_60, %get3A_37, %dot_general3A_61 {dimension_numbers = #tpu.dot_dimension_numbers<[1], [0], [0], [1], [0, 0, 1, 1], [], []>, precision = #tpu.contract_precision<fp32>, transpose_lhs_hint = false} : vector<1x64xf32>, vector<64x1xf32>, vector<1x1xf32> -> vector<1x1xf32>
    %get3A_63 = arith.constant 3 : index
    %get3A_64 = arith.constant 2 : index
    %get3A_65 = vector.load %arg6[%get3A_63, %get3A_64] : memref<8x128xf32, #tpu.memory_space<vmem>>, vector<1x1xf32>
    %add3A_66 = arith.addf %dot_general3A_62, %get3A_65 : vector<1x1xf32>
    %broadcast_in_dim3A_67 = arith.constant 0.000000e+00 : f32
    %broadcast_in_dim3A_68 = vector.broadcast %broadcast_in_dim3A_67 : f32 to vector<8x128xf32>
    %swap3A = arith.constant 0 : index
    %swap3A_69 = arith.constant 0 : index
    %swap3A_70 = vector.load %arg7[%swap3A, %swap3A_69] : memref<8x128xf32, #tpu.memory_space<vmem>>, vector<8x128xf32>
    tpu.vector_store %arg7[%swap3A, %swap3A_69], %broadcast_in_dim3A_68 {strides = array<i32>} : memref<8x128xf32, #tpu.memory_space<vmem>>, vector<8x128xf32>,
    %swap3A_71 = arith.constant 0 : index
    %swap3A_72 = arith.constant 0 : index
    %swap3A_73 = vector.load %arg7[%swap3A_71, %swap3A_72] : memref<8x128xf32, #tpu.memory_space<vmem>>, vector<1x32xf32>
    tpu.vector_store %arg7[%swap3A_71, %swap3A_72], %add3A {strides = array<i32>} : memref<8x128xf32, #tpu.memory_space<vmem>>, vector<1x32xf32>,
    %swap3A_74 = arith.constant 1 : index
    %swap3A_75 = arith.constant 0 : index
    %swap3A_76 = vector.load %arg7[%swap3A_74, %swap3A_75] : memref<8x128xf32, #tpu.memory_space<vmem>>, vector<1x2xf32>
    tpu.vector_store %arg7[%swap3A_74, %swap3A_75], %add3A_51 {strides = array<i32>} : memref<8x128xf32, #tpu.memory_space<vmem>>, vector<1x2xf32>,
    %swap3A_77 = arith.constant 2 : index
    %swap3A_78 = arith.constant 0 : index
    %swap3A_79 = vector.load %arg7[%swap3A_77, %swap3A_78] : memref<8x128xf32, #tpu.memory_space<vmem>>, vector<1x1xf32>
    tpu.vector_store %arg7[%swap3A_77, %swap3A_78], %add3A_66 {strides = array<i32>} : memref<8x128xf32, #tpu.memory_space<vmem>>, vector<1x1xf32>,
    return
  }
}

</mosaic_0001>

<sc_bundles>
// kernel: scatter_offload_async_start.1
scs
__scs_entry_jumppad:
0x0: {  	(pc) =	sbr.rel $0x88, $3  }
0x1: {  	(tag) =	ssettag $0x0;
	lr =	simm.s32 $0x1  }
0x2: {  	[smem:$0x3F7D] =	sst lr;
	_ =	strace $0xD0000000  }
0x3: {  	_ = 	snop  }
0x4: {  	_ = 	snop  }
0x5: {  	_ = 	snop  }
0x6: {  	_ = 	snop  }
0x7: {  	_ = 	snop  }
__scs_overlays_trampoline_lowered:
0x8: {  	[smem:$0x3F8C] =	sst s0  }
0x9: {  	[smem:$0x3F8D] =	sst s1  }
0xa: {  	[smem:$0x3F8E] =	sst s2  }
0xb: {  	[smem:$0x3F8F] =	sst s3  }
0xc: {  	[smem:$0x3F90] =	sst s4  }
0xd: {  	[smem:$0x3F91] =	sst s5  }
0xe: {  	[smem:$0x3F92] =	sst s6  }
0xf: {  	[smem:$0x3F93] =	sst s7  }
0x10: {  	[smem:$0x3F94] =	sst s8  }
0x11: {  	[smem:$0x3F95] =	sst s9;
	s0 =	simm.s32 @!p0 $0x0  }
0x12: {  	s1 =	sld [smem:$0x3F7B];
	s0 =	simm.s32 @p0 $0x1  }
0x13: {  	[smem:$0x3F96] =	sst s0;
	s0 =	simm.s32 @!p1 $0x0  }
0x14: {  	s2 =	sld [smem:$0x3F7A];
	s0 =	simm.s32 @p1 $0x1  }
0x15: {  	[smem:$0x3F97] =	sst s0;
	s0 =	simm.s32 @!p2 $0x0  }
0x16: {  	s3 =	sld [smem:$0x3FDB];
	s0 =	simm.s32 @p2 $0x1  }
0x17: {  	s4 =	simm.s32 $0x1BF5;
	[smem:$0x3F99] =	sst s0  }
0x18: {  	s0 =	sld [smem:$0x3F7C];
	_ =	swait.ge [sflag:s4], $0x0  }
0x19: {  	s7 =	sld [smem:$0x3F7D]  }
0x1a: {  	s8 =	sadd.s32 $0xFFFFE003, lr  }
0x1b: {  	s9 =	sadd.s32 $0xFFFFFEF7, lr;
	s5 =	simm.s32 $0xFFFFFFFF;
	p2 =	slt.u32 s8, $0xFFFFF086  }
0x1c: {  	p1 =	slt.u32 s9, $0xF7A;
	s5 =	simm.s32 @!p2 $0x0  }
0x1d: {  	s5 =	simm.s32 @p1 $0x1;
	p0 =	seq.s32 s7, s2  }
0x1e: {  	s7 =	smul.u32 @!p0 $0xF7A, s2;
	p2 =	seq.s32 @!p0 s5, $0x0  }
0x1f: {  	s9 =	smul.u32 $0xF7A, s1;
	s8 =	simm.s32 @!p0 $0x1BF5;
	p2 =	por !p2, p0  }
0x20: {  	[sflag:s8] =	ssyncset.s32 @!p0 $0xFFFFF086;
	s6 =	sadd.s32 @!p0 s3, s7;
	s7 =	simm.s32 @!p0 $0x108  }
0x21: {  	s3 =	sadd.s32 s3, s9;
	s6 =	sadd.s32 @!p0 $0x88, s6;
	s7 =	simm.s32 @p2 $0x1082  }
0x22: {  	[simem:s7], [sflag:s8] =	dma.local @!p0 [hbm:s6], $0xF7A  }
0x23: {  	s9 =	sor.u32 $0xD0000000, s2;
	s6 =	simm.s32 $0x108;
	_ =	swait.ge @!p0 [sflag:s8], $0x0  }
0x24: {  	s3 =	sadd.s32 $0x88, s3;
	s6 =	simm.s32 @!p1 $0x1082;
	[sflag:s4] =	ssyncset.s32 $0xFFFFF086  }
0x25: {  	[simem:s6], [sflag:s4] =	dma.local [hbm:s3], $0xF7A  }
0x26: {  	[smem:$0x3F7D] =	sst s1;
	(tag) =	ssettag s2;
	_ =	strace s9  }
0x27: {  	s1 =	sld [smem:$0x3F8D]  }
0x28: {  	s2 =	sld [smem:$0x3F8E]  }
0x29: {  	s4 =	sld [smem:$0x3F90]  }
0x2a: {  	p0 =	seq.s32 s5, $0x0;
	s5 =	sld [smem:$0x3F91]  }
0x2b: {  	s6 =	sld [smem:$0x3F92]  }
0x2c: {  	s7 =	sld [smem:$0x3F93]  }
0x2d: {  	s3 =	simm.s32 $0x108;
	s8 =	sld [smem:$0x3F94]  }
0x2e: {  	s3 =	simm.s32 @!p0 $0x1082;
	s9 =	sld [smem:$0x3F95]  }
0x2f: {  	lr =	sadd.s32 s0, s3;
	s0 =	sld [smem:$0x3F8C]  }
0x30: {  	s3 =	sld [smem:$0x3F8F]  }
0x31: {  	[smem:$0x3F98] =	sst s10  }
0x32: {  	s10 =	sld [smem:$0x3F96];
	_ =	sdelay $0x3  }
0x33: {  	p0 =	seq.s32 s10, $0x1;
	s10 =	sld [smem:$0x3F98];
	_ =	sdelay $0x3  }
0x34: {  	[smem:$0x3F98] =	sst s10  }
0x35: {  	s10 =	sld [smem:$0x3F97];
	_ =	sdelay $0x3  }
0x36: {  	p1 =	seq.s32 s10, $0x1;
	s10 =	sld [smem:$0x3F98];
	_ =	sdelay $0x3  }
0x37: {  	[smem:$0x3F98] =	sst s10  }
0x38: {  	s10 =	sld [smem:$0x3F99]  }
0x39: {  	_ = 	snop;
	(pc) =	sbr.ind lr, $3  }
0x3a: {  	_ = 	snop  }
0x3b: {  	_ = 	snop  }
0x3c: {  	p2 =	seq.s32 s10, $0x1;
	s10 =	sld [smem:$0x3F98]  }
0x3d: {  	_ =	shalt  }
0x3e: {  	_ =	shalt  }
0x3f: {  	_ =	shalt  }
0x40: {  	_ =	shalt  }
0x41: {  	_ =	shalt  }
0x42: {  	_ =	shalt  }
0x43: {  	_ =	shalt  }
0x44: {  	_ =	shalt  }
0x45: {  	_ =	shalt  }
0x46: {  	_ =	shalt  }
0x47: {  	_ =	shalt  }
0x48: {  	_ =	shalt  }
0x49: {  	_ =	shalt  }
0x4a: {  	_ =	shalt  }
0x4b: {  	_ =	shalt  }
0x4c: {  	_ =	shalt  }
0x4d: {  	_ =	shalt  }
0x4e: {  	_ =	shalt  }
0x4f: {  	_ =	shalt  }
0x50: {  	_ =	shalt  }
0x51: {  	_ =	shalt  }
0x52: {  	_ =	shalt  }
0x53: {  	_ =	shalt  }
0x54: {  	_ =	shalt  }
0x55: {  	_ =	shalt  }
0x56: {  	_ =	shalt  }
0x57: {  	_ =	shalt  }
0x58: {  	_ =	shalt  }
0x59: {  	_ =	shalt  }
0x5a: {  	_ =	shalt  }
0x5b: {  	_ =	shalt  }
0x5c: {  	_ =	shalt  }
0x5d: {  	_ =	shalt  }
0x5e: {  	_ =	shalt  }
0x5f: {  	_ =	shalt  }
0x60: {  	_ =	shalt  }
0x61: {  	_ =	shalt  }
0x62: {  	_ =	shalt  }
0x63: {  	_ =	shalt  }
0x64: {  	_ =	shalt  }
0x65: {  	_ =	shalt  }
0x66: {  	_ =	shalt  }
0x67: {  	_ =	shalt  }
0x68: {  	_ =	shalt  }
0x69: {  	_ =	shalt  }
0x6a: {  	_ =	shalt  }
0x6b: {  	_ =	shalt  }
0x6c: {  	_ =	shalt  }
0x6d: {  	_ =	shalt  }
0x6e: {  	_ =	shalt  }
0x6f: {  	_ =	shalt  }
0x70: {  	_ =	shalt  }
0x71: {  	_ =	shalt  }
0x72: {  	_ =	shalt  }
0x73: {  	_ =	shalt  }
0x74: {  	_ =	shalt  }
0x75: {  	_ =	shalt  }
0x76: {  	_ =	shalt  }
0x77: {  	_ =	shalt  }
0x78: {  	_ =	shalt  }
0x79: {  	_ =	shalt  }
0x7a: {  	_ =	shalt  }
0x7b: {  	_ =	shalt  }
0x7c: {  	_ =	shalt  }
0x7d: {  	_ =	shalt  }
0x7e: {  	_ =	shalt  }
0x7f: {  	_ =	shalt  }
0x80: {  	_ =	shalt  }
0x81: {  	_ =	shalt  }
0x82: {  	_ =	shalt  }
0x83: {  	_ =	shalt  }
0x84: {  	_ =	shalt  }
0x85: {  	_ =	shalt  }
0x86: {  	_ =	shalt  }
0x87: {  	_ =	shalt  }
.Lfunc_end0:
.L_simem_size_0:
called_computation.1_lowered:
.L_overlay_start_0:
0x88: {  	s0 =	sld [smem:$0x3FD9]  }
0x89: {  	s1 =	sld [smem:$0x3FFE];
	_ =	sdelay $0x3  }
0x8a: {  	s0 =	sadd.s32 s1, s0  }
0x8b: {  	[smem:$0x3FA4] =	sst s0  }
0x8c: {  	_ = 	snop  }
0x8d: {  	(tm) =	ssettm $0x1  }
0x8e: {  	s15 =	sld [smem:$0x3FFB];
	_ =	sdelay $0x3  }
0x8f: {  	_ =	strace s15  }
0x90: {  	s0 =	sld [smem:$0x3FFC];
	_ =	sdelay $0x3  }
0x91: {  	_ =	strace s0  }
0x92: {  	s0 =	sld [smem:$0x3FFD];
	_ =	sdelay $0x3  }
0x93: {  	_ =	strace s0  }
0x94: {  	_ =	strace $0x8FFFFFFF  }
0x95: {  	s16 =	sld [smem:$0x3FDB];
	_ =	sdelay $0x1  }
0x96: {  	s17 =	simm.s32 $_scs_section_size  }
0x97: {  	s2 =	simm.s32 $_size__tile_overlayer_lowered;
	s3 =	simm.s32 $_tile_overlayer_lowered  }
0x98: {  	s20 =	simm.s32 $0x1BFF;
	s19 =	sshll.u32 s3, $0x1;
	s0 =	sadd.s32 s17, s16  }
0x99: {  	s4 =	simm.s32 $0x0;
	s18 =	sshll.u32 s2, $0x1;
	s2 =	sadd.s32 s19, s0  }
0x9a: {  	[timem:s4], [sflag:s20] =	dma.local [hbm:s2], s18  }
0x9b: {  	_ =	swait.ge [sflag:s20], s18  }
0x9c: {  	s1 =	ssub.s32 $0x0, s18;
	[sflag:s20] =	ssyncset.done $0x0  }
0x9d: {  	[sflag:s20] =	ssyncadd.s32 s1;
	_ =	sdelay $0x1  }
0x9e: {  	s21 =	simm.s32 $0x1B8B  }
0x9f: {  	_ =	swait.ge [sflag:s21], $0x1  }
0xa0: {  	[sflag:s21] =	ssyncset.done $0x0  }
0xa1: {  	s23 =	simm.s32 $0x1B8E;
	s22 =	sld [smem:$0x3FFE];
	[sflag:s21] =	ssyncadd.s32 $0xFFFFFFFF  }
0xa2: {  	s24 =	simm.s32 $execute0_lowered;
	[smem:$0x3FD2] =	sst s23  }
0xa3: {  	s2 =	sshll.u32 s24, $0x1;
	_ =	strace $0x80000049;
	[dreg:$0x1] =	wrdreg $0xFFFFFFFF  }
0xa4: {  	s25 =	simm.s32 $_size_execute0_lowered;
	s0 =	sadd.s32 s0, s2;
	[dreg:$0x0] =	wrdreg $0x0  }
0xa5: {  	s2 =	sshll.u32 s25, $0x1;
	[dreg:$0x2] =	wrdreg s0  }
0xa6: {  	[dreg:$0x3] =	wrdreg s2  }
0xa7: {  	[dreg:$0x4] =	wrdreg $0xC0  }
0xa8: {  	_ =	task [dreg:s4], $0x5FFFF  }
0xa9: {  	[dreg:$0x1] =	wrdreg $0xFFFFFFFF  }
0xaa: {  	[dreg:$0x0] =	wrdreg $0x60  }
0xab: {  	[dreg:$0x2] =	wrdreg s22  }
0xac: {  	[dreg:$0x3] =	wrdreg $0x9  }
0xad: {  	_ =	task.clear_ibuf [dreg:s4], $0x4FFFF;
	_ =	strace $0x90000049  }
0xae: {  	s26 =	simm.s32 $0x9;
	_ =	strace $0x8000004B  }
0xaf: {  	_ =	swait.ge [sflag:s26], $0x1  }
0xb0: {  	[sflag:s26] =	ssyncadd.s32 $0xFFFFFFFF  }
0xb1: {  	_ =	strace $0x9000004B  }
0xb2: {  	_ =	sfence  }
0xb3: {  	s28 =	sld [smem:$0x0];
	_ =	sdelay $0x1  }
0xb4: {  	s29 =	srdreg.scid  }
0xb5: {  	s30 =	sshll.u32 s29, $0xD;
	s31 =	sshrl.u32 s29, $0x2  }
0xb6: {  	s1 =	sand.u32 $0x1, s29;
	s2 =	sand.u32 $0x4000, s30;
	s0 =	sadd.s32 s31, s28  }
0xb7: {  	s1 =	sor.u32 s2, s1;
	s0 =	sshll.u32 s0, $0x11  }
0xb8: {  	s0 =	sor.u32 s0, s1  }
0xb9: {  	s0 =	sadd.s32 $0x8F2B, s0  }
0xba: {  	[sflag:s0] =	ssyncadd.remote.s32 $0x1  }
0xbb: {  	_ =	sfence.sel $0xFFFF  }
0xbc: {  	[dreg:$0x0] =	wrdreg $0xFFFFFFFF;
	(pc) =	sbr.abs _section_cstart, $3  }
0xbd: {  	[dreg:$0x1] =	wrdreg $0xFFFFFFFF  }
0xbe: {  	_ =	task.clear_ibuf [dreg:s4], $0x2FFFF;
	_ =	strace $0x9FFFFFFF  }
0xbf: {  	(tm) =	ssettm $0x7FFFFFFF  }
tec
execute0_lowered:
.L_overlay_start_1:
0x0: {  	(tag) =	ssettag $0x1  }
0x1: {  	s0 =	rddreg [dreg:$0x0];
	_ =	strace $0x8000004A;
	s1 =	simm.s32 $0x1  }
0x2: {  	s8 =	simm.s32 $0x88;
	v0 =	vimm.s32 $0x0;
	[sflag:s1] =	ssyncpa.u1 $0x0  }
0x3: {  	[tilespmem:s8+$0x30] =	vst v0  }
0x4: {  	s1 =	sadd.s32 $0x4BA00, s0;
	s3 =	sadd.s32 $0x23200, s0;
	[tilespmem:s8+$0x20] =	vst v0  }
0x5: {  	s4 =	sadd.s32 $0x73200, s0;
	s5 =	sadd.s32 $0x2D400, s0;
	s0 =	simm.s32 $0x40;
	[tilespmem:s8+$0x10] =	vst v0  }
.LBB2_1:
0x6: {  	s0 =	sadd.s32 $0x40, s0  }
0x7: {  	[tilespmem:s8+$0x0] =	vst v0;
	s8 =	sadd.s32 $0x40, s8;
	p0 =	slt.u32 s0, $0x5040  }
.Ltmp0:
0x8: {  	(pc) =	sbr.rel @p0 .LBB2_1-.Ltmp0, $4  }
0x9: {  	_ = 	snop  }
0xa: {  	[tilespmem:s8+$0x30] =	vst v0  }
0xb: {  	[tilespmem:s8+$0x20] =	vst v0  }
0xc: {  	[tilespmem:s8+$0x10] =	vst v0  }
0xd: {  	s9 =	stileid.u32  }
0xe: {  	s0 =	smin.u32 s9, $0x8;
	s2 =	sshll.u32 s9, $0x6  }
0xf: {  	s0 =	sor.u32 s0, s2  }
0x10: {  	p0 =	slt.u32 s9, $0x8;
	s6 =	smul.u32 $0x140, s0;
	s0 =	simm.s32 $0x5140  }
0x11: {  	s0 =	simm.s32 @!p0 $0x5000  }
0x12: {  	s0 =	sadd.s32 s0, s6  }
0x13: {  	s7 =	smin.u32 s0, $0x50910  }
0x14: {  	s0 =	ssub.s32 s7, s6  }
0x15: {  	p0 =	sgt.s32 s0, $0x0  }
0x16: {  	s0 =	simm.s32 @!p0 $0x0  }
0x17: {  	s29 =	simm.s32 $0x2;
	s10 =	simm.s32 $0x7;
	s28 =	smulhi.u32 $0x66666667, s0  }
0x18: {  	s31 =	simm.s32 $0x8;
	s11 =	simm.s32 $0x1;
	s15 =	simm.s32 $0x0  }
0x19: {  	p1 =	por $0x0, $0x0;
	s16 =	simm.s32 $0xA;
	s2 =	sshrl.u32 s28, $0x7  }
0x1a: {  	s20 =	simm.s32 $0x0;
	s17 =	simm.s32 $0x0;
	s30 =	smul.u32 $0x140, s2  }
.Ltmp1:
0x1b: {  	[tilespmem:s8+$0x0] =	vst v0;
	v0 =	vimm.s32 $0xFFFFFFFF;
	s19 =	simm.s32 $0x0;
	[sflag:s29] =	ssyncpa.u1 $0x0;
	(pc) =	sbr.rel .LBB2_3-.Ltmp1, $4  }
0x1c: {  	[tilespmem:$0xA108] =	vst v0;
	[sflag:s10] =	ssyncpa.u1 $0x0;
	p0 =	sne.s32 s0, s30;
	s0 =	simm.s32 $0x1  }
0x1d: {  	s10 =	simm.s32 $0x9;
	[sflag:s31] =	ssyncpa.u1 $0x0;
	s0 =	simm.s32 @!p0 $0x0  }
0x1e: {  	s13 =	sshll.u32 s9, $0x7;
	[sflag:s10] =	ssyncpa.u1 $0x0;
	s12 =	sadd.s32 s0, s2  }
0x1f: {  	v0 =	vlaneseq.u32;
	s18 =	smov.u32 s6;
	p0 =	por $0x1, $0x1;
	s14 =	sadd.s32 $0x1, s12  }
.LBB2_24:
0x20: {  	s0 =	sshrl.u32 s29, $0x2  }
.LBB2_26:
0x21: {  	_ =	swait.ge [sflag:s16], s0  }
0x22: {  	s31 =	ssub.s32 $0x0, s0;
	v1 =	vmov s22;
	vm0 =	veq.s32 v0, $0x0;
	[sflag:s16] =	ssyncset.done $0x0  }
0x23: {  	vm15 =	veq.s32 v0, $0x2;
	v1 =	vsel vm0, s28, v1;
	[sflag:s16] =	ssyncadd.s32 s31  }
0x24: {  	v1 =	vsel vm15, s20, v1;
	[sflag:s16] =	ssyncpa.u1 $0x1  }
0x25: {  	[tilespmem:$0xA108] =	vst v1  }
.LBB2_27:
0x26: {  	s0 =	sadd.s32 $0x140, s18  }
0x27: {  	s2 =	smov.u32 s6;
	p2 =	slt.s32 s0, s7  }
0x28: {  	s2 =	smov.u32 @p2 s0;
	p2 =	sne.s32 s19, s14  }
.Ltmp2:
0x29: {  	_ = 	snop;
	(pc) =	sbr.rel @!p2 .LBB2_28-.Ltmp2, $4  }
0x2a: {  	_ = 	snop  }
0x2b: {  	s20 =	smov.u32 s17  }
0x2c: {  	s31 =	sadd.s32 $0x1, s19;
	s17 =	smov.u32 s18;
	p0 =	por !p0, !p0  }
0x2d: {  	p1 =	por !p1, !p1;
	s19 =	smov.u32 s31;
	s18 =	smov.u32 s2  }
.LBB2_3:
0x2e: {  	p2 =	sge.u32 s19, s12  }
0x2f: {  	s0 =	smulhi.u32 @!p2 $0xAAAAAAAB, s19  }
0x30: {  	s2 =	smov.u32 s18;
	p3 =	sgt.s32 @!p2 s18, $0x507D0  }
0x31: {  	s8 =	sshra.s32 @!p2 s18, $0x1F;
	p3 =	por !p3, p2;
	s0 =	sshrl.u32 @!p2 s0, $0x1  }
0x32: {  	s8 =	sand.u32 @!p2 s8, s18;
	s2 =	simm.s32 @p3 $0x507D0;
	s0 =	smul.u32 @!p2 $0x3, s0  }
0x33: {  	s2 =	ssub.s32 @!p2 s2, s8  }
0x34: {  	s22 =	sadd.s32 $0xFFFFFFFF, s19;
	s2 =	sadd.s32 @!p2 $0xFFFAF830, s2;
	s0 =	ssub.s32 @!p2 s19, s0  }
0x35: {  	s8 =	sshll.u32 @!p2 s2, $0x2;
	p3 =	sgt.s32 @!p2 s2, $0x13F;
	s0 =	smul.u32 @!p2 $0x500, s0  }
0x36: {  	s21 =	sand.u32 @!p2 $0x7, s18;
	s2 =	ssub.s32 @!p2 $0x500, s8;
	p3 =	por !p3, p2  }
0x37: {  	s8 =	sshrl.u32 @!p2 s18, $0x3;
	s2 =	sshrl.u32 @!p2 s2, $0x2;
	s0 =	sshrl.u32 @!p2 s0, $0x2  }
0x38: {  	s8 =	sadd.s32 @!p2 s5, s8;
	s2 =	simm.s32 @!p3 $0x0;
	s0 =	sadd.s32 @!p2 $0xA938, s0  }
0x39: {  	[tilespmem:s0], [sflag:$0x8] =	stream.linear.gather @!p2 [hbm4b:s8+s21], s2, $0x38;
	[tilespmem:$0x1EF78] =	vst v63  }
0x3a: {  	p2 =	sge.u32 s22, s12  }
0x3b: {  	p3 =	sgt.s32 @!p2 s17, $0x507D0  }
0x3c: {  	s0 =	smov.u32 s17;
	s2 =	sshra.s32 @!p2 s17, $0x1F;
	p3 =	por !p3, p2  }
0x3d: {  	s2 =	sand.u32 @!p2 s2, s17;
	s0 =	simm.s32 @p3 $0x507D0  }
0x3e: {  	s0 =	ssub.s32 @!p2 s0, s2  }
0x3f: {  	s0 =	sadd.s32 @!p2 $0xFFFAF830, s0  }
0x40: {  	s2 =	sshll.u32 @!p2 s0, $0x2  }
0x41: {  	p3 =	sgt.s32 @!p2 s0, $0x13F;
	s0 =	ssub.s32 @!p2 $0x500, s2  }
0x42: {  	p3 =	por !p3, p2;
	s0 =	sshrl.u32 @!p2 s0, $0x2  }
0x43: {  	s8 =	simm.s32 @!p2 $0x8;
	s2 =	sand.u32 @!p2 $0x1, s22;
	s0 =	simm.s32 @!p3 $0x0  }
0x44: {  	s2 =	smul.u32 @!p2 $0x500, s2;
	_ =	swait.ge @!p2 [sflag:s8], s0  }
0x45: {  	s21 =	ssub.s32 @!p2 $0x0, s0;
	[sflag:s8] =	ssyncset.done @!p2 $0x0  }
0x46: {  	s2 =	sshrl.u32 @!p2 s2, $0x2;
	[sflag:s8] =	ssyncadd.s32 @!p2 s21;
	s8 =	sshrl.u32 @!p2 s17, $0x3  }
0x47: {  	s2 =	sadd.s32 @!p2 $0xACF8, s2;
	s21 =	sand.u32 @!p2 $0x7, s17;
	s8 =	sadd.s32 @!p2 s3, s8  }
0x48: {  	[tilespmem:s2], [sflag:$0x9] =	stream.linear.gather @!p2 [hbm4b:s8+s21], s0, $0x38;
	[tilespmem:$0x1EF78] =	vst v63  }
0x49: {  	s21 =	ssub.s32 @!p2 $0x50910, s17  }
0x4a: {  	p3 =	slt.s32 @!p2 s21, $0x1  }
0x4b: {  	p3 =	por p2, p3  }
.Ltmp3:
0x4c: {  	_ = 	snop;
	(pc) =	sbr.rel @p3 .LBB2_9-.Ltmp3, $1  }
0x4d: {  	_ =	sdelay $0x3  }
0x4e: {  	s0 =	smulhi.u32 $0xAAAAAAAB, s22;
	_ =	sdelay $0x1  }
0x4f: {  	s0 =	sshrl.u32 s0, $0x1  }
0x50: {  	s0 =	smul.u32 $0x3, s0;
	_ =	sdelay $0x1  }
0x51: {  	s0 =	ssub.s32 s22, s0  }
0x52: {  	s2 =	simm.s32 $0x1;
	s0 =	smul.u32 $0x500, s0  }
.Ltmp4:
0x53: {  	s2 =	simm.s32 @!p0 $0x0;
	(pc) =	sbr.rel .LBB2_6-.Ltmp4, $4  }
0x54: {  	s2 =	smul.u32 $0x28000, s2  }
0x55: {  	p3 =	slt.s32 @!p2 s21, $0x140;
	s0 =	sshrl.u32 s0, $0x2  }
0x56: {  	p2 =	por !p3, p2;
	s2 =	sshrl.u32 s2, $0x2;
	s0 =	sadd.s32 $0xA938, s0  }
0x57: {  	s23 =	simm.s32 $0x0;
	s21 =	simm.s32 @p2 $0x140;
	s22 =	sadd.s32 $0xAF78, s2;
	v1 =	vmov s0  }
.LBB2_5:
0x58: {  	p2 =	sge.s32 s23, s21  }
.Ltmp5:
0x59: {  	_ = 	snop;
	(pc) =	sbr.rel @p2 .LBB2_9-.Ltmp5, $2  }
0x5a: {  	_ =	sdelay $0x2  }
0x5b: {  	s22 =	sadd.s32 $0x800, s22  }
.LBB2_6:
0x5c: {  	p2 =	sle.s32 s21, s23  }
.Ltmp6:
0x5d: {  	_ = 	snop;
	(pc) =	sbr.rel @p2 .LBB2_5-.Ltmp6, $2  }
0x5e: {  	_ =	sdelay $0x2  }
0x5f: {  	s24 =	smov.u32 s23;
	s23 =	sadd.s32 $0x10, s23  }
0x60: {  	s0 =	ssub.s32 s21, s24  }
0x61: {  	p2 =	slt.s32 s0, $0x10  }
0x62: {  	s0 =	simm.s32 @!p2 $0x10  }
0x63: {  	v2 =	vmov s0  }
0x64: {  	vm0 =	vgt.s32 v2, v0;
	_ =	sdelay $0x5  }
0x65: {  	v2 =	vld.idx.msk [tilespmem:v1+s24+$0x0 ss:$0x1], vm0;
	_ =	sdelay $0x2  }
0x66: {  	p2 =	slt.s32 s23, s21;
	s0 =	smov.u32 s21  }
0x67: {  	s2 =	smov.u32 s22;
	s25 =	simm.s32 $0x0;
	s0 =	smov.u32 @p2 s23  }
.LBB2_8:
0x68: {  	(v2sf) =	vpush v2, s25;
	_ =	sdelay $0xc  }
0x69: {  	s25 =	sadd.s32 $0x1, s25  }
0x6a: {  	s31 =	sadd.s32 s25, s24  }
0x6b: {  	p2 =	slt.s32 s31, s0;
	s8 =	spop (v2sf)  }
.Ltmp7:
0x6c: {  	s8 =	sshll.u32 s8, $0x4;
	(pc) =	sbr.rel @p2 .LBB2_8-.Ltmp7, $4  }
0x6d: {  	s8 =	sand.u32 $0x1FFFFFF0, s8  }
0x6e: {  	s8 =	sadd.s32 s4, s8  }
0x6f: {  	[tilespmem:s2], [sflag:$0x7] =	stream.linear.gather [hbm4b:s8+s15], $0x40, $0x38;
	[tilespmem:$0x1EF78] =	vst v63  }
0x70: {  	s2 =	sadd.s32 $0x80, s2  }
.Ltmp8:
0x71: {  	_ = 	snop;
	(pc) =	sbr.rel .LBB2_5-.Ltmp8, $1  }
0x72: {  	_ =	sdelay $0x3  }
.LBB2_9:
0x73: {  	p2 =	slt.u32 s19, $0x2  }
.Ltmp9:
0x74: {  	_ = 	snop;
	(pc) =	sbr.rel @p2 .LBB2_27-.Ltmp9, $1  }
0x75: {  	_ =	sdelay $0x3  }
0x76: {  	p2 =	sgt.s32 s20, $0x507D0;
	s0 =	smov.u32 s20  }
0x77: {  	s2 =	sshra.s32 s20, $0x1F;
	s8 =	ssub.s32 $0x50910, s20;
	s0 =	simm.s32 @!p2 $0x507D0  }
0x78: {  	s2 =	sand.u32 s2, s20;
	p2 =	slt.s32 s8, $0x140;
	s21 =	smov.u32 s8  }
0x79: {  	s0 =	ssub.s32 s0, s2;
	s21 =	simm.s32 @!p2 $0x140  }
0x7a: {  	s0 =	sadd.s32 $0xFFFAF830, s0;
	s26 =	sshll.u32 s21, $0x6  }
0x7b: {  	s9 =	simm.s32 $0x7;
	s29 =	sshll.u32 s0, $0x2;
	s2 =	sand.u32 $0x3FFFFFC0, s26  }
0x7c: {  	p2 =	sgt.s32 s0, $0x13F;
	s30 =	ssub.s32 $0x500, s29;
	_ =	swait.ge [sflag:s9], s2  }
0x7d: {  	s2 =	ssub.s32 $0x0, s2;
	[sflag:s9] =	ssyncset.done $0x0;
	s0 =	sshrl.u32 s30, $0x2  }
0x7e: {  	[sflag:s9] =	ssyncadd.s32 s2;
	s0 =	simm.s32 @p2 $0x0  }
0x7f: {  	_ =	swait.ge [sflag:s10], s0  }
0x80: {  	s0 =	ssub.s32 $0x0, s0;
	[sflag:s10] =	ssyncset.done $0x0  }
0x81: {  	[sflag:s10] =	ssyncadd.s32 s0  }
0x82: {  	v1 =	vld [tilespmem:$0xA108];
	_ =	sdelay $0x4  }
0x83: {  	(v2sf) =	vpush v1, $0x0  }
0x84: {  	(v2sf) =	vpush v1, $0x1  }
0x85: {  	(v2sf) =	vpush v1, $0x2;
	_ =	sdelay $0x3  }
0x86: {  	s0 =	sadd.s32 $0x140, s20  }
0x87: {  	p2 =	slt.s32 s7, s0  }
0x88: {  	s0 =	smov.u32 @p2 s7;
	p2 =	sgt.s32 s8, $0x0  }
0x89: {  	s24 =	ssub.s32 s0, s20;
	s8 =	simm.s32 @!p2 $0x0  }
0x8a: {  	p2 =	slt.s32 s8, s24  }
0x8b: {  	s24 =	smov.u32 @p2 s8  }
0x8c: {  	s23 =	simm.s32 $0x1;
	p2 =	slt.s32 s24, $0x1  }
.Ltmp10:
0x8d: {  	s23 =	simm.s32 @!p1 $0x0;
	(pc) =	sbr.rel @p2 .LBB2_14-.Ltmp10, $4  }
0x8e: {  	s31 =	smul.u32 $0x500, s23  }
0x8f: {  	s25 =	spop (v2sf)  }
0x90: {  	s0 =	sshrl.u32 s31, $0x2;
	s28 =	spop (v2sf)  }
0x91: {  	s21 =	sadd.s32 $0xACF8, s0;
	s20 =	spop (v2sf)  }
0x92: {  	s0 =	smin.u32 s24, $0x10  }
0x93: {  	v1 =	vmov s0  }
0x94: {  	p3 =	sgt.s32 s24, $0x10;
	vm1 =	vgt.u32 v1, v0  }
.Ltmp11:
0x95: {  	_ = 	snop;
	(pc) =	sbr.rel @!p3 .LBB2_13-.Ltmp11, $2  }
0x96: {  	_ =	sdelay $0x2  }
0x97: {  	s26 =	simm.s32 $0x10;
	s29 =	sadd.s32 $0xFFFFFFF0, s24;
	s22 =	smov.u32 s21;
	vm0 =	vmmov vm1  }
.LBB2_12:
0x98: {  	s0 =	smin.u32 s29, $0x10;
	s26 =	sadd.s32 $0x10, s26;
	v1 =	vld.msk [tilespmem:s22+$0x0 ss:$0x1], vm1  }
0x99: {  	v2 =	vmov s0;
	p3 =	slt.s32 s26, s24  }
0x9a: {  	vm1 =	vgt.u32 v2, v0  }
.Ltmp12:
0x9b: {  	(pc) =	sbr.rel @p3 .LBB2_12-.Ltmp12, $3  }
0x9c: {  	_ =	sdelay $0x1  }
0x9d: {  	v1 =	vshll.u32 v1, $0x4  }
0x9e: {  	s29 =	sadd.s32 $0xFFFFFFF0, s29;
	[tilespmem:s22+$0x0] =	vst.msk vm0, v1;
	s22 =	sadd.s32 $0x10, s22;
	vm0 =	vmmov vm1  }
.LBB2_13:
0x9f: {  	_ =	sdelay $0x4  }
0xa0: {  	v1 =	vld.msk [tilespmem:s22+$0x0 ss:$0x1], vm1;
	_ =	sdelay $0x4  }
0xa1: {  	v1 =	vshll.u32 v1, $0x4  }
0xa2: {  	[tilespmem:s22+$0x0] =	vst.msk vm0, v1  }
.LBB2_14:
0xa3: {  	s0 =	sand.u32 $0x1, s19  }
0xa4: {  	s0 =	smul.u32 $0x140, s0  }
0xa5: {  	p3 =	sne.s32 s28, $0xFFFFFFFF  }
0xa6: {  	v1 =	vld.msk @!p3 [tilespmem:s0+$0xACF8], $0x1;
	_ =	sdelay $0x4  }
0xa7: {  	(v2sf) =	vpush @!p3 v1, $0x0;
	_ =	sdelay $0xc  }
.Ltmp13:
0xa8: {  	_ = 	snop;
	(pc) =	sbr.rel @p2 .LBB2_25-.Ltmp13, $4  }
0xa9: {  	_ = 	snop  }
0xaa: {  	s26 =	spop @!p3 (v2sf)  }
0xab: {  	s20 =	simm.s32 @!p3 $0x0;
	s22 =	smov.u32 s26  }
0xac: {  	[sflag:s16] =	ssyncpa.u1 $0x0;
	s26 =	smov.u32 @p3 s25;
	s22 =	smov.u32 @p3 s28  }
0xad: {  	v1 =	vld.msk [tilespmem:s21+$0x0], $0x1;
	_ =	sdelay $0x4  }
0xae: {  	(v2sf) =	vpush v1, $0x0;
	_ =	sdelay $0xe  }
0xaf: {  	s0 =	smul.u32 $0x28000, s23;
	s30 =	spop (v2sf)  }
0xb0: {  	s24 =	ssub.s32 $0x0, s24;
	p2 =	seq.s32 s26, s30  }
0xb1: {  	s28 =	sadd.s32 $0x1, s24;
	s0 =	sshrl.u32 s0, $0x2;
	p3 =	sgt.s32 @!p2 s26, $0x0  }
0xb2: {  	s23 =	sadd.s32 $0xAF98, s0;
	s0 =	smov.u32 s26;
	p3 =	por !p3, p2  }
0xb3: {  	s0 =	simm.s32 @p3 $0x0;
	p3 =	seq.s32 s28, $0x0  }
.Ltmp14:
0xb4: {  	_ = 	snop;
	(pc) =	sbr.rel @p3 .LBB2_17-.Ltmp14, $4  }
0xb5: {  	_ = 	snop  }
0xb6: {  	s25 =	simm.s32 $0x0;
	s31 =	simm.s32 @!p2 $0x1;
	s2 =	smin.u32 @!p2 s0, $0x270F8  }
0xb7: {  	s29 =	sadd.s32 $0x1, s21;
	s31 =	smov.u32 @p2 s25;
	s8 =	sand.u32 @!p2 $0x3FFF8, s2  }
0xb8: {  	s0 =	simm.s32 @!p2 $0x50C8;
	s2 =	sand.u32 @!p2 $0x7, s2;
	s8 =	sadd.s32 @!p2 s1, s8  }
.LBB2_16:
0xb9: {  	s9 =	smov.u32 s31  }
0xba: {  	[tilespmem:s0], [sflag:$0x2] =	stream.linear.gather @!p2 [hbm4b:s8+s2], $0x40, $0x38;
	[tilespmem:$0x1EF78] =	vst v63  }
0xbb: {  	s28 =	sadd.s32 $0x1, s28;
	s2 =	smov.u32 s30;
	v1 =	vld.msk [tilespmem:s29+$0x0], $0x1  }
0xbc: {  	p3 =	seq.s32 s28, $0x0;
	_ =	sdelay $0x3  }
0xbd: {  	(v2sf) =	vpush v1, $0x0;
	_ =	sdelay $0xe  }
0xbe: {  	s30 =	spop (v2sf)  }
0xbf: {  	p2 =	seq.s32 s2, s30  }
0xc0: {  	p4 =	sgt.s32 @!p2 s2, $0x0;
	s0 =	sshll.u32 @!p2 s31, $0x8;
	s31 =	sadd.s32 @!p2 $0x1, s31  }
.Ltmp15:
0xc1: {  	p4 =	por !p4, p2;
	s0 =	sshra.s32 @!p2 s0, $0x2;
	(pc) =	sbr.rel @!p3 .LBB2_16-.Ltmp15, $4  }
0xc2: {  	s31 =	smov.u32 @p2 s9;
	s2 =	simm.s32 @p4 $0x0;
	s0 =	sadd.s32 @!p2 $0x50C8, s0  }
0xc3: {  	s2 =	smin.u32 @!p2 s2, $0x270F8  }
0xc4: {  	s8 =	sand.u32 @!p2 $0x3FFF8, s2;
	s2 =	sand.u32 @!p2 $0x7, s2  }
0xc5: {  	s29 =	sadd.s32 $0x1, s29;
	s8 =	sadd.s32 @!p2 s1, s8  }
.LBB2_17:
0xc6: {  	[tilespmem:s0], [sflag:$0x2] =	stream.linear.gather @!p2 [hbm4b:s8+s2], $0x40, $0x38;
	[tilespmem:$0x1EF78] =	vst v63  }
.Ltmp16:
0xc7: {  	s30 =	sshll.u32 s31, $0x6;
	(pc) =	sbr.rel .LBB2_18-.Ltmp16, $4  }
0xc8: {  	s31 =	simm.s32 $0x2;
	s0 =	sand.u32 $0x3FFFFFC0, s30  }
0xc9: {  	_ =	swait.ge [sflag:s31], s0  }
0xca: {  	s0 =	ssub.s32 $0x0, s0;
	[sflag:s31] =	ssyncset.done $0x0  }
0xcb: {  	s29 =	simm.s32 $0x0;
	[sflag:s31] =	ssyncadd.s32 s0  }
.LBB2_19:
0xcc: {  	v1 =	vld [tilespmem:s23+$0xFFFFFFE0];
	_ =	sdelay $0x4  }
0xcd: {  	[tilespmem:s30+$0x88] =	vst.add.f32.msk $0xffff, v1  }
0xce: {  	v1 =	vld [tilespmem:s23+$0xFFFFFFF0];
	_ =	sdelay $0x4  }
0xcf: {  	[tilespmem:s30+$0x98] =	vst.add.f32.msk $0xffff, v1  }
0xd0: {  	v1 =	vld [tilespmem:s23+$0x0];
	_ =	sdelay $0x4  }
0xd1: {  	[tilespmem:s30+$0xA8] =	vst.add.f32.msk $0xffff, v1  }
0xd2: {  	v1 =	vld [tilespmem:s23+$0x10];
	_ =	sdelay $0x4  }
0xd3: {  	[tilespmem:s30+$0xB8] =	vst.add.f32.msk $0xffff, v1  }
.LBB2_23:
0xd4: {  	s24 =	sadd.s32 $0x1, s24  }
0xd5: {  	p2 =	seq.s32 s24, $0x0  }
.Ltmp17:
0xd6: {  	_ = 	snop;
	(pc) =	sbr.rel @p2 .LBB2_24-.Ltmp17, $2  }
0xd7: {  	_ =	sdelay $0x2  }
0xd8: {  	s23 =	sadd.s32 $0x80, s23;
	s21 =	sadd.s32 $0x1, s21;
	s26 =	smov.u32 s28  }
.LBB2_18:
0xd9: {  	v1 =	vld.msk [tilespmem:s21+$0x0], $0x1;
	_ =	sdelay $0x4  }
0xda: {  	(v2sf) =	vpush v1, $0x0;
	_ =	sdelay $0xe  }
0xdb: {  	s28 =	spop (v2sf)  }
0xdc: {  	p2 =	sne.s32 s26, s28  }
.Ltmp18:
0xdd: {  	_ = 	snop;
	(pc) =	sbr.rel @!p2 .LBB2_19-.Ltmp18, $3  }
0xde: {  	_ =	sdelay $0x1  }
0xdf: {  	s0 =	sshll.u32 s20, $0x8  }
0xe0: {  	s30 =	sshra.s32 s0, $0x2  }
0xe1: {  	p2 =	seq.s32 s26, s22  }
.Ltmp19:
0xe2: {  	_ = 	snop;
	(pc) =	sbr.rel @!p2 .LBB2_21-.Ltmp19, $1  }
0xe3: {  	_ =	sdelay $0x3  }
.Ltmp20:
0xe4: {  	s0 =	sadd.s32 $0x88, s30;
	(pc) =	sbr.rel .LBB2_22-.Ltmp20, $4  }
0xe5: {  	[spmem:s13] =	stream.linear.scatter [tilespmem:s0], [sflag:$0x1], $0x40, $0x38;
	[tilespmem:$0x1EF78] =	vst v63  }
0xe6: {  	_ =	swait.ge [sflag:s11], $0x40  }
0xe7: {  	[sflag:s11] =	ssyncset.done $0x0  }
0xe8: {  	[sflag:s11] =	ssyncadd.s32 $0xFFFFFFC0  }
.LBB2_21:
0xe9: {  	s0 =	sshll.u32 s25, $0x8  }
0xea: {  	s0 =	sshra.s32 s0, $0x2  }
0xeb: {  	v1 =	vld [tilespmem:s0+$0x50C8];
	_ =	sdelay $0x4  }
0xec: {  	[tilespmem:s30+$0x88] =	vst.add.f32.msk $0xffff, v1  }
0xed: {  	v1 =	vld [tilespmem:s0+$0x50D8];
	_ =	sdelay $0x4  }
0xee: {  	[tilespmem:s30+$0x98] =	vst.add.f32.msk $0xffff, v1  }
0xef: {  	v1 =	vld [tilespmem:s0+$0x50E8];
	_ =	sdelay $0x4  }
0xf0: {  	[tilespmem:s30+$0xA8] =	vst.add.f32.msk $0xffff, v1  }
0xf1: {  	v1 =	vld [tilespmem:s0+$0x50F8];
	_ =	sdelay $0x2  }
0xf2: {  	p2 =	sgt.u32 s26, $0x270F8  }
0xf3: {  	s0 =	sand.u32 @!p2 $0x3FFF8, s26  }
0xf4: {  	s2 =	sadd.s32 $0x88, s30;
	s8 =	sand.u32 @!p2 $0x7, s26;
	s0 =	sadd.s32 @!p2 s1, s0;
	[tilespmem:s30+$0xB8] =	vst.add.f32.msk $0xffff, v1  }
0xf5: {  	[hbm4b:s0+s8] =	stream.linear.scatter @!p2 [tilespmem:s2], [sflag:$0xA], $0x40, $0x38;
	[tilespmem:$0x1EF78] =	vst v63  }
0xf6: {  	s0 =	simm.s32 $0x0  }
0xf7: {  	s0 =	simm.s32 @!p2 $0x100  }
0xf8: {  	s29 =	sadd.s32 s0, s29  }
.LBB2_22:
0xf9: {  	s0 =	sadd.s32 $0x1, s20  }
0xfa: {  	s2 =	smulhi.u32 $0xCCCCCCCD, s0;
	_ =	sdelay $0x1  }
0xfb: {  	v1 =	vld [tilespmem:s23+$0xFFFFFFE0];
	s2 =	sshrl.u32 s2, $0x8  }
0xfc: {  	s2 =	smul.u32 $0x140, s2;
	_ =	sdelay $0x1  }
0xfd: {  	s20 =	ssub.s32 s0, s2  }
0xfe: {  	s0 =	sshll.u32 s20, $0x6  }
0xff: {  	[tilespmem:s0+$0x88] =	vst v1  }
0x100: {  	v1 =	vld [tilespmem:s23+$0xFFFFFFF0];
	_ =	sdelay $0x4  }
0x101: {  	[tilespmem:s0+$0x98] =	vst v1  }
0x102: {  	v1 =	vld [tilespmem:s23+$0x0];
	_ =	sdelay $0x4  }
0x103: {  	[tilespmem:s0+$0xA8] =	vst v1  }
0x104: {  	v1 =	vld [tilespmem:s23+$0x10]  }
.Ltmp21:
0x105: {  	_ = 	snop;
	(pc) =	sbr.rel .LBB2_23-.Ltmp21, $2  }
0x106: {  	_ =	sdelay $0x2  }
0x107: {  	s25 =	sadd.s32 $0x1, s25;
	[tilespmem:s0+$0xB8] =	vst v1  }
.LBB2_25:
.Ltmp22:
0x108: {  	(pc) =	sbr.rel .LBB2_26-.Ltmp22, $4  }
0x109: {  	_ = 	snop  }
0x10a: {  	s0 =	simm.s32 $0x2  }
0x10b: {  	_ =	swait.ge [sflag:s0], $0x0  }
0x10c: {  	s28 =	smov.u32 s26;
	[sflag:s0] =	ssyncset.done $0x0;
	s0 =	simm.s32 $0x0  }
.LBB2_28:
0x10d: {  	_ =	sfence.sel $0x180000  }
0x10e: {  	s0 =	simm.s32 $0x7;
	[bflag:$0x0] =	sbarrier.arrive $0xFFFF  }
0x10f: {  	s25 =	simm.s32 $0x8;
	[sflag:s0] =	ssyncpa.u1 $0x1  }
0x110: {  	s26 =	simm.s32 $0x9;
	[sflag:s25] =	ssyncpa.u1 $0x1  }
0x111: {  	s28 =	simm.s32 $0x2;
	[sflag:s26] =	ssyncpa.u1 $0x1  }
0x112: {  	[sflag:s28] =	ssyncpa.u1 $0x1  }
0x113: {  	v0 =	vld [tilespmem:$0xA108];
	_ =	sdelay $0x4  }
0x114: {  	(v2sf) =	vpush v0, $0x0  }
0x115: {  	(v2sf) =	vpush v0, $0x1;
	_ =	sdelay $0x1  }
0x116: {  	(v2sf) =	vpush v0, $0x2;
	_ =	sdelay $0xb  }
0x117: {  	s0 =	spop (v2sf)  }
0x118: {  	s2 =	spop (v2sf)  }
0x119: {  	s3 =	smov.u32 s0;
	p0 =	sne.s32 s0, s2  }
0x11a: {  	s4 =	spop (v2sf);
	s3 =	simm.s32 @!p0 $0xFFFFFFFF  }
0x11b: {  	v2 =	vimm.s32 $0x1;
	v3 =	vlaneseq.u32;
	p0 =	seq.s32 s4, $0xFFFFFFFF;
	v1 =	vmov s3  }
0x11c: {  	s7 =	stileid.u32;
	v0 =	vperm.xlane v0, v2;
	p1 =	sne.s32 @!p0 s0, s2;
	v1 =	vperm.xlane v1, v3  }
0x11d: {  	vm0 =	vcmask $0x3F04;
	s6 =	simm.s32 $0xA108;
	s0 =	simm.s32 @!p0 $0x1;
	p1 =	por !p1, p0  }
0x11e: {  	s3 =	sshll.u32 s7, $0x1;
	s2 =	sshll.u32 @!p0 s4, $0x8;
	s0 =	simm.s32 @p1 $0x0;
	v0 =	vsel vm0, v1, v0  }
0x11f: {  	s5 =	sor.u32 $0x800, s3;
	s2 =	sshra.s32 @!p0 s2, $0x2;
	s0 =	sor.u32 @!p0 s0, s3;
	[tilespmem:$0xA108] =	vst v0  }
0x120: {  	[spmem:s5] =	stream.linear.scatter [tilespmem:s6], [sflag:$0x1], $0x2, $0x38;
	[tilespmem:$0x1EF78] =	vst v63  }
0x121: {  	s2 =	sadd.s32 @!p0 $0x88, s2;
	s0 =	sshll.u32 @!p0 s0, $0x6  }
0x122: {  	[spmem:s0] =	stream.linear.scatter @!p0 [tilespmem:s2], [sflag:$0x1], $0x40, $0x38;
	[tilespmem:$0x1EF78] =	vst v63  }
0x123: {  	s2 =	simm.s32 @!p0 $0x42  }
0x124: {  	s0 =	simm.s32 $0x1;
	s2 =	simm.s32 @p0 $0x2  }
0x125: {  	_ =	swait.ge [sflag:s0], s2  }
0x126: {  	s2 =	ssub.s32 $0x0, s2;
	[sflag:s0] =	ssyncset.done $0x0  }
0x127: {  	[sflag:s0] =	ssyncadd.s32 s2  }
0x128: {  	_ =	sfence.stream.spmem  }
0x129: {  	s29 =	simm.s32 $0x3;
	[bflag:$0x0] =	sbarrier.arrive $0xFFFF  }
0x12a: {  	s30 =	simm.s32 $0x4;
	[sflag:s29] =	ssyncpa.u1 $0x1  }
0x12b: {  	s31 =	simm.s32 $0x3C;
	[sflag:s30] =	ssyncpa.u1 $0x1  }
0x12c: {  	p0 =	sne.s32 s7, $0x0;
	[sflag:s31] =	ssyncpa.u1 $0x1  }
0x12d: {  	_ =	sfence @p0  }
0x12e: {  	[sflag:s0] =	ssyncpa.u1 @p0 $0x1  }
0x12f: {  	_ =	strace @p0 $0x9000004A  }
0x130: {  	[bflag:$0x2] =	sbarrier.arrive @p0 $0xFFFF  }
0x131: {  	_ =	shalt @p0  }
.LBB2_29:
0x132: {  	_ =	sfence.stream.spmem;
	s0 =	simm.s32 $0x5  }
0x133: {  	s2 =	simm.s32 $0x800;
	s3 =	simm.s32 $0xA118;
	[sflag:s0] =	ssyncpa.u1 $0x0  }
0x134: {  	[tilespmem:s3], [sflag:$0x5] =	stream.linear.gather [spmem:s2], $0x20, $0x38;
	[tilespmem:$0x1EF78] =	vst v63  }
0x135: {  	s30 =	simm.s32 $0xA138;
	s2 =	simm.s32 $0x0  }
0x136: {  	[tilespmem:s30], [sflag:$0x5] =	stream.linear.gather [spmem:s2], $0x800, $0x38;
	[tilespmem:$0x1EF78] =	vst v63  }
.Ltmp23:
0x137: {  	_ = 	snop;
	(pc) =	sbr.rel .LBB2_30-.Ltmp23, $4  }
0x138: {  	_ =	swait.ge [sflag:s0], $0x820  }
0x139: {  	[sflag:s0] =	ssyncset.done $0x0  }
0x13a: {  	s31 =	simm.s32 $0x6;
	[sflag:s0] =	ssyncadd.s32 $0xFFFFF7E0  }
0x13b: {  	s3 =	simm.s32 $0x0;
	[sflag:s31] =	ssyncpa.u1 $0x0  }
.LBB2_36:
0x13c: {  	p0 =	slt.u32 s4, $0x270F9  }
0x13d: {  	s0 =	sand.u32 @p0 $0x3FFF8, s4  }
0x13e: {  	s4 =	sand.u32 @p0 $0x7, s4;
	s5 =	simm.s32 @p0 $0xA0C8;
	s0 =	sadd.s32 @p0 s1, s0  }
0x13f: {  	[tilespmem:s5], [sflag:$0x6] =	stream.linear.gather @p0 [hbm4b:s0+s4], $0x40, $0x38;
	[tilespmem:$0x1EF78] =	vst v63  }
0x140: {  	s0 =	simm.s32 @p0 $0x6  }
0x141: {  	_ =	swait.ge @p0 [sflag:s0], $0x40  }
0x142: {  	[sflag:s0] =	ssyncset.done @p0 $0x0  }
0x143: {  	[sflag:s0] =	ssyncadd.s32 @p0 $0xFFFFFFC0  }
0x144: {  	v1 =	vld @p0 [tilespmem:$0xA0C8];
	_ =	sdelay $0x2  }
0x145: {  	s0 =	sshll.u32 @p0 s3, $0x8  }
0x146: {  	s4 =	sshrl.u32 @p0 s0, $0x2  }
0x147: {  	[tilespmem:s4+$0xA138] =	vst.add.f32.msk @p0 $0xffff, v1  }
0x148: {  	v1 =	vld @p0 [tilespmem:$0xA0D8];
	_ =	sdelay $0x4  }
0x149: {  	[tilespmem:s4+$0xA148] =	vst.add.f32.msk @p0 $0xffff, v1  }
0x14a: {  	v1 =	vld @p0 [tilespmem:$0xA0E8];
	_ =	sdelay $0x4  }
0x14b: {  	[tilespmem:s4+$0xA158] =	vst.add.f32.msk @p0 $0xffff, v1  }
0x14c: {  	v1 =	vld @p0 [tilespmem:$0xA0F8];
	_ =	sdelay $0x3  }
0x14d: {  	s5 =	sshll.u32 @!p0 s3, $0x8  }
0x14e: {  	s5 =	smov.u32 @p0 s0;
	[tilespmem:s4+$0xA168] =	vst.add.f32.msk @p0 $0xffff, v1  }
0x14f: {  	s0 =	sshrl.u32 s5, $0x2;
	[tilespmem:s2+$0xA118] =	vst.msk $0x1, v0  }
0x150: {  	v0 =	vld [tilespmem:s0+$0xA138];
	_ =	sdelay $0x2  }
0x151: {  	s31 =	sshll.u32 s2, $0x8  }
0x152: {  	s4 =	sshra.s32 s31, $0x2  }
0x153: {  	[tilespmem:s4+$0xA138] =	vst v0  }
0x154: {  	v0 =	vld [tilespmem:s0+$0xA148];
	_ =	sdelay $0x4  }
0x155: {  	[tilespmem:s4+$0xA148] =	vst v0  }
0x156: {  	v0 =	vld [tilespmem:s0+$0xA158];
	_ =	sdelay $0x4  }
0x157: {  	[tilespmem:s4+$0xA158] =	vst v0  }
0x158: {  	v0 =	vld [tilespmem:s0+$0xA168];
	_ =	sdelay $0x4  }
0x159: {  	s2 =	sadd.s32 $0x1, s2;
	[tilespmem:s4+$0xA168] =	vst v0  }
.LBB2_37:
0x15a: {  	s3 =	sadd.s32 $0x1, s3  }
0x15b: {  	p0 =	sne.s32 s3, $0x20  }
.Ltmp24:
0x15c: {  	_ = 	snop;
	(pc) =	sbr.rel @!p0 .LBB2_38-.Ltmp24, $1  }
0x15d: {  	_ =	sdelay $0x3  }
.LBB2_30:
0x15e: {  	v0 =	vld.msk [tilespmem:s3+$0xA118], $0x1;
	_ =	sdelay $0x4  }
0x15f: {  	(v2sf) =	vpush v0, $0x0;
	_ =	sdelay $0xe  }
0x160: {  	s4 =	spop (v2sf)  }
0x161: {  	p0 =	seq.s32 s4, $0xFFFFFFFF  }
.Ltmp25:
0x162: {  	_ = 	snop;
	(pc) =	sbr.rel @p0 .LBB2_37-.Ltmp25, $1  }
0x163: {  	_ =	sdelay $0x3  }
0x164: {  	p0 =	slt.s32 s2, $0x1  }
.Ltmp26:
0x165: {  	_ = 	snop;
	(pc) =	sbr.rel @p0 .LBB2_36-.Ltmp26, $1  }
0x166: {  	_ =	sdelay $0x3  }
0x167: {  	s5 =	simm.s32 $0xA118;
	p0 =	por $0x0, $0x0  }
0x168: {  	v1 =	vld.msk @!p0 [tilespmem:s5+$0x0], $0x1;
	_ =	sdelay $0x4  }
0x169: {  	(v2sf) =	vpush @!p0 v1, $0x0;
	_ =	sdelay $0xd  }
0x16a: {  	p2 =	sne.s32 s2, $0x1  }
.Ltmp27:
0x16b: {  	s0 =	spop @!p0 (v2sf);
	(pc) =	sbr.rel @!p2 .LBB2_34-.Ltmp27, $4  }
0x16c: {  	p1 =	seq.s32 @!p0 s4, s0  }
0x16d: {  	s6 =	simm.s32 $0x0;
	p1 =	por !p1, p0  }
0x16e: {  	s0 =	simm.s32 $0xFFFFFFFF;
	s6 =	simm.s32 @p1 $0xFFFFFFFF  }
0x16f: {  	s7 =	simm.s32 $0x1;
	s6 =	smov.u32 @p0 s0  }
.LBB2_33:
0x170: {  	s0 =	smov.u32 s6;
	p0 =	sne.s32 s6, $0xFFFFFFFF  }
0x171: {  	s5 =	sadd.s32 $0x1, s5;
	s6 =	smov.u32 s7;
	s7 =	sadd.s32 $0x1, s7  }
0x172: {  	p1 =	sne.s32 s2, s7;
	v1 =	vld.msk @!p0 [tilespmem:s5+$0x0], $0x1;
	_ =	sdelay $0x4  }
0x173: {  	(v2sf) =	vpush @!p0 v1, $0x0;
	_ =	sdelay $0xe  }
.Ltmp28:
0x174: {  	s8 =	spop @!p0 (v2sf);
	(pc) =	sbr.rel @p1 .LBB2_33-.Ltmp28, $4  }
0x175: {  	p2 =	seq.s32 @!p0 s4, s8  }
0x176: {  	p2 =	por !p2, p0  }
0x177: {  	s6 =	simm.s32 @p2 $0xFFFFFFFF  }
0x178: {  	s6 =	smov.u32 @p0 s0  }
.LBB2_34:
0x179: {  	p0 =	seq.s32 s6, $0xFFFFFFFF  }
.Ltmp29:
0x17a: {  	_ = 	snop;
	(pc) =	sbr.rel @p0 .LBB2_36-.Ltmp29, $1  }
0x17b: {  	_ =	sdelay $0x3  }
0x17c: {  	s0 =	sshll.u32 s3, $0x6  }
0x17d: {  	s0 =	sand.u32 $0x3FFFFFC0, s0  }
0x17e: {  	v0 =	vld [tilespmem:s0+$0xA138];
	_ =	sdelay $0x2  }
0x17f: {  	s4 =	sshll.u32 s6, $0x8  }
0x180: {  	s4 =	sshra.s32 s4, $0x2  }
0x181: {  	[tilespmem:s4+$0xA138] =	vst.add.f32.msk $0xffff, v0  }
0x182: {  	v0 =	vld [tilespmem:s0+$0xA148];
	_ =	sdelay $0x4  }
0x183: {  	[tilespmem:s4+$0xA148] =	vst.add.f32.msk $0xffff, v0  }
0x184: {  	v0 =	vld [tilespmem:s0+$0xA158];
	_ =	sdelay $0x4  }
0x185: {  	[tilespmem:s4+$0xA158] =	vst.add.f32.msk $0xffff, v0  }
0x186: {  	v0 =	vld [tilespmem:s0+$0xA168]  }
.Ltmp30:
0x187: {  	_ = 	snop;
	(pc) =	sbr.rel .LBB2_37-.Ltmp30, $2  }
0x188: {  	_ =	sdelay $0x2  }
0x189: {  	[tilespmem:s4+$0xA168] =	vst.add.f32.msk $0xffff, v0  }
.LBB2_38:
0x18a: {  	p0 =	slt.s32 s2, $0x1  }
.Ltmp31:
0x18b: {  	_ = 	snop;
	(pc) =	sbr.rel @p0 .LBB2_42-.Ltmp31, $3  }
0x18c: {  	_ =	sdelay $0x1  }
0x18d: {  	s0 =	simm.s32 $0x6  }
0x18e: {  	s3 =	simm.s32 $0x0;
	[sflag:s0] =	ssyncpa.u1 $0x1  }
0x18f: {  	s0 =	simm.s32 $0xA118  }
0x190: {  	v0 =	vld.msk [tilespmem:s0+$0x0], $0x1;
	_ =	sdelay $0x4  }
0x191: {  	(v2sf) =	vpush v0, $0x0;
	_ =	sdelay $0xe  }
0x192: {  	s2 =	sadd.s32 $0xFFFFFFFF, s2;
	s0 =	spop (v2sf)  }
0x193: {  	p1 =	sne.s32 s2, $0x0;
	p0 =	sgt.u32 s0, $0x270F8  }
.Ltmp32:
0x194: {  	s5 =	sand.u32 @!p0 $0x3FFF8, s0;
	(pc) =	sbr.rel @!p1 .LBB2_41-.Ltmp32, $4  }
0x195: {  	s4 =	simm.s32 $0xA138;
	s0 =	sand.u32 @!p0 $0x7, s0;
	s5 =	sadd.s32 @!p0 s1, s5  }
0x196: {  	[hbm4b:s5+s0] =	stream.linear.scatter @!p0 [tilespmem:s4], [sflag:$0x5], $0x40, $0x38;
	[tilespmem:$0x1EF78] =	vst v63  }
0x197: {  	s0 =	simm.s32 $0x0  }
0x198: {  	s5 =	simm.s32 $0xA119;
	s0 =	simm.s32 @!p0 $0x100  }
.LBB2_40:
0x199: {  	v0 =	vld.msk [tilespmem:s5+$0x0], $0x1;
	s2 =	sadd.s32 $0xFFFFFFFF, s2;
	s3 =	sadd.s32 s3, s0  }
0x19a: {  	p0 =	sne.s32 s2, $0x0;
	_ =	sdelay $0x3  }
0x19b: {  	(v2sf) =	vpush v0, $0x0;
	_ =	sdelay $0xe  }
.Ltmp33:
0x19c: {  	s6 =	spop (v2sf);
	(pc) =	sbr.rel @p0 .LBB2_40-.Ltmp33, $4  }
0x19d: {  	s0 =	simm.s32 $0x0;
	p1 =	sgt.u32 s6, $0x270F8  }
0x19e: {  	s4 =	sadd.s32 $0x40, s4;
	s0 =	simm.s32 @!p1 $0x100;
	s7 =	sand.u32 @!p1 $0x3FFF8, s6  }
0x19f: {  	s5 =	sadd.s32 $0x1, s5;
	s6 =	sand.u32 @!p1 $0x7, s6;
	s7 =	sadd.s32 @!p1 s1, s7  }
0x1a0: {  	[hbm4b:s7+s6] =	stream.linear.scatter @!p1 [tilespmem:s4], [sflag:$0x5], $0x40, $0x38;
	[tilespmem:$0x1EF78] =	vst v63  }
.LBB2_41:
0x1a1: {  	s0 =	sadd.s32 s3, s0  }
0x1a2: {  	s3 =	sshrl.u32 s0, $0x2  }
.LBB2_42:
0x1a3: {  	s0 =	simm.s32 $0x5  }
0x1a4: {  	_ =	swait.ge [sflag:s0], s3  }
0x1a5: {  	s1 =	ssub.s32 $0x0, s3;
	[sflag:s0] =	ssyncset.done $0x0  }
0x1a6: {  	[sflag:s0] =	ssyncadd.s32 s1  }
0x1a7: {  	[sflag:s0] =	ssyncpa.u1 $0x1  }
0x1a8: {  	s30 =	simm.s32 $0x1;
	_ =	sfence  }
0x1a9: {  	[sflag:s30] =	ssyncpa.u1 $0x1  }
0x1aa: {  	_ =	strace $0x9000004A  }
0x1ab: {  	[bflag:$0x2] =	sbarrier.arrive $0xFFFF  }
0x1ac: {  	s31 =	rddreg [dreg:$0x1]  }
0x1ad: {  	s0 =	sadd.s32 $0x100000, s31  }
0x1ae: {  	[sflag:s0] =	ssyncadd.tile.s32 $0x1;
	_ =	shalt  }
.Lfunc_end2:
_tile_overlayer_lowered:
.L_overlay_start_2:
0x1af: {  	(tag) =	ssettag $0x2  }
0x1b0: {  	s0 =	rddreg [dreg:$0x0];
	s2 =	stileid.u32  }
0x1b1: {  	s1 =	rddreg [dreg:$0x1];
	p0 =	sne.s32 s2, $0x0  }
0x1b2: {  	s3 =	rddreg [dreg:$0x2];
	[bflag:$0x3] =	sbarrier.arrive $0xFFFF;
	s2 =	simm.s32 @!p0 $0x1C01  }
0x1b3: {  	[timem:s3], [sflag:s2] =	dma.local @!p0 [hbm:s0], s1  }
0x1b4: {  	s0 =	simm.s32 @!p0 $0x1  }
0x1b5: {  	_ =	swait.ge @!p0 [sflag:s0], s1  }
0x1b6: {  	s1 =	ssub.s32 @!p0 $0x0, s1;
	[sflag:s0] =	ssyncset.done @!p0 $0x0  }
0x1b7: {  	[sflag:s0] =	ssyncadd.s32 @!p0 s1  }
0x1b8: {  	[bflag:$0x3] =	sbarrier.arrive $0xFFFF  }
0x1b9: {  	_ =	shalt  }

// kernel: scatter_offload_async_start.2
scs
__scs_entry_jumppad:
0x0: {  	(pc) =	sbr.rel $0x88, $3  }
0x1: {  	(tag) =	ssettag $0x0;
	lr =	simm.s32 $0x1  }
0x2: {  	[smem:$0x3F7D] =	sst lr;
	_ =	strace $0xD0000000  }
0x3: {  	_ = 	snop  }
0x4: {  	_ = 	snop  }
0x5: {  	_ = 	snop  }
0x6: {  	_ = 	snop  }
0x7: {  	_ = 	snop  }
__scs_overlays_trampoline_lowered:
0x8: {  	[smem:$0x3F8C] =	sst s0  }
0x9: {  	[smem:$0x3F8D] =	sst s1  }
0xa: {  	[smem:$0x3F8E] =	sst s2  }
0xb: {  	[smem:$0x3F8F] =	sst s3  }
0xc: {  	[smem:$0x3F90] =	sst s4  }
0xd: {  	[smem:$0x3F91] =	sst s5  }
0xe: {  	[smem:$0x3F92] =	sst s6  }
0xf: {  	[smem:$0x3F93] =	sst s7  }
0x10: {  	[smem:$0x3F94] =	sst s8  }
0x11: {  	[smem:$0x3F95] =	sst s9;
	s0 =	simm.s32 @!p0 $0x0  }
0x12: {  	s1 =	sld [smem:$0x3F7B];
	s0 =	simm.s32 @p0 $0x1  }
0x13: {  	[smem:$0x3F96] =	sst s0;
	s0 =	simm.s32 @!p1 $0x0  }
0x14: {  	s2 =	sld [smem:$0x3F7A];
	s0 =	simm.s32 @p1 $0x1  }
0x15: {  	[smem:$0x3F97] =	sst s0;
	s0 =	simm.s32 @!p2 $0x0  }
0x16: {  	s3 =	sld [smem:$0x3FDB];
	s0 =	simm.s32 @p2 $0x1  }
0x17: {  	s4 =	simm.s32 $0x1BF5;
	[smem:$0x3F99] =	sst s0  }
0x18: {  	s0 =	sld [smem:$0x3F7C];
	_ =	swait.ge [sflag:s4], $0x0  }
0x19: {  	s7 =	sld [smem:$0x3F7D]  }
0x1a: {  	s8 =	sadd.s32 $0xFFFFE003, lr  }
0x1b: {  	s9 =	sadd.s32 $0xFFFFFEF7, lr;
	s5 =	simm.s32 $0xFFFFFFFF;
	p2 =	slt.u32 s8, $0xFFFFF086  }
0x1c: {  	p1 =	slt.u32 s9, $0xF7A;
	s5 =	simm.s32 @!p2 $0x0  }
0x1d: {  	s5 =	simm.s32 @p1 $0x1;
	p0 =	seq.s32 s7, s2  }
0x1e: {  	s7 =	smul.u32 @!p0 $0xF7A, s2;
	p2 =	seq.s32 @!p0 s5, $0x0  }
0x1f: {  	s9 =	smul.u32 $0xF7A, s1;
	s8 =	simm.s32 @!p0 $0x1BF5;
	p2 =	por !p2, p0  }
0x20: {  	[sflag:s8] =	ssyncset.s32 @!p0 $0xFFFFF086;
	s6 =	sadd.s32 @!p0 s3, s7;
	s7 =	simm.s32 @!p0 $0x108  }
0x21: {  	s3 =	sadd.s32 s3, s9;
	s6 =	sadd.s32 @!p0 $0x88, s6;
	s7 =	simm.s32 @p2 $0x1082  }
0x22: {  	[simem:s7], [sflag:s8] =	dma.local @!p0 [hbm:s6], $0xF7A  }
0x23: {  	s9 =	sor.u32 $0xD0000000, s2;
	s6 =	simm.s32 $0x108;
	_ =	swait.ge @!p0 [sflag:s8], $0x0  }
0x24: {  	s3 =	sadd.s32 $0x88, s3;
	s6 =	simm.s32 @!p1 $0x1082;
	[sflag:s4] =	ssyncset.s32 $0xFFFFF086  }
0x25: {  	[simem:s6], [sflag:s4] =	dma.local [hbm:s3], $0xF7A  }
0x26: {  	[smem:$0x3F7D] =	sst s1;
	(tag) =	ssettag s2;
	_ =	strace s9  }
0x27: {  	s1 =	sld [smem:$0x3F8D]  }
0x28: {  	s2 =	sld [smem:$0x3F8E]  }
0x29: {  	s4 =	sld [smem:$0x3F90]  }
0x2a: {  	p0 =	seq.s32 s5, $0x0;
	s5 =	sld [smem:$0x3F91]  }
0x2b: {  	s6 =	sld [smem:$0x3F92]  }
0x2c: {  	s7 =	sld [smem:$0x3F93]  }
0x2d: {  	s3 =	simm.s32 $0x108;
	s8 =	sld [smem:$0x3F94]  }
0x2e: {  	s3 =	simm.s32 @!p0 $0x1082;
	s9 =	sld [smem:$0x3F95]  }
0x2f: {  	lr =	sadd.s32 s0, s3;
	s0 =	sld [smem:$0x3F8C]  }
0x30: {  	s3 =	sld [smem:$0x3F8F]  }
0x31: {  	[smem:$0x3F98] =	sst s10  }
0x32: {  	s10 =	sld [smem:$0x3F96];
	_ =	sdelay $0x3  }
0x33: {  	p0 =	seq.s32 s10, $0x1;
	s10 =	sld [smem:$0x3F98];
	_ =	sdelay $0x3  }
0x34: {  	[smem:$0x3F98] =	sst s10  }
0x35: {  	s10 =	sld [smem:$0x3F97];
	_ =	sdelay $0x3  }
0x36: {  	p1 =	seq.s32 s10, $0x1;
	s10 =	sld [smem:$0x3F98];
	_ =	sdelay $0x3  }
0x37: {  	[smem:$0x3F98] =	sst s10  }
0x38: {  	s10 =	sld [smem:$0x3F99]  }
0x39: {  	_ = 	snop;
	(pc) =	sbr.ind lr, $3  }
0x3a: {  	_ = 	snop  }
0x3b: {  	_ = 	snop  }
0x3c: {  	p2 =	seq.s32 s10, $0x1;
	s10 =	sld [smem:$0x3F98]  }
0x3d: {  	_ =	shalt  }
0x3e: {  	_ =	shalt  }
0x3f: {  	_ =	shalt  }
0x40: {  	_ =	shalt  }
0x41: {  	_ =	shalt  }
0x42: {  	_ =	shalt  }
0x43: {  	_ =	shalt  }
0x44: {  	_ =	shalt  }
0x45: {  	_ =	shalt  }
0x46: {  	_ =	shalt  }
0x47: {  	_ =	shalt  }
0x48: {  	_ =	shalt  }
0x49: {  	_ =	shalt  }
0x4a: {  	_ =	shalt  }
0x4b: {  	_ =	shalt  }
0x4c: {  	_ =	shalt  }
0x4d: {  	_ =	shalt  }
0x4e: {  	_ =	shalt  }
0x4f: {  	_ =	shalt  }
0x50: {  	_ =	shalt  }
0x51: {  	_ =	shalt  }
0x52: {  	_ =	shalt  }
0x53: {  	_ =	shalt  }
0x54: {  	_ =	shalt  }
0x55: {  	_ =	shalt  }
0x56: {  	_ =	shalt  }
0x57: {  	_ =	shalt  }
0x58: {  	_ =	shalt  }
0x59: {  	_ =	shalt  }
0x5a: {  	_ =	shalt  }
0x5b: {  	_ =	shalt  }
0x5c: {  	_ =	shalt  }
0x5d: {  	_ =	shalt  }
0x5e: {  	_ =	shalt  }
0x5f: {  	_ =	shalt  }
0x60: {  	_ =	shalt  }
0x61: {  	_ =	shalt  }
0x62: {  	_ =	shalt  }
0x63: {  	_ =	shalt  }
0x64: {  	_ =	shalt  }
0x65: {  	_ =	shalt  }
0x66: {  	_ =	shalt  }
0x67: {  	_ =	shalt  }
0x68: {  	_ =	shalt  }
0x69: {  	_ =	shalt  }
0x6a: {  	_ =	shalt  }
0x6b: {  	_ =	shalt  }
0x6c: {  	_ =	shalt  }
0x6d: {  	_ =	shalt  }
0x6e: {  	_ =	shalt  }
0x6f: {  	_ =	shalt  }
0x70: {  	_ =	shalt  }
0x71: {  	_ =	shalt  }
0x72: {  	_ =	shalt  }
0x73: {  	_ =	shalt  }
0x74: {  	_ =	shalt  }
0x75: {  	_ =	shalt  }
0x76: {  	_ =	shalt  }
0x77: {  	_ =	shalt  }
0x78: {  	_ =	shalt  }
0x79: {  	_ =	shalt  }
0x7a: {  	_ =	shalt  }
0x7b: {  	_ =	shalt  }
0x7c: {  	_ =	shalt  }
0x7d: {  	_ =	shalt  }
0x7e: {  	_ =	shalt  }
0x7f: {  	_ =	shalt  }
0x80: {  	_ =	shalt  }
0x81: {  	_ =	shalt  }
0x82: {  	_ =	shalt  }
0x83: {  	_ =	shalt  }
0x84: {  	_ =	shalt  }
0x85: {  	_ =	shalt  }
0x86: {  	_ =	shalt  }
0x87: {  	_ =	shalt  }
.Lfunc_end0:
.L_simem_size_0:
called_computation.2_lowered:
.L_overlay_start_0:
0x88: {  	s0 =	sld [smem:$0x3FD9]  }
0x89: {  	s1 =	sld [smem:$0x3FFE];
	_ =	sdelay $0x3  }
0x8a: {  	s0 =	sadd.s32 s1, s0  }
0x8b: {  	[smem:$0x3FA4] =	sst s0  }
0x8c: {  	_ = 	snop  }
0x8d: {  	(tm) =	ssettm $0x1  }
0x8e: {  	s15 =	sld [smem:$0x3FFB];
	_ =	sdelay $0x3  }
0x8f: {  	_ =	strace s15  }
0x90: {  	s0 =	sld [smem:$0x3FFC];
	_ =	sdelay $0x3  }
0x91: {  	_ =	strace s0  }
0x92: {  	s0 =	sld [smem:$0x3FFD];
	_ =	sdelay $0x3  }
0x93: {  	_ =	strace s0  }
0x94: {  	_ =	strace $0x8FFFFFFF  }
0x95: {  	s16 =	sld [smem:$0x3FDB];
	_ =	sdelay $0x1  }
0x96: {  	s17 =	simm.s32 $_scs_section_size  }
0x97: {  	s2 =	simm.s32 $_size__tile_overlayer_lowered;
	s3 =	simm.s32 $_tile_overlayer_lowered  }
0x98: {  	s20 =	simm.s32 $0x1BFF;
	s19 =	sshll.u32 s3, $0x1;
	s0 =	sadd.s32 s17, s16  }
0x99: {  	s4 =	simm.s32 $0x0;
	s18 =	sshll.u32 s2, $0x1;
	s2 =	sadd.s32 s19, s0  }
0x9a: {  	[timem:s4], [sflag:s20] =	dma.local [hbm:s2], s18  }
0x9b: {  	_ =	swait.ge [sflag:s20], s18  }
0x9c: {  	s1 =	ssub.s32 $0x0, s18;
	[sflag:s20] =	ssyncset.done $0x0  }
0x9d: {  	[sflag:s20] =	ssyncadd.s32 s1;
	_ =	sdelay $0x1  }
0x9e: {  	s21 =	simm.s32 $0x1B8B  }
0x9f: {  	_ =	swait.ge [sflag:s21], $0x1  }
0xa0: {  	[sflag:s21] =	ssyncset.done $0x0  }
0xa1: {  	s23 =	simm.s32 $0x1B8E;
	s22 =	sld [smem:$0x3FFE];
	[sflag:s21] =	ssyncadd.s32 $0xFFFFFFFF  }
0xa2: {  	s24 =	simm.s32 $execute0_lowered;
	[smem:$0x3FD2] =	sst s23  }
0xa3: {  	s2 =	sshll.u32 s24, $0x1;
	_ =	strace $0x8000004C;
	[dreg:$0x1] =	wrdreg $0xFFFFFFFF  }
0xa4: {  	s25 =	simm.s32 $_size_execute0_lowered;
	s0 =	sadd.s32 s0, s2;
	[dreg:$0x0] =	wrdreg $0x0  }
0xa5: {  	s2 =	sshll.u32 s25, $0x1;
	[dreg:$0x2] =	wrdreg s0  }
0xa6: {  	[dreg:$0x3] =	wrdreg s2  }
0xa7: {  	[dreg:$0x4] =	wrdreg $0xC0  }
0xa8: {  	_ =	task [dreg:s4], $0x5FFFF  }
0xa9: {  	[dreg:$0x1] =	wrdreg $0xFFFFFFFF  }
0xaa: {  	[dreg:$0x0] =	wrdreg $0x60  }
0xab: {  	[dreg:$0x2] =	wrdreg s22  }
0xac: {  	[dreg:$0x3] =	wrdreg $0x9  }
0xad: {  	_ =	task.clear_ibuf [dreg:s4], $0x4FFFF;
	_ =	strace $0x9000004C  }
0xae: {  	s26 =	simm.s32 $0x9;
	_ =	strace $0x8000004E  }
0xaf: {  	_ =	swait.ge [sflag:s26], $0x1  }
0xb0: {  	[sflag:s26] =	ssyncadd.s32 $0xFFFFFFFF  }
0xb1: {  	_ =	strace $0x9000004E  }
0xb2: {  	_ =	sfence  }
0xb3: {  	s28 =	sld [smem:$0x0];
	_ =	sdelay $0x1  }
0xb4: {  	s29 =	srdreg.scid  }
0xb5: {  	s30 =	sshll.u32 s29, $0xD;
	s31 =	sshrl.u32 s29, $0x2  }
0xb6: {  	s1 =	sand.u32 $0x1, s29;
	s2 =	sand.u32 $0x4000, s30;
	s0 =	sadd.s32 s31, s28  }
0xb7: {  	s1 =	sor.u32 s2, s1;
	s0 =	sshll.u32 s0, $0x11  }
0xb8: {  	s0 =	sor.u32 s0, s1  }
0xb9: {  	s0 =	sadd.s32 $0x8F2B, s0  }
0xba: {  	[sflag:s0] =	ssyncadd.remote.s32 $0x1  }
0xbb: {  	_ =	sfence.sel $0xFFFF  }
0xbc: {  	[dreg:$0x0] =	wrdreg $0xFFFFFFFF;
	(pc) =	sbr.abs _section_cstart, $3  }
0xbd: {  	[dreg:$0x1] =	wrdreg $0xFFFFFFFF  }
0xbe: {  	_ =	task.clear_ibuf [dreg:s4], $0x2FFFF;
	_ =	strace $0x9FFFFFFF  }
0xbf: {  	(tm) =	ssettm $0x7FFFFFFF  }
tec
execute0_lowered:
.L_overlay_start_1:
0x0: {  	(tag) =	ssettag $0x1  }
0x1: {  	s0 =	rddreg [dreg:$0x0];
	_ =	strace $0x8000004D;
	s1 =	simm.s32 $0x1  }
0x2: {  	s8 =	simm.s32 $0x88;
	v0 =	vimm.s32 $0x0;
	[sflag:s1] =	ssyncpa.u1 $0x0  }
0x3: {  	[tilespmem:s8+$0x30] =	vst v0  }
0x4: {  	s1 =	sadd.s32 $0x554C00, s0;
	s3 =	sadd.s32 $0x23200, s0;
	[tilespmem:s8+$0x20] =	vst v0  }
0x5: {  	s4 =	sadd.s32 $0x4BA00, s0;
	s5 =	sadd.s32 $0x2D400, s0;
	s0 =	simm.s32 $0x40;
	[tilespmem:s8+$0x10] =	vst v0  }
.LBB2_1:
0x6: {  	s0 =	sadd.s32 $0x40, s0  }
0x7: {  	[tilespmem:s8+$0x0] =	vst v0;
	s8 =	sadd.s32 $0x40, s8;
	p0 =	slt.u32 s0, $0x5040  }
.Ltmp0:
0x8: {  	(pc) =	sbr.rel @p0 .LBB2_1-.Ltmp0, $4  }
0x9: {  	_ = 	snop  }
0xa: {  	[tilespmem:s8+$0x30] =	vst v0  }
0xb: {  	[tilespmem:s8+$0x20] =	vst v0  }
0xc: {  	[tilespmem:s8+$0x10] =	vst v0  }
0xd: {  	s9 =	stileid.u32  }
0xe: {  	s0 =	smin.u32 s9, $0x8;
	s2 =	sshll.u32 s9, $0x6  }
0xf: {  	s0 =	sor.u32 s0, s2  }
0x10: {  	p0 =	slt.u32 s9, $0x8;
	s6 =	smul.u32 $0x140, s0;
	s0 =	simm.s32 $0x5140  }
0x11: {  	s0 =	simm.s32 @!p0 $0x5000  }
0x12: {  	s0 =	sadd.s32 s0, s6  }
0x13: {  	s7 =	smin.u32 s0, $0x50910  }
0x14: {  	s0 =	ssub.s32 s7, s6  }
0x15: {  	p0 =	sgt.s32 s0, $0x0  }
0x16: {  	s0 =	simm.s32 @!p0 $0x0  }
0x17: {  	s29 =	simm.s32 $0x2;
	s10 =	simm.s32 $0x7;
	s28 =	smulhi.u32 $0x66666667, s0  }
0x18: {  	s31 =	simm.s32 $0x8;
	s11 =	simm.s32 $0x1;
	s15 =	simm.s32 $0x0  }
0x19: {  	p1 =	por $0x0, $0x0;
	s16 =	simm.s32 $0xA;
	s2 =	sshrl.u32 s28, $0x7  }
0x1a: {  	s20 =	simm.s32 $0x0;
	s17 =	simm.s32 $0x0;
	s30 =	smul.u32 $0x140, s2  }
.Ltmp1:
0x1b: {  	[tilespmem:s8+$0x0] =	vst v0;
	v0 =	vimm.s32 $0xFFFFFFFF;
	s19 =	simm.s32 $0x0;
	[sflag:s29] =	ssyncpa.u1 $0x0;
	(pc) =	sbr.rel .LBB2_3-.Ltmp1, $4  }
0x1c: {  	[tilespmem:$0xA108] =	vst v0;
	[sflag:s10] =	ssyncpa.u1 $0x0;
	p0 =	sne.s32 s0, s30;
	s0 =	simm.s32 $0x1  }
0x1d: {  	s10 =	simm.s32 $0x9;
	[sflag:s31] =	ssyncpa.u1 $0x0;
	s0 =	simm.s32 @!p0 $0x0  }
0x1e: {  	s13 =	sshll.u32 s9, $0x7;
	[sflag:s10] =	ssyncpa.u1 $0x0;
	s12 =	sadd.s32 s0, s2  }
0x1f: {  	v0 =	vlaneseq.u32;
	s18 =	smov.u32 s6;
	p0 =	por $0x1, $0x1;
	s14 =	sadd.s32 $0x1, s12  }
.LBB2_24:
0x20: {  	s0 =	sshrl.u32 s29, $0x2  }
.LBB2_26:
0x21: {  	_ =	swait.ge [sflag:s16], s0  }
0x22: {  	s31 =	ssub.s32 $0x0, s0;
	v1 =	vmov s22;
	vm0 =	veq.s32 v0, $0x0;
	[sflag:s16] =	ssyncset.done $0x0  }
0x23: {  	vm15 =	veq.s32 v0, $0x2;
	v1 =	vsel vm0, s28, v1;
	[sflag:s16] =	ssyncadd.s32 s31  }
0x24: {  	v1 =	vsel vm15, s20, v1;
	[sflag:s16] =	ssyncpa.u1 $0x1  }
0x25: {  	[tilespmem:$0xA108] =	vst v1  }
.LBB2_27:
0x26: {  	s0 =	sadd.s32 $0x140, s18  }
0x27: {  	s2 =	smov.u32 s6;
	p2 =	slt.s32 s0, s7  }
0x28: {  	s2 =	smov.u32 @p2 s0;
	p2 =	sne.s32 s19, s14  }
.Ltmp2:
0x29: {  	_ = 	snop;
	(pc) =	sbr.rel @!p2 .LBB2_28-.Ltmp2, $4  }
0x2a: {  	_ = 	snop  }
0x2b: {  	s20 =	smov.u32 s17  }
0x2c: {  	s31 =	sadd.s32 $0x1, s19;
	s17 =	smov.u32 s18;
	p0 =	por !p0, !p0  }
0x2d: {  	p1 =	por !p1, !p1;
	s19 =	smov.u32 s31;
	s18 =	smov.u32 s2  }
.LBB2_3:
0x2e: {  	p2 =	sge.u32 s19, s12  }
0x2f: {  	s0 =	smulhi.u32 @!p2 $0xAAAAAAAB, s19  }
0x30: {  	s2 =	smov.u32 s18;
	p3 =	sgt.s32 @!p2 s18, $0x507D0  }
0x31: {  	s8 =	sshra.s32 @!p2 s18, $0x1F;
	p3 =	por !p3, p2;
	s0 =	sshrl.u32 @!p2 s0, $0x1  }
0x32: {  	s8 =	sand.u32 @!p2 s8, s18;
	s2 =	simm.s32 @p3 $0x507D0;
	s0 =	smul.u32 @!p2 $0x3, s0  }
0x33: {  	s2 =	ssub.s32 @!p2 s2, s8  }
0x34: {  	s22 =	sadd.s32 $0xFFFFFFFF, s19;
	s2 =	sadd.s32 @!p2 $0xFFFAF830, s2;
	s0 =	ssub.s32 @!p2 s19, s0  }
0x35: {  	s8 =	sshll.u32 @!p2 s2, $0x2;
	p3 =	sgt.s32 @!p2 s2, $0x13F;
	s0 =	smul.u32 @!p2 $0x500, s0  }
0x36: {  	s21 =	sand.u32 @!p2 $0x7, s18;
	s2 =	ssub.s32 @!p2 $0x500, s8;
	p3 =	por !p3, p2  }
0x37: {  	s8 =	sshrl.u32 @!p2 s18, $0x3;
	s2 =	sshrl.u32 @!p2 s2, $0x2;
	s0 =	sshrl.u32 @!p2 s0, $0x2  }
0x38: {  	s8 =	sadd.s32 @!p2 s5, s8;
	s2 =	simm.s32 @!p3 $0x0;
	s0 =	sadd.s32 @!p2 $0xA938, s0  }
0x39: {  	[tilespmem:s0], [sflag:$0x8] =	stream.linear.gather @!p2 [hbm4b:s8+s21], s2, $0x38;
	[tilespmem:$0x1EF78] =	vst v63  }
0x3a: {  	p2 =	sge.u32 s22, s12  }
0x3b: {  	p3 =	sgt.s32 @!p2 s17, $0x507D0  }
0x3c: {  	s0 =	smov.u32 s17;
	s2 =	sshra.s32 @!p2 s17, $0x1F;
	p3 =	por !p3, p2  }
0x3d: {  	s2 =	sand.u32 @!p2 s2, s17;
	s0 =	simm.s32 @p3 $0x507D0  }
0x3e: {  	s0 =	ssub.s32 @!p2 s0, s2  }
0x3f: {  	s0 =	sadd.s32 @!p2 $0xFFFAF830, s0  }
0x40: {  	s2 =	sshll.u32 @!p2 s0, $0x2  }
0x41: {  	p3 =	sgt.s32 @!p2 s0, $0x13F;
	s0 =	ssub.s32 @!p2 $0x500, s2  }
0x42: {  	p3 =	por !p3, p2;
	s0 =	sshrl.u32 @!p2 s0, $0x2  }
0x43: {  	s8 =	simm.s32 @!p2 $0x8;
	s2 =	sand.u32 @!p2 $0x1, s22;
	s0 =	simm.s32 @!p3 $0x0  }
0x44: {  	s2 =	smul.u32 @!p2 $0x500, s2;
	_ =	swait.ge @!p2 [sflag:s8], s0  }
0x45: {  	s21 =	ssub.s32 @!p2 $0x0, s0;
	[sflag:s8] =	ssyncset.done @!p2 $0x0  }
0x46: {  	s2 =	sshrl.u32 @!p2 s2, $0x2;
	[sflag:s8] =	ssyncadd.s32 @!p2 s21;
	s8 =	sshrl.u32 @!p2 s17, $0x3  }
0x47: {  	s2 =	sadd.s32 @!p2 $0xACF8, s2;
	s21 =	sand.u32 @!p2 $0x7, s17;
	s8 =	sadd.s32 @!p2 s3, s8  }
0x48: {  	[tilespmem:s2], [sflag:$0x9] =	stream.linear.gather @!p2 [hbm4b:s8+s21], s0, $0x38;
	[tilespmem:$0x1EF78] =	vst v63  }
0x49: {  	s21 =	ssub.s32 @!p2 $0x50910, s17  }
0x4a: {  	p3 =	slt.s32 @!p2 s21, $0x1  }
0x4b: {  	p3 =	por p2, p3  }
.Ltmp3:
0x4c: {  	_ = 	snop;
	(pc) =	sbr.rel @p3 .LBB2_9-.Ltmp3, $1  }
0x4d: {  	_ =	sdelay $0x3  }
0x4e: {  	s0 =	smulhi.u32 $0xAAAAAAAB, s22;
	_ =	sdelay $0x1  }
0x4f: {  	s0 =	sshrl.u32 s0, $0x1  }
0x50: {  	s0 =	smul.u32 $0x3, s0;
	_ =	sdelay $0x1  }
0x51: {  	s0 =	ssub.s32 s22, s0  }
0x52: {  	s2 =	simm.s32 $0x1;
	s0 =	smul.u32 $0x500, s0  }
.Ltmp4:
0x53: {  	s2 =	simm.s32 @!p0 $0x0;
	(pc) =	sbr.rel .LBB2_6-.Ltmp4, $4  }
0x54: {  	s2 =	smul.u32 $0x28000, s2  }
0x55: {  	p3 =	slt.s32 @!p2 s21, $0x140;
	s0 =	sshrl.u32 s0, $0x2  }
0x56: {  	p2 =	por !p3, p2;
	s2 =	sshrl.u32 s2, $0x2;
	s0 =	sadd.s32 $0xA938, s0  }
0x57: {  	s23 =	simm.s32 $0x0;
	s21 =	simm.s32 @p2 $0x140;
	s22 =	sadd.s32 $0xAF78, s2;
	v1 =	vmov s0  }
.LBB2_5:
0x58: {  	p2 =	sge.s32 s23, s21  }
.Ltmp5:
0x59: {  	_ = 	snop;
	(pc) =	sbr.rel @p2 .LBB2_9-.Ltmp5, $2  }
0x5a: {  	_ =	sdelay $0x2  }
0x5b: {  	s22 =	sadd.s32 $0x800, s22  }
.LBB2_6:
0x5c: {  	p2 =	sle.s32 s21, s23  }
.Ltmp6:
0x5d: {  	_ = 	snop;
	(pc) =	sbr.rel @p2 .LBB2_5-.Ltmp6, $2  }
0x5e: {  	_ =	sdelay $0x2  }
0x5f: {  	s24 =	smov.u32 s23;
	s23 =	sadd.s32 $0x10, s23  }
0x60: {  	s0 =	ssub.s32 s21, s24  }
0x61: {  	p2 =	slt.s32 s0, $0x10  }
0x62: {  	s0 =	simm.s32 @!p2 $0x10  }
0x63: {  	v2 =	vmov s0  }
0x64: {  	vm0 =	vgt.s32 v2, v0;
	_ =	sdelay $0x5  }
0x65: {  	v2 =	vld.idx.msk [tilespmem:v1+s24+$0x0 ss:$0x1], vm0;
	_ =	sdelay $0x2  }
0x66: {  	p2 =	slt.s32 s23, s21;
	s0 =	smov.u32 s21  }
0x67: {  	s2 =	smov.u32 s22;
	s25 =	simm.s32 $0x0;
	s0 =	smov.u32 @p2 s23  }
.LBB2_8:
0x68: {  	(v2sf) =	vpush v2, s25;
	_ =	sdelay $0xc  }
0x69: {  	s25 =	sadd.s32 $0x1, s25  }
0x6a: {  	s31 =	sadd.s32 s25, s24  }
0x6b: {  	p2 =	slt.s32 s31, s0;
	s8 =	spop (v2sf)  }
.Ltmp7:
0x6c: {  	s8 =	sshll.u32 s8, $0x4;
	(pc) =	sbr.rel @p2 .LBB2_8-.Ltmp7, $4  }
0x6d: {  	s8 =	sand.u32 $0x1FFFFFF0, s8  }
0x6e: {  	s8 =	sadd.s32 s4, s8  }
0x6f: {  	[tilespmem:s2], [sflag:$0x7] =	stream.linear.gather [hbm4b:s8+s15], $0x40, $0x38;
	[tilespmem:$0x1EF78] =	vst v63  }
0x70: {  	s2 =	sadd.s32 $0x80, s2  }
.Ltmp8:
0x71: {  	_ = 	snop;
	(pc) =	sbr.rel .LBB2_5-.Ltmp8, $1  }
0x72: {  	_ =	sdelay $0x3  }
.LBB2_9:
0x73: {  	p2 =	slt.u32 s19, $0x2  }
.Ltmp9:
0x74: {  	_ = 	snop;
	(pc) =	sbr.rel @p2 .LBB2_27-.Ltmp9, $1  }
0x75: {  	_ =	sdelay $0x3  }
0x76: {  	p2 =	sgt.s32 s20, $0x507D0;
	s0 =	smov.u32 s20  }
0x77: {  	s2 =	sshra.s32 s20, $0x1F;
	s8 =	ssub.s32 $0x50910, s20;
	s0 =	simm.s32 @!p2 $0x507D0  }
0x78: {  	s2 =	sand.u32 s2, s20;
	p2 =	slt.s32 s8, $0x140;
	s21 =	smov.u32 s8  }
0x79: {  	s0 =	ssub.s32 s0, s2;
	s21 =	simm.s32 @!p2 $0x140  }
0x7a: {  	s0 =	sadd.s32 $0xFFFAF830, s0;
	s26 =	sshll.u32 s21, $0x6  }
0x7b: {  	s9 =	simm.s32 $0x7;
	s29 =	sshll.u32 s0, $0x2;
	s2 =	sand.u32 $0x3FFFFFC0, s26  }
0x7c: {  	p2 =	sgt.s32 s0, $0x13F;
	s30 =	ssub.s32 $0x500, s29;
	_ =	swait.ge [sflag:s9], s2  }
0x7d: {  	s2 =	ssub.s32 $0x0, s2;
	[sflag:s9] =	ssyncset.done $0x0;
	s0 =	sshrl.u32 s30, $0x2  }
0x7e: {  	[sflag:s9] =	ssyncadd.s32 s2;
	s0 =	simm.s32 @p2 $0x0  }
0x7f: {  	_ =	swait.ge [sflag:s10], s0  }
0x80: {  	s0 =	ssub.s32 $0x0, s0;
	[sflag:s10] =	ssyncset.done $0x0  }
0x81: {  	[sflag:s10] =	ssyncadd.s32 s0  }
0x82: {  	v1 =	vld [tilespmem:$0xA108];
	_ =	sdelay $0x4  }
0x83: {  	(v2sf) =	vpush v1, $0x0  }
0x84: {  	(v2sf) =	vpush v1, $0x1  }
0x85: {  	(v2sf) =	vpush v1, $0x2;
	_ =	sdelay $0x3  }
0x86: {  	s0 =	sadd.s32 $0x140, s20  }
0x87: {  	p2 =	slt.s32 s7, s0  }
0x88: {  	s0 =	smov.u32 @p2 s7;
	p2 =	sgt.s32 s8, $0x0  }
0x89: {  	s24 =	ssub.s32 s0, s20;
	s8 =	simm.s32 @!p2 $0x0  }
0x8a: {  	p2 =	slt.s32 s8, s24  }
0x8b: {  	s24 =	smov.u32 @p2 s8  }
0x8c: {  	s23 =	simm.s32 $0x1;
	p2 =	slt.s32 s24, $0x1  }
.Ltmp10:
0x8d: {  	s23 =	simm.s32 @!p1 $0x0;
	(pc) =	sbr.rel @p2 .LBB2_14-.Ltmp10, $4  }
0x8e: {  	s31 =	smul.u32 $0x500, s23  }
0x8f: {  	s25 =	spop (v2sf)  }
0x90: {  	s0 =	sshrl.u32 s31, $0x2;
	s28 =	spop (v2sf)  }
0x91: {  	s21 =	sadd.s32 $0xACF8, s0;
	s20 =	spop (v2sf)  }
0x92: {  	s0 =	smin.u32 s24, $0x10  }
0x93: {  	v1 =	vmov s0  }
0x94: {  	p3 =	sgt.s32 s24, $0x10;
	vm1 =	vgt.u32 v1, v0  }
.Ltmp11:
0x95: {  	_ = 	snop;
	(pc) =	sbr.rel @!p3 .LBB2_13-.Ltmp11, $2  }
0x96: {  	_ =	sdelay $0x2  }
0x97: {  	s26 =	simm.s32 $0x10;
	s29 =	sadd.s32 $0xFFFFFFF0, s24;
	s22 =	smov.u32 s21;
	vm0 =	vmmov vm1  }
.LBB2_12:
0x98: {  	s0 =	smin.u32 s29, $0x10;
	s26 =	sadd.s32 $0x10, s26;
	v1 =	vld.msk [tilespmem:s22+$0x0 ss:$0x1], vm1  }
0x99: {  	v2 =	vmov s0;
	p3 =	slt.s32 s26, s24  }
0x9a: {  	vm1 =	vgt.u32 v2, v0  }
.Ltmp12:
0x9b: {  	(pc) =	sbr.rel @p3 .LBB2_12-.Ltmp12, $3  }
0x9c: {  	_ =	sdelay $0x1  }
0x9d: {  	v1 =	vshll.u32 v1, $0x4  }
0x9e: {  	s29 =	sadd.s32 $0xFFFFFFF0, s29;
	[tilespmem:s22+$0x0] =	vst.msk vm0, v1;
	s22 =	sadd.s32 $0x10, s22;
	vm0 =	vmmov vm1  }
.LBB2_13:
0x9f: {  	_ =	sdelay $0x4  }
0xa0: {  	v1 =	vld.msk [tilespmem:s22+$0x0 ss:$0x1], vm1;
	_ =	sdelay $0x4  }
0xa1: {  	v1 =	vshll.u32 v1, $0x4  }
0xa2: {  	[tilespmem:s22+$0x0] =	vst.msk vm0, v1  }
.LBB2_14:
0xa3: {  	s0 =	sand.u32 $0x1, s19  }
0xa4: {  	s0 =	smul.u32 $0x140, s0  }
0xa5: {  	p3 =	sne.s32 s28, $0xFFFFFFFF  }
0xa6: {  	v1 =	vld.msk @!p3 [tilespmem:s0+$0xACF8], $0x1;
	_ =	sdelay $0x4  }
0xa7: {  	(v2sf) =	vpush @!p3 v1, $0x0;
	_ =	sdelay $0xc  }
.Ltmp13:
0xa8: {  	_ = 	snop;
	(pc) =	sbr.rel @p2 .LBB2_25-.Ltmp13, $4  }
0xa9: {  	_ = 	snop  }
0xaa: {  	s26 =	spop @!p3 (v2sf)  }
0xab: {  	s20 =	simm.s32 @!p3 $0x0;
	s22 =	smov.u32 s26  }
0xac: {  	[sflag:s16] =	ssyncpa.u1 $0x0;
	s26 =	smov.u32 @p3 s25;
	s22 =	smov.u32 @p3 s28  }
0xad: {  	v1 =	vld.msk [tilespmem:s21+$0x0], $0x1;
	_ =	sdelay $0x4  }
0xae: {  	(v2sf) =	vpush v1, $0x0;
	_ =	sdelay $0xe  }
0xaf: {  	s0 =	smul.u32 $0x28000, s23;
	s30 =	spop (v2sf)  }
0xb0: {  	s24 =	ssub.s32 $0x0, s24;
	p2 =	seq.s32 s26, s30  }
0xb1: {  	s28 =	sadd.s32 $0x1, s24;
	s0 =	sshrl.u32 s0, $0x2;
	p3 =	sgt.s32 @!p2 s26, $0x0  }
0xb2: {  	s23 =	sadd.s32 $0xAF98, s0;
	s0 =	smov.u32 s26;
	p3 =	por !p3, p2  }
0xb3: {  	s0 =	simm.s32 @p3 $0x0;
	p3 =	seq.s32 s28, $0x0  }
.Ltmp14:
0xb4: {  	_ = 	snop;
	(pc) =	sbr.rel @p3 .LBB2_17-.Ltmp14, $4  }
0xb5: {  	_ = 	snop  }
0xb6: {  	s25 =	simm.s32 $0x0;
	s31 =	simm.s32 @!p2 $0x1;
	s2 =	smin.u32 @!p2 s0, $0x270F8  }
0xb7: {  	s29 =	sadd.s32 $0x1, s21;
	s31 =	smov.u32 @p2 s25;
	s8 =	sand.u32 @!p2 $0x3FFF8, s2  }
0xb8: {  	s0 =	simm.s32 @!p2 $0x50C8;
	s2 =	sand.u32 @!p2 $0x7, s2;
	s8 =	sadd.s32 @!p2 s1, s8  }
.LBB2_16:
0xb9: {  	s9 =	smov.u32 s31  }
0xba: {  	[tilespmem:s0], [sflag:$0x2] =	stream.linear.gather @!p2 [hbm4b:s8+s2], $0x40, $0x38;
	[tilespmem:$0x1EF78] =	vst v63  }
0xbb: {  	s28 =	sadd.s32 $0x1, s28;
	s2 =	smov.u32 s30;
	v1 =	vld.msk [tilespmem:s29+$0x0], $0x1  }
0xbc: {  	p3 =	seq.s32 s28, $0x0;
	_ =	sdelay $0x3  }
0xbd: {  	(v2sf) =	vpush v1, $0x0;
	_ =	sdelay $0xe  }
0xbe: {  	s30 =	spop (v2sf)  }
0xbf: {  	p2 =	seq.s32 s2, s30  }
0xc0: {  	p4 =	sgt.s32 @!p2 s2, $0x0;
	s0 =	sshll.u32 @!p2 s31, $0x8;
	s31 =	sadd.s32 @!p2 $0x1, s31  }
.Ltmp15:
0xc1: {  	p4 =	por !p4, p2;
	s0 =	sshra.s32 @!p2 s0, $0x2;
	(pc) =	sbr.rel @!p3 .LBB2_16-.Ltmp15, $4  }
0xc2: {  	s31 =	smov.u32 @p2 s9;
	s2 =	simm.s32 @p4 $0x0;
	s0 =	sadd.s32 @!p2 $0x50C8, s0  }
0xc3: {  	s2 =	smin.u32 @!p2 s2, $0x270F8  }
0xc4: {  	s8 =	sand.u32 @!p2 $0x3FFF8, s2;
	s2 =	sand.u32 @!p2 $0x7, s2  }
0xc5: {  	s29 =	sadd.s32 $0x1, s29;
	s8 =	sadd.s32 @!p2 s1, s8  }
.LBB2_17:
0xc6: {  	[tilespmem:s0], [sflag:$0x2] =	stream.linear.gather @!p2 [hbm4b:s8+s2], $0x40, $0x38;
	[tilespmem:$0x1EF78] =	vst v63  }
.Ltmp16:
0xc7: {  	s30 =	sshll.u32 s31, $0x6;
	(pc) =	sbr.rel .LBB2_18-.Ltmp16, $4  }
0xc8: {  	s31 =	simm.s32 $0x2;
	s0 =	sand.u32 $0x3FFFFFC0, s30  }
0xc9: {  	_ =	swait.ge [sflag:s31], s0  }
0xca: {  	s0 =	ssub.s32 $0x0, s0;
	[sflag:s31] =	ssyncset.done $0x0  }
0xcb: {  	s29 =	simm.s32 $0x0;
	[sflag:s31] =	ssyncadd.s32 s0  }
.LBB2_19:
0xcc: {  	v1 =	vld [tilespmem:s23+$0xFFFFFFE0];
	_ =	sdelay $0x4  }
0xcd: {  	[tilespmem:s30+$0x88] =	vst.add.f32.msk $0xffff, v1  }
0xce: {  	v1 =	vld [tilespmem:s23+$0xFFFFFFF0];
	_ =	sdelay $0x4  }
0xcf: {  	[tilespmem:s30+$0x98] =	vst.add.f32.msk $0xffff, v1  }
0xd0: {  	v1 =	vld [tilespmem:s23+$0x0];
	_ =	sdelay $0x4  }
0xd1: {  	[tilespmem:s30+$0xA8] =	vst.add.f32.msk $0xffff, v1  }
0xd2: {  	v1 =	vld [tilespmem:s23+$0x10];
	_ =	sdelay $0x4  }
0xd3: {  	[tilespmem:s30+$0xB8] =	vst.add.f32.msk $0xffff, v1  }
.LBB2_23:
0xd4: {  	s24 =	sadd.s32 $0x1, s24  }
0xd5: {  	p2 =	seq.s32 s24, $0x0  }
.Ltmp17:
0xd6: {  	_ = 	snop;
	(pc) =	sbr.rel @p2 .LBB2_24-.Ltmp17, $2  }
0xd7: {  	_ =	sdelay $0x2  }
0xd8: {  	s23 =	sadd.s32 $0x80, s23;
	s21 =	sadd.s32 $0x1, s21;
	s26 =	smov.u32 s28  }
.LBB2_18:
0xd9: {  	v1 =	vld.msk [tilespmem:s21+$0x0], $0x1;
	_ =	sdelay $0x4  }
0xda: {  	(v2sf) =	vpush v1, $0x0;
	_ =	sdelay $0xe  }
0xdb: {  	s28 =	spop (v2sf)  }
0xdc: {  	p2 =	sne.s32 s26, s28  }
.Ltmp18:
0xdd: {  	_ = 	snop;
	(pc) =	sbr.rel @!p2 .LBB2_19-.Ltmp18, $3  }
0xde: {  	_ =	sdelay $0x1  }
0xdf: {  	s0 =	sshll.u32 s20, $0x8  }
0xe0: {  	s30 =	sshra.s32 s0, $0x2  }
0xe1: {  	p2 =	seq.s32 s26, s22  }
.Ltmp19:
0xe2: {  	_ = 	snop;
	(pc) =	sbr.rel @!p2 .LBB2_21-.Ltmp19, $1  }
0xe3: {  	_ =	sdelay $0x3  }
.Ltmp20:
0xe4: {  	s0 =	sadd.s32 $0x88, s30;
	(pc) =	sbr.rel .LBB2_22-.Ltmp20, $4  }
0xe5: {  	[spmem:s13] =	stream.linear.scatter [tilespmem:s0], [sflag:$0x1], $0x40, $0x38;
	[tilespmem:$0x1EF78] =	vst v63  }
0xe6: {  	_ =	swait.ge [sflag:s11], $0x40  }
0xe7: {  	[sflag:s11] =	ssyncset.done $0x0  }
0xe8: {  	[sflag:s11] =	ssyncadd.s32 $0xFFFFFFC0  }
.LBB2_21:
0xe9: {  	s0 =	sshll.u32 s25, $0x8  }
0xea: {  	s0 =	sshra.s32 s0, $0x2  }
0xeb: {  	v1 =	vld [tilespmem:s0+$0x50C8];
	_ =	sdelay $0x4  }
0xec: {  	[tilespmem:s30+$0x88] =	vst.add.f32.msk $0xffff, v1  }
0xed: {  	v1 =	vld [tilespmem:s0+$0x50D8];
	_ =	sdelay $0x4  }
0xee: {  	[tilespmem:s30+$0x98] =	vst.add.f32.msk $0xffff, v1  }
0xef: {  	v1 =	vld [tilespmem:s0+$0x50E8];
	_ =	sdelay $0x4  }
0xf0: {  	[tilespmem:s30+$0xA8] =	vst.add.f32.msk $0xffff, v1  }
0xf1: {  	v1 =	vld [tilespmem:s0+$0x50F8];
	_ =	sdelay $0x2  }
0xf2: {  	p2 =	sgt.u32 s26, $0x270F8  }
0xf3: {  	s0 =	sand.u32 @!p2 $0x3FFF8, s26  }
0xf4: {  	s2 =	sadd.s32 $0x88, s30;
	s8 =	sand.u32 @!p2 $0x7, s26;
	s0 =	sadd.s32 @!p2 s1, s0;
	[tilespmem:s30+$0xB8] =	vst.add.f32.msk $0xffff, v1  }
0xf5: {  	[hbm4b:s0+s8] =	stream.linear.scatter @!p2 [tilespmem:s2], [sflag:$0xA], $0x40, $0x38;
	[tilespmem:$0x1EF78] =	vst v63  }
0xf6: {  	s0 =	simm.s32 $0x0  }
0xf7: {  	s0 =	simm.s32 @!p2 $0x100  }
0xf8: {  	s29 =	sadd.s32 s0, s29  }
.LBB2_22:
0xf9: {  	s0 =	sadd.s32 $0x1, s20  }
0xfa: {  	s2 =	smulhi.u32 $0xCCCCCCCD, s0;
	_ =	sdelay $0x1  }
0xfb: {  	v1 =	vld [tilespmem:s23+$0xFFFFFFE0];
	s2 =	sshrl.u32 s2, $0x8  }
0xfc: {  	s2 =	smul.u32 $0x140, s2;
	_ =	sdelay $0x1  }
0xfd: {  	s20 =	ssub.s32 s0, s2  }
0xfe: {  	s0 =	sshll.u32 s20, $0x6  }
0xff: {  	[tilespmem:s0+$0x88] =	vst v1  }
0x100: {  	v1 =	vld [tilespmem:s23+$0xFFFFFFF0];
	_ =	sdelay $0x4  }
0x101: {  	[tilespmem:s0+$0x98] =	vst v1  }
0x102: {  	v1 =	vld [tilespmem:s23+$0x0];
	_ =	sdelay $0x4  }
0x103: {  	[tilespmem:s0+$0xA8] =	vst v1  }
0x104: {  	v1 =	vld [tilespmem:s23+$0x10]  }
.Ltmp21:
0x105: {  	_ = 	snop;
	(pc) =	sbr.rel .LBB2_23-.Ltmp21, $2  }
0x106: {  	_ =	sdelay $0x2  }
0x107: {  	s25 =	sadd.s32 $0x1, s25;
	[tilespmem:s0+$0xB8] =	vst v1  }
.LBB2_25:
.Ltmp22:
0x108: {  	(pc) =	sbr.rel .LBB2_26-.Ltmp22, $4  }
0x109: {  	_ = 	snop  }
0x10a: {  	s0 =	simm.s32 $0x2  }
0x10b: {  	_ =	swait.ge [sflag:s0], $0x0  }
0x10c: {  	s28 =	smov.u32 s26;
	[sflag:s0] =	ssyncset.done $0x0;
	s0 =	simm.s32 $0x0  }
.LBB2_28:
0x10d: {  	_ =	sfence.sel $0x180000  }
0x10e: {  	s0 =	simm.s32 $0x7;
	[bflag:$0x0] =	sbarrier.arrive $0xFFFF  }
0x10f: {  	s25 =	simm.s32 $0x8;
	[sflag:s0] =	ssyncpa.u1 $0x1  }
0x110: {  	s26 =	simm.s32 $0x9;
	[sflag:s25] =	ssyncpa.u1 $0x1  }
0x111: {  	s28 =	simm.s32 $0x2;
	[sflag:s26] =	ssyncpa.u1 $0x1  }
0x112: {  	[sflag:s28] =	ssyncpa.u1 $0x1  }
0x113: {  	v0 =	vld [tilespmem:$0xA108];
	_ =	sdelay $0x4  }
0x114: {  	(v2sf) =	vpush v0, $0x0  }
0x115: {  	(v2sf) =	vpush v0, $0x1;
	_ =	sdelay $0x1  }
0x116: {  	(v2sf) =	vpush v0, $0x2;
	_ =	sdelay $0xb  }
0x117: {  	s0 =	spop (v2sf)  }
0x118: {  	s2 =	spop (v2sf)  }
0x119: {  	s3 =	smov.u32 s0;
	p0 =	sne.s32 s0, s2  }
0x11a: {  	s4 =	spop (v2sf);
	s3 =	simm.s32 @!p0 $0xFFFFFFFF  }
0x11b: {  	v2 =	vimm.s32 $0x1;
	v3 =	vlaneseq.u32;
	p0 =	seq.s32 s4, $0xFFFFFFFF;
	v1 =	vmov s3  }
0x11c: {  	s7 =	stileid.u32;
	v0 =	vperm.xlane v0, v2;
	p1 =	sne.s32 @!p0 s0, s2;
	v1 =	vperm.xlane v1, v3  }
0x11d: {  	vm0 =	vcmask $0x3F04;
	s6 =	simm.s32 $0xA108;
	s0 =	simm.s32 @!p0 $0x1;
	p1 =	por !p1, p0  }
0x11e: {  	s3 =	sshll.u32 s7, $0x1;
	s2 =	sshll.u32 @!p0 s4, $0x8;
	s0 =	simm.s32 @p1 $0x0;
	v0 =	vsel vm0, v1, v0  }
0x11f: {  	s5 =	sor.u32 $0x800, s3;
	s2 =	sshra.s32 @!p0 s2, $0x2;
	s0 =	sor.u32 @!p0 s0, s3;
	[tilespmem:$0xA108] =	vst v0  }
0x120: {  	[spmem:s5] =	stream.linear.scatter [tilespmem:s6], [sflag:$0x1], $0x2, $0x38;
	[tilespmem:$0x1EF78] =	vst v63  }
0x121: {  	s2 =	sadd.s32 @!p0 $0x88, s2;
	s0 =	sshll.u32 @!p0 s0, $0x6  }
0x122: {  	[spmem:s0] =	stream.linear.scatter @!p0 [tilespmem:s2], [sflag:$0x1], $0x40, $0x38;
	[tilespmem:$0x1EF78] =	vst v63  }
0x123: {  	s2 =	simm.s32 @!p0 $0x42  }
0x124: {  	s0 =	simm.s32 $0x1;
	s2 =	simm.s32 @p0 $0x2  }
0x125: {  	_ =	swait.ge [sflag:s0], s2  }
0x126: {  	s2 =	ssub.s32 $0x0, s2;
	[sflag:s0] =	ssyncset.done $0x0  }
0x127: {  	[sflag:s0] =	ssyncadd.s32 s2  }
0x128: {  	_ =	sfence.stream.spmem  }
0x129: {  	s29 =	simm.s32 $0x3;
	[bflag:$0x0] =	sbarrier.arrive $0xFFFF  }
0x12a: {  	s30 =	simm.s32 $0x4;
	[sflag:s29] =	ssyncpa.u1 $0x1  }
0x12b: {  	s31 =	simm.s32 $0x3C;
	[sflag:s30] =	ssyncpa.u1 $0x1  }
0x12c: {  	p0 =	sne.s32 s7, $0x0;
	[sflag:s31] =	ssyncpa.u1 $0x1  }
0x12d: {  	_ =	sfence @p0  }
0x12e: {  	[sflag:s0] =	ssyncpa.u1 @p0 $0x1  }
0x12f: {  	_ =	strace @p0 $0x9000004D  }
0x130: {  	[bflag:$0x2] =	sbarrier.arrive @p0 $0xFFFF  }
0x131: {  	_ =	shalt @p0  }
.LBB2_29:
0x132: {  	_ =	sfence.stream.spmem;
	s0 =	simm.s32 $0x5  }
0x133: {  	s2 =	simm.s32 $0x800;
	s3 =	simm.s32 $0xA118;
	[sflag:s0] =	ssyncpa.u1 $0x0  }
0x134: {  	[tilespmem:s3], [sflag:$0x5] =	stream.linear.gather [spmem:s2], $0x20, $0x38;
	[tilespmem:$0x1EF78] =	vst v63  }
0x135: {  	s30 =	simm.s32 $0xA138;
	s2 =	simm.s32 $0x0  }
0x136: {  	[tilespmem:s30], [sflag:$0x5] =	stream.linear.gather [spmem:s2], $0x800, $0x38;
	[tilespmem:$0x1EF78] =	vst v63  }
.Ltmp23:
0x137: {  	_ = 	snop;
	(pc) =	sbr.rel .LBB2_30-.Ltmp23, $4  }
0x138: {  	_ =	swait.ge [sflag:s0], $0x820  }
0x139: {  	[sflag:s0] =	ssyncset.done $0x0  }
0x13a: {  	s31 =	simm.s32 $0x6;
	[sflag:s0] =	ssyncadd.s32 $0xFFFFF7E0  }
0x13b: {  	s3 =	simm.s32 $0x0;
	[sflag:s31] =	ssyncpa.u1 $0x0  }
.LBB2_36:
0x13c: {  	p0 =	slt.u32 s4, $0x270F9  }
0x13d: {  	s0 =	sand.u32 @p0 $0x3FFF8, s4  }
0x13e: {  	s4 =	sand.u32 @p0 $0x7, s4;
	s5 =	simm.s32 @p0 $0xA0C8;
	s0 =	sadd.s32 @p0 s1, s0  }
0x13f: {  	[tilespmem:s5], [sflag:$0x6] =	stream.linear.gather @p0 [hbm4b:s0+s4], $0x40, $0x38;
	[tilespmem:$0x1EF78] =	vst v63  }
0x140: {  	s0 =	simm.s32 @p0 $0x6  }
0x141: {  	_ =	swait.ge @p0 [sflag:s0], $0x40  }
0x142: {  	[sflag:s0] =	ssyncset.done @p0 $0x0  }
0x143: {  	[sflag:s0] =	ssyncadd.s32 @p0 $0xFFFFFFC0  }
0x144: {  	v1 =	vld @p0 [tilespmem:$0xA0C8];
	_ =	sdelay $0x2  }
0x145: {  	s0 =	sshll.u32 @p0 s3, $0x8  }
0x146: {  	s4 =	sshrl.u32 @p0 s0, $0x2  }
0x147: {  	[tilespmem:s4+$0xA138] =	vst.add.f32.msk @p0 $0xffff, v1  }
0x148: {  	v1 =	vld @p0 [tilespmem:$0xA0D8];
	_ =	sdelay $0x4  }
0x149: {  	[tilespmem:s4+$0xA148] =	vst.add.f32.msk @p0 $0xffff, v1  }
0x14a: {  	v1 =	vld @p0 [tilespmem:$0xA0E8];
	_ =	sdelay $0x4  }
0x14b: {  	[tilespmem:s4+$0xA158] =	vst.add.f32.msk @p0 $0xffff, v1  }
0x14c: {  	v1 =	vld @p0 [tilespmem:$0xA0F8];
	_ =	sdelay $0x3  }
0x14d: {  	s5 =	sshll.u32 @!p0 s3, $0x8  }
0x14e: {  	s5 =	smov.u32 @p0 s0;
	[tilespmem:s4+$0xA168] =	vst.add.f32.msk @p0 $0xffff, v1  }
0x14f: {  	s0 =	sshrl.u32 s5, $0x2;
	[tilespmem:s2+$0xA118] =	vst.msk $0x1, v0  }
0x150: {  	v0 =	vld [tilespmem:s0+$0xA138];
	_ =	sdelay $0x2  }
0x151: {  	s31 =	sshll.u32 s2, $0x8  }
0x152: {  	s4 =	sshra.s32 s31, $0x2  }
0x153: {  	[tilespmem:s4+$0xA138] =	vst v0  }
0x154: {  	v0 =	vld [tilespmem:s0+$0xA148];
	_ =	sdelay $0x4  }
0x155: {  	[tilespmem:s4+$0xA148] =	vst v0  }
0x156: {  	v0 =	vld [tilespmem:s0+$0xA158];
	_ =	sdelay $0x4  }
0x157: {  	[tilespmem:s4+$0xA158] =	vst v0  }
0x158: {  	v0 =	vld [tilespmem:s0+$0xA168];
	_ =	sdelay $0x4  }
0x159: {  	s2 =	sadd.s32 $0x1, s2;
	[tilespmem:s4+$0xA168] =	vst v0  }
.LBB2_37:
0x15a: {  	s3 =	sadd.s32 $0x1, s3  }
0x15b: {  	p0 =	sne.s32 s3, $0x20  }
.Ltmp24:
0x15c: {  	_ = 	snop;
	(pc) =	sbr.rel @!p0 .LBB2_38-.Ltmp24, $1  }
0x15d: {  	_ =	sdelay $0x3  }
.LBB2_30:
0x15e: {  	v0 =	vld.msk [tilespmem:s3+$0xA118], $0x1;
	_ =	sdelay $0x4  }
0x15f: {  	(v2sf) =	vpush v0, $0x0;
	_ =	sdelay $0xe  }
0x160: {  	s4 =	spop (v2sf)  }
0x161: {  	p0 =	seq.s32 s4, $0xFFFFFFFF  }
.Ltmp25:
0x162: {  	_ = 	snop;
	(pc) =	sbr.rel @p0 .LBB2_37-.Ltmp25, $1  }
0x163: {  	_ =	sdelay $0x3  }
0x164: {  	p0 =	slt.s32 s2, $0x1  }
.Ltmp26:
0x165: {  	_ = 	snop;
	(pc) =	sbr.rel @p0 .LBB2_36-.Ltmp26, $1  }
0x166: {  	_ =	sdelay $0x3  }
0x167: {  	s5 =	simm.s32 $0xA118;
	p0 =	por $0x0, $0x0  }
0x168: {  	v1 =	vld.msk @!p0 [tilespmem:s5+$0x0], $0x1;
	_ =	sdelay $0x4  }
0x169: {  	(v2sf) =	vpush @!p0 v1, $0x0;
	_ =	sdelay $0xd  }
0x16a: {  	p2 =	sne.s32 s2, $0x1  }
.Ltmp27:
0x16b: {  	s0 =	spop @!p0 (v2sf);
	(pc) =	sbr.rel @!p2 .LBB2_34-.Ltmp27, $4  }
0x16c: {  	p1 =	seq.s32 @!p0 s4, s0  }
0x16d: {  	s6 =	simm.s32 $0x0;
	p1 =	por !p1, p0  }
0x16e: {  	s0 =	simm.s32 $0xFFFFFFFF;
	s6 =	simm.s32 @p1 $0xFFFFFFFF  }
0x16f: {  	s7 =	simm.s32 $0x1;
	s6 =	smov.u32 @p0 s0  }
.LBB2_33:
0x170: {  	s0 =	smov.u32 s6;
	p0 =	sne.s32 s6, $0xFFFFFFFF  }
0x171: {  	s5 =	sadd.s32 $0x1, s5;
	s6 =	smov.u32 s7;
	s7 =	sadd.s32 $0x1, s7  }
0x172: {  	p1 =	sne.s32 s2, s7;
	v1 =	vld.msk @!p0 [tilespmem:s5+$0x0], $0x1;
	_ =	sdelay $0x4  }
0x173: {  	(v2sf) =	vpush @!p0 v1, $0x0;
	_ =	sdelay $0xe  }
.Ltmp28:
0x174: {  	s8 =	spop @!p0 (v2sf);
	(pc) =	sbr.rel @p1 .LBB2_33-.Ltmp28, $4  }
0x175: {  	p2 =	seq.s32 @!p0 s4, s8  }
0x176: {  	p2 =	por !p2, p0  }
0x177: {  	s6 =	simm.s32 @p2 $0xFFFFFFFF  }
0x178: {  	s6 =	smov.u32 @p0 s0  }
.LBB2_34:
0x179: {  	p0 =	seq.s32 s6, $0xFFFFFFFF  }
.Ltmp29:
0x17a: {  	_ = 	snop;
	(pc) =	sbr.rel @p0 .LBB2_36-.Ltmp29, $1  }
0x17b: {  	_ =	sdelay $0x3  }
0x17c: {  	s0 =	sshll.u32 s3, $0x6  }
0x17d: {  	s0 =	sand.u32 $0x3FFFFFC0, s0  }
0x17e: {  	v0 =	vld [tilespmem:s0+$0xA138];
	_ =	sdelay $0x2  }
0x17f: {  	s4 =	sshll.u32 s6, $0x8  }
0x180: {  	s4 =	sshra.s32 s4, $0x2  }
0x181: {  	[tilespmem:s4+$0xA138] =	vst.add.f32.msk $0xffff, v0  }
0x182: {  	v0 =	vld [tilespmem:s0+$0xA148];
	_ =	sdelay $0x4  }
0x183: {  	[tilespmem:s4+$0xA148] =	vst.add.f32.msk $0xffff, v0  }
0x184: {  	v0 =	vld [tilespmem:s0+$0xA158];
	_ =	sdelay $0x4  }
0x185: {  	[tilespmem:s4+$0xA158] =	vst.add.f32.msk $0xffff, v0  }
0x186: {  	v0 =	vld [tilespmem:s0+$0xA168]  }
.Ltmp30:
0x187: {  	_ = 	snop;
	(pc) =	sbr.rel .LBB2_37-.Ltmp30, $2  }
0x188: {  	_ =	sdelay $0x2  }
0x189: {  	[tilespmem:s4+$0xA168] =	vst.add.f32.msk $0xffff, v0  }
.LBB2_38:
0x18a: {  	p0 =	slt.s32 s2, $0x1  }
.Ltmp31:
0x18b: {  	_ = 	snop;
	(pc) =	sbr.rel @p0 .LBB2_42-.Ltmp31, $3  }
0x18c: {  	_ =	sdelay $0x1  }
0x18d: {  	s0 =	simm.s32 $0x6  }
0x18e: {  	s3 =	simm.s32 $0x0;
	[sflag:s0] =	ssyncpa.u1 $0x1  }
0x18f: {  	s0 =	simm.s32 $0xA118  }
0x190: {  	v0 =	vld.msk [tilespmem:s0+$0x0], $0x1;
	_ =	sdelay $0x4  }
0x191: {  	(v2sf) =	vpush v0, $0x0;
	_ =	sdelay $0xe  }
0x192: {  	s2 =	sadd.s32 $0xFFFFFFFF, s2;
	s0 =	spop (v2sf)  }
0x193: {  	p1 =	sne.s32 s2, $0x0;
	p0 =	sgt.u32 s0, $0x270F8  }
.Ltmp32:
0x194: {  	s5 =	sand.u32 @!p0 $0x3FFF8, s0;
	(pc) =	sbr.rel @!p1 .LBB2_41-.Ltmp32, $4  }
0x195: {  	s4 =	simm.s32 $0xA138;
	s0 =	sand.u32 @!p0 $0x7, s0;
	s5 =	sadd.s32 @!p0 s1, s5  }
0x196: {  	[hbm4b:s5+s0] =	stream.linear.scatter @!p0 [tilespmem:s4], [sflag:$0x5], $0x40, $0x38;
	[tilespmem:$0x1EF78] =	vst v63  }
0x197: {  	s0 =	simm.s32 $0x0  }
0x198: {  	s5 =	simm.s32 $0xA119;
	s0 =	simm.s32 @!p0 $0x100  }
.LBB2_40:
0x199: {  	v0 =	vld.msk [tilespmem:s5+$0x0], $0x1;
	s2 =	sadd.s32 $0xFFFFFFFF, s2;
	s3 =	sadd.s32 s3, s0  }
0x19a: {  	p0 =	sne.s32 s2, $0x0;
	_ =	sdelay $0x3  }
0x19b: {  	(v2sf) =	vpush v0, $0x0;
	_ =	sdelay $0xe  }
.Ltmp33:
0x19c: {  	s6 =	spop (v2sf);
	(pc) =	sbr.rel @p0 .LBB2_40-.Ltmp33, $4  }
0x19d: {  	s0 =	simm.s32 $0x0;
	p1 =	sgt.u32 s6, $0x270F8  }
0x19e: {  	s4 =	sadd.s32 $0x40, s4;
	s0 =	simm.s32 @!p1 $0x100;
	s7 =	sand.u32 @!p1 $0x3FFF8, s6  }
0x19f: {  	s5 =	sadd.s32 $0x1, s5;
	s6 =	sand.u32 @!p1 $0x7, s6;
	s7 =	sadd.s32 @!p1 s1, s7  }
0x1a0: {  	[hbm4b:s7+s6] =	stream.linear.scatter @!p1 [tilespmem:s4], [sflag:$0x5], $0x40, $0x38;
	[tilespmem:$0x1EF78] =	vst v63  }
.LBB2_41:
0x1a1: {  	s0 =	sadd.s32 s3, s0  }
0x1a2: {  	s3 =	sshrl.u32 s0, $0x2  }
.LBB2_42:
0x1a3: {  	s0 =	simm.s32 $0x5  }
0x1a4: {  	_ =	swait.ge [sflag:s0], s3  }
0x1a5: {  	s1 =	ssub.s32 $0x0, s3;
	[sflag:s0] =	ssyncset.done $0x0  }
0x1a6: {  	[sflag:s0] =	ssyncadd.s32 s1  }
0x1a7: {  	[sflag:s0] =	ssyncpa.u1 $0x1  }
0x1a8: {  	s30 =	simm.s32 $0x1;
	_ =	sfence  }
0x1a9: {  	[sflag:s30] =	ssyncpa.u1 $0x1  }
0x1aa: {  	_ =	strace $0x9000004D  }
0x1ab: {  	[bflag:$0x2] =	sbarrier.arrive $0xFFFF  }
0x1ac: {  	s31 =	rddreg [dreg:$0x1]  }
0x1ad: {  	s0 =	sadd.s32 $0x100000, s31  }
0x1ae: {  	[sflag:s0] =	ssyncadd.tile.s32 $0x1;
	_ =	shalt  }
.Lfunc_end2:
_tile_overlayer_lowered:
.L_overlay_start_2:
0x1af: {  	(tag) =	ssettag $0x2  }
0x1b0: {  	s0 =	rddreg [dreg:$0x0];
	s2 =	stileid.u32  }
0x1b1: {  	s1 =	rddreg [dreg:$0x1];
	p0 =	sne.s32 s2, $0x0  }
0x1b2: {  	s3 =	rddreg [dreg:$0x2];
	[bflag:$0x3] =	sbarrier.arrive $0xFFFF;
	s2 =	simm.s32 @!p0 $0x1C01  }
0x1b3: {  	[timem:s3], [sflag:s2] =	dma.local @!p0 [hbm:s0], s1  }
0x1b4: {  	s0 =	simm.s32 @!p0 $0x1  }
0x1b5: {  	_ =	swait.ge @!p0 [sflag:s0], s1  }
0x1b6: {  	s1 =	ssub.s32 @!p0 $0x0, s1;
	[sflag:s0] =	ssyncset.done @!p0 $0x0  }
0x1b7: {  	[sflag:s0] =	ssyncadd.s32 @!p0 s1  }
0x1b8: {  	[bflag:$0x3] =	sbarrier.arrive $0xFFFF  }
0x1b9: {  	_ =	shalt  }

// kernel: scatter_offload_async_start.3
scs
__scs_entry_jumppad:
0x0: {  	(pc) =	sbr.rel $0x88, $3  }
0x1: {  	(tag) =	ssettag $0x0;
	lr =	simm.s32 $0x1  }
0x2: {  	[smem:$0x3F7D] =	sst lr;
	_ =	strace $0xD0000000  }
0x3: {  	_ = 	snop  }
0x4: {  	_ = 	snop  }
0x5: {  	_ = 	snop  }
0x6: {  	_ = 	snop  }
0x7: {  	_ = 	snop  }
__scs_overlays_trampoline_lowered:
0x8: {  	[smem:$0x3F8C] =	sst s0  }
0x9: {  	[smem:$0x3F8D] =	sst s1  }
0xa: {  	[smem:$0x3F8E] =	sst s2  }
0xb: {  	[smem:$0x3F8F] =	sst s3  }
0xc: {  	[smem:$0x3F90] =	sst s4  }
0xd: {  	[smem:$0x3F91] =	sst s5  }
0xe: {  	[smem:$0x3F92] =	sst s6  }
0xf: {  	[smem:$0x3F93] =	sst s7  }
0x10: {  	[smem:$0x3F94] =	sst s8  }
0x11: {  	[smem:$0x3F95] =	sst s9;
	s0 =	simm.s32 @!p0 $0x0  }
0x12: {  	s1 =	sld [smem:$0x3F7B];
	s0 =	simm.s32 @p0 $0x1  }
0x13: {  	[smem:$0x3F96] =	sst s0;
	s0 =	simm.s32 @!p1 $0x0  }
0x14: {  	s2 =	sld [smem:$0x3F7A];
	s0 =	simm.s32 @p1 $0x1  }
0x15: {  	[smem:$0x3F97] =	sst s0;
	s0 =	simm.s32 @!p2 $0x0  }
0x16: {  	s3 =	sld [smem:$0x3FDB];
	s0 =	simm.s32 @p2 $0x1  }
0x17: {  	s4 =	simm.s32 $0x1BF5;
	[smem:$0x3F99] =	sst s0  }
0x18: {  	s0 =	sld [smem:$0x3F7C];
	_ =	swait.ge [sflag:s4], $0x0  }
0x19: {  	s7 =	sld [smem:$0x3F7D]  }
0x1a: {  	s8 =	sadd.s32 $0xFFFFE003, lr  }
0x1b: {  	s9 =	sadd.s32 $0xFFFFFEF7, lr;
	s5 =	simm.s32 $0xFFFFFFFF;
	p2 =	slt.u32 s8, $0xFFFFF086  }
0x1c: {  	p1 =	slt.u32 s9, $0xF7A;
	s5 =	simm.s32 @!p2 $0x0  }
0x1d: {  	s5 =	simm.s32 @p1 $0x1;
	p0 =	seq.s32 s7, s2  }
0x1e: {  	s7 =	smul.u32 @!p0 $0xF7A, s2;
	p2 =	seq.s32 @!p0 s5, $0x0  }
0x1f: {  	s9 =	smul.u32 $0xF7A, s1;
	s8 =	simm.s32 @!p0 $0x1BF5;
	p2 =	por !p2, p0  }
0x20: {  	[sflag:s8] =	ssyncset.s32 @!p0 $0xFFFFF086;
	s6 =	sadd.s32 @!p0 s3, s7;
	s7 =	simm.s32 @!p0 $0x108  }
0x21: {  	s3 =	sadd.s32 s3, s9;
	s6 =	sadd.s32 @!p0 $0x88, s6;
	s7 =	simm.s32 @p2 $0x1082  }
0x22: {  	[simem:s7], [sflag:s8] =	dma.local @!p0 [hbm:s6], $0xF7A  }
0x23: {  	s9 =	sor.u32 $0xD0000000, s2;
	s6 =	simm.s32 $0x108;
	_ =	swait.ge @!p0 [sflag:s8], $0x0  }
0x24: {  	s3 =	sadd.s32 $0x88, s3;
	s6 =	simm.s32 @!p1 $0x1082;
	[sflag:s4] =	ssyncset.s32 $0xFFFFF086  }
0x25: {  	[simem:s6], [sflag:s4] =	dma.local [hbm:s3], $0xF7A  }
0x26: {  	[smem:$0x3F7D] =	sst s1;
	(tag) =	ssettag s2;
	_ =	strace s9  }
0x27: {  	s1 =	sld [smem:$0x3F8D]  }
0x28: {  	s2 =	sld [smem:$0x3F8E]  }
0x29: {  	s4 =	sld [smem:$0x3F90]  }
0x2a: {  	p0 =	seq.s32 s5, $0x0;
	s5 =	sld [smem:$0x3F91]  }
0x2b: {  	s6 =	sld [smem:$0x3F92]  }
0x2c: {  	s7 =	sld [smem:$0x3F93]  }
0x2d: {  	s3 =	simm.s32 $0x108;
	s8 =	sld [smem:$0x3F94]  }
0x2e: {  	s3 =	simm.s32 @!p0 $0x1082;
	s9 =	sld [smem:$0x3F95]  }
0x2f: {  	lr =	sadd.s32 s0, s3;
	s0 =	sld [smem:$0x3F8C]  }
0x30: {  	s3 =	sld [smem:$0x3F8F]  }
0x31: {  	[smem:$0x3F98] =	sst s10  }
0x32: {  	s10 =	sld [smem:$0x3F96];
	_ =	sdelay $0x3  }
0x33: {  	p0 =	seq.s32 s10, $0x1;
	s10 =	sld [smem:$0x3F98];
	_ =	sdelay $0x3  }
0x34: {  	[smem:$0x3F98] =	sst s10  }
0x35: {  	s10 =	sld [smem:$0x3F97];
	_ =	sdelay $0x3  }
0x36: {  	p1 =	seq.s32 s10, $0x1;
	s10 =	sld [smem:$0x3F98];
	_ =	sdelay $0x3  }
0x37: {  	[smem:$0x3F98] =	sst s10  }
0x38: {  	s10 =	sld [smem:$0x3F99]  }
0x39: {  	_ = 	snop;
	(pc) =	sbr.ind lr, $3  }
0x3a: {  	_ = 	snop  }
0x3b: {  	_ = 	snop  }
0x3c: {  	p2 =	seq.s32 s10, $0x1;
	s10 =	sld [smem:$0x3F98]  }
0x3d: {  	_ =	shalt  }
0x3e: {  	_ =	shalt  }
0x3f: {  	_ =	shalt  }
0x40: {  	_ =	shalt  }
0x41: {  	_ =	shalt  }
0x42: {  	_ =	shalt  }
0x43: {  	_ =	shalt  }
0x44: {  	_ =	shalt  }
0x45: {  	_ =	shalt  }
0x46: {  	_ =	shalt  }
0x47: {  	_ =	shalt  }
0x48: {  	_ =	shalt  }
0x49: {  	_ =	shalt  }
0x4a: {  	_ =	shalt  }
0x4b: {  	_ =	shalt  }
0x4c: {  	_ =	shalt  }
0x4d: {  	_ =	shalt  }
0x4e: {  	_ =	shalt  }
0x4f: {  	_ =	shalt  }
0x50: {  	_ =	shalt  }
0x51: {  	_ =	shalt  }
0x52: {  	_ =	shalt  }
0x53: {  	_ =	shalt  }
0x54: {  	_ =	shalt  }
0x55: {  	_ =	shalt  }
0x56: {  	_ =	shalt  }
0x57: {  	_ =	shalt  }
0x58: {  	_ =	shalt  }
0x59: {  	_ =	shalt  }
0x5a: {  	_ =	shalt  }
0x5b: {  	_ =	shalt  }
0x5c: {  	_ =	shalt  }
0x5d: {  	_ =	shalt  }
0x5e: {  	_ =	shalt  }
0x5f: {  	_ =	shalt  }
0x60: {  	_ =	shalt  }
0x61: {  	_ =	shalt  }
0x62: {  	_ =	shalt  }
0x63: {  	_ =	shalt  }
0x64: {  	_ =	shalt  }
0x65: {  	_ =	shalt  }
0x66: {  	_ =	shalt  }
0x67: {  	_ =	shalt  }
0x68: {  	_ =	shalt  }
0x69: {  	_ =	shalt  }
0x6a: {  	_ =	shalt  }
0x6b: {  	_ =	shalt  }
0x6c: {  	_ =	shalt  }
0x6d: {  	_ =	shalt  }
0x6e: {  	_ =	shalt  }
0x6f: {  	_ =	shalt  }
0x70: {  	_ =	shalt  }
0x71: {  	_ =	shalt  }
0x72: {  	_ =	shalt  }
0x73: {  	_ =	shalt  }
0x74: {  	_ =	shalt  }
0x75: {  	_ =	shalt  }
0x76: {  	_ =	shalt  }
0x77: {  	_ =	shalt  }
0x78: {  	_ =	shalt  }
0x79: {  	_ =	shalt  }
0x7a: {  	_ =	shalt  }
0x7b: {  	_ =	shalt  }
0x7c: {  	_ =	shalt  }
0x7d: {  	_ =	shalt  }
0x7e: {  	_ =	shalt  }
0x7f: {  	_ =	shalt  }
0x80: {  	_ =	shalt  }
0x81: {  	_ =	shalt  }
0x82: {  	_ =	shalt  }
0x83: {  	_ =	shalt  }
0x84: {  	_ =	shalt  }
0x85: {  	_ =	shalt  }
0x86: {  	_ =	shalt  }
0x87: {  	_ =	shalt  }
.Lfunc_end0:
.L_simem_size_0:
called_computation.3_lowered:
.L_overlay_start_0:
0x88: {  	s0 =	sld [smem:$0x3FD9]  }
0x89: {  	s1 =	sld [smem:$0x3FFE];
	_ =	sdelay $0x3  }
0x8a: {  	s0 =	sadd.s32 s1, s0  }
0x8b: {  	[smem:$0x3FA4] =	sst s0  }
0x8c: {  	_ = 	snop  }
0x8d: {  	(tm) =	ssettm $0x1  }
0x8e: {  	s15 =	sld [smem:$0x3FFB];
	_ =	sdelay $0x3  }
0x8f: {  	_ =	strace s15  }
0x90: {  	s0 =	sld [smem:$0x3FFC];
	_ =	sdelay $0x3  }
0x91: {  	_ =	strace s0  }
0x92: {  	s0 =	sld [smem:$0x3FFD];
	_ =	sdelay $0x3  }
0x93: {  	_ =	strace s0  }
0x94: {  	_ =	strace $0x8FFFFFFF  }
0x95: {  	s16 =	sld [smem:$0x3FDB];
	_ =	sdelay $0x1  }
0x96: {  	s17 =	simm.s32 $_scs_section_size  }
0x97: {  	s2 =	simm.s32 $_size__tile_overlayer_lowered;
	s3 =	simm.s32 $_tile_overlayer_lowered  }
0x98: {  	s20 =	simm.s32 $0x1BFF;
	s19 =	sshll.u32 s3, $0x1;
	s0 =	sadd.s32 s17, s16  }
0x99: {  	s4 =	simm.s32 $0x0;
	s18 =	sshll.u32 s2, $0x1;
	s2 =	sadd.s32 s19, s0  }
0x9a: {  	[timem:s4], [sflag:s20] =	dma.local [hbm:s2], s18  }
0x9b: {  	_ =	swait.ge [sflag:s20], s18  }
0x9c: {  	s1 =	ssub.s32 $0x0, s18;
	[sflag:s20] =	ssyncset.done $0x0  }
0x9d: {  	[sflag:s20] =	ssyncadd.s32 s1;
	_ =	sdelay $0x1  }
0x9e: {  	s21 =	simm.s32 $0x1B8B  }
0x9f: {  	_ =	swait.ge [sflag:s21], $0x1  }
0xa0: {  	[sflag:s21] =	ssyncset.done $0x0  }
0xa1: {  	s23 =	simm.s32 $0x1B8E;
	s22 =	sld [smem:$0x3FFE];
	[sflag:s21] =	ssyncadd.s32 $0xFFFFFFFF  }
0xa2: {  	s24 =	simm.s32 $execute0_lowered;
	[smem:$0x3FD2] =	sst s23  }
0xa3: {  	s2 =	sshll.u32 s24, $0x1;
	_ =	strace $0x8000004F;
	[dreg:$0x1] =	wrdreg $0xFFFFFFFF  }
0xa4: {  	s25 =	simm.s32 $_size_execute0_lowered;
	s0 =	sadd.s32 s0, s2;
	[dreg:$0x0] =	wrdreg $0x0  }
0xa5: {  	s2 =	sshll.u32 s25, $0x1;
	[dreg:$0x2] =	wrdreg s0  }
0xa6: {  	[dreg:$0x3] =	wrdreg s2  }
0xa7: {  	[dreg:$0x4] =	wrdreg $0xC0  }
0xa8: {  	_ =	task [dreg:s4], $0x5FFFF  }
0xa9: {  	[dreg:$0x1] =	wrdreg $0xFFFFFFFF  }
0xaa: {  	[dreg:$0x0] =	wrdreg $0x60  }
0xab: {  	[dreg:$0x2] =	wrdreg s22  }
0xac: {  	[dreg:$0x3] =	wrdreg $0x9  }
0xad: {  	_ =	task.clear_ibuf [dreg:s4], $0x4FFFF;
	_ =	strace $0x9000004F  }
0xae: {  	s26 =	simm.s32 $0x9;
	_ =	strace $0x80000051  }
0xaf: {  	_ =	swait.ge [sflag:s26], $0x1  }
0xb0: {  	[sflag:s26] =	ssyncadd.s32 $0xFFFFFFFF  }
0xb1: {  	_ =	strace $0x90000051  }
0xb2: {  	_ =	sfence  }
0xb3: {  	s28 =	sld [smem:$0x0];
	_ =	sdelay $0x1  }
0xb4: {  	s29 =	srdreg.scid  }
0xb5: {  	s30 =	sshll.u32 s29, $0xD;
	s31 =	sshrl.u32 s29, $0x2  }
0xb6: {  	s1 =	sand.u32 $0x1, s29;
	s2 =	sand.u32 $0x4000, s30;
	s0 =	sadd.s32 s31, s28  }
0xb7: {  	s1 =	sor.u32 s2, s1;
	s0 =	sshll.u32 s0, $0x11  }
0xb8: {  	s0 =	sor.u32 s0, s1  }
0xb9: {  	s0 =	sadd.s32 $0x8F2B, s0  }
0xba: {  	[sflag:s0] =	ssyncadd.remote.s32 $0x1  }
0xbb: {  	_ =	sfence.sel $0xFFFF  }
0xbc: {  	[dreg:$0x0] =	wrdreg $0xFFFFFFFF;
	(pc) =	sbr.abs _section_cstart, $3  }
0xbd: {  	[dreg:$0x1] =	wrdreg $0xFFFFFFFF  }
0xbe: {  	_ =	task.clear_ibuf [dreg:s4], $0x2FFFF;
	_ =	strace $0x9FFFFFFF  }
0xbf: {  	(tm) =	ssettm $0x7FFFFFFF  }
tec
execute0_lowered:
.L_overlay_start_1:
0x0: {  	(tag) =	ssettag $0x1  }
0x1: {  	s8 =	rddreg [dreg:$0x0];
	_ =	strace $0x80000050;
	s11 =	simm.s32 $0x1  }
0x2: {  	v0 =	vimm.s32 $0x0;
	[sflag:s11] =	ssyncpa.u1 $0x0  }
0x3: {  	[tilespmem:$0x28] =	vst v0  }
0x4: {  	[tilespmem:$0x38] =	vst v0  }
0x5: {  	[tilespmem:$0x48] =	vst v0  }
0x6: {  	[tilespmem:$0x58] =	vst v0  }
0x7: {  	[tilespmem:$0x68] =	vst v0  }
0x8: {  	[tilespmem:$0x78] =	vst v0  }
0x9: {  	[tilespmem:$0x88] =	vst v0  }
0xa: {  	[tilespmem:$0x98] =	vst v0  }
0xb: {  	[tilespmem:$0xA8] =	vst v0  }
0xc: {  	[tilespmem:$0xB8] =	vst v0  }
0xd: {  	[tilespmem:$0xC8] =	vst v0  }
0xe: {  	[tilespmem:$0xD8] =	vst v0  }
0xf: {  	[tilespmem:$0xE8] =	vst v0  }
0x10: {  	[tilespmem:$0xF8] =	vst v0  }
0x11: {  	[tilespmem:$0x108] =	vst v0  }
0x12: {  	[tilespmem:$0x118] =	vst v0  }
0x13: {  	[tilespmem:$0x128] =	vst v0  }
0x14: {  	[tilespmem:$0x138] =	vst v0  }
0x15: {  	[tilespmem:$0x148] =	vst v0  }
0x16: {  	[tilespmem:$0x158] =	vst v0  }
0x17: {  	[tilespmem:$0x168] =	vst v0  }
0x18: {  	[tilespmem:$0x178] =	vst v0  }
0x19: {  	[tilespmem:$0x188] =	vst v0  }
0x1a: {  	[tilespmem:$0x198] =	vst v0  }
0x1b: {  	[tilespmem:$0x1A8] =	vst v0  }
0x1c: {  	[tilespmem:$0x1B8] =	vst v0  }
0x1d: {  	[tilespmem:$0x1C8] =	vst v0  }
0x1e: {  	[tilespmem:$0x1D8] =	vst v0  }
0x1f: {  	[tilespmem:$0x1E8] =	vst v0  }
0x20: {  	[tilespmem:$0x1F8] =	vst v0  }
0x21: {  	[tilespmem:$0x208] =	vst v0  }
0x22: {  	[tilespmem:$0x218] =	vst v0  }
0x23: {  	[tilespmem:$0x228] =	vst v0  }
0x24: {  	[tilespmem:$0x238] =	vst v0  }
0x25: {  	[tilespmem:$0x248] =	vst v0  }
0x26: {  	[tilespmem:$0x258] =	vst v0  }
0x27: {  	[tilespmem:$0x268] =	vst v0  }
0x28: {  	[tilespmem:$0x278] =	vst v0  }
0x29: {  	[tilespmem:$0x288] =	vst v0  }
0x2a: {  	[tilespmem:$0x298] =	vst v0  }
0x2b: {  	[tilespmem:$0x2A8] =	vst v0  }
0x2c: {  	[tilespmem:$0x2B8] =	vst v0  }
0x2d: {  	[tilespmem:$0x2C8] =	vst v0  }
0x2e: {  	[tilespmem:$0x2D8] =	vst v0  }
0x2f: {  	[tilespmem:$0x2E8] =	vst v0  }
0x30: {  	[tilespmem:$0x2F8] =	vst v0  }
0x31: {  	[tilespmem:$0x308] =	vst v0  }
0x32: {  	[tilespmem:$0x318] =	vst v0  }
0x33: {  	[tilespmem:$0x328] =	vst v0  }
0x34: {  	[tilespmem:$0x338] =	vst v0  }
0x35: {  	[tilespmem:$0x348] =	vst v0  }
0x36: {  	[tilespmem:$0x358] =	vst v0  }
0x37: {  	[tilespmem:$0x368] =	vst v0  }
0x38: {  	[tilespmem:$0x378] =	vst v0  }
0x39: {  	[tilespmem:$0x388] =	vst v0  }
0x3a: {  	[tilespmem:$0x398] =	vst v0  }
0x3b: {  	[tilespmem:$0x3A8] =	vst v0  }
0x3c: {  	[tilespmem:$0x3B8] =	vst v0  }
0x3d: {  	[tilespmem:$0x3C8] =	vst v0  }
0x3e: {  	[tilespmem:$0x3D8] =	vst v0  }
0x3f: {  	[tilespmem:$0x3E8] =	vst v0  }
0x40: {  	[tilespmem:$0x3F8] =	vst v0  }
0x41: {  	[tilespmem:$0x408] =	vst v0  }
0x42: {  	[tilespmem:$0x418] =	vst v0  }
0x43: {  	[tilespmem:$0x428] =	vst v0  }
0x44: {  	[tilespmem:$0x438] =	vst v0  }
0x45: {  	[tilespmem:$0x448] =	vst v0  }
0x46: {  	[tilespmem:$0x458] =	vst v0  }
0x47: {  	[tilespmem:$0x468] =	vst v0  }
0x48: {  	[tilespmem:$0x478] =	vst v0  }
0x49: {  	[tilespmem:$0x488] =	vst v0  }
0x4a: {  	[tilespmem:$0x498] =	vst v0  }
0x4b: {  	[tilespmem:$0x4A8] =	vst v0  }
0x4c: {  	[tilespmem:$0x4B8] =	vst v0  }
0x4d: {  	[tilespmem:$0x4C8] =	vst v0  }
0x4e: {  	[tilespmem:$0x4D8] =	vst v0  }
0x4f: {  	[tilespmem:$0x4E8] =	vst v0  }
0x50: {  	[tilespmem:$0x4F8] =	vst v0  }
0x51: {  	[tilespmem:$0x508] =	vst v0  }
0x52: {  	[tilespmem:$0x518] =	vst v0  }
0x53: {  	[tilespmem:$0x528] =	vst v0  }
0x54: {  	[tilespmem:$0x538] =	vst v0  }
0x55: {  	[tilespmem:$0x548] =	vst v0  }
0x56: {  	[tilespmem:$0x558] =	vst v0  }
0x57: {  	[tilespmem:$0x568] =	vst v0  }
0x58: {  	[tilespmem:$0x578] =	vst v0  }
0x59: {  	[tilespmem:$0x588] =	vst v0  }
0x5a: {  	[tilespmem:$0x598] =	vst v0  }
0x5b: {  	[tilespmem:$0x5A8] =	vst v0  }
0x5c: {  	[tilespmem:$0x5B8] =	vst v0  }
0x5d: {  	[tilespmem:$0x5C8] =	vst v0  }
0x5e: {  	[tilespmem:$0x5D8] =	vst v0  }
0x5f: {  	[tilespmem:$0x5E8] =	vst v0  }
0x60: {  	[tilespmem:$0x5F8] =	vst v0  }
0x61: {  	[tilespmem:$0x608] =	vst v0  }
0x62: {  	[tilespmem:$0x618] =	vst v0  }
0x63: {  	[tilespmem:$0x628] =	vst v0  }
0x64: {  	[tilespmem:$0x638] =	vst v0  }
0x65: {  	[tilespmem:$0x648] =	vst v0  }
0x66: {  	[tilespmem:$0x658] =	vst v0  }
0x67: {  	[tilespmem:$0x668] =	vst v0  }
0x68: {  	[tilespmem:$0x678] =	vst v0  }
0x69: {  	[tilespmem:$0x688] =	vst v0  }
0x6a: {  	[tilespmem:$0x698] =	vst v0  }
0x6b: {  	[tilespmem:$0x6A8] =	vst v0  }
0x6c: {  	[tilespmem:$0x6B8] =	vst v0  }
0x6d: {  	[tilespmem:$0x6C8] =	vst v0  }
0x6e: {  	[tilespmem:$0x6D8] =	vst v0  }
0x6f: {  	[tilespmem:$0x6E8] =	vst v0  }
0x70: {  	[tilespmem:$0x6F8] =	vst v0  }
0x71: {  	[tilespmem:$0x708] =	vst v0  }
0x72: {  	[tilespmem:$0x718] =	vst v0  }
0x73: {  	[tilespmem:$0x728] =	vst v0  }
0x74: {  	[tilespmem:$0x738] =	vst v0  }
0x75: {  	[tilespmem:$0x748] =	vst v0  }
0x76: {  	[tilespmem:$0x758] =	vst v0  }
0x77: {  	[tilespmem:$0x768] =	vst v0  }
0x78: {  	[tilespmem:$0x778] =	vst v0  }
0x79: {  	[tilespmem:$0x788] =	vst v0  }
0x7a: {  	[tilespmem:$0x798] =	vst v0  }
0x7b: {  	[tilespmem:$0x7A8] =	vst v0  }
0x7c: {  	[tilespmem:$0x7B8] =	vst v0  }
0x7d: {  	[tilespmem:$0x7C8] =	vst v0  }
0x7e: {  	[tilespmem:$0x7D8] =	vst v0  }
0x7f: {  	[tilespmem:$0x7E8] =	vst v0  }
0x80: {  	[tilespmem:$0x7F8] =	vst v0  }
0x81: {  	[tilespmem:$0x808] =	vst v0  }
0x82: {  	[tilespmem:$0x818] =	vst v0  }
0x83: {  	[tilespmem:$0x828] =	vst v0  }
0x84: {  	[tilespmem:$0x838] =	vst v0  }
0x85: {  	[tilespmem:$0x848] =	vst v0  }
0x86: {  	[tilespmem:$0x858] =	vst v0  }
0x87: {  	[tilespmem:$0x868] =	vst v0  }
0x88: {  	[tilespmem:$0x878] =	vst v0  }
0x89: {  	[tilespmem:$0x888] =	vst v0  }
0x8a: {  	[tilespmem:$0x898] =	vst v0  }
0x8b: {  	[tilespmem:$0x8A8] =	vst v0  }
0x8c: {  	[tilespmem:$0x8B8] =	vst v0  }
0x8d: {  	[tilespmem:$0x8C8] =	vst v0  }
0x8e: {  	[tilespmem:$0x8D8] =	vst v0  }
0x8f: {  	[tilespmem:$0x8E8] =	vst v0  }
0x90: {  	[tilespmem:$0x8F8] =	vst v0  }
0x91: {  	[tilespmem:$0x908] =	vst v0  }
0x92: {  	[tilespmem:$0x918] =	vst v0  }
0x93: {  	[tilespmem:$0x928] =	vst v0  }
0x94: {  	[tilespmem:$0x938] =	vst v0  }
0x95: {  	[tilespmem:$0x948] =	vst v0  }
0x96: {  	[tilespmem:$0x958] =	vst v0  }
0x97: {  	[tilespmem:$0x968] =	vst v0  }
0x98: {  	[tilespmem:$0x978] =	vst v0  }
0x99: {  	[tilespmem:$0x988] =	vst v0  }
0x9a: {  	[tilespmem:$0x998] =	vst v0  }
0x9b: {  	[tilespmem:$0x9A8] =	vst v0  }
0x9c: {  	[tilespmem:$0x9B8] =	vst v0  }
0x9d: {  	[tilespmem:$0x9C8] =	vst v0  }
0x9e: {  	[tilespmem:$0x9D8] =	vst v0  }
0x9f: {  	[tilespmem:$0x9E8] =	vst v0  }
0xa0: {  	[tilespmem:$0x9F8] =	vst v0  }
0xa1: {  	[tilespmem:$0xA08] =	vst v0  }
0xa2: {  	[tilespmem:$0xA18] =	vst v0  }
0xa3: {  	[tilespmem:$0xA28] =	vst v0  }
0xa4: {  	[tilespmem:$0xA38] =	vst v0  }
0xa5: {  	[tilespmem:$0xA48] =	vst v0  }
0xa6: {  	[tilespmem:$0xA58] =	vst v0  }
0xa7: {  	[tilespmem:$0xA68] =	vst v0  }
0xa8: {  	[tilespmem:$0xA78] =	vst v0  }
0xa9: {  	[tilespmem:$0xA88] =	vst v0  }
0xaa: {  	[tilespmem:$0xA98] =	vst v0  }
0xab: {  	[tilespmem:$0xAA8] =	vst v0  }
0xac: {  	[tilespmem:$0xAB8] =	vst v0  }
0xad: {  	[tilespmem:$0xAC8] =	vst v0  }
0xae: {  	[tilespmem:$0xAD8] =	vst v0  }
0xaf: {  	[tilespmem:$0xAE8] =	vst v0  }
0xb0: {  	[tilespmem:$0xAF8] =	vst v0  }
0xb1: {  	[tilespmem:$0xB08] =	vst v0  }
0xb2: {  	[tilespmem:$0xB18] =	vst v0  }
0xb3: {  	[tilespmem:$0xB28] =	vst v0  }
0xb4: {  	[tilespmem:$0xB38] =	vst v0  }
0xb5: {  	[tilespmem:$0xB48] =	vst v0  }
0xb6: {  	[tilespmem:$0xB58] =	vst v0  }
0xb7: {  	[tilespmem:$0xB68] =	vst v0  }
0xb8: {  	[tilespmem:$0xB78] =	vst v0  }
0xb9: {  	[tilespmem:$0xB88] =	vst v0  }
0xba: {  	[tilespmem:$0xB98] =	vst v0  }
0xbb: {  	[tilespmem:$0xBA8] =	vst v0  }
0xbc: {  	[tilespmem:$0xBB8] =	vst v0  }
0xbd: {  	[tilespmem:$0xBC8] =	vst v0  }
0xbe: {  	[tilespmem:$0xBD8] =	vst v0  }
0xbf: {  	[tilespmem:$0xBE8] =	vst v0  }
0xc0: {  	[tilespmem:$0xBF8] =	vst v0  }
0xc1: {  	[tilespmem:$0xC08] =	vst v0  }
0xc2: {  	[tilespmem:$0xC18] =	vst v0  }
0xc3: {  	[tilespmem:$0xC28] =	vst v0  }
0xc4: {  	[tilespmem:$0xC38] =	vst v0  }
0xc5: {  	[tilespmem:$0xC48] =	vst v0  }
0xc6: {  	[tilespmem:$0xC58] =	vst v0  }
0xc7: {  	[tilespmem:$0xC68] =	vst v0  }
0xc8: {  	[tilespmem:$0xC78] =	vst v0  }
0xc9: {  	[tilespmem:$0xC88] =	vst v0  }
0xca: {  	[tilespmem:$0xC98] =	vst v0  }
0xcb: {  	[tilespmem:$0xCA8] =	vst v0  }
0xcc: {  	[tilespmem:$0xCB8] =	vst v0  }
0xcd: {  	[tilespmem:$0xCC8] =	vst v0  }
0xce: {  	[tilespmem:$0xCD8] =	vst v0  }
0xcf: {  	[tilespmem:$0xCE8] =	vst v0  }
0xd0: {  	[tilespmem:$0xCF8] =	vst v0  }
0xd1: {  	[tilespmem:$0xD08] =	vst v0  }
0xd2: {  	[tilespmem:$0xD18] =	vst v0  }
0xd3: {  	[tilespmem:$0xD28] =	vst v0  }
0xd4: {  	[tilespmem:$0xD38] =	vst v0  }
0xd5: {  	[tilespmem:$0xD48] =	vst v0  }
0xd6: {  	[tilespmem:$0xD58] =	vst v0  }
0xd7: {  	[tilespmem:$0xD68] =	vst v0  }
0xd8: {  	[tilespmem:$0xD78] =	vst v0  }
0xd9: {  	[tilespmem:$0xD88] =	vst v0  }
0xda: {  	[tilespmem:$0xD98] =	vst v0  }
0xdb: {  	[tilespmem:$0xDA8] =	vst v0  }
0xdc: {  	[tilespmem:$0xDB8] =	vst v0  }
0xdd: {  	[tilespmem:$0xDC8] =	vst v0  }
0xde: {  	[tilespmem:$0xDD8] =	vst v0  }
0xdf: {  	[tilespmem:$0xDE8] =	vst v0  }
0xe0: {  	[tilespmem:$0xDF8] =	vst v0  }
0xe1: {  	[tilespmem:$0xE08] =	vst v0  }
0xe2: {  	[tilespmem:$0xE18] =	vst v0  }
0xe3: {  	[tilespmem:$0xE28] =	vst v0  }
0xe4: {  	[tilespmem:$0xE38] =	vst v0  }
0xe5: {  	[tilespmem:$0xE48] =	vst v0  }
0xe6: {  	[tilespmem:$0xE58] =	vst v0  }
0xe7: {  	[tilespmem:$0xE68] =	vst v0  }
0xe8: {  	[tilespmem:$0xE78] =	vst v0  }
0xe9: {  	[tilespmem:$0xE88] =	vst v0  }
0xea: {  	[tilespmem:$0xE98] =	vst v0  }
0xeb: {  	[tilespmem:$0xEA8] =	vst v0  }
0xec: {  	[tilespmem:$0xEB8] =	vst v0  }
0xed: {  	[tilespmem:$0xEC8] =	vst v0  }
0xee: {  	[tilespmem:$0xED8] =	vst v0  }
0xef: {  	[tilespmem:$0xEE8] =	vst v0  }
0xf0: {  	[tilespmem:$0xEF8] =	vst v0  }
0xf1: {  	[tilespmem:$0xF08] =	vst v0  }
0xf2: {  	[tilespmem:$0xF18] =	vst v0  }
0xf3: {  	[tilespmem:$0xF28] =	vst v0  }
0xf4: {  	[tilespmem:$0xF38] =	vst v0  }
0xf5: {  	[tilespmem:$0xF48] =	vst v0  }
0xf6: {  	[tilespmem:$0xF58] =	vst v0  }
0xf7: {  	[tilespmem:$0xF68] =	vst v0  }
0xf8: {  	[tilespmem:$0xF78] =	vst v0  }
0xf9: {  	[tilespmem:$0xF88] =	vst v0  }
0xfa: {  	[tilespmem:$0xF98] =	vst v0  }
0xfb: {  	[tilespmem:$0xFA8] =	vst v0  }
0xfc: {  	[tilespmem:$0xFB8] =	vst v0  }
0xfd: {  	[tilespmem:$0xFC8] =	vst v0  }
0xfe: {  	[tilespmem:$0xFD8] =	vst v0  }
0xff: {  	[tilespmem:$0xFE8] =	vst v0  }
0x100: {  	[tilespmem:$0xFF8] =	vst v0  }
0x101: {  	[tilespmem:$0x1018] =	vst v0  }
0x102: {  	[tilespmem:$0x10D8] =	vst v0  }
0x103: {  	[tilespmem:$0x1B28] =	vst v0  }
0x104: {  	[tilespmem:$0x1B18] =	vst v0  }
0x105: {  	[tilespmem:$0x1B08] =	vst v0  }
0x106: {  	[tilespmem:$0x1AF8] =	vst v0  }
0x107: {  	[tilespmem:$0x1AE8] =	vst v0  }
0x108: {  	[tilespmem:$0x1AD8] =	vst v0  }
0x109: {  	[tilespmem:$0x1AC8] =	vst v0  }
0x10a: {  	[tilespmem:$0x1AB8] =	vst v0  }
0x10b: {  	[tilespmem:$0x1AA8] =	vst v0  }
0x10c: {  	[tilespmem:$0x1A98] =	vst v0  }
0x10d: {  	[tilespmem:$0x1A88] =	vst v0  }
0x10e: {  	[tilespmem:$0x1A78] =	vst v0  }
0x10f: {  	[tilespmem:$0x1A68] =	vst v0  }
0x110: {  	[tilespmem:$0x1A58] =	vst v0  }
0x111: {  	[tilespmem:$0x1A48] =	vst v0  }
0x112: {  	[tilespmem:$0x1A38] =	vst v0  }
0x113: {  	[tilespmem:$0x1A28] =	vst v0  }
0x114: {  	[tilespmem:$0x1A18] =	vst v0  }
0x115: {  	[tilespmem:$0x1A08] =	vst v0  }
0x116: {  	[tilespmem:$0x19F8] =	vst v0  }
0x117: {  	[tilespmem:$0x19E8] =	vst v0  }
0x118: {  	[tilespmem:$0x19D8] =	vst v0  }
0x119: {  	[tilespmem:$0x19C8] =	vst v0  }
0x11a: {  	[tilespmem:$0x19B8] =	vst v0  }
0x11b: {  	[tilespmem:$0x19A8] =	vst v0  }
0x11c: {  	[tilespmem:$0x1998] =	vst v0  }
0x11d: {  	[tilespmem:$0x1988] =	vst v0  }
0x11e: {  	[tilespmem:$0x1978] =	vst v0  }
0x11f: {  	[tilespmem:$0x1968] =	vst v0  }
0x120: {  	[tilespmem:$0x1958] =	vst v0  }
0x121: {  	[tilespmem:$0x1948] =	vst v0  }
0x122: {  	[tilespmem:$0x1938] =	vst v0  }
0x123: {  	[tilespmem:$0x1928] =	vst v0  }
0x124: {  	[tilespmem:$0x1918] =	vst v0  }
0x125: {  	[tilespmem:$0x1908] =	vst v0  }
0x126: {  	[tilespmem:$0x18F8] =	vst v0  }
0x127: {  	[tilespmem:$0x18E8] =	vst v0  }
0x128: {  	[tilespmem:$0x18D8] =	vst v0  }
0x129: {  	[tilespmem:$0x18C8] =	vst v0  }
0x12a: {  	[tilespmem:$0x18B8] =	vst v0  }
0x12b: {  	[tilespmem:$0x18A8] =	vst v0  }
0x12c: {  	[tilespmem:$0x1898] =	vst v0  }
0x12d: {  	[tilespmem:$0x1888] =	vst v0  }
0x12e: {  	[tilespmem:$0x1878] =	vst v0  }
0x12f: {  	[tilespmem:$0x1868] =	vst v0  }
0x130: {  	[tilespmem:$0x1858] =	vst v0  }
0x131: {  	[tilespmem:$0x1848] =	vst v0  }
0x132: {  	[tilespmem:$0x1838] =	vst v0  }
0x133: {  	[tilespmem:$0x1828] =	vst v0  }
0x134: {  	[tilespmem:$0x1818] =	vst v0  }
0x135: {  	[tilespmem:$0x1808] =	vst v0  }
0x136: {  	[tilespmem:$0x17F8] =	vst v0  }
0x137: {  	[tilespmem:$0x17E8] =	vst v0  }
0x138: {  	[tilespmem:$0x17D8] =	vst v0  }
0x139: {  	[tilespmem:$0x17C8] =	vst v0  }
0x13a: {  	[tilespmem:$0x17B8] =	vst v0  }
0x13b: {  	[tilespmem:$0x17A8] =	vst v0  }
0x13c: {  	[tilespmem:$0x1798] =	vst v0  }
0x13d: {  	[tilespmem:$0x1788] =	vst v0  }
0x13e: {  	[tilespmem:$0x1778] =	vst v0  }
0x13f: {  	[tilespmem:$0x1768] =	vst v0  }
0x140: {  	[tilespmem:$0x1758] =	vst v0  }
0x141: {  	[tilespmem:$0x1748] =	vst v0  }
0x142: {  	[tilespmem:$0x1738] =	vst v0  }
0x143: {  	[tilespmem:$0x1728] =	vst v0  }
0x144: {  	[tilespmem:$0x1718] =	vst v0  }
0x145: {  	[tilespmem:$0x1708] =	vst v0  }
0x146: {  	[tilespmem:$0x16F8] =	vst v0  }
0x147: {  	[tilespmem:$0x16E8] =	vst v0  }
0x148: {  	[tilespmem:$0x16D8] =	vst v0  }
0x149: {  	[tilespmem:$0x16C8] =	vst v0  }
0x14a: {  	[tilespmem:$0x16B8] =	vst v0  }
0x14b: {  	[tilespmem:$0x16A8] =	vst v0  }
0x14c: {  	[tilespmem:$0x1698] =	vst v0  }
0x14d: {  	[tilespmem:$0x1688] =	vst v0  }
0x14e: {  	[tilespmem:$0x1678] =	vst v0  }
0x14f: {  	[tilespmem:$0x1668] =	vst v0  }
0x150: {  	[tilespmem:$0x1658] =	vst v0  }
0x151: {  	[tilespmem:$0x1648] =	vst v0  }
0x152: {  	[tilespmem:$0x1638] =	vst v0  }
0x153: {  	[tilespmem:$0x1628] =	vst v0  }
0x154: {  	[tilespmem:$0x1618] =	vst v0  }
0x155: {  	[tilespmem:$0x1608] =	vst v0  }
0x156: {  	[tilespmem:$0x15F8] =	vst v0  }
0x157: {  	[tilespmem:$0x15E8] =	vst v0  }
0x158: {  	[tilespmem:$0x15D8] =	vst v0  }
0x159: {  	[tilespmem:$0x15C8] =	vst v0  }
0x15a: {  	[tilespmem:$0x15B8] =	vst v0  }
0x15b: {  	[tilespmem:$0x15A8] =	vst v0  }
0x15c: {  	[tilespmem:$0x1598] =	vst v0  }
0x15d: {  	[tilespmem:$0x1588] =	vst v0  }
0x15e: {  	[tilespmem:$0x1578] =	vst v0  }
0x15f: {  	[tilespmem:$0x1568] =	vst v0  }
0x160: {  	[tilespmem:$0x1558] =	vst v0  }
0x161: {  	[tilespmem:$0x1548] =	vst v0  }
0x162: {  	[tilespmem:$0x1538] =	vst v0  }
0x163: {  	[tilespmem:$0x1528] =	vst v0  }
0x164: {  	[tilespmem:$0x1518] =	vst v0  }
0x165: {  	[tilespmem:$0x1508] =	vst v0  }
0x166: {  	[tilespmem:$0x14F8] =	vst v0  }
0x167: {  	[tilespmem:$0x14E8] =	vst v0  }
0x168: {  	[tilespmem:$0x14D8] =	vst v0  }
0x169: {  	[tilespmem:$0x14C8] =	vst v0  }
0x16a: {  	[tilespmem:$0x14B8] =	vst v0  }
0x16b: {  	[tilespmem:$0x14A8] =	vst v0  }
0x16c: {  	[tilespmem:$0x1498] =	vst v0  }
0x16d: {  	[tilespmem:$0x1488] =	vst v0  }
0x16e: {  	[tilespmem:$0x1478] =	vst v0  }
0x16f: {  	[tilespmem:$0x1468] =	vst v0  }
0x170: {  	[tilespmem:$0x1458] =	vst v0  }
0x171: {  	[tilespmem:$0x1448] =	vst v0  }
0x172: {  	[tilespmem:$0x1438] =	vst v0  }
0x173: {  	[tilespmem:$0x1428] =	vst v0  }
0x174: {  	[tilespmem:$0x1418] =	vst v0  }
0x175: {  	[tilespmem:$0x1408] =	vst v0  }
0x176: {  	[tilespmem:$0x13F8] =	vst v0  }
0x177: {  	[tilespmem:$0x13E8] =	vst v0  }
0x178: {  	[tilespmem:$0x13D8] =	vst v0  }
0x179: {  	[tilespmem:$0x13C8] =	vst v0  }
0x17a: {  	[tilespmem:$0x13B8] =	vst v0  }
0x17b: {  	[tilespmem:$0x13A8] =	vst v0  }
0x17c: {  	[tilespmem:$0x1398] =	vst v0  }
0x17d: {  	[tilespmem:$0x1388] =	vst v0  }
0x17e: {  	[tilespmem:$0x1378] =	vst v0  }
0x17f: {  	[tilespmem:$0x1368] =	vst v0  }
0x180: {  	[tilespmem:$0x1358] =	vst v0  }
0x181: {  	[tilespmem:$0x1348] =	vst v0  }
0x182: {  	[tilespmem:$0x1338] =	vst v0  }
0x183: {  	[tilespmem:$0x1328] =	vst v0  }
0x184: {  	[tilespmem:$0x1318] =	vst v0  }
0x185: {  	[tilespmem:$0x1308] =	vst v0  }
0x186: {  	[tilespmem:$0x12F8] =	vst v0  }
0x187: {  	[tilespmem:$0x12E8] =	vst v0  }
0x188: {  	[tilespmem:$0x12D8] =	vst v0  }
0x189: {  	[tilespmem:$0x12C8] =	vst v0  }
0x18a: {  	[tilespmem:$0x12B8] =	vst v0  }
0x18b: {  	[tilespmem:$0x12A8] =	vst v0  }
0x18c: {  	[tilespmem:$0x1298] =	vst v0  }
0x18d: {  	[tilespmem:$0x1288] =	vst v0  }
0x18e: {  	[tilespmem:$0x1278] =	vst v0  }
0x18f: {  	[tilespmem:$0x1268] =	vst v0  }
0x190: {  	[tilespmem:$0x1258] =	vst v0  }
0x191: {  	[tilespmem:$0x1248] =	vst v0  }
0x192: {  	[tilespmem:$0x1238] =	vst v0  }
0x193: {  	[tilespmem:$0x1228] =	vst v0  }
0x194: {  	[tilespmem:$0x1218] =	vst v0  }
0x195: {  	[tilespmem:$0x1208] =	vst v0  }
0x196: {  	[tilespmem:$0x11F8] =	vst v0  }
0x197: {  	[tilespmem:$0x11E8] =	vst v0  }
0x198: {  	[tilespmem:$0x11D8] =	vst v0  }
0x199: {  	[tilespmem:$0x11C8] =	vst v0  }
0x19a: {  	[tilespmem:$0x11B8] =	vst v0  }
0x19b: {  	[tilespmem:$0x11A8] =	vst v0  }
0x19c: {  	[tilespmem:$0x1198] =	vst v0  }
0x19d: {  	[tilespmem:$0x1188] =	vst v0  }
0x19e: {  	[tilespmem:$0x1178] =	vst v0  }
0x19f: {  	[tilespmem:$0x1168] =	vst v0  }
0x1a0: {  	[tilespmem:$0x1158] =	vst v0  }
0x1a1: {  	[tilespmem:$0x1148] =	vst v0  }
0x1a2: {  	[tilespmem:$0x1138] =	vst v0  }
0x1a3: {  	[tilespmem:$0x1128] =	vst v0  }
0x1a4: {  	[tilespmem:$0x1118] =	vst v0  }
0x1a5: {  	s2 =	stileid.u32;
	[tilespmem:$0x1108] =	vst v0  }
0x1a6: {  	s0 =	smul.u32 $0x2F, s2;
	[tilespmem:$0x10F8] =	vst v0  }
0x1a7: {  	s1 =	smin.u32 s2, $0xC;
	[tilespmem:$0x10E8] =	vst v0  }
0x1a8: {  	[tilespmem:$0x10B8] =	vst v0;
	s0 =	sadd.s32 s1, s0  }
0x1a9: {  	p0 =	slt.u32 s2, $0xC;
	[tilespmem:$0x10C8] =	vst v0;
	s1 =	simm.s32 $0x5100;
	s3 =	smul.u32 $0x1B0, s0  }
0x1aa: {  	s1 =	simm.s32 @!p0 $0x4F50;
	[tilespmem:$0x10A8] =	vst v0  }
0x1ab: {  	[tilespmem:$0x1038] =	vst v0;
	s0 =	sadd.s32 s1, s3  }
0x1ac: {  	[tilespmem:$0x1098] =	vst v0;
	s4 =	smin.u32 s0, $0x50910  }
0x1ad: {  	[tilespmem:$0x1088] =	vst v0;
	s0 =	ssub.s32 s4, s3  }
0x1ae: {  	s5 =	simm.s32 $0x2;
	[tilespmem:$0x1078] =	vst v0;
	p0 =	sgt.s32 s0, $0x0  }
0x1af: {  	s29 =	simm.s32 $0x7;
	s13 =	simm.s32 $0x8;
	[tilespmem:$0x1068] =	vst v0;
	s0 =	simm.s32 @!p0 $0x0  }
0x1b0: {  	s30 =	simm.s32 $0x9;
	p4 =	por $0x0, $0x0;
	[tilespmem:$0x1058] =	vst v0;
	s6 =	smulhi.u32 $0x4BDA12F7, s0  }
0x1b1: {  	s14 =	simm.s32 $0xA;
	s18 =	simm.s32 $0x0;
	s15 =	simm.s32 $0x0;
	[tilespmem:$0x1048] =	vst v0  }
0x1b2: {  	s17 =	simm.s32 $0x0;
	s7 =	sadd.s32 $0x73200, s8;
	[tilespmem:$0x1028] =	vst v0;
	s12 =	sshrl.u32 s6, $0x7  }
0x1b3: {  	s31 =	sshll.u32 s2, $0x5;
	[tilespmem:$0x1008] =	vst v0;
	[sflag:s5] =	ssyncpa.u1 $0x0;
	v0 =	vimm.s32 $0xFFFFFFFF;
	s10 =	smul.u32 $0x1B0, s12  }
.Ltmp0:
0x1b4: {  	[dreg:$0x2] =	wrdreg s31;
	[tilespmem:$0x3648] =	vst v0;
	[sflag:s29] =	ssyncpa.u1 $0x0;
	(pc) =	sbr.rel .LBB2_1-.Ltmp0, $4  }
0x1b5: {  	[sflag:s13] =	ssyncpa.u1 $0x0;
	s13 =	simm.s32 $0x0;
	p0 =	sne.s32 s0, s10  }
0x1b6: {  	[sflag:s30] =	ssyncpa.u1 $0x0;
	s1 =	sadd.s32 $0x57C400, s8;
	s11 =	simm.s32 @!p0 $0x0  }
0x1b7: {  	s16 =	smov.u32 s3;
	s6 =	sadd.s32 $0x23200, s8;
	s11 =	sadd.s32 s11, s12  }
0x1b8: {  	v0 =	vlaneseq.u32;
	s8 =	sadd.s32 $0x2D400, s8;
	p0 =	por $0x1, $0x1;
	s12 =	sadd.s32 $0x1, s11  }
.LBB2_18:
0x1b9: {  	s0 =	simm.s32 $0x2  }
0x1ba: {  	_ =	swait.ge [sflag:s0], $0x0  }
0x1bb: {  	[sflag:s0] =	ssyncset.done $0x0;
	s0 =	simm.s32 $0x0  }
.LBB2_19:
0x1bc: {  	_ =	swait.ge [sflag:s14], s0  }
0x1bd: {  	s31 =	ssub.s32 $0x0, s0;
	v1 =	vmov s20;
	vm0 =	veq.s32 v0, $0x0;
	[sflag:s14] =	ssyncset.done $0x0  }
0x1be: {  	vm15 =	veq.s32 v0, $0x2;
	v1 =	vsel vm0, s24, v1;
	[sflag:s14] =	ssyncadd.s32 s31  }
0x1bf: {  	v1 =	vsel vm15, s18, v1;
	[sflag:s14] =	ssyncpa.u1 $0x1  }
0x1c0: {  	[tilespmem:$0x3648] =	vst v1  }
.LBB2_20:
0x1c1: {  	s0 =	sadd.s32 $0x1B0, s16  }
0x1c2: {  	s2 =	smov.u32 s3;
	p1 =	slt.s32 s0, s4  }
0x1c3: {  	s2 =	smov.u32 @p1 s0;
	p1 =	sne.s32 s17, s12  }
.Ltmp1:
0x1c4: {  	_ = 	snop;
	(pc) =	sbr.rel @!p1 .LBB2_21-.Ltmp1, $4  }
0x1c5: {  	_ = 	snop  }
0x1c6: {  	s18 =	smov.u32 s15  }
0x1c7: {  	s31 =	sadd.s32 $0x1, s17;
	s15 =	smov.u32 s16;
	p0 =	por !p0, !p0  }
0x1c8: {  	p4 =	por !p4, !p4;
	s17 =	smov.u32 s31;
	s16 =	smov.u32 s2  }
.LBB2_1:
0x1c9: {  	p2 =	sge.u32 s17, s11  }
0x1ca: {  	s0 =	smulhi.u32 @!p2 $0xAAAAAAAB, s17  }
0x1cb: {  	s19 =	smov.u32 s16;
	p3 =	sgt.s32 @!p2 s16, $0x50760  }
0x1cc: {  	s20 =	sshra.s32 @!p2 s16, $0x1F;
	p3 =	por !p3, p2;
	s0 =	sshrl.u32 @!p2 s0, $0x1  }
0x1cd: {  	s20 =	sand.u32 @!p2 s20, s16;
	s19 =	simm.s32 @p3 $0x50760;
	s0 =	smul.u32 @!p2 $0x3, s0  }
0x1ce: {  	s19 =	ssub.s32 @!p2 s19, s20  }
0x1cf: {  	s19 =	sadd.s32 @!p2 $0xFFFAF8A0, s19;
	s0 =	ssub.s32 @!p2 s17, s0  }
0x1d0: {  	s20 =	sshll.u32 @!p2 s19, $0x2;
	p3 =	sgt.s32 @!p2 s19, $0x1AF;
	s0 =	smul.u32 @!p2 $0x6C0, s0  }
0x1d1: {  	s21 =	sand.u32 @!p2 $0x7, s16;
	s19 =	ssub.s32 @!p2 $0x6C0, s20;
	p3 =	por !p3, p2  }
0x1d2: {  	s20 =	sshrl.u32 @!p2 s16, $0x3;
	s19 =	sshrl.u32 @!p2 s19, $0x2;
	s0 =	sshrl.u32 @!p2 s0, $0x2  }
0x1d3: {  	s20 =	sadd.s32 @!p2 s8, s20;
	s19 =	simm.s32 @!p3 $0x0;
	s0 =	sadd.s32 @!p2 $0x3878, s0  }
0x1d4: {  	[tilespmem:s0], [sflag:$0x8] =	stream.linear.gather @!p2 [hbm4b:s20+s21], s19, $0x38;
	[tilespmem:$0x1F0E8] =	vst v63  }
0x1d5: {  	s20 =	sadd.s32 $0xFFFFFFFF, s17  }
0x1d6: {  	p2 =	sge.u32 s20, s11  }
0x1d7: {  	p3 =	sgt.s32 @!p2 s15, $0x50760  }
0x1d8: {  	s0 =	smov.u32 s15;
	s19 =	sshra.s32 @!p2 s15, $0x1F;
	p3 =	por !p3, p2  }
0x1d9: {  	s19 =	sand.u32 @!p2 s19, s15;
	s0 =	simm.s32 @p3 $0x50760  }
0x1da: {  	s0 =	ssub.s32 @!p2 s0, s19  }
0x1db: {  	s0 =	sadd.s32 @!p2 $0xFFFAF8A0, s0  }
0x1dc: {  	s19 =	sshll.u32 @!p2 s0, $0x2  }
0x1dd: {  	p3 =	sgt.s32 @!p2 s0, $0x1AF;
	s0 =	ssub.s32 @!p2 $0x6C0, s19  }
0x1de: {  	p3 =	por !p3, p2;
	s0 =	sshrl.u32 @!p2 s0, $0x2  }
0x1df: {  	s21 =	simm.s32 @!p2 $0x8;
	s19 =	sand.u32 @!p2 $0x1, s20;
	s0 =	simm.s32 @!p3 $0x0  }
0x1e0: {  	s19 =	smul.u32 @!p2 $0x6C0, s19;
	_ =	swait.ge @!p2 [sflag:s21], s0  }
0x1e1: {  	s22 =	ssub.s32 @!p2 $0x0, s0;
	[sflag:s21] =	ssyncset.done @!p2 $0x0  }
0x1e2: {  	s19 =	sshrl.u32 @!p2 s19, $0x2;
	[sflag:s21] =	ssyncadd.s32 @!p2 s22;
	s21 =	sshrl.u32 @!p2 s15, $0x3  }
0x1e3: {  	s19 =	sadd.s32 @!p2 $0x3D88, s19;
	s22 =	sand.u32 @!p2 $0x7, s15;
	s21 =	sadd.s32 @!p2 s6, s21  }
0x1e4: {  	[tilespmem:s19], [sflag:$0x9] =	stream.linear.gather @!p2 [hbm4b:s21+s22], s0, $0x38;
	[tilespmem:$0x1F0E8] =	vst v63  }
0x1e5: {  	s19 =	ssub.s32 @!p2 $0x50910, s15  }
0x1e6: {  	p3 =	slt.s32 @!p2 s19, $0x1  }
0x1e7: {  	p3 =	por p2, p3  }
.Ltmp2:
0x1e8: {  	_ = 	snop;
	(pc) =	sbr.rel @p3 .LBB2_7-.Ltmp2, $1  }
0x1e9: {  	_ =	sdelay $0x3  }
0x1ea: {  	s0 =	smulhi.u32 $0xAAAAAAAB, s20;
	_ =	sdelay $0x1  }
0x1eb: {  	s0 =	sshrl.u32 s0, $0x1  }
0x1ec: {  	s0 =	smul.u32 $0x3, s0;
	_ =	sdelay $0x1  }
0x1ed: {  	s0 =	ssub.s32 s20, s0  }
0x1ee: {  	s21 =	simm.s32 $0x1;
	s0 =	smul.u32 $0x6C0, s0  }
.Ltmp3:
0x1ef: {  	s21 =	simm.s32 @!p0 $0x0;
	(pc) =	sbr.rel .LBB2_4-.Ltmp3, $4  }
0x1f0: {  	s31 =	smul.u32 $0x36000, s21  }
0x1f1: {  	p3 =	slt.s32 @!p2 s19, $0x1B0;
	s0 =	sshrl.u32 s0, $0x2  }
0x1f2: {  	p2 =	por !p3, p2;
	s20 =	sshrl.u32 s31, $0x2;
	s0 =	sadd.s32 $0x3878, s0  }
0x1f3: {  	s19 =	simm.s32 @p2 $0x1B0;
	s21 =	simm.s32 $0x0;
	s20 =	sadd.s32 $0x40E8, s20;
	v1 =	vmov s0  }
.LBB2_3:
0x1f4: {  	p2 =	sge.s32 s21, s19  }
.Ltmp4:
0x1f5: {  	_ = 	snop;
	(pc) =	sbr.rel @p2 .LBB2_7-.Ltmp4, $2  }
0x1f6: {  	_ =	sdelay $0x2  }
0x1f7: {  	s20 =	sadd.s32 $0x800, s20  }
.LBB2_4:
0x1f8: {  	p2 =	sle.s32 s19, s21  }
.Ltmp5:
0x1f9: {  	_ = 	snop;
	(pc) =	sbr.rel @p2 .LBB2_3-.Ltmp5, $2  }
0x1fa: {  	_ =	sdelay $0x2  }
0x1fb: {  	s22 =	smov.u32 s21;
	s21 =	sadd.s32 $0x10, s21  }
0x1fc: {  	s0 =	ssub.s32 s19, s22  }
0x1fd: {  	p2 =	slt.s32 s0, $0x10  }
0x1fe: {  	s0 =	simm.s32 @!p2 $0x10  }
0x1ff: {  	v2 =	vmov s0  }
0x200: {  	vm0 =	vgt.s32 v2, v0;
	_ =	sdelay $0x5  }
0x201: {  	v2 =	vld.idx.msk [tilespmem:v1+s22+$0x0 ss:$0x1], vm0;
	_ =	sdelay $0x2  }
0x202: {  	s23 =	smov.u32 s19;
	p2 =	slt.s32 s21, s19  }
0x203: {  	s24 =	smov.u32 s20;
	s25 =	simm.s32 $0x0;
	s23 =	smov.u32 @p2 s21  }
.LBB2_6:
0x204: {  	(v2sf) =	vpush v2, s25;
	_ =	sdelay $0xc  }
0x205: {  	s25 =	sadd.s32 $0x1, s25  }
0x206: {  	s31 =	sadd.s32 s25, s22  }
0x207: {  	p2 =	slt.s32 s31, s23;
	s0 =	spop (v2sf)  }
.Ltmp6:
0x208: {  	s0 =	sshll.u32 s0, $0x4;
	(pc) =	sbr.rel @p2 .LBB2_6-.Ltmp6, $4  }
0x209: {  	s0 =	sand.u32 $0x1FFFFFF0, s0  }
0x20a: {  	s0 =	sadd.s32 s7, s0  }
0x20b: {  	[tilespmem:s24], [sflag:$0x7] =	stream.linear.gather [hbm4b:s0+s13], $0x2, $0x38;
	[tilespmem:$0x1F0E8] =	vst v63  }
0x20c: {  	s24 =	sadd.s32 $0x80, s24  }
.Ltmp7:
0x20d: {  	_ = 	snop;
	(pc) =	sbr.rel .LBB2_3-.Ltmp7, $1  }
0x20e: {  	_ =	sdelay $0x3  }
.LBB2_7:
0x20f: {  	p2 =	slt.u32 s17, $0x2  }
.Ltmp8:
0x210: {  	_ = 	snop;
	(pc) =	sbr.rel @p2 .LBB2_20-.Ltmp8, $1  }
0x211: {  	_ =	sdelay $0x3  }
0x212: {  	p2 =	sgt.s32 s18, $0x50760;
	s0 =	smov.u32 s18  }
0x213: {  	s19 =	sshra.s32 s18, $0x1F;
	s20 =	ssub.s32 $0x50910, s18;
	s0 =	simm.s32 @!p2 $0x50760  }
0x214: {  	s19 =	sand.u32 s19, s18;
	p2 =	slt.s32 s20, $0x1B0;
	s21 =	smov.u32 s20  }
0x215: {  	s0 =	ssub.s32 s0, s19;
	s21 =	simm.s32 @!p2 $0x1B0  }
0x216: {  	s0 =	sadd.s32 $0xFFFAF8A0, s0;
	s26 =	sshll.u32 s21, $0x1  }
0x217: {  	s2 =	simm.s32 $0x7;
	s28 =	sshll.u32 s0, $0x2;
	s19 =	sand.u32 $0x3FFFFFFE, s26  }
0x218: {  	p2 =	sgt.s32 s0, $0x1AF;
	s29 =	ssub.s32 $0x6C0, s28;
	_ =	swait.ge [sflag:s2], s19  }
0x219: {  	s19 =	ssub.s32 $0x0, s19;
	[sflag:s2] =	ssyncset.done $0x0;
	s0 =	sshrl.u32 s29, $0x2  }
0x21a: {  	s30 =	simm.s32 $0x9;
	[sflag:s2] =	ssyncadd.s32 s19;
	s0 =	simm.s32 @p2 $0x0  }
0x21b: {  	_ =	swait.ge [sflag:s30], s0  }
0x21c: {  	s0 =	ssub.s32 $0x0, s0;
	[sflag:s30] =	ssyncset.done $0x0  }
0x21d: {  	[sflag:s30] =	ssyncadd.s32 s0  }
0x21e: {  	v1 =	vld [tilespmem:$0x3648];
	_ =	sdelay $0x4  }
0x21f: {  	(v2sf) =	vpush v1, $0x0  }
0x220: {  	(v2sf) =	vpush v1, $0x1  }
0x221: {  	(v2sf) =	vpush v1, $0x2;
	_ =	sdelay $0x3  }
0x222: {  	s0 =	sadd.s32 $0x1B0, s18  }
0x223: {  	p2 =	slt.s32 s4, s0  }
0x224: {  	s0 =	smov.u32 @p2 s4;
	p2 =	sgt.s32 s20, $0x0  }
0x225: {  	s22 =	ssub.s32 s0, s18;
	s20 =	simm.s32 @!p2 $0x0  }
0x226: {  	p2 =	slt.s32 s20, s22  }
0x227: {  	s22 =	smov.u32 @p2 s20  }
0x228: {  	s21 =	simm.s32 $0x1;
	p2 =	slt.s32 s22, $0x1  }
.Ltmp9:
0x229: {  	s21 =	simm.s32 @!p4 $0x0;
	(pc) =	sbr.rel @p2 .LBB2_12-.Ltmp9, $4  }
0x22a: {  	s31 =	smul.u32 $0x6C0, s21  }
0x22b: {  	s23 =	spop (v2sf)  }
0x22c: {  	s0 =	sshrl.u32 s31, $0x2;
	s25 =	spop (v2sf)  }
0x22d: {  	s19 =	sadd.s32 $0x3D88, s0;
	s18 =	spop (v2sf)  }
0x22e: {  	s0 =	smin.u32 s22, $0x10  }
0x22f: {  	v1 =	vmov s0  }
0x230: {  	p3 =	sgt.s32 s22, $0x10;
	vm1 =	vgt.u32 v1, v0  }
.Ltmp10:
0x231: {  	_ = 	snop;
	(pc) =	sbr.rel @!p3 .LBB2_11-.Ltmp10, $2  }
0x232: {  	_ =	sdelay $0x2  }
0x233: {  	s24 =	simm.s32 $0x10;
	s26 =	sadd.s32 $0xFFFFFFF0, s22;
	s20 =	smov.u32 s19;
	vm0 =	vmmov vm1  }
.LBB2_10:
0x234: {  	s0 =	smin.u32 s26, $0x10;
	s24 =	sadd.s32 $0x10, s24;
	v1 =	vld.msk [tilespmem:s20+$0x0 ss:$0x1], vm1  }
0x235: {  	v2 =	vmov s0;
	p3 =	slt.s32 s24, s22  }
0x236: {  	vm1 =	vgt.u32 v2, v0  }
.Ltmp11:
0x237: {  	(pc) =	sbr.rel @p3 .LBB2_10-.Ltmp11, $3  }
0x238: {  	_ =	sdelay $0x1  }
0x239: {  	v1 =	vshll.u32 v1, $0x4  }
0x23a: {  	s26 =	sadd.s32 $0xFFFFFFF0, s26;
	[tilespmem:s20+$0x0] =	vst.msk vm0, v1;
	s20 =	sadd.s32 $0x10, s20;
	vm0 =	vmmov vm1  }
.LBB2_11:
0x23b: {  	_ =	sdelay $0x4  }
0x23c: {  	v1 =	vld.msk [tilespmem:s20+$0x0 ss:$0x1], vm1;
	_ =	sdelay $0x4  }
0x23d: {  	v1 =	vshll.u32 v1, $0x4  }
0x23e: {  	[tilespmem:s20+$0x0] =	vst.msk vm0, v1  }
.LBB2_12:
0x23f: {  	s0 =	sand.u32 $0x1, s17  }
0x240: {  	s20 =	smul.u32 $0x1B0, s0  }
0x241: {  	p3 =	sne.s32 s25, $0xFFFFFFFF  }
0x242: {  	v1 =	vld.msk @!p3 [tilespmem:s20+$0x3D88], $0x1;
	_ =	sdelay $0x4  }
0x243: {  	(v2sf) =	vpush @!p3 v1, $0x0;
	_ =	sdelay $0x9  }
0x244: {  	s0 =	smul.u32 $0xD800, s0;
	_ =	sdelay $0x1  }
0x245: {  	v1 =	vld.msk @!p3 [tilespmem:s0+$0x40E8], $0x3  }
.Ltmp12:
0x246: {  	_ = 	snop;
	(pc) =	sbr.rel @p2 .LBB2_18-.Ltmp12, $4  }
0x247: {  	_ = 	snop  }
0x248: {  	s24 =	spop @!p3 (v2sf)  }
0x249: {  	s18 =	simm.s32 @!p3 $0x0;
	s0 =	simm.s32 @!p3 $0x28;
	s20 =	smov.u32 s24  }
0x24a: {  	[tilespmem:s0+$0x0] =	vst.msk @!p3 $0x3, v1;
	[sflag:s14] =	ssyncpa.u1 $0x0;
	s24 =	smov.u32 @p3 s23;
	s20 =	smov.u32 @p3 s25  }
0x24b: {  	v1 =	vld.msk [tilespmem:s19+$0x0], $0x1;
	_ =	sdelay $0x4  }
0x24c: {  	(v2sf) =	vpush v1, $0x0;
	_ =	sdelay $0xd  }
0x24d: {  	s0 =	simm.s32 @!p4 $0x0  }
0x24e: {  	s26 =	smul.u32 $0x36000, s21;
	s25 =	ssub.s32 $0x0, s22;
	s28 =	spop (v2sf)  }
0x24f: {  	s0 =	simm.s32 @p4 $0x1;
	s23 =	sadd.s32 $0x1, s25;
	p2 =	seq.s32 s24, s28  }
0x250: {  	[smem:$0x7FD] =	sst s0;
	s0 =	sshrl.u32 s26, $0x2;
	p3 =	sgt.s32 @!p2 s24, $0x0  }
0x251: {  	s21 =	sadd.s32 $0x40E8, s0;
	s0 =	smov.u32 s24;
	p3 =	por !p3, p2  }
0x252: {  	s0 =	simm.s32 @p3 $0x0;
	p3 =	seq.s32 s23, $0x0  }
.Ltmp13:
0x253: {  	_ = 	snop;
	(pc) =	sbr.rel @p3 .LBB2_15-.Ltmp13, $4  }
0x254: {  	_ = 	snop  }
0x255: {  	s22 =	simm.s32 $0x0;
	s29 =	simm.s32 @!p2 $0x1;
	s0 =	smin.u32 @!p2 s0, $0x270FF  }
0x256: {  	s30 =	simm.s32 @!p2 $0x1B38;
	s29 =	smov.u32 @p2 s22;
	s26 =	sand.u32 @!p2 $0x3FFF8, s0  }
0x257: {  	s31 =	sand.u32 @!p2 $0x7, s0;
	s0 =	sadd.s32 @!p2 s1, s26;
	s26 =	sadd.s32 $0x1, s19  }
.LBB2_14:
0x258: {  	s2 =	smov.u32 s29  }
0x259: {  	[tilespmem:s30], [sflag:$0x2] =	stream.linear.gather @!p2 [hbm4b:s0+s31], $0x2, $0x38;
	[tilespmem:$0x1F0E8] =	vst v63  }
0x25a: {  	s23 =	sadd.s32 $0x1, s23;
	s0 =	smov.u32 s28;
	v1 =	vld.msk [tilespmem:s26+$0x0], $0x1  }
0x25b: {  	p3 =	seq.s32 s23, $0x0;
	_ =	sdelay $0x3  }
0x25c: {  	(v2sf) =	vpush v1, $0x0;
	_ =	sdelay $0xe  }
0x25d: {  	s28 =	spop (v2sf)  }
0x25e: {  	p2 =	seq.s32 s0, s28  }
0x25f: {  	p4 =	sgt.s32 @!p2 s0, $0x0;
	s30 =	sshll.u32 @!p2 s29, $0x6;
	s29 =	sadd.s32 @!p2 $0x1, s29  }
.Ltmp14:
0x260: {  	p4 =	por !p4, p2;
	s30 =	sshra.s32 @!p2 s30, $0x2;
	(pc) =	sbr.rel @!p3 .LBB2_14-.Ltmp14, $4  }
0x261: {  	s29 =	smov.u32 @p2 s2;
	s0 =	simm.s32 @p4 $0x0;
	s30 =	sadd.s32 @!p2 $0x1B38, s30  }
0x262: {  	s0 =	smin.u32 @!p2 s0, $0x270FF  }
0x263: {  	s2 =	sand.u32 @!p2 $0x3FFF8, s0;
	s31 =	sand.u32 @!p2 $0x7, s0  }
0x264: {  	s26 =	sadd.s32 $0x1, s26;
	s0 =	sadd.s32 @!p2 s1, s2  }
.LBB2_15:
0x265: {  	[tilespmem:s30], [sflag:$0x2] =	stream.linear.gather @!p2 [hbm4b:s0+s31], $0x2, $0x38;
	[tilespmem:$0x1F0E8] =	vst v63  }
0x266: {  	s31 =	sshll.u32 s29, $0x1  }
0x267: {  	s2 =	simm.s32 $0x2;
	s0 =	sand.u32 $0x3FFFFFFE, s31  }
0x268: {  	_ =	swait.ge [sflag:s2], s0  }
0x269: {  	s0 =	ssub.s32 $0x0, s0;
	[sflag:s2] =	ssyncset.done $0x0  }
0x26a: {  	[sflag:s2] =	ssyncadd.s32 s0  }
0x26b: {  	v1 =	vld.msk [tilespmem:s19+$0x0], $0x1;
	_ =	sdelay $0x4  }
0x26c: {  	(v2sf) =	vpush v1, $0x0;
	_ =	sdelay $0xe  }
0x26d: {  	s23 =	spop (v2sf)  }
0x26e: {  	p2 =	sne.s32 s24, s23  }
0x26f: {  	p4 =	sne.s32 @p2 s24, s20  }
0x270: {  	p3 =	por !p4, !p2  }
0x271: {  	s0 =	sshll.u32 @!p3 s18, $0x6;
	s2 =	simm.s32 @!p3 $0x0  }
0x272: {  	s0 =	sshra.s32 @!p3 s0, $0x2;
	v1 =	vld.msk @!p3 [tilespmem:s2+$0x1B38], $0x3  }
0x273: {  	v2 =	vld.msk @!p3 [tilespmem:s0+$0x28], $0x3;
	_ =	sdelay $0x1  }
0x274: {  	p5 =	sgt.u32 @!p3 s24, $0x270FF  }
0x275: {  	p6 =	por @p2 p5, !p4  }
0x276: {  	p1 =	por p6, !p2;
	p6 =	por p4, !p2  }
0x277: {  	s26 =	sadd.s32 @!p3 $0x28, s0;
	s2 =	sand.u32 @!p1 $0x3FFF8, s24;
	s28 =	sshll.u32 @!p6 s18, $0x6;
	v1 =	vmax.f32 @!p3 v1, v2  }
0x278: {  	s24 =	sand.u32 @!p1 $0x7, s24;
	s2 =	sadd.s32 @!p1 s1, s2;
	[tilespmem:s0+$0x28] =	vst.msk @!p3 $0x3, v1;
	s0 =	sshra.s32 @!p6 s28, $0x2  }
0x279: {  	[hbm4b:s2+s24] =	stream.linear.scatter @!p1 [tilespmem:s26], [sflag:$0xA], $0x2, $0x38;
	[tilespmem:$0x1F0E8] =	vst v63  }
0x27a: {  	s29 =	rddreg [dreg:$0x2];
	s0 =	sadd.s32 @!p6 $0x28, s0;
	s2 =	simm.s32 @!p6 $0x1  }
0x27b: {  	[spmem:s29] =	stream.linear.scatter @!p6 [tilespmem:s0], [sflag:$0x1], $0x2, $0x38;
	[tilespmem:$0x1F0E8] =	vst v63  }
0x27c: {  	s0 =	sadd.s32 @p2 $0x1, s18;
	_ =	swait.ge @!p6 [sflag:s2], $0x2  }
0x27d: {  	s24 =	sshrl.u32 @p2 s0, $0x4;
	[sflag:s2] =	ssyncset.done @!p6 $0x0  }
0x27e: {  	s26 =	smulhi.u32 @p2 $0x97B425F, s24;
	[sflag:s2] =	ssyncadd.s32 @!p6 $0xFFFFFFFE  }
0x27f: {  	v1 =	vld.msk @p2 [tilespmem:s21+$0x0], $0x3  }
0x280: {  	p1 =	por @p2 !p5, !p4;
	s24 =	sadd.s32 $0x1, s25;
	s2 =	smul.u32 @p2 $0x1B0, s26  }
0x281: {  	p1 =	por !p1, !p2;
	p6 =	seq.s32 s24, $0x0  }
.Ltmp15:
0x282: {  	s26 =	simm.s32 @!p3 $0x0;
	s0 =	ssub.s32 @p2 s0, s2;
	(pc) =	sbr.rel @p6 .LBB2_17-.Ltmp15, $4  }
0x283: {  	s26 =	simm.s32 @!p1 $0x8;
	s28 =	sshll.u32 @p2 s0, $0x4  }
0x284: {  	s29 =	simm.s32 @p2 $0x1;
	s2 =	sshll.u32 @!p2 s18, $0x6;
	s26 =	sadd.s32 @!p3 $0x0, s26;
	[tilespmem:s28+$0x28] =	vst.msk @p2 $0x3, v1  }
0x285: {  	s25 =	simm.s32 $0x0;
	s26 =	smov.u32 @p3 s22;
	s28 =	sshra.s32 @!p2 s2, $0x2;
	v1 =	vld.msk @!p2 [tilespmem:s21+$0x0], $0x3  }
0x286: {  	s25 =	smov.u32 @p2 s29;
	s18 =	smov.u32 @p2 s0;
	s22 =	smov.u32 @p2 s26;
	v2 =	vld.msk @!p2 [tilespmem:s28+$0x28], $0x3  }
.LBB2_16:
0x287: {  	_ =	sdelay $0x3  }
0x288: {  	v1 =	vmax.f32 @!p2 v1, v2  }
0x289: {  	s19 =	sadd.s32 $0x1, s19;
	[tilespmem:s28+$0x28] =	vst.msk @!p2 $0x3, v1  }
0x28a: {  	v1 =	vld.msk [tilespmem:s19+$0x0], $0x1;
	_ =	sdelay $0x4  }
0x28b: {  	(v2sf) =	vpush v1, $0x0;
	_ =	sdelay $0xe  }
0x28c: {  	s26 =	smov.u32 s23;
	s23 =	spop (v2sf)  }
0x28d: {  	p2 =	sne.s32 s26, s23  }
0x28e: {  	p5 =	sne.s32 @p2 s26, s20  }
0x28f: {  	s0 =	sadd.s32 @p2 $0x1, s18;
	p4 =	por !p5, !p2  }
0x290: {  	s28 =	sshll.u32 @!p2 s18, $0x6;
	s29 =	sadd.s32 @p2 $0x1, s25;
	s30 =	sshll.u32 @!p4 s25, $0x6  }
0x291: {  	s2 =	sshrl.u32 @p2 s0, $0x4;
	s31 =	sshll.u32 @!p4 s18, $0x6;
	s30 =	sshra.s32 @!p4 s30, $0x2  }
0x292: {  	p1 =	sgt.u32 @!p4 s26, $0x270FF;
	s2 =	smulhi.u32 @p2 $0x97B425F, s2;
	s31 =	sshra.s32 @!p4 s31, $0x2;
	v1 =	vld.msk @!p4 [tilespmem:s30+$0x1B38], $0x3  }
0x293: {  	s5 =	simm.s32 @!p4 $0x0;
	s25 =	smov.u32 @p2 s29;
	s29 =	rddreg [dreg:$0x2];
	v2 =	vld.msk @!p4 [tilespmem:s31+$0x28], $0x3  }
0x294: {  	p6 =	por @p2 p1, !p5;
	p1 =	por @p2 !p1, !p5;
	p5 =	por p5, !p2  }
0x295: {  	s30 =	sadd.s32 @!p4 $0x28, s31;
	p6 =	por p6, !p2;
	p1 =	por !p1, !p2  }
0x296: {  	s2 =	smul.u32 @p2 $0x1B0, s2;
	s10 =	sshll.u32 @!p5 s18, $0x6;
	s5 =	simm.s32 @!p1 $0x8  }
0x297: {  	s9 =	sand.u32 @!p6 $0x3FFF8, s26;
	s26 =	sand.u32 @!p6 $0x7, s26;
	s5 =	sadd.s32 @!p4 s5, s22  }
0x298: {  	s9 =	sadd.s32 @!p6 s1, s9;
	s0 =	ssub.s32 @p2 s0, s2;
	s5 =	smov.u32 @p4 s22;
	v1 =	vmax.f32 @!p4 v1, v2  }
0x299: {  	s2 =	sshll.u32 @p2 s0, $0x4;
	s22 =	smov.u32 @p2 s5;
	s5 =	sshra.s32 @!p5 s10, $0x2;
	[tilespmem:s31+$0x28] =	vst.msk @!p4 $0x3, v1  }
0x29a: {  	[hbm4b:s9+s26] =	stream.linear.scatter @!p6 [tilespmem:s30], [sflag:$0xA], $0x2, $0x38;
	[tilespmem:$0x1F0E8] =	vst v63  }
0x29b: {  	s18 =	smov.u32 @p2 s0;
	s0 =	sadd.s32 @!p5 $0x28, s5;
	s5 =	simm.s32 @!p5 $0x1  }
0x29c: {  	[spmem:s29] =	stream.linear.scatter @!p5 [tilespmem:s0], [sflag:$0x1], $0x2, $0x38;
	[tilespmem:$0x1F0E8] =	vst v63  }
0x29d: {  	_ =	swait.ge @!p5 [sflag:s5], $0x2  }
0x29e: {  	[sflag:s5] =	ssyncset.done @!p5 $0x0  }
0x29f: {  	s21 =	sadd.s32 $0x80, s21;
	[sflag:s5] =	ssyncadd.s32 @!p5 $0xFFFFFFFE  }
0x2a0: {  	v1 =	vld.msk @p2 [tilespmem:s21+$0x0], $0x3  }
0x2a1: {  	s24 =	sadd.s32 $0x1, s24  }
0x2a2: {  	p3 =	seq.s32 s24, $0x0  }
.Ltmp16:
0x2a3: {  	_ = 	snop;
	(pc) =	sbr.rel @!p3 .LBB2_16-.Ltmp16, $4  }
0x2a4: {  	_ = 	snop  }
0x2a5: {  	[tilespmem:s2+$0x28] =	vst.msk @p2 $0x3, v1  }
0x2a6: {  	s28 =	sshra.s32 @!p2 s28, $0x2;
	v1 =	vld.msk @!p2 [tilespmem:s21+$0x0], $0x3  }
0x2a7: {  	v2 =	vld.msk @!p2 [tilespmem:s28+$0x28], $0x3  }
.LBB2_17:
0x2a8: {  	_ = 	snop  }
.Ltmp17:
0x2a9: {  	_ = 	snop;
	(pc) =	sbr.rel .LBB2_19-.Ltmp17, $3  }
0x2aa: {  	s2 =	sld [smem:$0x7FD];
	_ =	sdelay $0x1  }
0x2ab: {  	v1 =	vmax.f32 @!p2 v1, v2  }
0x2ac: {  	s0 =	sshrl.u32 s22, $0x2;
	s24 =	smov.u32 s23;
	p4 =	seq.s32 s2, $0x1;
	[tilespmem:s28+$0x28] =	vst.msk @!p2 $0x3, v1  }
.LBB2_21:
0x2ad: {  	_ =	sfence.sel $0x180000  }
0x2ae: {  	s0 =	simm.s32 $0x7;
	[bflag:$0x0] =	sbarrier.arrive $0xFFFF  }
0x2af: {  	s25 =	simm.s32 $0x8;
	[sflag:s0] =	ssyncpa.u1 $0x1  }
0x2b0: {  	s26 =	simm.s32 $0x9;
	[sflag:s25] =	ssyncpa.u1 $0x1  }
0x2b1: {  	s28 =	simm.s32 $0x2;
	[sflag:s26] =	ssyncpa.u1 $0x1  }
0x2b2: {  	[sflag:s28] =	ssyncpa.u1 $0x1  }
0x2b3: {  	v0 =	vld [tilespmem:$0x3648];
	_ =	sdelay $0x4  }
0x2b4: {  	(v2sf) =	vpush v0, $0x0  }
0x2b5: {  	(v2sf) =	vpush v0, $0x1;
	_ =	sdelay $0x1  }
0x2b6: {  	(v2sf) =	vpush v0, $0x2;
	_ =	sdelay $0xb  }
0x2b7: {  	s0 =	spop (v2sf)  }
0x2b8: {  	s2 =	spop (v2sf)  }
0x2b9: {  	s3 =	smov.u32 s0;
	p0 =	sne.s32 s0, s2  }
0x2ba: {  	s4 =	spop (v2sf);
	s3 =	simm.s32 @!p0 $0xFFFFFFFF  }
0x2bb: {  	v2 =	vimm.s32 $0x1;
	v3 =	vlaneseq.u32;
	p0 =	seq.s32 s4, $0xFFFFFFFF;
	v1 =	vmov s3  }
0x2bc: {  	s7 =	stileid.u32;
	v0 =	vperm.xlane v0, v2;
	p1 =	sne.s32 @!p0 s0, s2;
	v1 =	vperm.xlane v1, v3  }
0x2bd: {  	vm0 =	vcmask $0x3F04;
	s6 =	simm.s32 $0x3648;
	s0 =	simm.s32 @!p0 $0x1;
	p1 =	por !p1, p0  }
0x2be: {  	s3 =	sshll.u32 s7, $0x1;
	s2 =	sshll.u32 @!p0 s4, $0x6;
	s0 =	simm.s32 @p1 $0x0;
	v0 =	vsel vm0, v1, v0  }
0x2bf: {  	s5 =	sor.u32 $0x200, s3;
	s2 =	sshra.s32 @!p0 s2, $0x2;
	s0 =	sor.u32 @!p0 s0, s3;
	[tilespmem:$0x3648] =	vst v0  }
0x2c0: {  	[spmem:s5] =	stream.linear.scatter [tilespmem:s6], [sflag:$0x1], $0x2, $0x38;
	[tilespmem:$0x1F0E8] =	vst v63  }
0x2c1: {  	s2 =	sadd.s32 @!p0 $0x28, s2;
	s0 =	sshll.u32 @!p0 s0, $0x4  }
0x2c2: {  	[spmem:s0] =	stream.linear.scatter @!p0 [tilespmem:s2], [sflag:$0x1], $0x10, $0x38;
	[tilespmem:$0x1F0E8] =	vst v63  }
0x2c3: {  	s0 =	simm.s32 @!p0 $0x12  }
0x2c4: {  	s3 =	simm.s32 $0x1;
	s0 =	simm.s32 @p0 $0x2  }
0x2c5: {  	_ =	swait.ge [sflag:s3], s0  }
0x2c6: {  	s0 =	ssub.s32 $0x0, s0;
	[sflag:s3] =	ssyncset.done $0x0  }
0x2c7: {  	[sflag:s3] =	ssyncadd.s32 s0  }
0x2c8: {  	_ =	sfence.stream.spmem  }
0x2c9: {  	s29 =	simm.s32 $0x3;
	[bflag:$0x0] =	sbarrier.arrive $0xFFFF  }
0x2ca: {  	s30 =	simm.s32 $0x4;
	[sflag:s29] =	ssyncpa.u1 $0x1  }
0x2cb: {  	s31 =	simm.s32 $0x3C;
	[sflag:s30] =	ssyncpa.u1 $0x1  }
0x2cc: {  	p0 =	sne.s32 s7, $0x0;
	[sflag:s31] =	ssyncpa.u1 $0x1  }
0x2cd: {  	_ =	sfence @p0  }
0x2ce: {  	[sflag:s3] =	ssyncpa.u1 @p0 $0x1  }
0x2cf: {  	_ =	strace @p0 $0x90000050  }
0x2d0: {  	[bflag:$0x2] =	sbarrier.arrive @p0 $0xFFFF  }
0x2d1: {  	_ =	shalt @p0  }
.LBB2_22:
0x2d2: {  	_ =	sfence.stream.spmem;
	s0 =	simm.s32 $0x5  }
0x2d3: {  	s2 =	simm.s32 $0x200;
	s3 =	simm.s32 $0x3658;
	[sflag:s0] =	ssyncpa.u1 $0x0  }
0x2d4: {  	[tilespmem:s3], [sflag:$0x5] =	stream.linear.gather [spmem:s2], $0x20, $0x38;
	[tilespmem:$0x1F0E8] =	vst v63  }
0x2d5: {  	s30 =	simm.s32 $0x3678;
	s2 =	simm.s32 $0x0  }
0x2d6: {  	[tilespmem:s30], [sflag:$0x5] =	stream.linear.gather [spmem:s2], $0x200, $0x38;
	[tilespmem:$0x1F0E8] =	vst v63  }
.Ltmp18:
0x2d7: {  	_ = 	snop;
	(pc) =	sbr.rel .LBB2_23-.Ltmp18, $4  }
0x2d8: {  	_ =	swait.ge [sflag:s0], $0x220  }
0x2d9: {  	[sflag:s0] =	ssyncset.done $0x0  }
0x2da: {  	s31 =	simm.s32 $0x6;
	[sflag:s0] =	ssyncadd.s32 $0xFFFFFDE0  }
0x2db: {  	s3 =	simm.s32 $0x0;
	[sflag:s31] =	ssyncpa.u1 $0x0  }
.LBB2_28:
0x2dc: {  	p0 =	slt.u32 s4, $0x27100  }
0x2dd: {  	s0 =	sand.u32 @p0 $0x3FFF8, s4  }
0x2de: {  	s4 =	sand.u32 @p0 $0x7, s4;
	s5 =	simm.s32 @p0 $0x3638;
	s0 =	sadd.s32 @p0 s1, s0  }
0x2df: {  	[tilespmem:s5], [sflag:$0x6] =	stream.linear.gather @p0 [hbm4b:s0+s4], $0x2, $0x38;
	[tilespmem:$0x1F0E8] =	vst v63  }
0x2e0: {  	s0 =	simm.s32 @p0 $0x6  }
0x2e1: {  	_ =	swait.ge @p0 [sflag:s0], $0x2  }
0x2e2: {  	[sflag:s0] =	ssyncset.done @p0 $0x0  }
0x2e3: {  	[sflag:s0] =	ssyncadd.s32 @p0 $0xFFFFFFFE;
	s0 =	sshll.u32 @p0 s3, $0x6  }
0x2e4: {  	v1 =	vld @p0 [tilespmem:$0x3638];
	s4 =	sshrl.u32 @p0 s0, $0x2  }
0x2e5: {  	v2 =	vld @p0 [tilespmem:s4+$0x3678];
	_ =	sdelay $0x4  }
0x2e6: {  	s5 =	sshll.u32 @!p0 s3, $0x6;
	v1 =	vmax.f32 @p0 v1, v2  }
0x2e7: {  	s5 =	smov.u32 @p0 s0;
	[tilespmem:s4+$0x3678] =	vst @p0 v1  }
0x2e8: {  	s0 =	sshrl.u32 s5, $0x2;
	[tilespmem:s2+$0x3658] =	vst.msk $0x1, v0  }
0x2e9: {  	v0 =	vld [tilespmem:s0+$0x3678];
	_ =	sdelay $0x2  }
0x2ea: {  	s31 =	sshll.u32 s2, $0x6  }
0x2eb: {  	s0 =	sshra.s32 s31, $0x2  }
0x2ec: {  	s2 =	sadd.s32 $0x1, s2;
	[tilespmem:s0+$0x3678] =	vst v0  }
.LBB2_30:
0x2ed: {  	s3 =	sadd.s32 $0x1, s3  }
0x2ee: {  	p0 =	sne.s32 s3, $0x20  }
.Ltmp19:
0x2ef: {  	_ = 	snop;
	(pc) =	sbr.rel @!p0 .LBB2_31-.Ltmp19, $1  }
0x2f0: {  	_ =	sdelay $0x3  }
.LBB2_23:
0x2f1: {  	v0 =	vld.msk [tilespmem:s3+$0x3658], $0x1;
	_ =	sdelay $0x4  }
0x2f2: {  	(v2sf) =	vpush v0, $0x0;
	_ =	sdelay $0xe  }
0x2f3: {  	s4 =	spop (v2sf)  }
0x2f4: {  	p0 =	seq.s32 s4, $0xFFFFFFFF  }
.Ltmp20:
0x2f5: {  	_ = 	snop;
	(pc) =	sbr.rel @p0 .LBB2_30-.Ltmp20, $1  }
0x2f6: {  	_ =	sdelay $0x3  }
0x2f7: {  	p0 =	slt.s32 s2, $0x1  }
.Ltmp21:
0x2f8: {  	_ = 	snop;
	(pc) =	sbr.rel @p0 .LBB2_28-.Ltmp21, $1  }
0x2f9: {  	_ =	sdelay $0x3  }
0x2fa: {  	s5 =	simm.s32 $0x3658;
	p0 =	por $0x0, $0x0  }
0x2fb: {  	v1 =	vld.msk @!p0 [tilespmem:s5+$0x0], $0x1;
	_ =	sdelay $0x4  }
0x2fc: {  	(v2sf) =	vpush @!p0 v1, $0x0;
	_ =	sdelay $0xd  }
0x2fd: {  	p2 =	sne.s32 s2, $0x1  }
.Ltmp22:
0x2fe: {  	s0 =	spop @!p0 (v2sf);
	(pc) =	sbr.rel @!p2 .LBB2_27-.Ltmp22, $4  }
0x2ff: {  	p1 =	seq.s32 @!p0 s4, s0  }
0x300: {  	s6 =	simm.s32 $0x0;
	p1 =	por !p1, p0  }
0x301: {  	s0 =	simm.s32 $0xFFFFFFFF;
	s6 =	simm.s32 @p1 $0xFFFFFFFF  }
0x302: {  	s7 =	simm.s32 $0x1;
	s6 =	smov.u32 @p0 s0  }
.LBB2_26:
0x303: {  	s0 =	smov.u32 s6;
	p0 =	sne.s32 s6, $0xFFFFFFFF  }
0x304: {  	s5 =	sadd.s32 $0x1, s5;
	s6 =	smov.u32 s7;
	s7 =	sadd.s32 $0x1, s7  }
0x305: {  	p1 =	sne.s32 s2, s7;
	v1 =	vld.msk @!p0 [tilespmem:s5+$0x0], $0x1;
	_ =	sdelay $0x4  }
0x306: {  	(v2sf) =	vpush @!p0 v1, $0x0;
	_ =	sdelay $0xe  }
.Ltmp23:
0x307: {  	s8 =	spop @!p0 (v2sf);
	(pc) =	sbr.rel @p1 .LBB2_26-.Ltmp23, $4  }
0x308: {  	p2 =	seq.s32 @!p0 s4, s8  }
0x309: {  	p2 =	por !p2, p0  }
0x30a: {  	s6 =	simm.s32 @p2 $0xFFFFFFFF  }
0x30b: {  	s6 =	smov.u32 @p0 s0  }
.LBB2_27:
0x30c: {  	p0 =	sne.s32 s6, $0xFFFFFFFF  }
.Ltmp24:
0x30d: {  	_ = 	snop;
	(pc) =	sbr.rel @!p0 .LBB2_28-.Ltmp24, $1  }
0x30e: {  	_ =	sdelay $0x3  }
0x30f: {  	s0 =	sshll.u32 s3, $0x4  }
0x310: {  	s4 =	sshll.u32 s6, $0x6;
	s0 =	sand.u32 $0x3FFFFFF0, s0  }
0x311: {  	s31 =	sshra.s32 s4, $0x2;
	v0 =	vld [tilespmem:s0+$0x3678]  }
0x312: {  	v1 =	vld [tilespmem:s31+$0x3678];
	_ =	sdelay $0x1  }
.Ltmp25:
0x313: {  	_ = 	snop;
	(pc) =	sbr.rel .LBB2_30-.Ltmp25, $3  }
0x314: {  	_ =	sdelay $0x1  }
0x315: {  	v0 =	vmax.f32 v0, v1  }
0x316: {  	[tilespmem:s31+$0x3678] =	vst v0  }
.LBB2_31:
0x317: {  	p0 =	slt.s32 s2, $0x1  }
.Ltmp26:
0x318: {  	_ = 	snop;
	(pc) =	sbr.rel @p0 .LBB2_35-.Ltmp26, $3  }
0x319: {  	_ =	sdelay $0x1  }
0x31a: {  	s0 =	simm.s32 $0x6  }
0x31b: {  	s3 =	simm.s32 $0x0;
	[sflag:s0] =	ssyncpa.u1 $0x1  }
0x31c: {  	s0 =	simm.s32 $0x3658  }
0x31d: {  	v0 =	vld.msk [tilespmem:s0+$0x0], $0x1;
	_ =	sdelay $0x4  }
0x31e: {  	(v2sf) =	vpush v0, $0x0;
	_ =	sdelay $0xd  }
0x31f: {  	s2 =	sadd.s32 $0xFFFFFFFF, s2  }
0x320: {  	p1 =	sne.s32 s2, $0x0;
	s0 =	spop (v2sf)  }
.Ltmp27:
0x321: {  	p0 =	sgt.u32 s0, $0x270FF;
	(pc) =	sbr.rel @!p1 .LBB2_34-.Ltmp27, $4  }
0x322: {  	s4 =	simm.s32 $0x3678;
	s5 =	sand.u32 @!p0 $0x3FFF8, s0  }
0x323: {  	s6 =	simm.s32 $0x0;
	s0 =	sand.u32 @!p0 $0x7, s0;
	s5 =	sadd.s32 @!p0 s1, s5  }
0x324: {  	[hbm4b:s5+s0] =	stream.linear.scatter @!p0 [tilespmem:s4], [sflag:$0x5], $0x2, $0x38;
	[tilespmem:$0x1F0E8] =	vst v63  }
0x325: {  	s6 =	simm.s32 @!p0 $0x8;
	s5 =	simm.s32 $0x3659  }
.LBB2_33:
0x326: {  	v0 =	vld.msk [tilespmem:s5+$0x0], $0x1;
	s2 =	sadd.s32 $0xFFFFFFFF, s2;
	s3 =	sadd.s32 s3, s6  }
0x327: {  	p0 =	sne.s32 s2, $0x0;
	_ =	sdelay $0x3  }
0x328: {  	(v2sf) =	vpush v0, $0x0;
	_ =	sdelay $0xe  }
.Ltmp28:
0x329: {  	s0 =	spop (v2sf);
	(pc) =	sbr.rel @p0 .LBB2_33-.Ltmp28, $4  }
0x32a: {  	s6 =	simm.s32 $0x0;
	p1 =	sgt.u32 s0, $0x270FF  }
0x32b: {  	s4 =	sadd.s32 $0x10, s4;
	s6 =	simm.s32 @!p1 $0x8;
	s7 =	sand.u32 @!p1 $0x3FFF8, s0  }
0x32c: {  	s5 =	sadd.s32 $0x1, s5;
	s0 =	sand.u32 @!p1 $0x7, s0;
	s7 =	sadd.s32 @!p1 s1, s7  }
0x32d: {  	[hbm4b:s7+s0] =	stream.linear.scatter @!p1 [tilespmem:s4], [sflag:$0x5], $0x2, $0x38;
	[tilespmem:$0x1F0E8] =	vst v63  }
.LBB2_34:
0x32e: {  	s0 =	sadd.s32 s3, s6  }
0x32f: {  	s3 =	sshrl.u32 s0, $0x2  }
.LBB2_35:
0x330: {  	s0 =	simm.s32 $0x5  }
0x331: {  	_ =	swait.ge [sflag:s0], s3  }
0x332: {  	s1 =	ssub.s32 $0x0, s3;
	[sflag:s0] =	ssyncset.done $0x0  }
0x333: {  	[sflag:s0] =	ssyncadd.s32 s1  }
0x334: {  	[sflag:s0] =	ssyncpa.u1 $0x1  }
0x335: {  	s30 =	simm.s32 $0x1;
	_ =	sfence  }
0x336: {  	[sflag:s30] =	ssyncpa.u1 $0x1  }
0x337: {  	_ =	strace $0x90000050  }
0x338: {  	[bflag:$0x2] =	sbarrier.arrive $0xFFFF  }
0x339: {  	s31 =	rddreg [dreg:$0x1]  }
0x33a: {  	s0 =	sadd.s32 $0x100000, s31  }
0x33b: {  	[sflag:s0] =	ssyncadd.tile.s32 $0x1;
	_ =	shalt  }
.Lfunc_end2:
_tile_overlayer_lowered:
.L_overlay_start_2:
0x33c: {  	(tag) =	ssettag $0x2  }
0x33d: {  	s0 =	rddreg [dreg:$0x0];
	s2 =	stileid.u32  }
0x33e: {  	s1 =	rddreg [dreg:$0x1];
	p0 =	sne.s32 s2, $0x0  }
0x33f: {  	s3 =	rddreg [dreg:$0x2];
	[bflag:$0x3] =	sbarrier.arrive $0xFFFF;
	s2 =	simm.s32 @!p0 $0x1C01  }
0x340: {  	[timem:s3], [sflag:s2] =	dma.local @!p0 [hbm:s0], s1  }
0x341: {  	s0 =	simm.s32 @!p0 $0x1  }
0x342: {  	_ =	swait.ge @!p0 [sflag:s0], s1  }
0x343: {  	s1 =	ssub.s32 @!p0 $0x0, s1;
	[sflag:s0] =	ssyncset.done @!p0 $0x0  }
0x344: {  	[sflag:s0] =	ssyncadd.s32 @!p0 s1  }
0x345: {  	[bflag:$0x3] =	sbarrier.arrive $0xFFFF  }
0x346: {  	_ =	shalt  }

// kernel: scatter_offload_async_start.4
scs
__scs_entry_jumppad:
0x0: {  	(pc) =	sbr.rel $0x88, $3  }
0x1: {  	(tag) =	ssettag $0x0;
	lr =	simm.s32 $0x1  }
0x2: {  	[smem:$0x3F7D] =	sst lr;
	_ =	strace $0xD0000000  }
0x3: {  	_ = 	snop  }
0x4: {  	_ = 	snop  }
0x5: {  	_ = 	snop  }
0x6: {  	_ = 	snop  }
0x7: {  	_ = 	snop  }
__scs_overlays_trampoline_lowered:
0x8: {  	[smem:$0x3F8C] =	sst s0  }
0x9: {  	[smem:$0x3F8D] =	sst s1  }
0xa: {  	[smem:$0x3F8E] =	sst s2  }
0xb: {  	[smem:$0x3F8F] =	sst s3  }
0xc: {  	[smem:$0x3F90] =	sst s4  }
0xd: {  	[smem:$0x3F91] =	sst s5  }
0xe: {  	[smem:$0x3F92] =	sst s6  }
0xf: {  	[smem:$0x3F93] =	sst s7  }
0x10: {  	[smem:$0x3F94] =	sst s8  }
0x11: {  	[smem:$0x3F95] =	sst s9;
	s0 =	simm.s32 @!p0 $0x0  }
0x12: {  	s1 =	sld [smem:$0x3F7B];
	s0 =	simm.s32 @p0 $0x1  }
0x13: {  	[smem:$0x3F96] =	sst s0;
	s0 =	simm.s32 @!p1 $0x0  }
0x14: {  	s2 =	sld [smem:$0x3F7A];
	s0 =	simm.s32 @p1 $0x1  }
0x15: {  	[smem:$0x3F97] =	sst s0;
	s0 =	simm.s32 @!p2 $0x0  }
0x16: {  	s3 =	sld [smem:$0x3FDB];
	s0 =	simm.s32 @p2 $0x1  }
0x17: {  	s4 =	simm.s32 $0x1BF5;
	[smem:$0x3F99] =	sst s0  }
0x18: {  	s0 =	sld [smem:$0x3F7C];
	_ =	swait.ge [sflag:s4], $0x0  }
0x19: {  	s7 =	sld [smem:$0x3F7D]  }
0x1a: {  	s8 =	sadd.s32 $0xFFFFE003, lr  }
0x1b: {  	s9 =	sadd.s32 $0xFFFFFEF7, lr;
	s5 =	simm.s32 $0xFFFFFFFF;
	p2 =	slt.u32 s8, $0xFFFFF086  }
0x1c: {  	p1 =	slt.u32 s9, $0xF7A;
	s5 =	simm.s32 @!p2 $0x0  }
0x1d: {  	s5 =	simm.s32 @p1 $0x1;
	p0 =	seq.s32 s7, s2  }
0x1e: {  	s7 =	smul.u32 @!p0 $0xF7A, s2;
	p2 =	seq.s32 @!p0 s5, $0x0  }
0x1f: {  	s9 =	smul.u32 $0xF7A, s1;
	s8 =	simm.s32 @!p0 $0x1BF5;
	p2 =	por !p2, p0  }
0x20: {  	[sflag:s8] =	ssyncset.s32 @!p0 $0xFFFFF086;
	s6 =	sadd.s32 @!p0 s3, s7;
	s7 =	simm.s32 @!p0 $0x108  }
0x21: {  	s3 =	sadd.s32 s3, s9;
	s6 =	sadd.s32 @!p0 $0x88, s6;
	s7 =	simm.s32 @p2 $0x1082  }
0x22: {  	[simem:s7], [sflag:s8] =	dma.local @!p0 [hbm:s6], $0xF7A  }
0x23: {  	s9 =	sor.u32 $0xD0000000, s2;
	s6 =	simm.s32 $0x108;
	_ =	swait.ge @!p0 [sflag:s8], $0x0  }
0x24: {  	s3 =	sadd.s32 $0x88, s3;
	s6 =	simm.s32 @!p1 $0x1082;
	[sflag:s4] =	ssyncset.s32 $0xFFFFF086  }
0x25: {  	[simem:s6], [sflag:s4] =	dma.local [hbm:s3], $0xF7A  }
0x26: {  	[smem:$0x3F7D] =	sst s1;
	(tag) =	ssettag s2;
	_ =	strace s9  }
0x27: {  	s1 =	sld [smem:$0x3F8D]  }
0x28: {  	s2 =	sld [smem:$0x3F8E]  }
0x29: {  	s4 =	sld [smem:$0x3F90]  }
0x2a: {  	p0 =	seq.s32 s5, $0x0;
	s5 =	sld [smem:$0x3F91]  }
0x2b: {  	s6 =	sld [smem:$0x3F92]  }
0x2c: {  	s7 =	sld [smem:$0x3F93]  }
0x2d: {  	s3 =	simm.s32 $0x108;
	s8 =	sld [smem:$0x3F94]  }
0x2e: {  	s3 =	simm.s32 @!p0 $0x1082;
	s9 =	sld [smem:$0x3F95]  }
0x2f: {  	lr =	sadd.s32 s0, s3;
	s0 =	sld [smem:$0x3F8C]  }
0x30: {  	s3 =	sld [smem:$0x3F8F]  }
0x31: {  	[smem:$0x3F98] =	sst s10  }
0x32: {  	s10 =	sld [smem:$0x3F96];
	_ =	sdelay $0x3  }
0x33: {  	p0 =	seq.s32 s10, $0x1;
	s10 =	sld [smem:$0x3F98];
	_ =	sdelay $0x3  }
0x34: {  	[smem:$0x3F98] =	sst s10  }
0x35: {  	s10 =	sld [smem:$0x3F97];
	_ =	sdelay $0x3  }
0x36: {  	p1 =	seq.s32 s10, $0x1;
	s10 =	sld [smem:$0x3F98];
	_ =	sdelay $0x3  }
0x37: {  	[smem:$0x3F98] =	sst s10  }
0x38: {  	s10 =	sld [smem:$0x3F99]  }
0x39: {  	_ = 	snop;
	(pc) =	sbr.ind lr, $3  }
0x3a: {  	_ = 	snop  }
0x3b: {  	_ = 	snop  }
0x3c: {  	p2 =	seq.s32 s10, $0x1;
	s10 =	sld [smem:$0x3F98]  }
0x3d: {  	_ =	shalt  }
0x3e: {  	_ =	shalt  }
0x3f: {  	_ =	shalt  }
0x40: {  	_ =	shalt  }
0x41: {  	_ =	shalt  }
0x42: {  	_ =	shalt  }
0x43: {  	_ =	shalt  }
0x44: {  	_ =	shalt  }
0x45: {  	_ =	shalt  }
0x46: {  	_ =	shalt  }
0x47: {  	_ =	shalt  }
0x48: {  	_ =	shalt  }
0x49: {  	_ =	shalt  }
0x4a: {  	_ =	shalt  }
0x4b: {  	_ =	shalt  }
0x4c: {  	_ =	shalt  }
0x4d: {  	_ =	shalt  }
0x4e: {  	_ =	shalt  }
0x4f: {  	_ =	shalt  }
0x50: {  	_ =	shalt  }
0x51: {  	_ =	shalt  }
0x52: {  	_ =	shalt  }
0x53: {  	_ =	shalt  }
0x54: {  	_ =	shalt  }
0x55: {  	_ =	shalt  }
0x56: {  	_ =	shalt  }
0x57: {  	_ =	shalt  }
0x58: {  	_ =	shalt  }
0x59: {  	_ =	shalt  }
0x5a: {  	_ =	shalt  }
0x5b: {  	_ =	shalt  }
0x5c: {  	_ =	shalt  }
0x5d: {  	_ =	shalt  }
0x5e: {  	_ =	shalt  }
0x5f: {  	_ =	shalt  }
0x60: {  	_ =	shalt  }
0x61: {  	_ =	shalt  }
0x62: {  	_ =	shalt  }
0x63: {  	_ =	shalt  }
0x64: {  	_ =	shalt  }
0x65: {  	_ =	shalt  }
0x66: {  	_ =	shalt  }
0x67: {  	_ =	shalt  }
0x68: {  	_ =	shalt  }
0x69: {  	_ =	shalt  }
0x6a: {  	_ =	shalt  }
0x6b: {  	_ =	shalt  }
0x6c: {  	_ =	shalt  }
0x6d: {  	_ =	shalt  }
0x6e: {  	_ =	shalt  }
0x6f: {  	_ =	shalt  }
0x70: {  	_ =	shalt  }
0x71: {  	_ =	shalt  }
0x72: {  	_ =	shalt  }
0x73: {  	_ =	shalt  }
0x74: {  	_ =	shalt  }
0x75: {  	_ =	shalt  }
0x76: {  	_ =	shalt  }
0x77: {  	_ =	shalt  }
0x78: {  	_ =	shalt  }
0x79: {  	_ =	shalt  }
0x7a: {  	_ =	shalt  }
0x7b: {  	_ =	shalt  }
0x7c: {  	_ =	shalt  }
0x7d: {  	_ =	shalt  }
0x7e: {  	_ =	shalt  }
0x7f: {  	_ =	shalt  }
0x80: {  	_ =	shalt  }
0x81: {  	_ =	shalt  }
0x82: {  	_ =	shalt  }
0x83: {  	_ =	shalt  }
0x84: {  	_ =	shalt  }
0x85: {  	_ =	shalt  }
0x86: {  	_ =	shalt  }
0x87: {  	_ =	shalt  }
.Lfunc_end0:
.L_simem_size_0:
called_computation.4_lowered:
.L_overlay_start_0:
0x88: {  	s0 =	sld [smem:$0x3FD9]  }
0x89: {  	s1 =	sld [smem:$0x3FFE];
	_ =	sdelay $0x3  }
0x8a: {  	s0 =	sadd.s32 s1, s0  }
0x8b: {  	[smem:$0x3FA4] =	sst s0  }
0x8c: {  	_ = 	snop  }
0x8d: {  	(tm) =	ssettm $0x1  }
0x8e: {  	s15 =	sld [smem:$0x3FFB];
	_ =	sdelay $0x3  }
0x8f: {  	_ =	strace s15  }
0x90: {  	s0 =	sld [smem:$0x3FFC];
	_ =	sdelay $0x3  }
0x91: {  	_ =	strace s0  }
0x92: {  	s0 =	sld [smem:$0x3FFD];
	_ =	sdelay $0x3  }
0x93: {  	_ =	strace s0  }
0x94: {  	_ =	strace $0x8FFFFFFF  }
0x95: {  	s16 =	sld [smem:$0x3FDB];
	_ =	sdelay $0x1  }
0x96: {  	s17 =	simm.s32 $_scs_section_size  }
0x97: {  	s2 =	simm.s32 $_size__tile_overlayer_lowered;
	s3 =	simm.s32 $_tile_overlayer_lowered  }
0x98: {  	s20 =	simm.s32 $0x1BFF;
	s19 =	sshll.u32 s3, $0x1;
	s0 =	sadd.s32 s17, s16  }
0x99: {  	s4 =	simm.s32 $0x0;
	s18 =	sshll.u32 s2, $0x1;
	s2 =	sadd.s32 s19, s0  }
0x9a: {  	[timem:s4], [sflag:s20] =	dma.local [hbm:s2], s18  }
0x9b: {  	_ =	swait.ge [sflag:s20], s18  }
0x9c: {  	s1 =	ssub.s32 $0x0, s18;
	[sflag:s20] =	ssyncset.done $0x0  }
0x9d: {  	[sflag:s20] =	ssyncadd.s32 s1;
	_ =	sdelay $0x1  }
0x9e: {  	s21 =	simm.s32 $0x1B8B  }
0x9f: {  	_ =	swait.ge [sflag:s21], $0x1  }
0xa0: {  	[sflag:s21] =	ssyncset.done $0x0  }
0xa1: {  	s23 =	simm.s32 $0x1B8E;
	s22 =	sld [smem:$0x3FFE];
	[sflag:s21] =	ssyncadd.s32 $0xFFFFFFFF  }
0xa2: {  	s24 =	simm.s32 $execute0_lowered;
	[smem:$0x3FD2] =	sst s23  }
0xa3: {  	s2 =	sshll.u32 s24, $0x1;
	_ =	strace $0x80000052;
	[dreg:$0x1] =	wrdreg $0xFFFFFFFF  }
0xa4: {  	s25 =	simm.s32 $_size_execute0_lowered;
	s0 =	sadd.s32 s0, s2;
	[dreg:$0x0] =	wrdreg $0x0  }
0xa5: {  	s2 =	sshll.u32 s25, $0x1;
	[dreg:$0x2] =	wrdreg s0  }
0xa6: {  	[dreg:$0x3] =	wrdreg s2  }
0xa7: {  	[dreg:$0x4] =	wrdreg $0xC0  }
0xa8: {  	_ =	task [dreg:s4], $0x5FFFF  }
0xa9: {  	[dreg:$0x1] =	wrdreg $0xFFFFFFFF  }
0xaa: {  	[dreg:$0x0] =	wrdreg $0x60  }
0xab: {  	[dreg:$0x2] =	wrdreg s22  }
0xac: {  	[dreg:$0x3] =	wrdreg $0x9  }
0xad: {  	_ =	task.clear_ibuf [dreg:s4], $0x4FFFF;
	_ =	strace $0x90000052  }
0xae: {  	s26 =	simm.s32 $0x9;
	_ =	strace $0x80000054  }
0xaf: {  	_ =	swait.ge [sflag:s26], $0x1  }
0xb0: {  	[sflag:s26] =	ssyncadd.s32 $0xFFFFFFFF  }
0xb1: {  	_ =	strace $0x90000054  }
0xb2: {  	_ =	sfence  }
0xb3: {  	s28 =	sld [smem:$0x0];
	_ =	sdelay $0x1  }
0xb4: {  	s29 =	srdreg.scid  }
0xb5: {  	s30 =	sshll.u32 s29, $0xD;
	s31 =	sshrl.u32 s29, $0x2  }
0xb6: {  	s1 =	sand.u32 $0x1, s29;
	s2 =	sand.u32 $0x4000, s30;
	s0 =	sadd.s32 s31, s28  }
0xb7: {  	s1 =	sor.u32 s2, s1;
	s0 =	sshll.u32 s0, $0x11  }
0xb8: {  	s0 =	sor.u32 s0, s1  }
0xb9: {  	s0 =	sadd.s32 $0x8F2B, s0  }
0xba: {  	[sflag:s0] =	ssyncadd.remote.s32 $0x1  }
0xbb: {  	_ =	sfence.sel $0xFFFF  }
0xbc: {  	[dreg:$0x0] =	wrdreg $0xFFFFFFFF;
	(pc) =	sbr.abs _section_cstart, $3  }
0xbd: {  	[dreg:$0x1] =	wrdreg $0xFFFFFFFF  }
0xbe: {  	_ =	task.clear_ibuf [dreg:s4], $0x2FFFF;
	_ =	strace $0x9FFFFFFF  }
0xbf: {  	(tm) =	ssettm $0x7FFFFFFF  }
tec
execute0_lowered:
.L_overlay_start_1:
0x0: {  	(tag) =	ssettag $0x1  }
0x1: {  	s8 =	rddreg [dreg:$0x0];
	_ =	strace $0x80000053;
	s11 =	simm.s32 $0x1  }
0x2: {  	v0 =	vimm.s32 $0x0;
	[sflag:s11] =	ssyncpa.u1 $0x0  }
0x3: {  	[tilespmem:$0x28] =	vst v0  }
0x4: {  	[tilespmem:$0x38] =	vst v0  }
0x5: {  	[tilespmem:$0x48] =	vst v0  }
0x6: {  	[tilespmem:$0x58] =	vst v0  }
0x7: {  	[tilespmem:$0x68] =	vst v0  }
0x8: {  	[tilespmem:$0x78] =	vst v0  }
0x9: {  	[tilespmem:$0x88] =	vst v0  }
0xa: {  	[tilespmem:$0x98] =	vst v0  }
0xb: {  	[tilespmem:$0xA8] =	vst v0  }
0xc: {  	[tilespmem:$0xB8] =	vst v0  }
0xd: {  	[tilespmem:$0xC8] =	vst v0  }
0xe: {  	[tilespmem:$0xD8] =	vst v0  }
0xf: {  	[tilespmem:$0xE8] =	vst v0  }
0x10: {  	[tilespmem:$0xF8] =	vst v0  }
0x11: {  	[tilespmem:$0x108] =	vst v0  }
0x12: {  	[tilespmem:$0x118] =	vst v0  }
0x13: {  	[tilespmem:$0x128] =	vst v0  }
0x14: {  	[tilespmem:$0x138] =	vst v0  }
0x15: {  	[tilespmem:$0x148] =	vst v0  }
0x16: {  	[tilespmem:$0x158] =	vst v0  }
0x17: {  	[tilespmem:$0x168] =	vst v0  }
0x18: {  	[tilespmem:$0x178] =	vst v0  }
0x19: {  	[tilespmem:$0x188] =	vst v0  }
0x1a: {  	[tilespmem:$0x198] =	vst v0  }
0x1b: {  	[tilespmem:$0x1A8] =	vst v0  }
0x1c: {  	[tilespmem:$0x1B8] =	vst v0  }
0x1d: {  	[tilespmem:$0x1C8] =	vst v0  }
0x1e: {  	[tilespmem:$0x1D8] =	vst v0  }
0x1f: {  	[tilespmem:$0x1E8] =	vst v0  }
0x20: {  	[tilespmem:$0x1F8] =	vst v0  }
0x21: {  	[tilespmem:$0x208] =	vst v0  }
0x22: {  	[tilespmem:$0x218] =	vst v0  }
0x23: {  	[tilespmem:$0x228] =	vst v0  }
0x24: {  	[tilespmem:$0x238] =	vst v0  }
0x25: {  	[tilespmem:$0x248] =	vst v0  }
0x26: {  	[tilespmem:$0x258] =	vst v0  }
0x27: {  	[tilespmem:$0x268] =	vst v0  }
0x28: {  	[tilespmem:$0x278] =	vst v0  }
0x29: {  	[tilespmem:$0x288] =	vst v0  }
0x2a: {  	[tilespmem:$0x298] =	vst v0  }
0x2b: {  	[tilespmem:$0x2A8] =	vst v0  }
0x2c: {  	[tilespmem:$0x2B8] =	vst v0  }
0x2d: {  	[tilespmem:$0x2C8] =	vst v0  }
0x2e: {  	[tilespmem:$0x2D8] =	vst v0  }
0x2f: {  	[tilespmem:$0x2E8] =	vst v0  }
0x30: {  	[tilespmem:$0x2F8] =	vst v0  }
0x31: {  	[tilespmem:$0x308] =	vst v0  }
0x32: {  	[tilespmem:$0x318] =	vst v0  }
0x33: {  	[tilespmem:$0x328] =	vst v0  }
0x34: {  	[tilespmem:$0x338] =	vst v0  }
0x35: {  	[tilespmem:$0x348] =	vst v0  }
0x36: {  	[tilespmem:$0x358] =	vst v0  }
0x37: {  	[tilespmem:$0x368] =	vst v0  }
0x38: {  	[tilespmem:$0x378] =	vst v0  }
0x39: {  	[tilespmem:$0x388] =	vst v0  }
0x3a: {  	[tilespmem:$0x398] =	vst v0  }
0x3b: {  	[tilespmem:$0x3A8] =	vst v0  }
0x3c: {  	[tilespmem:$0x3B8] =	vst v0  }
0x3d: {  	[tilespmem:$0x3C8] =	vst v0  }
0x3e: {  	[tilespmem:$0x3D8] =	vst v0  }
0x3f: {  	[tilespmem:$0x3E8] =	vst v0  }
0x40: {  	[tilespmem:$0x3F8] =	vst v0  }
0x41: {  	[tilespmem:$0x408] =	vst v0  }
0x42: {  	[tilespmem:$0x418] =	vst v0  }
0x43: {  	[tilespmem:$0x428] =	vst v0  }
0x44: {  	[tilespmem:$0x438] =	vst v0  }
0x45: {  	[tilespmem:$0x448] =	vst v0  }
0x46: {  	[tilespmem:$0x458] =	vst v0  }
0x47: {  	[tilespmem:$0x468] =	vst v0  }
0x48: {  	[tilespmem:$0x478] =	vst v0  }
0x49: {  	[tilespmem:$0x488] =	vst v0  }
0x4a: {  	[tilespmem:$0x498] =	vst v0  }
0x4b: {  	[tilespmem:$0x4A8] =	vst v0  }
0x4c: {  	[tilespmem:$0x4B8] =	vst v0  }
0x4d: {  	[tilespmem:$0x4C8] =	vst v0  }
0x4e: {  	[tilespmem:$0x4D8] =	vst v0  }
0x4f: {  	[tilespmem:$0x4E8] =	vst v0  }
0x50: {  	[tilespmem:$0x4F8] =	vst v0  }
0x51: {  	[tilespmem:$0x508] =	vst v0  }
0x52: {  	[tilespmem:$0x518] =	vst v0  }
0x53: {  	[tilespmem:$0x528] =	vst v0  }
0x54: {  	[tilespmem:$0x538] =	vst v0  }
0x55: {  	[tilespmem:$0x548] =	vst v0  }
0x56: {  	[tilespmem:$0x558] =	vst v0  }
0x57: {  	[tilespmem:$0x568] =	vst v0  }
0x58: {  	[tilespmem:$0x578] =	vst v0  }
0x59: {  	[tilespmem:$0x588] =	vst v0  }
0x5a: {  	[tilespmem:$0x598] =	vst v0  }
0x5b: {  	[tilespmem:$0x5A8] =	vst v0  }
0x5c: {  	[tilespmem:$0x5B8] =	vst v0  }
0x5d: {  	[tilespmem:$0x5C8] =	vst v0  }
0x5e: {  	[tilespmem:$0x5D8] =	vst v0  }
0x5f: {  	[tilespmem:$0x5E8] =	vst v0  }
0x60: {  	[tilespmem:$0x5F8] =	vst v0  }
0x61: {  	[tilespmem:$0x608] =	vst v0  }
0x62: {  	[tilespmem:$0x618] =	vst v0  }
0x63: {  	[tilespmem:$0x628] =	vst v0  }
0x64: {  	[tilespmem:$0x638] =	vst v0  }
0x65: {  	[tilespmem:$0x648] =	vst v0  }
0x66: {  	[tilespmem:$0x658] =	vst v0  }
0x67: {  	[tilespmem:$0x668] =	vst v0  }
0x68: {  	[tilespmem:$0x678] =	vst v0  }
0x69: {  	[tilespmem:$0x688] =	vst v0  }
0x6a: {  	[tilespmem:$0x698] =	vst v0  }
0x6b: {  	[tilespmem:$0x6A8] =	vst v0  }
0x6c: {  	[tilespmem:$0x6B8] =	vst v0  }
0x6d: {  	[tilespmem:$0x6C8] =	vst v0  }
0x6e: {  	[tilespmem:$0x6D8] =	vst v0  }
0x6f: {  	[tilespmem:$0x6E8] =	vst v0  }
0x70: {  	[tilespmem:$0x6F8] =	vst v0  }
0x71: {  	[tilespmem:$0x708] =	vst v0  }
0x72: {  	[tilespmem:$0x718] =	vst v0  }
0x73: {  	[tilespmem:$0x728] =	vst v0  }
0x74: {  	[tilespmem:$0x738] =	vst v0  }
0x75: {  	[tilespmem:$0x748] =	vst v0  }
0x76: {  	[tilespmem:$0x758] =	vst v0  }
0x77: {  	[tilespmem:$0x768] =	vst v0  }
0x78: {  	[tilespmem:$0x778] =	vst v0  }
0x79: {  	[tilespmem:$0x788] =	vst v0  }
0x7a: {  	[tilespmem:$0x798] =	vst v0  }
0x7b: {  	[tilespmem:$0x7A8] =	vst v0  }
0x7c: {  	[tilespmem:$0x7B8] =	vst v0  }
0x7d: {  	[tilespmem:$0x7C8] =	vst v0  }
0x7e: {  	[tilespmem:$0x7D8] =	vst v0  }
0x7f: {  	[tilespmem:$0x7E8] =	vst v0  }
0x80: {  	[tilespmem:$0x7F8] =	vst v0  }
0x81: {  	[tilespmem:$0x808] =	vst v0  }
0x82: {  	[tilespmem:$0x818] =	vst v0  }
0x83: {  	[tilespmem:$0x828] =	vst v0  }
0x84: {  	[tilespmem:$0x838] =	vst v0  }
0x85: {  	[tilespmem:$0x848] =	vst v0  }
0x86: {  	[tilespmem:$0x858] =	vst v0  }
0x87: {  	[tilespmem:$0x868] =	vst v0  }
0x88: {  	[tilespmem:$0x878] =	vst v0  }
0x89: {  	[tilespmem:$0x888] =	vst v0  }
0x8a: {  	[tilespmem:$0x898] =	vst v0  }
0x8b: {  	[tilespmem:$0x8A8] =	vst v0  }
0x8c: {  	[tilespmem:$0x8B8] =	vst v0  }
0x8d: {  	[tilespmem:$0x8C8] =	vst v0  }
0x8e: {  	[tilespmem:$0x8D8] =	vst v0  }
0x8f: {  	[tilespmem:$0x8E8] =	vst v0  }
0x90: {  	[tilespmem:$0x8F8] =	vst v0  }
0x91: {  	[tilespmem:$0x908] =	vst v0  }
0x92: {  	[tilespmem:$0x918] =	vst v0  }
0x93: {  	[tilespmem:$0x928] =	vst v0  }
0x94: {  	[tilespmem:$0x938] =	vst v0  }
0x95: {  	[tilespmem:$0x948] =	vst v0  }
0x96: {  	[tilespmem:$0x958] =	vst v0  }
0x97: {  	[tilespmem:$0x968] =	vst v0  }
0x98: {  	[tilespmem:$0x978] =	vst v0  }
0x99: {  	[tilespmem:$0x988] =	vst v0  }
0x9a: {  	[tilespmem:$0x998] =	vst v0  }
0x9b: {  	[tilespmem:$0x9A8] =	vst v0  }
0x9c: {  	[tilespmem:$0x9B8] =	vst v0  }
0x9d: {  	[tilespmem:$0x9C8] =	vst v0  }
0x9e: {  	[tilespmem:$0x9D8] =	vst v0  }
0x9f: {  	[tilespmem:$0x9E8] =	vst v0  }
0xa0: {  	[tilespmem:$0x9F8] =	vst v0  }
0xa1: {  	[tilespmem:$0xA08] =	vst v0  }
0xa2: {  	[tilespmem:$0xA18] =	vst v0  }
0xa3: {  	[tilespmem:$0xA28] =	vst v0  }
0xa4: {  	[tilespmem:$0xA38] =	vst v0  }
0xa5: {  	[tilespmem:$0xA48] =	vst v0  }
0xa6: {  	[tilespmem:$0xA58] =	vst v0  }
0xa7: {  	[tilespmem:$0xA68] =	vst v0  }
0xa8: {  	[tilespmem:$0xA78] =	vst v0  }
0xa9: {  	[tilespmem:$0xA88] =	vst v0  }
0xaa: {  	[tilespmem:$0xA98] =	vst v0  }
0xab: {  	[tilespmem:$0xAA8] =	vst v0  }
0xac: {  	[tilespmem:$0xAB8] =	vst v0  }
0xad: {  	[tilespmem:$0xAC8] =	vst v0  }
0xae: {  	[tilespmem:$0xAD8] =	vst v0  }
0xaf: {  	[tilespmem:$0xAE8] =	vst v0  }
0xb0: {  	[tilespmem:$0xAF8] =	vst v0  }
0xb1: {  	[tilespmem:$0xB08] =	vst v0  }
0xb2: {  	[tilespmem:$0xB18] =	vst v0  }
0xb3: {  	[tilespmem:$0xB28] =	vst v0  }
0xb4: {  	[tilespmem:$0xB38] =	vst v0  }
0xb5: {  	[tilespmem:$0xB48] =	vst v0  }
0xb6: {  	[tilespmem:$0xB58] =	vst v0  }
0xb7: {  	[tilespmem:$0xB68] =	vst v0  }
0xb8: {  	[tilespmem:$0xB78] =	vst v0  }
0xb9: {  	[tilespmem:$0xB88] =	vst v0  }
0xba: {  	[tilespmem:$0xB98] =	vst v0  }
0xbb: {  	[tilespmem:$0xBA8] =	vst v0  }
0xbc: {  	[tilespmem:$0xBB8] =	vst v0  }
0xbd: {  	[tilespmem:$0xBC8] =	vst v0  }
0xbe: {  	[tilespmem:$0xBD8] =	vst v0  }
0xbf: {  	[tilespmem:$0xBE8] =	vst v0  }
0xc0: {  	[tilespmem:$0xBF8] =	vst v0  }
0xc1: {  	[tilespmem:$0xC08] =	vst v0  }
0xc2: {  	[tilespmem:$0xC18] =	vst v0  }
0xc3: {  	[tilespmem:$0xC28] =	vst v0  }
0xc4: {  	[tilespmem:$0xC38] =	vst v0  }
0xc5: {  	[tilespmem:$0xC48] =	vst v0  }
0xc6: {  	[tilespmem:$0xC58] =	vst v0  }
0xc7: {  	[tilespmem:$0xC68] =	vst v0  }
0xc8: {  	[tilespmem:$0xC78] =	vst v0  }
0xc9: {  	[tilespmem:$0xC88] =	vst v0  }
0xca: {  	[tilespmem:$0xC98] =	vst v0  }
0xcb: {  	[tilespmem:$0xCA8] =	vst v0  }
0xcc: {  	[tilespmem:$0xCB8] =	vst v0  }
0xcd: {  	[tilespmem:$0xCC8] =	vst v0  }
0xce: {  	[tilespmem:$0xCD8] =	vst v0  }
0xcf: {  	[tilespmem:$0xCE8] =	vst v0  }
0xd0: {  	[tilespmem:$0xCF8] =	vst v0  }
0xd1: {  	[tilespmem:$0xD08] =	vst v0  }
0xd2: {  	[tilespmem:$0xD18] =	vst v0  }
0xd3: {  	[tilespmem:$0xD28] =	vst v0  }
0xd4: {  	[tilespmem:$0xD38] =	vst v0  }
0xd5: {  	[tilespmem:$0xD48] =	vst v0  }
0xd6: {  	[tilespmem:$0xD58] =	vst v0  }
0xd7: {  	[tilespmem:$0xD68] =	vst v0  }
0xd8: {  	[tilespmem:$0xD78] =	vst v0  }
0xd9: {  	[tilespmem:$0xD88] =	vst v0  }
0xda: {  	[tilespmem:$0xD98] =	vst v0  }
0xdb: {  	[tilespmem:$0xDA8] =	vst v0  }
0xdc: {  	[tilespmem:$0xDB8] =	vst v0  }
0xdd: {  	[tilespmem:$0xDC8] =	vst v0  }
0xde: {  	[tilespmem:$0xDD8] =	vst v0  }
0xdf: {  	[tilespmem:$0xDE8] =	vst v0  }
0xe0: {  	[tilespmem:$0xDF8] =	vst v0  }
0xe1: {  	[tilespmem:$0xE08] =	vst v0  }
0xe2: {  	[tilespmem:$0xE18] =	vst v0  }
0xe3: {  	[tilespmem:$0xE28] =	vst v0  }
0xe4: {  	[tilespmem:$0xE38] =	vst v0  }
0xe5: {  	[tilespmem:$0xE48] =	vst v0  }
0xe6: {  	[tilespmem:$0xE58] =	vst v0  }
0xe7: {  	[tilespmem:$0xE68] =	vst v0  }
0xe8: {  	[tilespmem:$0xE78] =	vst v0  }
0xe9: {  	[tilespmem:$0xE88] =	vst v0  }
0xea: {  	[tilespmem:$0xE98] =	vst v0  }
0xeb: {  	[tilespmem:$0xEA8] =	vst v0  }
0xec: {  	[tilespmem:$0xEB8] =	vst v0  }
0xed: {  	[tilespmem:$0xEC8] =	vst v0  }
0xee: {  	[tilespmem:$0xED8] =	vst v0  }
0xef: {  	[tilespmem:$0xEE8] =	vst v0  }
0xf0: {  	[tilespmem:$0xEF8] =	vst v0  }
0xf1: {  	[tilespmem:$0xF08] =	vst v0  }
0xf2: {  	[tilespmem:$0xF18] =	vst v0  }
0xf3: {  	[tilespmem:$0xF28] =	vst v0  }
0xf4: {  	[tilespmem:$0xF38] =	vst v0  }
0xf5: {  	[tilespmem:$0xF48] =	vst v0  }
0xf6: {  	[tilespmem:$0xF58] =	vst v0  }
0xf7: {  	[tilespmem:$0xF68] =	vst v0  }
0xf8: {  	[tilespmem:$0xF78] =	vst v0  }
0xf9: {  	[tilespmem:$0xF88] =	vst v0  }
0xfa: {  	[tilespmem:$0xF98] =	vst v0  }
0xfb: {  	[tilespmem:$0xFA8] =	vst v0  }
0xfc: {  	[tilespmem:$0xFB8] =	vst v0  }
0xfd: {  	[tilespmem:$0xFC8] =	vst v0  }
0xfe: {  	[tilespmem:$0xFD8] =	vst v0  }
0xff: {  	[tilespmem:$0xFE8] =	vst v0  }
0x100: {  	[tilespmem:$0xFF8] =	vst v0  }
0x101: {  	[tilespmem:$0x1018] =	vst v0  }
0x102: {  	[tilespmem:$0x10D8] =	vst v0  }
0x103: {  	[tilespmem:$0x1B28] =	vst v0  }
0x104: {  	[tilespmem:$0x1B18] =	vst v0  }
0x105: {  	[tilespmem:$0x1B08] =	vst v0  }
0x106: {  	[tilespmem:$0x1AF8] =	vst v0  }
0x107: {  	[tilespmem:$0x1AE8] =	vst v0  }
0x108: {  	[tilespmem:$0x1AD8] =	vst v0  }
0x109: {  	[tilespmem:$0x1AC8] =	vst v0  }
0x10a: {  	[tilespmem:$0x1AB8] =	vst v0  }
0x10b: {  	[tilespmem:$0x1AA8] =	vst v0  }
0x10c: {  	[tilespmem:$0x1A98] =	vst v0  }
0x10d: {  	[tilespmem:$0x1A88] =	vst v0  }
0x10e: {  	[tilespmem:$0x1A78] =	vst v0  }
0x10f: {  	[tilespmem:$0x1A68] =	vst v0  }
0x110: {  	[tilespmem:$0x1A58] =	vst v0  }
0x111: {  	[tilespmem:$0x1A48] =	vst v0  }
0x112: {  	[tilespmem:$0x1A38] =	vst v0  }
0x113: {  	[tilespmem:$0x1A28] =	vst v0  }
0x114: {  	[tilespmem:$0x1A18] =	vst v0  }
0x115: {  	[tilespmem:$0x1A08] =	vst v0  }
0x116: {  	[tilespmem:$0x19F8] =	vst v0  }
0x117: {  	[tilespmem:$0x19E8] =	vst v0  }
0x118: {  	[tilespmem:$0x19D8] =	vst v0  }
0x119: {  	[tilespmem:$0x19C8] =	vst v0  }
0x11a: {  	[tilespmem:$0x19B8] =	vst v0  }
0x11b: {  	[tilespmem:$0x19A8] =	vst v0  }
0x11c: {  	[tilespmem:$0x1998] =	vst v0  }
0x11d: {  	[tilespmem:$0x1988] =	vst v0  }
0x11e: {  	[tilespmem:$0x1978] =	vst v0  }
0x11f: {  	[tilespmem:$0x1968] =	vst v0  }
0x120: {  	[tilespmem:$0x1958] =	vst v0  }
0x121: {  	[tilespmem:$0x1948] =	vst v0  }
0x122: {  	[tilespmem:$0x1938] =	vst v0  }
0x123: {  	[tilespmem:$0x1928] =	vst v0  }
0x124: {  	[tilespmem:$0x1918] =	vst v0  }
0x125: {  	[tilespmem:$0x1908] =	vst v0  }
0x126: {  	[tilespmem:$0x18F8] =	vst v0  }
0x127: {  	[tilespmem:$0x18E8] =	vst v0  }
0x128: {  	[tilespmem:$0x18D8] =	vst v0  }
0x129: {  	[tilespmem:$0x18C8] =	vst v0  }
0x12a: {  	[tilespmem:$0x18B8] =	vst v0  }
0x12b: {  	[tilespmem:$0x18A8] =	vst v0  }
0x12c: {  	[tilespmem:$0x1898] =	vst v0  }
0x12d: {  	[tilespmem:$0x1888] =	vst v0  }
0x12e: {  	[tilespmem:$0x1878] =	vst v0  }
0x12f: {  	[tilespmem:$0x1868] =	vst v0  }
0x130: {  	[tilespmem:$0x1858] =	vst v0  }
0x131: {  	[tilespmem:$0x1848] =	vst v0  }
0x132: {  	[tilespmem:$0x1838] =	vst v0  }
0x133: {  	[tilespmem:$0x1828] =	vst v0  }
0x134: {  	[tilespmem:$0x1818] =	vst v0  }
0x135: {  	[tilespmem:$0x1808] =	vst v0  }
0x136: {  	[tilespmem:$0x17F8] =	vst v0  }
0x137: {  	[tilespmem:$0x17E8] =	vst v0  }
0x138: {  	[tilespmem:$0x17D8] =	vst v0  }
0x139: {  	[tilespmem:$0x17C8] =	vst v0  }
0x13a: {  	[tilespmem:$0x17B8] =	vst v0  }
0x13b: {  	[tilespmem:$0x17A8] =	vst v0  }
0x13c: {  	[tilespmem:$0x1798] =	vst v0  }
0x13d: {  	[tilespmem:$0x1788] =	vst v0  }
0x13e: {  	[tilespmem:$0x1778] =	vst v0  }
0x13f: {  	[tilespmem:$0x1768] =	vst v0  }
0x140: {  	[tilespmem:$0x1758] =	vst v0  }
0x141: {  	[tilespmem:$0x1748] =	vst v0  }
0x142: {  	[tilespmem:$0x1738] =	vst v0  }
0x143: {  	[tilespmem:$0x1728] =	vst v0  }
0x144: {  	[tilespmem:$0x1718] =	vst v0  }
0x145: {  	[tilespmem:$0x1708] =	vst v0  }
0x146: {  	[tilespmem:$0x16F8] =	vst v0  }
0x147: {  	[tilespmem:$0x16E8] =	vst v0  }
0x148: {  	[tilespmem:$0x16D8] =	vst v0  }
0x149: {  	[tilespmem:$0x16C8] =	vst v0  }
0x14a: {  	[tilespmem:$0x16B8] =	vst v0  }
0x14b: {  	[tilespmem:$0x16A8] =	vst v0  }
0x14c: {  	[tilespmem:$0x1698] =	vst v0  }
0x14d: {  	[tilespmem:$0x1688] =	vst v0  }
0x14e: {  	[tilespmem:$0x1678] =	vst v0  }
0x14f: {  	[tilespmem:$0x1668] =	vst v0  }
0x150: {  	[tilespmem:$0x1658] =	vst v0  }
0x151: {  	[tilespmem:$0x1648] =	vst v0  }
0x152: {  	[tilespmem:$0x1638] =	vst v0  }
0x153: {  	[tilespmem:$0x1628] =	vst v0  }
0x154: {  	[tilespmem:$0x1618] =	vst v0  }
0x155: {  	[tilespmem:$0x1608] =	vst v0  }
0x156: {  	[tilespmem:$0x15F8] =	vst v0  }
0x157: {  	[tilespmem:$0x15E8] =	vst v0  }
0x158: {  	[tilespmem:$0x15D8] =	vst v0  }
0x159: {  	[tilespmem:$0x15C8] =	vst v0  }
0x15a: {  	[tilespmem:$0x15B8] =	vst v0  }
0x15b: {  	[tilespmem:$0x15A8] =	vst v0  }
0x15c: {  	[tilespmem:$0x1598] =	vst v0  }
0x15d: {  	[tilespmem:$0x1588] =	vst v0  }
0x15e: {  	[tilespmem:$0x1578] =	vst v0  }
0x15f: {  	[tilespmem:$0x1568] =	vst v0  }
0x160: {  	[tilespmem:$0x1558] =	vst v0  }
0x161: {  	[tilespmem:$0x1548] =	vst v0  }
0x162: {  	[tilespmem:$0x1538] =	vst v0  }
0x163: {  	[tilespmem:$0x1528] =	vst v0  }
0x164: {  	[tilespmem:$0x1518] =	vst v0  }
0x165: {  	[tilespmem:$0x1508] =	vst v0  }
0x166: {  	[tilespmem:$0x14F8] =	vst v0  }
0x167: {  	[tilespmem:$0x14E8] =	vst v0  }
0x168: {  	[tilespmem:$0x14D8] =	vst v0  }
0x169: {  	[tilespmem:$0x14C8] =	vst v0  }
0x16a: {  	[tilespmem:$0x14B8] =	vst v0  }
0x16b: {  	[tilespmem:$0x14A8] =	vst v0  }
0x16c: {  	[tilespmem:$0x1498] =	vst v0  }
0x16d: {  	[tilespmem:$0x1488] =	vst v0  }
0x16e: {  	[tilespmem:$0x1478] =	vst v0  }
0x16f: {  	[tilespmem:$0x1468] =	vst v0  }
0x170: {  	[tilespmem:$0x1458] =	vst v0  }
0x171: {  	[tilespmem:$0x1448] =	vst v0  }
0x172: {  	[tilespmem:$0x1438] =	vst v0  }
0x173: {  	[tilespmem:$0x1428] =	vst v0  }
0x174: {  	[tilespmem:$0x1418] =	vst v0  }
0x175: {  	[tilespmem:$0x1408] =	vst v0  }
0x176: {  	[tilespmem:$0x13F8] =	vst v0  }
0x177: {  	[tilespmem:$0x13E8] =	vst v0  }
0x178: {  	[tilespmem:$0x13D8] =	vst v0  }
0x179: {  	[tilespmem:$0x13C8] =	vst v0  }
0x17a: {  	[tilespmem:$0x13B8] =	vst v0  }
0x17b: {  	[tilespmem:$0x13A8] =	vst v0  }
0x17c: {  	[tilespmem:$0x1398] =	vst v0  }
0x17d: {  	[tilespmem:$0x1388] =	vst v0  }
0x17e: {  	[tilespmem:$0x1378] =	vst v0  }
0x17f: {  	[tilespmem:$0x1368] =	vst v0  }
0x180: {  	[tilespmem:$0x1358] =	vst v0  }
0x181: {  	[tilespmem:$0x1348] =	vst v0  }
0x182: {  	[tilespmem:$0x1338] =	vst v0  }
0x183: {  	[tilespmem:$0x1328] =	vst v0  }
0x184: {  	[tilespmem:$0x1318] =	vst v0  }
0x185: {  	[tilespmem:$0x1308] =	vst v0  }
0x186: {  	[tilespmem:$0x12F8] =	vst v0  }
0x187: {  	[tilespmem:$0x12E8] =	vst v0  }
0x188: {  	[tilespmem:$0x12D8] =	vst v0  }
0x189: {  	[tilespmem:$0x12C8] =	vst v0  }
0x18a: {  	[tilespmem:$0x12B8] =	vst v0  }
0x18b: {  	[tilespmem:$0x12A8] =	vst v0  }
0x18c: {  	[tilespmem:$0x1298] =	vst v0  }
0x18d: {  	[tilespmem:$0x1288] =	vst v0  }
0x18e: {  	[tilespmem:$0x1278] =	vst v0  }
0x18f: {  	[tilespmem:$0x1268] =	vst v0  }
0x190: {  	[tilespmem:$0x1258] =	vst v0  }
0x191: {  	[tilespmem:$0x1248] =	vst v0  }
0x192: {  	[tilespmem:$0x1238] =	vst v0  }
0x193: {  	[tilespmem:$0x1228] =	vst v0  }
0x194: {  	[tilespmem:$0x1218] =	vst v0  }
0x195: {  	[tilespmem:$0x1208] =	vst v0  }
0x196: {  	[tilespmem:$0x11F8] =	vst v0  }
0x197: {  	[tilespmem:$0x11E8] =	vst v0  }
0x198: {  	[tilespmem:$0x11D8] =	vst v0  }
0x199: {  	[tilespmem:$0x11C8] =	vst v0  }
0x19a: {  	[tilespmem:$0x11B8] =	vst v0  }
0x19b: {  	[tilespmem:$0x11A8] =	vst v0  }
0x19c: {  	[tilespmem:$0x1198] =	vst v0  }
0x19d: {  	[tilespmem:$0x1188] =	vst v0  }
0x19e: {  	[tilespmem:$0x1178] =	vst v0  }
0x19f: {  	[tilespmem:$0x1168] =	vst v0  }
0x1a0: {  	[tilespmem:$0x1158] =	vst v0  }
0x1a1: {  	[tilespmem:$0x1148] =	vst v0  }
0x1a2: {  	[tilespmem:$0x1138] =	vst v0  }
0x1a3: {  	[tilespmem:$0x1128] =	vst v0  }
0x1a4: {  	[tilespmem:$0x1118] =	vst v0  }
0x1a5: {  	s2 =	stileid.u32;
	[tilespmem:$0x1108] =	vst v0  }
0x1a6: {  	s0 =	smul.u32 $0x2F, s2;
	[tilespmem:$0x10F8] =	vst v0  }
0x1a7: {  	s1 =	smin.u32 s2, $0xC;
	[tilespmem:$0x10E8] =	vst v0  }
0x1a8: {  	[tilespmem:$0x10B8] =	vst v0;
	s0 =	sadd.s32 s1, s0  }
0x1a9: {  	p0 =	slt.u32 s2, $0xC;
	[tilespmem:$0x10C8] =	vst v0;
	s1 =	simm.s32 $0x5100;
	s3 =	smul.u32 $0x1B0, s0  }
0x1aa: {  	s1 =	simm.s32 @!p0 $0x4F50;
	[tilespmem:$0x10A8] =	vst v0  }
0x1ab: {  	[tilespmem:$0x1038] =	vst v0;
	s0 =	sadd.s32 s1, s3  }
0x1ac: {  	[tilespmem:$0x1098] =	vst v0;
	s4 =	smin.u32 s0, $0x50910  }
0x1ad: {  	[tilespmem:$0x1088] =	vst v0;
	s0 =	ssub.s32 s4, s3  }
0x1ae: {  	s5 =	simm.s32 $0x2;
	s29 =	simm.s32 $0x7;
	[tilespmem:$0x1078] =	vst v0;
	p0 =	sgt.s32 s0, $0x0  }
0x1af: {  	s13 =	simm.s32 $0x8;
	s30 =	simm.s32 $0x9;
	[tilespmem:$0x1068] =	vst v0;
	s0 =	simm.s32 @!p0 $0x0  }
0x1b0: {  	p4 =	por $0x0, $0x0;
	s14 =	simm.s32 $0xA;
	[tilespmem:$0x1058] =	vst v0;
	s6 =	smulhi.u32 $0x4BDA12F7, s0  }
0x1b1: {  	s18 =	simm.s32 $0x0;
	s15 =	simm.s32 $0x0;
	s17 =	simm.s32 $0x0;
	[tilespmem:$0x1048] =	vst v0  }
0x1b2: {  	s7 =	sadd.s32 $0x73200, s8;
	s31 =	sshll.u32 s2, $0x5;
	[tilespmem:$0x1028] =	vst v0;
	s12 =	sshrl.u32 s6, $0x7  }
0x1b3: {  	[tilespmem:$0x1008] =	vst v0;
	[sflag:s5] =	ssyncpa.u1 $0x0;
	v0 =	vimm.s32 $0xFFFFFFFF;
	s5 =	sadd.s32 $0x2D400, s8;
	s10 =	smul.u32 $0x1B0, s12  }
.Ltmp0:
0x1b4: {  	[dreg:$0x2] =	wrdreg s31;
	[tilespmem:$0x3648] =	vst v0;
	[sflag:s29] =	ssyncpa.u1 $0x0;
	(pc) =	sbr.rel .LBB2_1-.Ltmp0, $4  }
0x1b5: {  	[sflag:s13] =	ssyncpa.u1 $0x0;
	s13 =	simm.s32 $0x0;
	p0 =	sne.s32 s0, s10  }
0x1b6: {  	[sflag:s30] =	ssyncpa.u1 $0x0;
	s1 =	sadd.s32 $0x57C400, s8;
	s11 =	simm.s32 @!p0 $0x0  }
0x1b7: {  	s16 =	smov.u32 s3;
	[dreg:$0x3] =	wrdreg s3;
	s11 =	sadd.s32 s11, s12  }
0x1b8: {  	v0 =	vlaneseq.u32;
	s6 =	sadd.s32 $0x23200, s8;
	p0 =	por $0x1, $0x1;
	s8 =	sadd.s32 $0x1, s11  }
.LBB2_18:
0x1b9: {  	s0 =	simm.s32 $0x2  }
0x1ba: {  	_ =	swait.ge [sflag:s0], $0x0  }
0x1bb: {  	[sflag:s0] =	ssyncset.done $0x0;
	s0 =	simm.s32 $0x0  }
.LBB2_19:
0x1bc: {  	_ =	swait.ge [sflag:s14], s0  }
0x1bd: {  	s31 =	ssub.s32 $0x0, s0;
	v1 =	vmov s20;
	vm0 =	veq.s32 v0, $0x0;
	[sflag:s14] =	ssyncset.done $0x0  }
0x1be: {  	vm15 =	veq.s32 v0, $0x2;
	v1 =	vsel vm0, s24, v1;
	[sflag:s14] =	ssyncadd.s32 s31  }
0x1bf: {  	v1 =	vsel vm15, s18, v1;
	[sflag:s14] =	ssyncpa.u1 $0x1  }
0x1c0: {  	[tilespmem:$0x3648] =	vst v1  }
.LBB2_20:
0x1c1: {  	s0 =	sadd.s32 $0x1B0, s16  }
0x1c2: {  	s2 =	smov.u32 s3;
	p1 =	slt.s32 s0, s4  }
0x1c3: {  	s2 =	smov.u32 @p1 s0;
	p1 =	sne.s32 s17, s8  }
.Ltmp1:
0x1c4: {  	_ = 	snop;
	(pc) =	sbr.rel @!p1 .LBB2_21-.Ltmp1, $4  }
0x1c5: {  	_ = 	snop  }
0x1c6: {  	s18 =	smov.u32 s15  }
0x1c7: {  	s31 =	sadd.s32 $0x1, s17;
	s15 =	smov.u32 s16;
	p0 =	por !p0, !p0  }
0x1c8: {  	p4 =	por !p4, !p4;
	s17 =	smov.u32 s31;
	s16 =	smov.u32 s2  }
.LBB2_1:
0x1c9: {  	p2 =	sge.u32 s17, s11  }
0x1ca: {  	s0 =	smulhi.u32 @!p2 $0xAAAAAAAB, s17  }
0x1cb: {  	s19 =	smov.u32 s16;
	p3 =	sgt.s32 @!p2 s16, $0x50760  }
0x1cc: {  	s20 =	sshra.s32 @!p2 s16, $0x1F;
	p3 =	por !p3, p2;
	s0 =	sshrl.u32 @!p2 s0, $0x1  }
0x1cd: {  	s20 =	sand.u32 @!p2 s20, s16;
	s19 =	simm.s32 @p3 $0x50760;
	s0 =	smul.u32 @!p2 $0x3, s0  }
0x1ce: {  	s19 =	ssub.s32 @!p2 s19, s20  }
0x1cf: {  	s19 =	sadd.s32 @!p2 $0xFFFAF8A0, s19;
	s0 =	ssub.s32 @!p2 s17, s0  }
0x1d0: {  	s20 =	sshll.u32 @!p2 s19, $0x2;
	p3 =	sgt.s32 @!p2 s19, $0x1AF;
	s0 =	smul.u32 @!p2 $0x6C0, s0  }
0x1d1: {  	s21 =	sand.u32 @!p2 $0x7, s16;
	s19 =	ssub.s32 @!p2 $0x6C0, s20;
	p3 =	por !p3, p2  }
0x1d2: {  	s20 =	sshrl.u32 @!p2 s16, $0x3;
	s19 =	sshrl.u32 @!p2 s19, $0x2;
	s0 =	sshrl.u32 @!p2 s0, $0x2  }
0x1d3: {  	s20 =	sadd.s32 @!p2 s5, s20;
	s19 =	simm.s32 @!p3 $0x0;
	s0 =	sadd.s32 @!p2 $0x3878, s0  }
0x1d4: {  	[tilespmem:s0], [sflag:$0x8] =	stream.linear.gather @!p2 [hbm4b:s20+s21], s19, $0x38;
	[tilespmem:$0x1F0E8] =	vst v63  }
0x1d5: {  	s20 =	sadd.s32 $0xFFFFFFFF, s17  }
0x1d6: {  	p2 =	sge.u32 s20, s11  }
0x1d7: {  	p3 =	sgt.s32 @!p2 s15, $0x50760  }
0x1d8: {  	s0 =	smov.u32 s15;
	s19 =	sshra.s32 @!p2 s15, $0x1F;
	p3 =	por !p3, p2  }
0x1d9: {  	s19 =	sand.u32 @!p2 s19, s15;
	s0 =	simm.s32 @p3 $0x50760  }
0x1da: {  	s0 =	ssub.s32 @!p2 s0, s19  }
0x1db: {  	s0 =	sadd.s32 @!p2 $0xFFFAF8A0, s0  }
0x1dc: {  	s19 =	sshll.u32 @!p2 s0, $0x2  }
0x1dd: {  	p3 =	sgt.s32 @!p2 s0, $0x1AF;
	s0 =	ssub.s32 @!p2 $0x6C0, s19  }
0x1de: {  	p3 =	por !p3, p2;
	s0 =	sshrl.u32 @!p2 s0, $0x2  }
0x1df: {  	s21 =	simm.s32 @!p2 $0x8;
	s19 =	sand.u32 @!p2 $0x1, s20;
	s0 =	simm.s32 @!p3 $0x0  }
0x1e0: {  	s19 =	smul.u32 @!p2 $0x6C0, s19;
	_ =	swait.ge @!p2 [sflag:s21], s0  }
0x1e1: {  	s22 =	ssub.s32 @!p2 $0x0, s0;
	[sflag:s21] =	ssyncset.done @!p2 $0x0  }
0x1e2: {  	s19 =	sshrl.u32 @!p2 s19, $0x2;
	[sflag:s21] =	ssyncadd.s32 @!p2 s22;
	s21 =	sshrl.u32 @!p2 s15, $0x3  }
0x1e3: {  	s19 =	sadd.s32 @!p2 $0x3D88, s19;
	s22 =	sand.u32 @!p2 $0x7, s15;
	s21 =	sadd.s32 @!p2 s6, s21  }
0x1e4: {  	[tilespmem:s19], [sflag:$0x9] =	stream.linear.gather @!p2 [hbm4b:s21+s22], s0, $0x38;
	[tilespmem:$0x1F0E8] =	vst v63  }
0x1e5: {  	s19 =	ssub.s32 @!p2 $0x50910, s15  }
0x1e6: {  	p3 =	slt.s32 @!p2 s19, $0x1  }
0x1e7: {  	p3 =	por p2, p3  }
.Ltmp2:
0x1e8: {  	_ = 	snop;
	(pc) =	sbr.rel @p3 .LBB2_7-.Ltmp2, $1  }
0x1e9: {  	_ =	sdelay $0x3  }
0x1ea: {  	s0 =	smulhi.u32 $0xAAAAAAAB, s20;
	_ =	sdelay $0x1  }
0x1eb: {  	s0 =	sshrl.u32 s0, $0x1  }
0x1ec: {  	s0 =	smul.u32 $0x3, s0;
	_ =	sdelay $0x1  }
0x1ed: {  	s0 =	ssub.s32 s20, s0  }
0x1ee: {  	s21 =	simm.s32 $0x1;
	s0 =	smul.u32 $0x6C0, s0  }
.Ltmp3:
0x1ef: {  	s21 =	simm.s32 @!p0 $0x0;
	(pc) =	sbr.rel .LBB2_4-.Ltmp3, $4  }
0x1f0: {  	s31 =	smul.u32 $0x36000, s21  }
0x1f1: {  	p3 =	slt.s32 @!p2 s19, $0x1B0;
	s0 =	sshrl.u32 s0, $0x2  }
0x1f2: {  	p2 =	por !p3, p2;
	s20 =	sshrl.u32 s31, $0x2;
	s0 =	sadd.s32 $0x3878, s0  }
0x1f3: {  	s19 =	simm.s32 @p2 $0x1B0;
	s21 =	simm.s32 $0x0;
	s20 =	sadd.s32 $0x40E8, s20;
	v1 =	vmov s0  }
.LBB2_3:
0x1f4: {  	p2 =	sge.s32 s21, s19  }
.Ltmp4:
0x1f5: {  	_ = 	snop;
	(pc) =	sbr.rel @p2 .LBB2_7-.Ltmp4, $2  }
0x1f6: {  	_ =	sdelay $0x2  }
0x1f7: {  	s20 =	sadd.s32 $0x800, s20  }
.LBB2_4:
0x1f8: {  	p2 =	sle.s32 s19, s21  }
.Ltmp5:
0x1f9: {  	_ = 	snop;
	(pc) =	sbr.rel @p2 .LBB2_3-.Ltmp5, $2  }
0x1fa: {  	_ =	sdelay $0x2  }
0x1fb: {  	s22 =	smov.u32 s21;
	s21 =	sadd.s32 $0x10, s21  }
0x1fc: {  	s0 =	ssub.s32 s19, s22  }
0x1fd: {  	p2 =	slt.s32 s0, $0x10  }
0x1fe: {  	s0 =	simm.s32 @!p2 $0x10  }
0x1ff: {  	v2 =	vmov s0  }
0x200: {  	vm0 =	vgt.s32 v2, v0;
	_ =	sdelay $0x5  }
0x201: {  	v2 =	vld.idx.msk [tilespmem:v1+s22+$0x0 ss:$0x1], vm0;
	_ =	sdelay $0x2  }
0x202: {  	s23 =	smov.u32 s19;
	p2 =	slt.s32 s21, s19  }
0x203: {  	s24 =	smov.u32 s20;
	s25 =	simm.s32 $0x0;
	s23 =	smov.u32 @p2 s21  }
.LBB2_6:
0x204: {  	(v2sf) =	vpush v2, s25;
	_ =	sdelay $0xc  }
0x205: {  	s25 =	sadd.s32 $0x1, s25  }
0x206: {  	s31 =	sadd.s32 s25, s22  }
0x207: {  	p2 =	slt.s32 s31, s23;
	s0 =	spop (v2sf)  }
.Ltmp6:
0x208: {  	s0 =	sshll.u32 s0, $0x4;
	(pc) =	sbr.rel @p2 .LBB2_6-.Ltmp6, $4  }
0x209: {  	s0 =	sand.u32 $0x1FFFFFF0, s0  }
0x20a: {  	s0 =	sadd.s32 s7, s0  }
0x20b: {  	[tilespmem:s24], [sflag:$0x7] =	stream.linear.gather [hbm4b:s0+s13], $0x2, $0x38;
	[tilespmem:$0x1F0E8] =	vst v63  }
0x20c: {  	s24 =	sadd.s32 $0x80, s24  }
.Ltmp7:
0x20d: {  	_ = 	snop;
	(pc) =	sbr.rel .LBB2_3-.Ltmp7, $1  }
0x20e: {  	_ =	sdelay $0x3  }
.LBB2_7:
0x20f: {  	p2 =	slt.u32 s17, $0x2  }
.Ltmp8:
0x210: {  	_ = 	snop;
	(pc) =	sbr.rel @p2 .LBB2_20-.Ltmp8, $1  }
0x211: {  	_ =	sdelay $0x3  }
0x212: {  	p2 =	sgt.s32 s18, $0x50760;
	s0 =	smov.u32 s18  }
0x213: {  	s19 =	sshra.s32 s18, $0x1F;
	s20 =	ssub.s32 $0x50910, s18;
	s0 =	simm.s32 @!p2 $0x50760  }
0x214: {  	s19 =	sand.u32 s19, s18;
	p2 =	slt.s32 s20, $0x1B0;
	s21 =	smov.u32 s20  }
0x215: {  	s0 =	ssub.s32 s0, s19;
	s21 =	simm.s32 @!p2 $0x1B0  }
0x216: {  	s0 =	sadd.s32 $0xFFFAF8A0, s0;
	s26 =	sshll.u32 s21, $0x1  }
0x217: {  	s2 =	simm.s32 $0x7;
	s28 =	sshll.u32 s0, $0x2;
	s19 =	sand.u32 $0x3FFFFFFE, s26  }
0x218: {  	p2 =	sgt.s32 s0, $0x1AF;
	s29 =	ssub.s32 $0x6C0, s28;
	_ =	swait.ge [sflag:s2], s19  }
0x219: {  	s19 =	ssub.s32 $0x0, s19;
	[sflag:s2] =	ssyncset.done $0x0;
	s0 =	sshrl.u32 s29, $0x2  }
0x21a: {  	s30 =	simm.s32 $0x9;
	[sflag:s2] =	ssyncadd.s32 s19;
	s0 =	simm.s32 @p2 $0x0  }
0x21b: {  	_ =	swait.ge [sflag:s30], s0  }
0x21c: {  	s0 =	ssub.s32 $0x0, s0;
	[sflag:s30] =	ssyncset.done $0x0  }
0x21d: {  	[sflag:s30] =	ssyncadd.s32 s0  }
0x21e: {  	v1 =	vld [tilespmem:$0x3648];
	_ =	sdelay $0x4  }
0x21f: {  	(v2sf) =	vpush v1, $0x0  }
0x220: {  	(v2sf) =	vpush v1, $0x1  }
0x221: {  	(v2sf) =	vpush v1, $0x2;
	_ =	sdelay $0x3  }
0x222: {  	s0 =	sadd.s32 $0x1B0, s18  }
0x223: {  	p2 =	slt.s32 s4, s0  }
0x224: {  	s0 =	smov.u32 @p2 s4;
	p2 =	sgt.s32 s20, $0x0  }
0x225: {  	s22 =	ssub.s32 s0, s18;
	s20 =	simm.s32 @!p2 $0x0  }
0x226: {  	p2 =	slt.s32 s20, s22  }
0x227: {  	s22 =	smov.u32 @p2 s20  }
0x228: {  	s21 =	simm.s32 $0x1;
	p2 =	slt.s32 s22, $0x1  }
.Ltmp9:
0x229: {  	s21 =	simm.s32 @!p4 $0x0;
	(pc) =	sbr.rel @p2 .LBB2_12-.Ltmp9, $4  }
0x22a: {  	s31 =	smul.u32 $0x6C0, s21  }
0x22b: {  	s23 =	spop (v2sf)  }
0x22c: {  	s0 =	sshrl.u32 s31, $0x2;
	s25 =	spop (v2sf)  }
0x22d: {  	s19 =	sadd.s32 $0x3D88, s0;
	s18 =	spop (v2sf)  }
0x22e: {  	s0 =	smin.u32 s22, $0x10  }
0x22f: {  	v1 =	vmov s0  }
0x230: {  	p3 =	sgt.s32 s22, $0x10;
	vm1 =	vgt.u32 v1, v0  }
.Ltmp10:
0x231: {  	_ = 	snop;
	(pc) =	sbr.rel @!p3 .LBB2_11-.Ltmp10, $2  }
0x232: {  	_ =	sdelay $0x2  }
0x233: {  	s24 =	simm.s32 $0x10;
	s26 =	sadd.s32 $0xFFFFFFF0, s22;
	s20 =	smov.u32 s19;
	vm0 =	vmmov vm1  }
.LBB2_10:
0x234: {  	s0 =	smin.u32 s26, $0x10;
	s24 =	sadd.s32 $0x10, s24;
	v1 =	vld.msk [tilespmem:s20+$0x0 ss:$0x1], vm1  }
0x235: {  	v2 =	vmov s0;
	p3 =	slt.s32 s24, s22  }
0x236: {  	vm1 =	vgt.u32 v2, v0  }
.Ltmp11:
0x237: {  	(pc) =	sbr.rel @p3 .LBB2_10-.Ltmp11, $3  }
0x238: {  	_ =	sdelay $0x1  }
0x239: {  	v1 =	vshll.u32 v1, $0x4  }
0x23a: {  	s26 =	sadd.s32 $0xFFFFFFF0, s26;
	[tilespmem:s20+$0x0] =	vst.msk vm0, v1;
	s20 =	sadd.s32 $0x10, s20;
	vm0 =	vmmov vm1  }
.LBB2_11:
0x23b: {  	_ =	sdelay $0x4  }
0x23c: {  	v1 =	vld.msk [tilespmem:s20+$0x0 ss:$0x1], vm1;
	_ =	sdelay $0x4  }
0x23d: {  	v1 =	vshll.u32 v1, $0x4  }
0x23e: {  	[tilespmem:s20+$0x0] =	vst.msk vm0, v1  }
.LBB2_12:
0x23f: {  	s0 =	sand.u32 $0x1, s17  }
0x240: {  	s0 =	smul.u32 $0x1B0, s0  }
0x241: {  	p3 =	sne.s32 s25, $0xFFFFFFFF  }
0x242: {  	v1 =	vld.msk @!p3 [tilespmem:s0+$0x3D88], $0x1;
	_ =	sdelay $0x4  }
0x243: {  	(v2sf) =	vpush @!p3 v1, $0x0;
	_ =	sdelay $0xc  }
.Ltmp12:
0x244: {  	_ = 	snop;
	(pc) =	sbr.rel @p2 .LBB2_18-.Ltmp12, $4  }
0x245: {  	_ = 	snop  }
0x246: {  	s24 =	spop @!p3 (v2sf)  }
0x247: {  	s18 =	simm.s32 @!p3 $0x0;
	s20 =	smov.u32 s24  }
0x248: {  	[sflag:s14] =	ssyncpa.u1 $0x0;
	s24 =	smov.u32 @p3 s23;
	s20 =	smov.u32 @p3 s25  }
0x249: {  	v1 =	vld.msk [tilespmem:s19+$0x0], $0x1;
	_ =	sdelay $0x4  }
0x24a: {  	(v2sf) =	vpush v1, $0x0;
	_ =	sdelay $0xd  }
0x24b: {  	s0 =	simm.s32 @!p4 $0x0  }
0x24c: {  	s26 =	smul.u32 $0x36000, s21;
	s25 =	ssub.s32 $0x0, s22;
	s28 =	spop (v2sf)  }
0x24d: {  	s0 =	simm.s32 @p4 $0x1;
	s23 =	sadd.s32 $0x1, s25;
	p2 =	seq.s32 s24, s28  }
0x24e: {  	[smem:$0x7FD] =	sst s0;
	s0 =	sshrl.u32 s26, $0x2;
	p3 =	sgt.s32 @!p2 s24, $0x0  }
0x24f: {  	s21 =	sadd.s32 $0x40E8, s0;
	s0 =	smov.u32 s24;
	p3 =	por !p3, p2  }
0x250: {  	s0 =	simm.s32 @p3 $0x0;
	p3 =	seq.s32 s23, $0x0  }
.Ltmp13:
0x251: {  	_ = 	snop;
	(pc) =	sbr.rel @p3 .LBB2_15-.Ltmp13, $4  }
0x252: {  	s3 =	smov.u32 s8;
	s12 =	smov.u32 s5;
	s8 =	smov.u32 s6  }
0x253: {  	s22 =	simm.s32 $0x0;
	s29 =	simm.s32 @!p2 $0x1;
	s0 =	smin.u32 @!p2 s0, $0x270FF  }
0x254: {  	s30 =	simm.s32 @!p2 $0x1B38;
	s29 =	smov.u32 @p2 s22;
	s26 =	sand.u32 @!p2 $0x3FFF8, s0  }
0x255: {  	s31 =	sand.u32 @!p2 $0x7, s0;
	s0 =	sadd.s32 @!p2 s1, s26;
	s26 =	sadd.s32 $0x1, s19  }
.LBB2_14:
0x256: {  	s2 =	smov.u32 s29  }
0x257: {  	[tilespmem:s30], [sflag:$0x2] =	stream.linear.gather @!p2 [hbm4b:s0+s31], $0x2, $0x38;
	[tilespmem:$0x1F0E8] =	vst v63  }
0x258: {  	s23 =	sadd.s32 $0x1, s23;
	s0 =	smov.u32 s28;
	v1 =	vld.msk [tilespmem:s26+$0x0], $0x1  }
0x259: {  	p3 =	seq.s32 s23, $0x0;
	_ =	sdelay $0x3  }
0x25a: {  	(v2sf) =	vpush v1, $0x0;
	_ =	sdelay $0xe  }
0x25b: {  	s28 =	spop (v2sf)  }
0x25c: {  	p2 =	seq.s32 s0, s28  }
0x25d: {  	p4 =	sgt.s32 @!p2 s0, $0x0;
	s30 =	sshll.u32 @!p2 s29, $0x6;
	s29 =	sadd.s32 @!p2 $0x1, s29  }
.Ltmp14:
0x25e: {  	p4 =	por !p4, p2;
	s30 =	sshra.s32 @!p2 s30, $0x2;
	(pc) =	sbr.rel @!p3 .LBB2_14-.Ltmp14, $4  }
0x25f: {  	s29 =	smov.u32 @p2 s2;
	s0 =	simm.s32 @p4 $0x0;
	s30 =	sadd.s32 @!p2 $0x1B38, s30  }
0x260: {  	s0 =	smin.u32 @!p2 s0, $0x270FF  }
0x261: {  	s2 =	sand.u32 @!p2 $0x3FFF8, s0;
	s31 =	sand.u32 @!p2 $0x7, s0  }
0x262: {  	s26 =	sadd.s32 $0x1, s26;
	s0 =	sadd.s32 @!p2 s1, s2  }
.LBB2_15:
0x263: {  	[tilespmem:s30], [sflag:$0x2] =	stream.linear.gather @!p2 [hbm4b:s0+s31], $0x2, $0x38;
	[tilespmem:$0x1F0E8] =	vst v63  }
0x264: {  	s31 =	sshll.u32 s29, $0x1  }
0x265: {  	s2 =	simm.s32 $0x2;
	s0 =	sand.u32 $0x3FFFFFFE, s31  }
0x266: {  	_ =	swait.ge [sflag:s2], s0  }
0x267: {  	s0 =	ssub.s32 $0x0, s0;
	[sflag:s2] =	ssyncset.done $0x0  }
0x268: {  	[sflag:s2] =	ssyncadd.s32 s0  }
0x269: {  	v1 =	vld.msk [tilespmem:s19+$0x0], $0x1;
	_ =	sdelay $0x4  }
0x26a: {  	(v2sf) =	vpush v1, $0x0;
	_ =	sdelay $0xe  }
0x26b: {  	s23 =	spop (v2sf)  }
0x26c: {  	p2 =	sne.s32 s24, s23  }
0x26d: {  	p4 =	sne.s32 @p2 s24, s20  }
0x26e: {  	p3 =	por !p4, !p2  }
0x26f: {  	s0 =	simm.s32 @!p3 $0x0  }
0x270: {  	v1 =	vld.msk @!p3 [tilespmem:s0+$0x1B38], $0x3  }
0x271: {  	p5 =	sgt.u32 @!p3 s24, $0x270FF  }
0x272: {  	s2 =	sshll.u32 @!p3 s18, $0x6;
	p6 =	por @p2 p5, !p4  }
0x273: {  	s2 =	sshra.s32 @!p3 s2, $0x2;
	p1 =	por p6, !p2;
	p6 =	por p4, !p2  }
0x274: {  	s26 =	sadd.s32 @!p3 $0x28, s2;
	s28 =	sand.u32 @!p1 $0x3FFF8, s24;
	s29 =	sshll.u32 @!p6 s18, $0x6  }
0x275: {  	s24 =	sand.u32 @!p1 $0x7, s24;
	[tilespmem:s2+$0x28] =	vst.add.f32.msk @!p3 $0x3, v1;
	s2 =	sadd.s32 @!p1 s1, s28;
	s28 =	sshra.s32 @!p6 s29, $0x2  }
0x276: {  	[hbm4b:s2+s24] =	stream.linear.scatter @!p1 [tilespmem:s26], [sflag:$0xA], $0x2, $0x38;
	[tilespmem:$0x1F0E8] =	vst v63  }
0x277: {  	s0 =	rddreg [dreg:$0x2];
	s2 =	sadd.s32 @!p6 $0x28, s28;
	s24 =	simm.s32 @!p6 $0x1  }
0x278: {  	[spmem:s0] =	stream.linear.scatter @!p6 [tilespmem:s2], [sflag:$0x1], $0x2, $0x38;
	[tilespmem:$0x1F0E8] =	vst v63  }
0x279: {  	s0 =	sadd.s32 @p2 $0x1, s18;
	_ =	swait.ge @!p6 [sflag:s24], $0x2  }
0x27a: {  	s2 =	sshrl.u32 @p2 s0, $0x4;
	[sflag:s24] =	ssyncset.done @!p6 $0x0  }
0x27b: {  	s2 =	smulhi.u32 @p2 $0x97B425F, s2;
	[sflag:s24] =	ssyncadd.s32 @!p6 $0xFFFFFFFE  }
0x27c: {  	s24 =	sadd.s32 $0x1, s25;
	v1 =	vld.msk @p2 [tilespmem:s21+$0x0], $0x3  }
0x27d: {  	p1 =	por @p2 !p5, !p4;
	s2 =	smul.u32 @p2 $0x1B0, s2;
	p4 =	seq.s32 s24, $0x0  }
.Ltmp15:
0x27e: {  	p1 =	por !p1, !p2;
	s25 =	simm.s32 @!p3 $0x0;
	(pc) =	sbr.rel @p4 .LBB2_17-.Ltmp15, $4  }
0x27f: {  	s26 =	sshll.u32 @!p2 s18, $0x6;
	s25 =	simm.s32 @!p1 $0x8;
	s0 =	ssub.s32 @p2 s0, s2  }
0x280: {  	s26 =	sshra.s32 @!p2 s26, $0x2;
	s28 =	sadd.s32 @!p3 $0x0, s25;
	s29 =	sshll.u32 @p2 s0, $0x4  }
0x281: {  	s25 =	simm.s32 $0x0;
	s2 =	simm.s32 @p2 $0x1;
	s28 =	smov.u32 @p3 s22;
	[tilespmem:s29+$0x28] =	vst.msk @p2 $0x3, v1  }
0x282: {  	s18 =	smov.u32 @p2 s0;
	s25 =	smov.u32 @p2 s28;
	s22 =	smov.u32 @p2 s2;
	v1 =	vld.msk @!p2 [tilespmem:s21+$0x0], $0x3  }
.LBB2_16:
0x283: {  	_ =	sdelay $0x3  }
0x284: {  	s19 =	sadd.s32 $0x1, s19;
	[tilespmem:s26+$0x28] =	vst.add.f32.msk @!p2 $0x3, v1  }
0x285: {  	v1 =	vld.msk [tilespmem:s19+$0x0], $0x1;
	_ =	sdelay $0x4  }
0x286: {  	(v2sf) =	vpush v1, $0x0;
	_ =	sdelay $0xe  }
0x287: {  	s0 =	smov.u32 s23;
	s23 =	spop (v2sf)  }
0x288: {  	p2 =	sne.s32 s0, s23  }
0x289: {  	p5 =	sne.s32 @p2 s0, s20  }
0x28a: {  	p4 =	por !p5, !p2  }
0x28b: {  	s30 =	sshll.u32 @!p4 s22, $0x6  }
0x28c: {  	s30 =	sshra.s32 @!p4 s30, $0x2  }
0x28d: {  	p1 =	sgt.u32 @!p4 s0, $0x270FF;
	v1 =	vld.msk @!p4 [tilespmem:s30+$0x1B38], $0x3  }
0x28e: {  	s31 =	sshll.u32 @!p4 s18, $0x6;
	p6 =	por @p2 p1, !p5;
	p1 =	por @p2 !p1, !p5  }
0x28f: {  	s5 =	simm.s32 @!p4 $0x0;
	s31 =	sshra.s32 @!p4 s31, $0x2;
	p1 =	por !p1, !p2  }
0x290: {  	p5 =	por p5, !p2;
	s5 =	simm.s32 @!p1 $0x8;
	p1 =	por p6, !p2  }
0x291: {  	s30 =	sadd.s32 @!p4 $0x28, s31;
	s6 =	sshll.u32 @!p5 s18, $0x6;
	s10 =	sand.u32 @!p1 $0x3FFF8, s0  }
0x292: {  	s6 =	sshra.s32 @!p5 s6, $0x2;
	s0 =	sand.u32 @!p1 $0x7, s0;
	s10 =	sadd.s32 @!p1 s1, s10;
	[tilespmem:s31+$0x28] =	vst.add.f32.msk @!p4 $0x3, v1  }
0x293: {  	[hbm4b:s10+s0] =	stream.linear.scatter @!p1 [tilespmem:s30], [sflag:$0xA], $0x2, $0x38;
	[tilespmem:$0x1F0E8] =	vst v63  }
0x294: {  	s2 =	rddreg [dreg:$0x2];
	s0 =	sadd.s32 @!p5 $0x28, s6;
	s6 =	simm.s32 @!p5 $0x1  }
0x295: {  	[spmem:s2] =	stream.linear.scatter @!p5 [tilespmem:s0], [sflag:$0x1], $0x2, $0x38;
	[tilespmem:$0x1F0E8] =	vst v63  }
0x296: {  	s28 =	sadd.s32 @p2 $0x1, s18;
	_ =	swait.ge @!p5 [sflag:s6], $0x2  }
0x297: {  	s29 =	sshrl.u32 @p2 s28, $0x4;
	[sflag:s6] =	ssyncset.done @!p5 $0x0  }
0x298: {  	s21 =	sadd.s32 $0x80, s21;
	s29 =	smulhi.u32 @p2 $0x97B425F, s29;
	[sflag:s6] =	ssyncadd.s32 @!p5 $0xFFFFFFFE  }
0x299: {  	s24 =	sadd.s32 $0x1, s24;
	v1 =	vld.msk @p2 [tilespmem:s21+$0x0], $0x3  }
0x29a: {  	p3 =	seq.s32 s24, $0x0;
	s29 =	smul.u32 @p2 $0x1B0, s29  }
.Ltmp16:
0x29b: {  	_ = 	snop;
	(pc) =	sbr.rel @!p3 .LBB2_16-.Ltmp16, $4  }
0x29c: {  	s28 =	ssub.s32 @p2 s28, s29  }
0x29d: {  	s26 =	sshll.u32 @!p2 s18, $0x6;
	s5 =	sadd.s32 @!p4 s5, s25;
	s10 =	sshll.u32 @p2 s28, $0x4  }
0x29e: {  	s9 =	sadd.s32 @p2 $0x1, s22;
	s26 =	sshra.s32 @!p2 s26, $0x2;
	s5 =	smov.u32 @p4 s25;
	[tilespmem:s10+$0x28] =	vst.msk @p2 $0x3, v1  }
0x29f: {  	s22 =	smov.u32 @p2 s9;
	s18 =	smov.u32 @p2 s28;
	s25 =	smov.u32 @p2 s5;
	v1 =	vld.msk @!p2 [tilespmem:s21+$0x0], $0x3  }
.LBB2_17:
.Ltmp17:
0x2a0: {  	_ = 	snop;
	(pc) =	sbr.rel .LBB2_19-.Ltmp17, $4  }
0x2a1: {  	s2 =	sld [smem:$0x7FD]  }
0x2a2: {  	s0 =	sshrl.u32 s25, $0x2  }
0x2a3: {  	s24 =	smov.u32 s23;
	s6 =	smov.u32 s8;
	s5 =	smov.u32 s12  }
0x2a4: {  	s8 =	smov.u32 s3;
	s3 =	rddreg [dreg:$0x3];
	p4 =	seq.s32 s2, $0x1;
	[tilespmem:s26+$0x28] =	vst.add.f32.msk @!p2 $0x3, v1  }
.LBB2_21:
0x2a5: {  	_ =	sfence.sel $0x180000  }
0x2a6: {  	s0 =	simm.s32 $0x7;
	[bflag:$0x0] =	sbarrier.arrive $0xFFFF  }
0x2a7: {  	s25 =	simm.s32 $0x8;
	[sflag:s0] =	ssyncpa.u1 $0x1  }
0x2a8: {  	s26 =	simm.s32 $0x9;
	[sflag:s25] =	ssyncpa.u1 $0x1  }
0x2a9: {  	s28 =	simm.s32 $0x2;
	[sflag:s26] =	ssyncpa.u1 $0x1  }
0x2aa: {  	[sflag:s28] =	ssyncpa.u1 $0x1  }
0x2ab: {  	v0 =	vld [tilespmem:$0x3648];
	_ =	sdelay $0x4  }
0x2ac: {  	(v2sf) =	vpush v0, $0x0  }
0x2ad: {  	(v2sf) =	vpush v0, $0x1;
	_ =	sdelay $0x1  }
0x2ae: {  	(v2sf) =	vpush v0, $0x2;
	_ =	sdelay $0xb  }
0x2af: {  	s0 =	spop (v2sf)  }
0x2b0: {  	s2 =	spop (v2sf)  }
0x2b1: {  	s3 =	smov.u32 s0;
	p0 =	sne.s32 s0, s2  }
0x2b2: {  	s4 =	spop (v2sf);
	s3 =	simm.s32 @!p0 $0xFFFFFFFF  }
0x2b3: {  	v2 =	vimm.s32 $0x1;
	v3 =	vlaneseq.u32;
	p0 =	seq.s32 s4, $0xFFFFFFFF;
	v1 =	vmov s3  }
0x2b4: {  	s7 =	stileid.u32;
	v0 =	vperm.xlane v0, v2;
	p1 =	sne.s32 @!p0 s0, s2;
	v1 =	vperm.xlane v1, v3  }
0x2b5: {  	vm0 =	vcmask $0x3F04;
	s6 =	simm.s32 $0x3648;
	s0 =	simm.s32 @!p0 $0x1;
	p1 =	por !p1, p0  }
0x2b6: {  	s3 =	sshll.u32 s7, $0x1;
	s2 =	sshll.u32 @!p0 s4, $0x6;
	s0 =	simm.s32 @p1 $0x0;
	v0 =	vsel vm0, v1, v0  }
0x2b7: {  	s5 =	sor.u32 $0x200, s3;
	s2 =	sshra.s32 @!p0 s2, $0x2;
	s0 =	sor.u32 @!p0 s0, s3;
	[tilespmem:$0x3648] =	vst v0  }
0x2b8: {  	[spmem:s5] =	stream.linear.scatter [tilespmem:s6], [sflag:$0x1], $0x2, $0x38;
	[tilespmem:$0x1F0E8] =	vst v63  }
0x2b9: {  	s2 =	sadd.s32 @!p0 $0x28, s2;
	s0 =	sshll.u32 @!p0 s0, $0x4  }
0x2ba: {  	[spmem:s0] =	stream.linear.scatter @!p0 [tilespmem:s2], [sflag:$0x1], $0x10, $0x38;
	[tilespmem:$0x1F0E8] =	vst v63  }
0x2bb: {  	s0 =	simm.s32 @!p0 $0x12  }
0x2bc: {  	s3 =	simm.s32 $0x1;
	s0 =	simm.s32 @p0 $0x2  }
0x2bd: {  	_ =	swait.ge [sflag:s3], s0  }
0x2be: {  	s0 =	ssub.s32 $0x0, s0;
	[sflag:s3] =	ssyncset.done $0x0  }
0x2bf: {  	[sflag:s3] =	ssyncadd.s32 s0  }
0x2c0: {  	_ =	sfence.stream.spmem  }
0x2c1: {  	s29 =	simm.s32 $0x3;
	[bflag:$0x0] =	sbarrier.arrive $0xFFFF  }
0x2c2: {  	s30 =	simm.s32 $0x4;
	[sflag:s29] =	ssyncpa.u1 $0x1  }
0x2c3: {  	s31 =	simm.s32 $0x3C;
	[sflag:s30] =	ssyncpa.u1 $0x1  }
0x2c4: {  	p0 =	sne.s32 s7, $0x0;
	[sflag:s31] =	ssyncpa.u1 $0x1  }
0x2c5: {  	_ =	sfence @p0  }
0x2c6: {  	[sflag:s3] =	ssyncpa.u1 @p0 $0x1  }
0x2c7: {  	_ =	strace @p0 $0x90000053  }
0x2c8: {  	[bflag:$0x2] =	sbarrier.arrive @p0 $0xFFFF  }
0x2c9: {  	_ =	shalt @p0  }
.LBB2_22:
0x2ca: {  	_ =	sfence.stream.spmem;
	s0 =	simm.s32 $0x5  }
0x2cb: {  	s2 =	simm.s32 $0x200;
	s3 =	simm.s32 $0x3658;
	[sflag:s0] =	ssyncpa.u1 $0x0  }
0x2cc: {  	[tilespmem:s3], [sflag:$0x5] =	stream.linear.gather [spmem:s2], $0x20, $0x38;
	[tilespmem:$0x1F0E8] =	vst v63  }
0x2cd: {  	s30 =	simm.s32 $0x3678;
	s2 =	simm.s32 $0x0  }
0x2ce: {  	[tilespmem:s30], [sflag:$0x5] =	stream.linear.gather [spmem:s2], $0x200, $0x38;
	[tilespmem:$0x1F0E8] =	vst v63  }
.Ltmp18:
0x2cf: {  	_ = 	snop;
	(pc) =	sbr.rel .LBB2_23-.Ltmp18, $4  }
0x2d0: {  	_ =	swait.ge [sflag:s0], $0x220  }
0x2d1: {  	[sflag:s0] =	ssyncset.done $0x0  }
0x2d2: {  	s31 =	simm.s32 $0x6;
	[sflag:s0] =	ssyncadd.s32 $0xFFFFFDE0  }
0x2d3: {  	s3 =	simm.s32 $0x0;
	[sflag:s31] =	ssyncpa.u1 $0x0  }
.LBB2_28:
0x2d4: {  	p0 =	slt.u32 s4, $0x27100  }
0x2d5: {  	s0 =	sand.u32 @p0 $0x3FFF8, s4  }
0x2d6: {  	s4 =	sand.u32 @p0 $0x7, s4;
	s5 =	simm.s32 @p0 $0x3638;
	s0 =	sadd.s32 @p0 s1, s0  }
0x2d7: {  	[tilespmem:s5], [sflag:$0x6] =	stream.linear.gather @p0 [hbm4b:s0+s4], $0x2, $0x38;
	[tilespmem:$0x1F0E8] =	vst v63  }
0x2d8: {  	s0 =	simm.s32 @p0 $0x6  }
0x2d9: {  	_ =	swait.ge @p0 [sflag:s0], $0x2  }
0x2da: {  	[sflag:s0] =	ssyncset.done @p0 $0x0  }
0x2db: {  	[sflag:s0] =	ssyncadd.s32 @p0 $0xFFFFFFFE  }
0x2dc: {  	v1 =	vld @p0 [tilespmem:$0x3638];
	_ =	sdelay $0x2  }
0x2dd: {  	s0 =	sshll.u32 @p0 s3, $0x6  }
0x2de: {  	s5 =	sshll.u32 @!p0 s3, $0x6;
	s4 =	sshrl.u32 @p0 s0, $0x2  }
0x2df: {  	s5 =	smov.u32 @p0 s0;
	[tilespmem:s4+$0x3678] =	vst.add.f32.msk @p0 $0xffff, v1  }
0x2e0: {  	s0 =	sshrl.u32 s5, $0x2;
	[tilespmem:s2+$0x3658] =	vst.msk $0x1, v0  }
0x2e1: {  	v0 =	vld [tilespmem:s0+$0x3678];
	_ =	sdelay $0x2  }
0x2e2: {  	s31 =	sshll.u32 s2, $0x6  }
0x2e3: {  	s0 =	sshra.s32 s31, $0x2  }
0x2e4: {  	s2 =	sadd.s32 $0x1, s2;
	[tilespmem:s0+$0x3678] =	vst v0  }
.LBB2_30:
0x2e5: {  	s3 =	sadd.s32 $0x1, s3  }
0x2e6: {  	p0 =	sne.s32 s3, $0x20  }
.Ltmp19:
0x2e7: {  	_ = 	snop;
	(pc) =	sbr.rel @!p0 .LBB2_31-.Ltmp19, $1  }
0x2e8: {  	_ =	sdelay $0x3  }
.LBB2_23:
0x2e9: {  	v0 =	vld.msk [tilespmem:s3+$0x3658], $0x1;
	_ =	sdelay $0x4  }
0x2ea: {  	(v2sf) =	vpush v0, $0x0;
	_ =	sdelay $0xe  }
0x2eb: {  	s4 =	spop (v2sf)  }
0x2ec: {  	p0 =	seq.s32 s4, $0xFFFFFFFF  }
.Ltmp20:
0x2ed: {  	_ = 	snop;
	(pc) =	sbr.rel @p0 .LBB2_30-.Ltmp20, $1  }
0x2ee: {  	_ =	sdelay $0x3  }
0x2ef: {  	p0 =	slt.s32 s2, $0x1  }
.Ltmp21:
0x2f0: {  	_ = 	snop;
	(pc) =	sbr.rel @p0 .LBB2_28-.Ltmp21, $1  }
0x2f1: {  	_ =	sdelay $0x3  }
0x2f2: {  	s5 =	simm.s32 $0x3658;
	p0 =	por $0x0, $0x0  }
0x2f3: {  	v1 =	vld.msk @!p0 [tilespmem:s5+$0x0], $0x1;
	_ =	sdelay $0x4  }
0x2f4: {  	(v2sf) =	vpush @!p0 v1, $0x0;
	_ =	sdelay $0xd  }
0x2f5: {  	p2 =	sne.s32 s2, $0x1  }
.Ltmp22:
0x2f6: {  	s0 =	spop @!p0 (v2sf);
	(pc) =	sbr.rel @!p2 .LBB2_27-.Ltmp22, $4  }
0x2f7: {  	p1 =	seq.s32 @!p0 s4, s0  }
0x2f8: {  	s6 =	simm.s32 $0x0;
	p1 =	por !p1, p0  }
0x2f9: {  	s0 =	simm.s32 $0xFFFFFFFF;
	s6 =	simm.s32 @p1 $0xFFFFFFFF  }
0x2fa: {  	s7 =	simm.s32 $0x1;
	s6 =	smov.u32 @p0 s0  }
.LBB2_26:
0x2fb: {  	s0 =	smov.u32 s6;
	p0 =	sne.s32 s6, $0xFFFFFFFF  }
0x2fc: {  	s5 =	sadd.s32 $0x1, s5;
	s6 =	smov.u32 s7;
	s7 =	sadd.s32 $0x1, s7  }
0x2fd: {  	p1 =	sne.s32 s2, s7;
	v1 =	vld.msk @!p0 [tilespmem:s5+$0x0], $0x1;
	_ =	sdelay $0x4  }
0x2fe: {  	(v2sf) =	vpush @!p0 v1, $0x0;
	_ =	sdelay $0xe  }
.Ltmp23:
0x2ff: {  	s8 =	spop @!p0 (v2sf);
	(pc) =	sbr.rel @p1 .LBB2_26-.Ltmp23, $4  }
0x300: {  	p2 =	seq.s32 @!p0 s4, s8  }
0x301: {  	p2 =	por !p2, p0  }
0x302: {  	s6 =	simm.s32 @p2 $0xFFFFFFFF  }
0x303: {  	s6 =	smov.u32 @p0 s0  }
.LBB2_27:
0x304: {  	p0 =	sne.s32 s6, $0xFFFFFFFF  }
.Ltmp24:
0x305: {  	_ = 	snop;
	(pc) =	sbr.rel @!p0 .LBB2_28-.Ltmp24, $1  }
0x306: {  	_ =	sdelay $0x3  }
0x307: {  	s0 =	sshll.u32 s3, $0x4  }
0x308: {  	s0 =	sand.u32 $0x3FFFFFF0, s0  }
0x309: {  	v0 =	vld [tilespmem:s0+$0x3678]  }
.Ltmp25:
0x30a: {  	_ = 	snop;
	(pc) =	sbr.rel .LBB2_30-.Ltmp25, $4  }
0x30b: {  	_ = 	snop  }
0x30c: {  	s31 =	sshll.u32 s6, $0x6  }
0x30d: {  	s0 =	sshra.s32 s31, $0x2  }
0x30e: {  	[tilespmem:s0+$0x3678] =	vst.add.f32.msk $0xffff, v0  }
.LBB2_31:
0x30f: {  	p0 =	slt.s32 s2, $0x1  }
.Ltmp26:
0x310: {  	_ = 	snop;
	(pc) =	sbr.rel @p0 .LBB2_35-.Ltmp26, $3  }
0x311: {  	_ =	sdelay $0x1  }
0x312: {  	s0 =	simm.s32 $0x6  }
0x313: {  	s3 =	simm.s32 $0x0;
	[sflag:s0] =	ssyncpa.u1 $0x1  }
0x314: {  	s0 =	simm.s32 $0x3658  }
0x315: {  	v0 =	vld.msk [tilespmem:s0+$0x0], $0x1;
	_ =	sdelay $0x4  }
0x316: {  	(v2sf) =	vpush v0, $0x0;
	_ =	sdelay $0xd  }
0x317: {  	s2 =	sadd.s32 $0xFFFFFFFF, s2  }
0x318: {  	p1 =	sne.s32 s2, $0x0;
	s0 =	spop (v2sf)  }
.Ltmp27:
0x319: {  	p0 =	sgt.u32 s0, $0x270FF;
	(pc) =	sbr.rel @!p1 .LBB2_34-.Ltmp27, $4  }
0x31a: {  	s4 =	simm.s32 $0x3678;
	s5 =	sand.u32 @!p0 $0x3FFF8, s0  }
0x31b: {  	s6 =	simm.s32 $0x0;
	s0 =	sand.u32 @!p0 $0x7, s0;
	s5 =	sadd.s32 @!p0 s1, s5  }
0x31c: {  	[hbm4b:s5+s0] =	stream.linear.scatter @!p0 [tilespmem:s4], [sflag:$0x5], $0x2, $0x38;
	[tilespmem:$0x1F0E8] =	vst v63  }
0x31d: {  	s6 =	simm.s32 @!p0 $0x8;
	s5 =	simm.s32 $0x3659  }
.LBB2_33:
0x31e: {  	v0 =	vld.msk [tilespmem:s5+$0x0], $0x1;
	s2 =	sadd.s32 $0xFFFFFFFF, s2;
	s3 =	sadd.s32 s3, s6  }
0x31f: {  	p0 =	sne.s32 s2, $0x0;
	_ =	sdelay $0x3  }
0x320: {  	(v2sf) =	vpush v0, $0x0;
	_ =	sdelay $0xe  }
.Ltmp28:
0x321: {  	s0 =	spop (v2sf);
	(pc) =	sbr.rel @p0 .LBB2_33-.Ltmp28, $4  }
0x322: {  	s6 =	simm.s32 $0x0;
	p1 =	sgt.u32 s0, $0x270FF  }
0x323: {  	s4 =	sadd.s32 $0x10, s4;
	s6 =	simm.s32 @!p1 $0x8;
	s7 =	sand.u32 @!p1 $0x3FFF8, s0  }
0x324: {  	s5 =	sadd.s32 $0x1, s5;
	s0 =	sand.u32 @!p1 $0x7, s0;
	s7 =	sadd.s32 @!p1 s1, s7  }
0x325: {  	[hbm4b:s7+s0] =	stream.linear.scatter @!p1 [tilespmem:s4], [sflag:$0x5], $0x2, $0x38;
	[tilespmem:$0x1F0E8] =	vst v63  }
.LBB2_34:
0x326: {  	s0 =	sadd.s32 s3, s6  }
0x327: {  	s3 =	sshrl.u32 s0, $0x2  }
.LBB2_35:
0x328: {  	s0 =	simm.s32 $0x5  }
0x329: {  	_ =	swait.ge [sflag:s0], s3  }
0x32a: {  	s1 =	ssub.s32 $0x0, s3;
	[sflag:s0] =	ssyncset.done $0x0  }
0x32b: {  	[sflag:s0] =	ssyncadd.s32 s1  }
0x32c: {  	[sflag:s0] =	ssyncpa.u1 $0x1  }
0x32d: {  	s30 =	simm.s32 $0x1;
	_ =	sfence  }
0x32e: {  	[sflag:s30] =	ssyncpa.u1 $0x1  }
0x32f: {  	_ =	strace $0x90000053  }
0x330: {  	[bflag:$0x2] =	sbarrier.arrive $0xFFFF  }
0x331: {  	s31 =	rddreg [dreg:$0x1]  }
0x332: {  	s0 =	sadd.s32 $0x100000, s31  }
0x333: {  	[sflag:s0] =	ssyncadd.tile.s32 $0x1;
	_ =	shalt  }
.Lfunc_end2:
_tile_overlayer_lowered:
.L_overlay_start_2:
0x334: {  	(tag) =	ssettag $0x2  }
0x335: {  	s0 =	rddreg [dreg:$0x0];
	s2 =	stileid.u32  }
0x336: {  	s1 =	rddreg [dreg:$0x1];
	p0 =	sne.s32 s2, $0x0  }
0x337: {  	s3 =	rddreg [dreg:$0x2];
	[bflag:$0x3] =	sbarrier.arrive $0xFFFF;
	s2 =	simm.s32 @!p0 $0x1C01  }
0x338: {  	[timem:s3], [sflag:s2] =	dma.local @!p0 [hbm:s0], s1  }
0x339: {  	s0 =	simm.s32 @!p0 $0x1  }
0x33a: {  	_ =	swait.ge @!p0 [sflag:s0], s1  }
0x33b: {  	s1 =	ssub.s32 @!p0 $0x0, s1;
	[sflag:s0] =	ssyncset.done @!p0 $0x0  }
0x33c: {  	[sflag:s0] =	ssyncadd.s32 @!p0 s1  }
0x33d: {  	[bflag:$0x3] =	sbarrier.arrive $0xFFFF  }
0x33e: {  	_ =	shalt  }

// kernel: scatter_offload_async_start
scs
__scs_entry_jumppad:
0x0: {  	(pc) =	sbr.rel $0x88, $3  }
0x1: {  	(tag) =	ssettag $0x0;
	lr =	simm.s32 $0x1  }
0x2: {  	[smem:$0x3F7D] =	sst lr;
	_ =	strace $0xD0000000  }
0x3: {  	_ = 	snop  }
0x4: {  	_ = 	snop  }
0x5: {  	_ = 	snop  }
0x6: {  	_ = 	snop  }
0x7: {  	_ = 	snop  }
__scs_overlays_trampoline_lowered:
0x8: {  	[smem:$0x3F8C] =	sst s0  }
0x9: {  	[smem:$0x3F8D] =	sst s1  }
0xa: {  	[smem:$0x3F8E] =	sst s2  }
0xb: {  	[smem:$0x3F8F] =	sst s3  }
0xc: {  	[smem:$0x3F90] =	sst s4  }
0xd: {  	[smem:$0x3F91] =	sst s5  }
0xe: {  	[smem:$0x3F92] =	sst s6  }
0xf: {  	[smem:$0x3F93] =	sst s7  }
0x10: {  	[smem:$0x3F94] =	sst s8  }
0x11: {  	[smem:$0x3F95] =	sst s9;
	s0 =	simm.s32 @!p0 $0x0  }
0x12: {  	s1 =	sld [smem:$0x3F7B];
	s0 =	simm.s32 @p0 $0x1  }
0x13: {  	[smem:$0x3F96] =	sst s0;
	s0 =	simm.s32 @!p1 $0x0  }
0x14: {  	s2 =	sld [smem:$0x3F7A];
	s0 =	simm.s32 @p1 $0x1  }
0x15: {  	[smem:$0x3F97] =	sst s0;
	s0 =	simm.s32 @!p2 $0x0  }
0x16: {  	s3 =	sld [smem:$0x3FDB];
	s0 =	simm.s32 @p2 $0x1  }
0x17: {  	s4 =	simm.s32 $0x1BF5;
	[smem:$0x3F99] =	sst s0  }
0x18: {  	s0 =	sld [smem:$0x3F7C];
	_ =	swait.ge [sflag:s4], $0x0  }
0x19: {  	s7 =	sld [smem:$0x3F7D]  }
0x1a: {  	s8 =	sadd.s32 $0xFFFFE003, lr  }
0x1b: {  	s9 =	sadd.s32 $0xFFFFFEF7, lr;
	s5 =	simm.s32 $0xFFFFFFFF;
	p2 =	slt.u32 s8, $0xFFFFF086  }
0x1c: {  	p1 =	slt.u32 s9, $0xF7A;
	s5 =	simm.s32 @!p2 $0x0  }
0x1d: {  	s5 =	simm.s32 @p1 $0x1;
	p0 =	seq.s32 s7, s2  }
0x1e: {  	s7 =	smul.u32 @!p0 $0xF7A, s2;
	p2 =	seq.s32 @!p0 s5, $0x0  }
0x1f: {  	s9 =	smul.u32 $0xF7A, s1;
	s8 =	simm.s32 @!p0 $0x1BF5;
	p2 =	por !p2, p0  }
0x20: {  	[sflag:s8] =	ssyncset.s32 @!p0 $0xFFFFF086;
	s6 =	sadd.s32 @!p0 s3, s7;
	s7 =	simm.s32 @!p0 $0x108  }
0x21: {  	s3 =	sadd.s32 s3, s9;
	s6 =	sadd.s32 @!p0 $0x88, s6;
	s7 =	simm.s32 @p2 $0x1082  }
0x22: {  	[simem:s7], [sflag:s8] =	dma.local @!p0 [hbm:s6], $0xF7A  }
0x23: {  	s9 =	sor.u32 $0xD0000000, s2;
	s6 =	simm.s32 $0x108;
	_ =	swait.ge @!p0 [sflag:s8], $0x0  }
0x24: {  	s3 =	sadd.s32 $0x88, s3;
	s6 =	simm.s32 @!p1 $0x1082;
	[sflag:s4] =	ssyncset.s32 $0xFFFFF086  }
0x25: {  	[simem:s6], [sflag:s4] =	dma.local [hbm:s3], $0xF7A  }
0x26: {  	[smem:$0x3F7D] =	sst s1;
	(tag) =	ssettag s2;
	_ =	strace s9  }
0x27: {  	s1 =	sld [smem:$0x3F8D]  }
0x28: {  	s2 =	sld [smem:$0x3F8E]  }
0x29: {  	s4 =	sld [smem:$0x3F90]  }
0x2a: {  	p0 =	seq.s32 s5, $0x0;
	s5 =	sld [smem:$0x3F91]  }
0x2b: {  	s6 =	sld [smem:$0x3F92]  }
0x2c: {  	s7 =	sld [smem:$0x3F93]  }
0x2d: {  	s3 =	simm.s32 $0x108;
	s8 =	sld [smem:$0x3F94]  }
0x2e: {  	s3 =	simm.s32 @!p0 $0x1082;
	s9 =	sld [smem:$0x3F95]  }
0x2f: {  	lr =	sadd.s32 s0, s3;
	s0 =	sld [smem:$0x3F8C]  }
0x30: {  	s3 =	sld [smem:$0x3F8F]  }
0x31: {  	[smem:$0x3F98] =	sst s10  }
0x32: {  	s10 =	sld [smem:$0x3F96];
	_ =	sdelay $0x3  }
0x33: {  	p0 =	seq.s32 s10, $0x1;
	s10 =	sld [smem:$0x3F98];
	_ =	sdelay $0x3  }
0x34: {  	[smem:$0x3F98] =	sst s10  }
0x35: {  	s10 =	sld [smem:$0x3F97];
	_ =	sdelay $0x3  }
0x36: {  	p1 =	seq.s32 s10, $0x1;
	s10 =	sld [smem:$0x3F98];
	_ =	sdelay $0x3  }
0x37: {  	[smem:$0x3F98] =	sst s10  }
0x38: {  	s10 =	sld [smem:$0x3F99]  }
0x39: {  	_ = 	snop;
	(pc) =	sbr.ind lr, $3  }
0x3a: {  	_ = 	snop  }
0x3b: {  	_ = 	snop  }
0x3c: {  	p2 =	seq.s32 s10, $0x1;
	s10 =	sld [smem:$0x3F98]  }
0x3d: {  	_ =	shalt  }
0x3e: {  	_ =	shalt  }
0x3f: {  	_ =	shalt  }
0x40: {  	_ =	shalt  }
0x41: {  	_ =	shalt  }
0x42: {  	_ =	shalt  }
0x43: {  	_ =	shalt  }
0x44: {  	_ =	shalt  }
0x45: {  	_ =	shalt  }
0x46: {  	_ =	shalt  }
0x47: {  	_ =	shalt  }
0x48: {  	_ =	shalt  }
0x49: {  	_ =	shalt  }
0x4a: {  	_ =	shalt  }
0x4b: {  	_ =	shalt  }
0x4c: {  	_ =	shalt  }
0x4d: {  	_ =	shalt  }
0x4e: {  	_ =	shalt  }
0x4f: {  	_ =	shalt  }
0x50: {  	_ =	shalt  }
0x51: {  	_ =	shalt  }
0x52: {  	_ =	shalt  }
0x53: {  	_ =	shalt  }
0x54: {  	_ =	shalt  }
0x55: {  	_ =	shalt  }
0x56: {  	_ =	shalt  }
0x57: {  	_ =	shalt  }
0x58: {  	_ =	shalt  }
0x59: {  	_ =	shalt  }
0x5a: {  	_ =	shalt  }
0x5b: {  	_ =	shalt  }
0x5c: {  	_ =	shalt  }
0x5d: {  	_ =	shalt  }
0x5e: {  	_ =	shalt  }
0x5f: {  	_ =	shalt  }
0x60: {  	_ =	shalt  }
0x61: {  	_ =	shalt  }
0x62: {  	_ =	shalt  }
0x63: {  	_ =	shalt  }
0x64: {  	_ =	shalt  }
0x65: {  	_ =	shalt  }
0x66: {  	_ =	shalt  }
0x67: {  	_ =	shalt  }
0x68: {  	_ =	shalt  }
0x69: {  	_ =	shalt  }
0x6a: {  	_ =	shalt  }
0x6b: {  	_ =	shalt  }
0x6c: {  	_ =	shalt  }
0x6d: {  	_ =	shalt  }
0x6e: {  	_ =	shalt  }
0x6f: {  	_ =	shalt  }
0x70: {  	_ =	shalt  }
0x71: {  	_ =	shalt  }
0x72: {  	_ =	shalt  }
0x73: {  	_ =	shalt  }
0x74: {  	_ =	shalt  }
0x75: {  	_ =	shalt  }
0x76: {  	_ =	shalt  }
0x77: {  	_ =	shalt  }
0x78: {  	_ =	shalt  }
0x79: {  	_ =	shalt  }
0x7a: {  	_ =	shalt  }
0x7b: {  	_ =	shalt  }
0x7c: {  	_ =	shalt  }
0x7d: {  	_ =	shalt  }
0x7e: {  	_ =	shalt  }
0x7f: {  	_ =	shalt  }
0x80: {  	_ =	shalt  }
0x81: {  	_ =	shalt  }
0x82: {  	_ =	shalt  }
0x83: {  	_ =	shalt  }
0x84: {  	_ =	shalt  }
0x85: {  	_ =	shalt  }
0x86: {  	_ =	shalt  }
0x87: {  	_ =	shalt  }
.Lfunc_end0:
.L_simem_size_0:
called_computation_lowered:
.L_overlay_start_0:
0x88: {  	s0 =	sld [smem:$0x3FD9]  }
0x89: {  	s1 =	sld [smem:$0x3FFE];
	_ =	sdelay $0x3  }
0x8a: {  	s0 =	sadd.s32 s1, s0  }
0x8b: {  	[smem:$0x3FA4] =	sst s0  }
0x8c: {  	_ = 	snop  }
0x8d: {  	(tm) =	ssettm $0x1  }
0x8e: {  	s15 =	sld [smem:$0x3FFB];
	_ =	sdelay $0x3  }
0x8f: {  	_ =	strace s15  }
0x90: {  	s0 =	sld [smem:$0x3FFC];
	_ =	sdelay $0x3  }
0x91: {  	_ =	strace s0  }
0x92: {  	s0 =	sld [smem:$0x3FFD];
	_ =	sdelay $0x3  }
0x93: {  	_ =	strace s0  }
0x94: {  	_ =	strace $0x8FFFFFFF  }
0x95: {  	s16 =	sld [smem:$0x3FDB];
	_ =	sdelay $0x1  }
0x96: {  	s17 =	simm.s32 $_scs_section_size  }
0x97: {  	s2 =	simm.s32 $_size__tile_overlayer_lowered;
	s3 =	simm.s32 $_tile_overlayer_lowered  }
0x98: {  	s20 =	simm.s32 $0x1BFF;
	s19 =	sshll.u32 s3, $0x1;
	s0 =	sadd.s32 s17, s16  }
0x99: {  	s4 =	simm.s32 $0x0;
	s18 =	sshll.u32 s2, $0x1;
	s2 =	sadd.s32 s19, s0  }
0x9a: {  	[timem:s4], [sflag:s20] =	dma.local [hbm:s2], s18  }
0x9b: {  	_ =	swait.ge [sflag:s20], s18  }
0x9c: {  	s1 =	ssub.s32 $0x0, s18;
	[sflag:s20] =	ssyncset.done $0x0  }
0x9d: {  	[sflag:s20] =	ssyncadd.s32 s1;
	_ =	sdelay $0x1  }
0x9e: {  	s21 =	simm.s32 $0x1B8B  }
0x9f: {  	_ =	swait.ge [sflag:s21], $0x1  }
0xa0: {  	[sflag:s21] =	ssyncset.done $0x0  }
0xa1: {  	s23 =	simm.s32 $0x1B8E;
	s22 =	sld [smem:$0x3FFE];
	[sflag:s21] =	ssyncadd.s32 $0xFFFFFFFF  }
0xa2: {  	s24 =	simm.s32 $execute0_lowered;
	[smem:$0x3FD2] =	sst s23  }
0xa3: {  	s2 =	sshll.u32 s24, $0x1;
	_ =	strace $0x80000046;
	[dreg:$0x1] =	wrdreg $0xFFFFFFFF  }
0xa4: {  	s25 =	simm.s32 $_size_execute0_lowered;
	s0 =	sadd.s32 s0, s2;
	[dreg:$0x0] =	wrdreg $0x0  }
0xa5: {  	s2 =	sshll.u32 s25, $0x1;
	[dreg:$0x2] =	wrdreg s0  }
0xa6: {  	[dreg:$0x3] =	wrdreg s2  }
0xa7: {  	[dreg:$0x4] =	wrdreg $0xC0  }
0xa8: {  	_ =	task [dreg:s4], $0x5FFFF  }
0xa9: {  	[dreg:$0x1] =	wrdreg $0xFFFFFFFF  }
0xaa: {  	[dreg:$0x0] =	wrdreg $0x60  }
0xab: {  	[dreg:$0x2] =	wrdreg s22  }
0xac: {  	[dreg:$0x3] =	wrdreg $0x9  }
0xad: {  	_ =	task.clear_ibuf [dreg:s4], $0x4FFFF;
	_ =	strace $0x90000046  }
0xae: {  	s26 =	simm.s32 $0x9;
	_ =	strace $0x80000048  }
0xaf: {  	_ =	swait.ge [sflag:s26], $0x1  }
0xb0: {  	[sflag:s26] =	ssyncadd.s32 $0xFFFFFFFF  }
0xb1: {  	_ =	strace $0x90000048  }
0xb2: {  	_ =	sfence  }
0xb3: {  	s28 =	sld [smem:$0x0];
	_ =	sdelay $0x1  }
0xb4: {  	s29 =	srdreg.scid  }
0xb5: {  	s30 =	sshll.u32 s29, $0xD;
	s31 =	sshrl.u32 s29, $0x2  }
0xb6: {  	s1 =	sand.u32 $0x1, s29;
	s2 =	sand.u32 $0x4000, s30;
	s0 =	sadd.s32 s31, s28  }
0xb7: {  	s1 =	sor.u32 s2, s1;
	s0 =	sshll.u32 s0, $0x11  }
0xb8: {  	s0 =	sor.u32 s0, s1  }
0xb9: {  	s0 =	sadd.s32 $0x8F2B, s0  }
0xba: {  	[sflag:s0] =	ssyncadd.remote.s32 $0x1  }
0xbb: {  	_ =	sfence.sel $0xFFFF  }
0xbc: {  	[dreg:$0x0] =	wrdreg $0xFFFFFFFF;
	(pc) =	sbr.abs _section_cstart, $3  }
0xbd: {  	[dreg:$0x1] =	wrdreg $0xFFFFFFFF  }
0xbe: {  	_ =	task.clear_ibuf [dreg:s4], $0x2FFFF;
	_ =	strace $0x9FFFFFFF  }
0xbf: {  	(tm) =	ssettm $0x7FFFFFFF  }
tec
execute0_lowered:
.L_overlay_start_1:
0x0: {  	(tag) =	ssettag $0x1  }
0x1: {  	s0 =	rddreg [dreg:$0x0]  }
0x2: {  	s6 =	stileid.u32;
	_ =	strace $0x80000047;
	s2 =	simm.s32 $0x1  }
0x3: {  	v1 =	vimm.s32 $0xFFFFFFFF;
	s1 =	smul.u32 $0x3, s6;
	[sflag:s2] =	ssyncpa.u1 $0x0  }
0x4: {  	s3 =	smin.u32 s6, $0x7;
	[tilespmem:$0x10] =	vst v1  }
0x5: {  	v0 =	vimm.f32 $0.0e+00;
	[tilespmem:$0x20] =	vst v1;
	s1 =	sadd.s32 s3, s1  }
0x6: {  	p0 =	slt.u32 s6, $0x7;
	[tilespmem:$0x30] =	vst v0;
	s3 =	smul.u32 $0x1770, s1;
	s1 =	simm.s32 $0x5DC0  }
0x7: {  	[tilespmem:$0x40] =	vst v0;
	s1 =	simm.s32 @!p0 $0x4650  }
0x8: {  	[tilespmem:$0x50] =	vst v0;
	s1 =	sadd.s32 s1, s3  }
0x9: {  	[tilespmem:$0x60] =	vst v1;
	s4 =	smin.u32 s1, $0x50910  }
0xa: {  	s7 =	simm.s32 $0x2;
	[tilespmem:$0x70] =	vst v1;
	s9 =	ssub.s32 s4, s3  }
0xb: {  	s8 =	simm.s32 $0x8;
	s31 =	simm.s32 $0x9;
	[tilespmem:$0x80] =	vst v1;
	p0 =	sgt.s32 s9, $0x0  }
0xc: {  	s16 =	simm.s32 $0x0;
	s17 =	simm.s32 $0xF0;
	v1 =	vimm.s32 $0x0;
	[tilespmem:$0xB0] =	vst v0;
	s9 =	simm.s32 @!p0 $0x0  }
0xd: {  	s18 =	simm.s32 $0xFFFFFFFF;
	s19 =	simm.s32 $0xFFFFD220;
	[tilespmem:$0x90] =	vst v1;
	s5 =	smulhi.u32 $0x57619F1, s9  }
0xe: {  	s20 =	simm.s32 $0xFFFFFFFE;
	[tilespmem:$0xA0] =	vst v1;
	[sflag:s7] =	ssyncpa.u1 $0x0;
	s7 =	simm.s32 $0x7  }
0xf: {  	s21 =	simm.s32 $0xF;
	[sflag:s7] =	ssyncpa.u1 $0x0;
	s10 =	sshrl.u32 s5, $0x7  }
0x10: {  	s25 =	simm.s32 $0x0;
	[sflag:s8] =	ssyncpa.u1 $0x0;
	s11 =	smul.u32 $0x1770, s10  }
0x11: {  	s24 =	simm.s32 $0x0;
	s14 =	sshllo.u32 s6, $0x1;
	[sflag:s31] =	ssyncpa.u1 $0x0  }
.Ltmp0:
0x12: {  	s1 =	sadd.s32 $0x72C00, s0;
	p0 =	sne.s32 s9, s11;
	(pc) =	sbr.rel .LBB2_1-.Ltmp0, $4  }
0x13: {  	s5 =	sadd.s32 $0xEE00, s0;
	s0 =	sadd.s32 $0x19000, s0;
	s2 =	simm.s32 @!p0 $0x0  }
0x14: {  	s23 =	smov.u32 s3;
	[dreg:$0x2] =	wrdreg s0;
	s9 =	sadd.s32 s2, s10  }
0x15: {  	vm0 =	vmmov $0xffff;
	v2 =	vlaneseq.u32;
	p0 =	por $0x0, $0x0;
	s10 =	sshll.u32 s6, $0x1;
	s11 =	sadd.s32 $0x1, s9  }
0x16: {  	vm1 =	vmxor vm1, vm1;
	vm2 =	vmmov $0x1;
	vm3 =	vcmask $0x3F3C;
	s12 =	sadd.s32 $0x2, s9;
	s13 =	sor.u32 $0x81, s10;
	s15 =	sor.u32 $0x80, s10  }
.LBB2_9:
0x17: {  	p1 =	slt.u32 s24, $0x3  }
0x18: {  	s0 =	simm.s32 @!p1 $0x2  }
0x19: {  	_ =	swait.ge @!p1 [sflag:s0], $0x1770  }
0x1a: {  	[sflag:s0] =	ssyncset.done @!p1 $0x0  }
0x1b: {  	[sflag:s0] =	ssyncadd.s32 @!p1 $0xFFFFE890;
	s0 =	simm.s32 @!p1 $0x9  }
0x1c: {  	_ =	swait.ge @!p1 [sflag:s0], $0x10  }
0x1d: {  	[sflag:s0] =	ssyncset.done @!p1 $0x0  }
0x1e: {  	[sflag:s0] =	ssyncadd.s32 @!p1 $0xFFFFFFF0;
	p1 =	sne.s32 s24, s12  }
.Ltmp1:
0x1f: {  	s2 =	sadd.s32 $0x1770, s23;
	(pc) =	sbr.rel @!p1 .LBB2_10-.Ltmp1, $4  }
0x20: {  	s6 =	smov.u32 s3;
	s31 =	sadd.s32 $0x1, s24;
	s17 =	sadd.s32 $0x1770, s17  }
0x21: {  	s18 =	sadd.s32 $0x1, s18;
	s25 =	smov.u32 s23;
	p2 =	slt.s32 s2, s4  }
0x22: {  	p0 =	por !p0, !p0;
	s19 =	sadd.s32 $0x1770, s19;
	s6 =	smov.u32 @p2 s2  }
0x23: {  	s20 =	sadd.s32 $0x1, s20;
	s23 =	smov.u32 s6;
	s24 =	smov.u32 s31  }
.LBB2_1:
0x24: {  	p1 =	sge.u32 s24, s9  }
0x25: {  	s0 =	smulhi.u32 @!p1 $0xAAAAAAAB, s24;
	_ =	sdelay $0x1  }
0x26: {  	s0 =	sshrl.u32 @!p1 s0, $0x1  }
0x27: {  	s0 =	smul.u32 @!p1 $0x3, s0;
	_ =	sdelay $0x1  }
0x28: {  	s0 =	ssub.s32 @!p1 s24, s0  }
0x29: {  	s0 =	smul.u32 @!p1 $0x5DC0, s0;
	_ =	sdelay $0x1  }
0x2a: {  	s2 =	sshrl.u32 @!p1 s23, $0x3;
	s0 =	sshrl.u32 @!p1 s0, $0x2  }
0x2b: {  	s22 =	sand.u32 @!p1 $0x7, s23;
	s2 =	sadd.s32 @!p1 s5, s2;
	s0 =	sadd.s32 @!p1 $0x100, s0  }
0x2c: {  	[tilespmem:s0], [sflag:$0x7] =	stream.linear.gather @!p1 [hbm4b:s2+s22], $0x1770, $0x38;
	[tilespmem:$0xD410] =	vst v63  }
0x2d: {  	s0 =	sadd.s32 $0xFFFFFFFF, s24  }
0x2e: {  	p1 =	sge.u32 s0, s9  }
.Ltmp2:
0x2f: {  	_ = 	snop;
	(pc) =	sbr.rel @p1 .LBB2_5-.Ltmp2, $1  }
0x30: {  	_ =	sdelay $0x3  }
0x31: {  	s2 =	smulhi.u32 $0xAAAAAAAB, s0;
	_ =	sdelay $0x1  }
0x32: {  	s2 =	sshrl.u32 s2, $0x1  }
0x33: {  	s2 =	smul.u32 $0x3, s2;
	_ =	sdelay $0x1  }
0x34: {  	s2 =	ssub.s32 s0, s2  }
0x35: {  	s2 =	smul.u32 $0x5DC0, s2  }
0x36: {  	_ =	swait.ge [sflag:s7], $0x1770  }
0x37: {  	[sflag:s7] =	ssyncset.done $0x0;
	s2 =	sshrl.u32 s2, $0x2  }
0x38: {  	[sflag:s7] =	ssyncadd.s32 $0xFFFFE890;
	(ifvalue) =	ssetifvalue $0xFFFFFFFF;
	v3 =	vld.msk [tilespmem:s2+$0x100 ss:$0x1], $0xffff;
	_ =	sdelay $0x2  }
0x39: {  	s30 =	smulhi.u32 $0xAAAAAAAB, s18;
	p1 =	sne.s32 s24, $0x1  }
0x3a: {  	v4 =	vimm.s32 @!p1 $0x0  }
0x3b: {  	s2 =	sshrl.u32 s30, $0x1;
	v4 =	vperm.xlane @!p1 v3, v4  }
0x3c: {  	s22 =	sshll.u32 s24, $0x4;
	s2 =	smul.u32 $0xFFFEE6C0, s2;
	vm4 =	vlt.u32 v3, $0x2800  }
0x3d: {  	s22 =	sand.u32 $0x10, s22;
	v3 =	vnsel vm4, $0xFFFFFFFE, v3;
	vm4 =	vlt.u32 @!p1 v4, $0x2800  }
0x3e: {  	s2 =	sshra.s32 s2, $0x2;
	[tilespmem:s22+$0x60] =	vst v3;
	v3 =	vnsel @!p1 vm4, $0xFFFFFFFE, v4  }
0x3f: {  	s28 =	sadd.s32 s2, s17;
	[tilespmem:$0x80] =	vst @!p1 v3  }
0x40: {  	v3 =	vld.msk [tilespmem:s28+$0x0 ss:$0x1], $0xffff;
	_ =	sdelay $0x4  }
0x41: {  	(xrf1) =	vunique.msk.u32 $0xffff, v3;
	_ =	sdelay $0xd  }
0x42: {  	v4 =	vimm.s32 $0xFFFFFFFF;
	v5, _, _ =	vpop (xrf1)  }
0x43: {  	vm5 =	vne.s32 v3, v4;
	vm4 =	veq.s32 v5, v2  }
0x44: {  	vm6 =	vlt.u32 v3, $0x2800;
	vm4 =	vmand vm5, vm4  }
0x45: {  	vm4 =	vmand vm6, vm4  }
0x46: {  	v4 =	vnsel vm4, $0xFFFFFFFF, v3  }
0x47: {  	s31 =	sand.u32 $0x1, s0  }
0x48: {  	s0 =	simm.s32 $0x1770;
	p1 =	seq.s32 s31, $0x1  }
0x49: {  	s0 =	simm.s32 @!p1 $0x0  }
0x4a: {  	s26 =	sadd.s32 $0x5EB0, s0;
	(ifvalue) =	ssetifvalue $0xFFFFFFFF  }
0x4b: {  	v3 =	vperm.xlane v3, v1;
	[tilespmem:s26], [sflag:$0x8] =	stream.indirect_vreg.gather [hbm4b:s1+s16], $0x1, v4, vm0, $0x4038;
	v4 =	vnsel vm6, $0xFFFFFFFE, v4;
	[tilespmem:$0xD410] =	vst v63  }
0x4c: {  	s2 =	simm.s32 $0x0;
	s22 =	sadd.s32 $0xFFFFFFF0, s28;
	[tilespmem:s28+$0x0] =	vst v4  }
.LBB2_3:
0x4d: {  	v4 =	vld.msk [tilespmem:s22+$0x0 ss:$0x1], $0xffff;
	s2 =	sadd.s32 $0x10, s2;
	v5 =	vmov v3;
	s28 =	smov.u32 s22  }
0x4e: {  	p1 =	slt.u32 s2, $0x1760;
	_ =	sdelay $0x4  }
0x4f: {  	v3 =	vperm.xlane v4, v1;
	(xrf1) =	vunique.msk.u32 $0xffff, v4;
	_ =	sdelay $0xd  }
0x50: {  	v6, _, _ =	vpop (xrf1)  }
0x51: {  	vm5 =	vne.s32 v4, v5;
	vm4 =	veq.s32 v6, v2  }
0x52: {  	vm6 =	vlt.u32 v4, $0x2800;
	vm4 =	vmand vm5, vm4  }
0x53: {  	vm4 =	vmand vm6, vm4  }
0x54: {  	v4 =	vnsel vm4, $0xFFFFFFFF, v4  }
.Ltmp3:
0x55: {  	v5 =	vnsel vm6, $0xFFFFFFFE, v4;
	(pc) =	sbr.rel @p1 .LBB2_3-.Ltmp3, $3  }
0x56: {  	_ =	sdelay $0x1  }
0x57: {  	s22 =	sadd.s32 $0xFFFFFFF0, s22;
	s26 =	sadd.s32 $0xFFFFFFF0, s26;
	(ifvalue) =	ssetifvalue $0xFFFFFFFF  }
0x58: {  	[tilespmem:s26], [sflag:$0x8] =	stream.indirect_vreg.gather [hbm4b:s1+s16], $0x1, v4, vm0, $0x4038;
	[tilespmem:s28+$0x0] =	vst v5  }
0x59: {  	s2 =	sshrl.u32 s25, $0x3;
	s6 =	rddreg [dreg:$0x2]  }
0x5a: {  	s0 =	sadd.s32 $0x7630, s0;
	s2 =	sadd.s32 s6, s2  }
0x5b: {  	[tilespmem:s0], [sflag:$0x8] =	stream.linear.gather [hbm:s2], $0x1770, $0x38;
	[tilespmem:$0xD410] =	vst v63  }
.LBB2_5:
0x5c: {  	p1 =	slt.u32 s24, $0x2  }
0x5d: {  	p2 =	sge.u32 @!p1 s24, s12  }
0x5e: {  	p1 =	por p1, p2  }
.Ltmp4:
0x5f: {  	_ = 	snop;
	(pc) =	sbr.rel @p1 .LBB2_9-.Ltmp4, $1  }
0x60: {  	_ =	sdelay $0x3  }
0x61: {  	s0 =	sadd.s32 $0xFFFFFFFE, s24  }
0x62: {  	s2 =	smulhi.u32 $0xAAAAAAAB, s0;
	_ =	sdelay $0x1  }
0x63: {  	s2 =	sshrl.u32 s2, $0x1  }
0x64: {  	s2 =	smul.u32 $0x3, s2;
	_ =	sdelay $0x1  }
0x65: {  	s0 =	ssub.s32 s0, s2  }
0x66: {  	_ =	swait.ge [sflag:s8], $0x2EE0;
	s0 =	smul.u32 $0x1770, s0  }
0x67: {  	p1 =	sne.s32 s24, s11;
	[sflag:s8] =	ssyncset.done $0x0  }
0x68: {  	[sflag:s8] =	ssyncadd.s32 $0xFFFFD120;
	s2 =	sadd.s32 @!p1 $0x186F, s0  }
0x69: {  	[spmem:s13] =	stream.linear.scatter @!p1 [tilespmem:s2], [sflag:$0x1], $0x1, $0x38;
	[tilespmem:$0xD410] =	vst v63  }
0x6a: {  	s2 =	simm.s32 @!p1 $0x1  }
0x6b: {  	_ =	swait.ge @!p1 [sflag:s2], $0x1  }
0x6c: {  	s22 =	sshll.u32 s24, $0x4;
	[sflag:s2] =	ssyncset.done @!p1 $0x0  }
0x6d: {  	s25 =	sand.u32 $0x10, s22;
	[sflag:s2] =	ssyncadd.s32 @!p1 $0xFFFFFFFF  }
0x6e: {  	s2 =	sxor.u32 $0x10, s25;
	v4 =	vld [tilespmem:s25+$0x10]  }
0x6f: {  	v5 =	vld [tilespmem:s2+$0x60]  }
0x70: {  	v3 =	vld [tilespmem:$0x80];
	_ =	sdelay $0x2  }
0x71: {  	(v2sf) =	vpush v4, $0x0  }
0x72: {  	(v2sf) =	vpush v5, $0x0  }
0x73: {  	(v2sf) =	vpush v3, $0x0;
	_ =	sdelay $0xc  }
0x74: {  	s6 =	spop (v2sf)  }
0x75: {  	s28 =	spop (v2sf)  }
0x76: {  	s26 =	spop (v2sf)  }
0x77: {  	p2 =	seq.s32 s6, s28;
	p3 =	seq.s32 s26, s6  }
0x78: {  	p3 =	por p2, p3  }
0x79: {  	s6 =	sand.u32 $0x1, s24;
	v4 =	vpsel p3, $0xFFFFFFFF, v4  }
0x7a: {  	s28 =	smul.u32 $0x1770, s6;
	[tilespmem:s25+$0x10] =	vst.msk $0x1, v4  }
0x7b: {  	v4 =	vld [tilespmem:$0x30]  }
0x7c: {  	v5 =	vld [tilespmem:s28+$0x7630]  }
0x7d: {  	v6 =	vld [tilespmem:s25+$0x40];
	_ =	sdelay $0x3  }
0x7e: {  	vm4 =	vmmov vm1;
	v5 =	vadd.f32 v5, v4  }
0x7f: {  	vm5 =	vmmov vm2;
	vm4 =	vmmov @p2 vm2;
	v4 =	vadd.f32 v6, v4  }
0x80: {  	s22 =	sshll.u32 s6, $0x4;
	vm5 =	vmmov @p3 vm1;
	[tilespmem:s28+$0x7630] =	vst.msk vm4, v5  }
0x81: {  	[tilespmem:s22+$0xD3F0] =	vst.msk vm5, v4  }
0x82: {  	v4 =	vld [tilespmem:s28+$0x5EB0];
	_ =	sdelay $0x3  }
0x83: {  	v5 =	vimm.f32 $0.0e+00  }
0x84: {  	v4 =	vshift.insert v4, v5, s21  }
0x85: {  	s29 =	sor.u32 $0x40, s2  }
0x86: {  	[tilespmem:s29+$0x0] =	vst.msk $0x1, v4  }
0x87: {  	[tilespmem:s28+$0x5EBF] =	vst.msk $0x1, v5  }
0x88: {  	v4 =	vld [tilespmem:s0+$0x1860];
	_ =	sdelay $0x1  }
0x89: {  	s29 =	smulhi.u32 $0xAAAAAAAB, s20;
	s0 =	simm.s32 $0x1  }
0x8a: {  	s0 =	simm.s32 @!p0 $0x0  }
0x8b: {  	s29 =	sshrl.u32 s29, $0x1;
	s0 =	smul.u32 $0x5DC0, s0  }
0x8c: {  	s29 =	smul.u32 $0xFFFEE6C0, s29;
	v4 =	vshift.insert v4, v1, s21  }
0x8d: {  	s0 =	sshrl.u32 s0, $0x2  }
0x8e: {  	s29 =	sshra.s32 s29, $0x2;
	s30 =	sadd.s32 $0x7630, s0;
	[tilespmem:s2+$0x10] =	vst.msk $0x1, v4  }
0x8f: {  	s6 =	sadd.s32 s29, s19;
	v6 =	vld [tilespmem:s30+$0x0]  }
0x90: {  	v7 =	vld [tilespmem:s6+$0x0];
	_ =	sdelay $0x3  }
0x91: {  	v5 =	vadd.f32 v6, v5  }
0x92: {  	vm4 =	vne.s32 v7, $0xFFFFFFFF  }
0x93: {  	(xrf2) =	vadd.seg.scan.f32 vm4, v5;
	_ =	sdelay $0x3  }
0x94: {  	s31 =	sadd.s32 $0x4750, s0;
	v5 =	vperm.xlane v4, v1  }
0x95: {  	v6 =	vld [tilespmem:s31+$0x0]  }
0x96: {  	vm5 =	veq.s32 v7, v3;
	vm6 =	veq.s32 v7, v5  }
0x97: {  	vm7 =	vgt.u32 v7, $0xFFFFFFFD;
	vm6 =	vmor vm6, vm5  }
0x98: {  	vm6 =	vmor vm6, vm7  }
0x99: {  	v9 =	vld [tilespmem:$0xA0];
	v7 =	vsel vm6, $0xFFFFFFFF, v7  }
0x9a: {  	v10 =	vld [tilespmem:$0x90];
	v6 =	vsel vm5, $0x0, v6;
	v8, _, _ =	vpop (xrf2)  }
0x9b: {  	v6 =	vadd.f32 v8, v6  }
0x9c: {  	s0 =	sadd.s32 $0xA510, s0  }
0x9d: {  	vm4 =	vmand vm4, vm3;
	[tilespmem:s0+$0x0] =	vst v6;
	(ifvalue) =	ssetifvalue $0xFFFFFFFF  }
0x9e: {  	vm6 =	veq.s32 v9, $0x1;
	[hbm4b:s1+s16] =	stream.indirect_vreg.scatter [tilespmem:s0], [sflag:$0x2], $0x1, v7, vm0, $0x4038;
	v7 =	vsel vm4, $0x0, v8;
	[tilespmem:$0xD410] =	vst v63  }
0x9f: {  	s29 =	sadd.s32 $0xD3F0, s22;
	s22 =	sadd.s32 $0x10, s6;
	s2 =	simm.s32 $0x0;
	vm4 =	vmor vm6, vm5;
	v6 =	vsel vm5, v8, v10;
	v7 =	vshift.insert v7, v0, s21  }
.LBB2_7:
0xa0: {  	v8 =	vld [tilespmem:s22+$0x0];
	s30 =	sadd.s32 $0x10, s30  }
0xa1: {  	s31 =	sadd.s32 $0x10, s31;
	v9 =	vld [tilespmem:s30+$0x0]  }
0xa2: {  	s2 =	sadd.s32 $0x10, s2;
	v10 =	vld [tilespmem:s31+$0x0]  }
0xa3: {  	p2 =	slt.u32 s2, $0x1760;
	_ =	sdelay $0x2  }
0xa4: {  	v7 =	vadd.f32 v9, v7  }
0xa5: {  	vm5 =	vne.s32 v8, $0xFFFFFFFF  }
0xa6: {  	vm6 =	vmand vm5, vm3;
	(xrf2) =	vadd.seg.scan.f32 vm5, v7;
	_ =	sdelay $0x5  }
0xa7: {  	vm7 =	veq.s32 v8, v5;
	vm5 =	veq.s32 v8, v3  }
0xa8: {  	vm8 =	vgt.u32 v8, $0xFFFFFFFD;
	vm4 =	vmor vm4, vm5;
	vm7 =	vmor vm7, vm5  }
0xa9: {  	vm7 =	vmor vm7, vm8  }
0xaa: {  	v8 =	vsel vm7, $0xFFFFFFFF, v8  }
.Ltmp5:
0xab: {  	v7 =	vsel vm5, $0x0, v10;
	v9, _, _ =	vpop (xrf2);
	(pc) =	sbr.rel @p2 .LBB2_7-.Ltmp5, $4  }
0xac: {  	v6 =	vsel vm5, v9, v6;
	v10 =	vadd.f32 v9, v7;
	v7 =	vsel vm6, $0x0, v9  }
0xad: {  	s0 =	sadd.s32 $0x10, s0;
	v7 =	vshift.insert v7, v0, s21  }
0xae: {  	s22 =	sadd.s32 $0x10, s22;
	[tilespmem:s0+$0x0] =	vst v10;
	(ifvalue) =	ssetifvalue $0xFFFFFFFF  }
0xaf: {  	[hbm4b:s1+s16] =	stream.indirect_vreg.scatter [tilespmem:s0], [sflag:$0x2], $0x1, v8, vm0, $0x4038;
	[tilespmem:$0xD410] =	vst v63  }
0xb0: {  	v3 =	vld [tilespmem:s28+$0xBC70];
	_ =	sdelay $0x4  }
0xb1: {  	v3 =	vshift.insert v3, v0, s21  }
0xb2: {  	s0 =	simm.s32 $0x30  }
0xb3: {  	[tilespmem:s0+$0x0] =	vst.msk $0x1, v3  }
0xb4: {  	v3 =	vsel vm4, $0x1, v1;
	[tilespmem:$0x90] =	vst v6  }
0xb5: {  	s0 =	sadd.s32 @!p1 $0xBC7F, s28;
	[tilespmem:$0xA0] =	vst v3  }
0xb6: {  	[spmem:s14] =	stream.linear.scatter @!p1 [tilespmem:s0], [sflag:$0x1], $0x1, $0x38;
	[tilespmem:$0xD410] =	vst v63  }
0xb7: {  	s0 =	simm.s32 @!p1 $0x1  }
0xb8: {  	v3 =	vmctz.xlane @!p1 vm4;
	_ =	swait.ge @!p1 [sflag:s0], $0x1  }
0xb9: {  	(v2sf) =	vpush @!p1 v4, $0x0  }
0xba: {  	(v2sf) =	vpush @!p1 v3, $0x0;
	_ =	sdelay $0xd  }
0xbb: {  	s2 =	spop @!p1 (v2sf)  }
0xbc: {  	s6 =	spop @!p1 (v2sf)  }
0xbd: {  	p2 =	sne.s32 @!p1 s26, s2;
	p3 =	slt.s32 @!p1 s6, $0xF  }
0xbe: {  	[sflag:s0] =	ssyncset.done @!p1 $0x0;
	p2 =	por p2, p1;
	p3 =	por !p3, p1  }
0xbf: {  	[sflag:s0] =	ssyncadd.s32 @!p1 $0xFFFFFFFF;
	v3 =	vimm.s32 @!p2 $0xFFFFFFFF;
	s6 =	simm.s32 @p3 $0xF  }
0xc0: {  	[tilespmem:$0x80] =	vst @!p2 v3;
	s2 =	sadd.s32 @!p1 $0x90, s6  }
0xc1: {  	[spmem:s10] =	stream.linear.scatter @!p1 [tilespmem:s2], [sflag:$0x1], $0x1, $0x38;
	[tilespmem:$0xD410] =	vst v63  }
0xc2: {  	_ =	swait.ge @!p1 [sflag:s0], $0x1  }
0xc3: {  	[sflag:s0] =	ssyncset.done @!p1 $0x0  }
0xc4: {  	s2 =	simm.s32 @!p1 $0x80;
	[sflag:s0] =	ssyncadd.s32 @!p1 $0xFFFFFFFF  }
0xc5: {  	[spmem:s15] =	stream.linear.scatter @!p1 [tilespmem:s2], [sflag:$0x1], $0x1, $0x38;
	[tilespmem:$0xD410] =	vst v63  }
0xc6: {  	_ =	swait.ge @!p1 [sflag:s0], $0x1  }
0xc7: {  	[sflag:s0] =	ssyncset.done @!p1 $0x0  }
0xc8: {  	[sflag:s0] =	ssyncadd.s32 @!p1 $0xFFFFFFFF;
	(ifvalue) =	ssetifvalue $0xFFFFFFFF;
	v3 =	vld [tilespmem:s25+$0x10];
	_ =	sdelay $0x3  }
.Ltmp6:
0xc9: {  	_ = 	snop;
	(pc) =	sbr.rel .LBB2_9-.Ltmp6, $3  }
0xca: {  	_ =	sdelay $0x1  }
0xcb: {  	(ifvalue) =	ssetifvalue $0xFFFFFFFF  }
0xcc: {  	[hbm4b:s1+s16] =	stream.indirect_vreg.scatter [tilespmem:s29], [sflag:$0x9], $0x1, v3, vm0, $0x4038;
	[tilespmem:$0xD410] =	vst v63  }
.LBB2_10:
0xcd: {  	_ =	sfence.sel $0x180000  }
0xce: {  	s0 =	simm.s32 $0x7;
	[bflag:$0x0] =	sbarrier.arrive $0xFFFF  }
0xcf: {  	s26 =	simm.s32 $0x8;
	[sflag:s0] =	ssyncpa.u1 $0x1  }
0xd0: {  	s28 =	simm.s32 $0x9;
	[sflag:s26] =	ssyncpa.u1 $0x1  }
0xd1: {  	[sflag:s28] =	ssyncpa.u1 $0x1  }
0xd2: {  	_ =	sfence.stream.spmem  }
0xd3: {  	s29 =	simm.s32 $0x3;
	[bflag:$0x0] =	sbarrier.arrive $0xFFFF  }
0xd4: {  	s30 =	simm.s32 $0x4;
	[sflag:s29] =	ssyncpa.u1 $0x1  }
0xd5: {  	s31 =	simm.s32 $0x3C;
	s2 =	stileid.u32;
	[sflag:s30] =	ssyncpa.u1 $0x1  }
0xd6: {  	p0 =	sne.s32 s2, $0x0;
	[sflag:s31] =	ssyncpa.u1 $0x1  }
0xd7: {  	s0 =	simm.s32 @p0 $0x1;
	_ =	sfence @p0  }
0xd8: {  	[sflag:s0] =	ssyncpa.u1 @p0 $0x1;
	s0 =	simm.s32 @p0 $0x2  }
0xd9: {  	[sflag:s0] =	ssyncpa.u1 @p0 $0x1  }
0xda: {  	_ =	strace @p0 $0x90000047  }
0xdb: {  	[bflag:$0x2] =	sbarrier.arrive @p0 $0xFFFF  }
0xdc: {  	_ =	shalt @p0  }
.LBB2_11:
0xdd: {  	_ =	sfence.stream.spmem;
	s0 =	simm.s32 $0x5  }
0xde: {  	s2 =	simm.s32 $0x80;
	s3 =	simm.s32 $0xC0;
	[sflag:s0] =	ssyncpa.u1 $0x0  }
0xdf: {  	[tilespmem:s3], [sflag:$0x5] =	stream.linear.gather [spmem:s2], $0x20, $0x38;
	[tilespmem:$0xD410] =	vst v63  }
0xe0: {  	s2 =	simm.s32 $0x0;
	s3 =	simm.s32 $0xE0  }
0xe1: {  	[tilespmem:s3], [sflag:$0x5] =	stream.linear.gather [spmem:s2], $0x20, $0x38;
	[tilespmem:$0xD410] =	vst v63  }
.Ltmp7:
0xe2: {  	_ = 	snop;
	(pc) =	sbr.rel .LBB2_12-.Ltmp7, $4  }
0xe3: {  	_ =	swait.ge [sflag:s0], $0x40  }
0xe4: {  	[sflag:s0] =	ssyncset.done $0x0  }
0xe5: {  	s31 =	simm.s32 $0x6;
	[sflag:s0] =	ssyncadd.s32 $0xFFFFFFC0  }
0xe6: {  	s4 =	simm.s32 $0x0;
	[sflag:s31] =	ssyncpa.u1 $0x0  }
.LBB2_17:
0xe7: {  	p0 =	sgt.u32 s5, $0x27FF  }
0xe8: {  	s0 =	sshrl.u32 @!p0 s5, $0x3  }
0xe9: {  	s5 =	sand.u32 @!p0 $0x7, s5;
	s6 =	simm.s32 @!p0 $0xB0;
	s0 =	sadd.s32 @!p0 s1, s0  }
0xea: {  	[tilespmem:s6], [sflag:$0x6] =	stream.linear.gather @!p0 [hbm4b:s0+s5], $0x1, $0x38;
	[tilespmem:$0xD410] =	vst v63  }
0xeb: {  	s0 =	simm.s32 @!p0 $0x6  }
0xec: {  	_ =	swait.ge @!p0 [sflag:s0], $0x1  }
0xed: {  	[sflag:s0] =	ssyncset.done @!p0 $0x0  }
0xee: {  	[sflag:s0] =	ssyncadd.s32 @!p0 $0xFFFFFFFF  }
0xef: {  	v2 =	vmov @!p0 s4;
	v1 =	vld.msk @!p0 [tilespmem:$0xB0], $0x1;
	_ =	sdelay $0x3  }
0xf0: {  	s0 =	simm.s32 @!p0 $0xE0  }
0xf1: {  	[tilespmem:v2+s0+$0x0], v1 =	vst.idx.ret.add.f32.msk @!p0 $0x1, v1  }
0xf2: {  	[tilespmem:s2+$0xC0] =	vst.msk $0x1, v0  }
0xf3: {  	v0 =	vld.msk [tilespmem:s4+$0xE0], $0x1;
	_ =	sdelay $0x4  }
0xf4: {  	[tilespmem:s2+$0xE0] =	vst.msk $0x1, v0;
	s2 =	sadd.s32 $0x1, s2  }
.LBB2_19:
0xf5: {  	s4 =	sadd.s32 $0x1, s4  }
0xf6: {  	p0 =	sne.s32 s4, $0x20  }
.Ltmp8:
0xf7: {  	_ = 	snop;
	(pc) =	sbr.rel @!p0 .LBB2_20-.Ltmp8, $1  }
0xf8: {  	_ =	sdelay $0x3  }
.LBB2_12:
0xf9: {  	v0 =	vld.msk [tilespmem:s4+$0xC0], $0x1;
	_ =	sdelay $0x4  }
0xfa: {  	(v2sf) =	vpush v0, $0x0;
	_ =	sdelay $0xe  }
0xfb: {  	s5 =	spop (v2sf)  }
0xfc: {  	p0 =	seq.s32 s5, $0xFFFFFFFF  }
.Ltmp9:
0xfd: {  	_ = 	snop;
	(pc) =	sbr.rel @p0 .LBB2_19-.Ltmp9, $1  }
0xfe: {  	_ =	sdelay $0x3  }
0xff: {  	p0 =	slt.s32 s2, $0x1  }
.Ltmp10:
0x100: {  	_ = 	snop;
	(pc) =	sbr.rel @p0 .LBB2_17-.Ltmp10, $1  }
0x101: {  	_ =	sdelay $0x3  }
0x102: {  	s0 =	simm.s32 $0xC0;
	p0 =	por $0x0, $0x0  }
0x103: {  	v1 =	vld.msk @!p0 [tilespmem:s0+$0x0], $0x1;
	_ =	sdelay $0x4  }
0x104: {  	(v2sf) =	vpush @!p0 v1, $0x0;
	_ =	sdelay $0xd  }
0x105: {  	p2 =	sne.s32 s2, $0x1  }
.Ltmp11:
0x106: {  	s6 =	spop @!p0 (v2sf);
	(pc) =	sbr.rel @!p2 .LBB2_16-.Ltmp11, $4  }
0x107: {  	p1 =	seq.s32 @!p0 s5, s6  }
0x108: {  	s6 =	simm.s32 $0x0;
	p1 =	por !p1, p0  }
0x109: {  	s8 =	simm.s32 $0xFFFFFFFF;
	s6 =	simm.s32 @p1 $0xFFFFFFFF  }
0x10a: {  	s7 =	simm.s32 $0x1;
	s6 =	smov.u32 @p0 s8  }
.LBB2_15:
0x10b: {  	s8 =	smov.u32 s6;
	p0 =	sne.s32 s6, $0xFFFFFFFF  }
0x10c: {  	s0 =	sadd.s32 $0x1, s0;
	s6 =	smov.u32 s7;
	s7 =	sadd.s32 $0x1, s7  }
0x10d: {  	p1 =	sne.s32 s2, s7;
	v1 =	vld.msk @!p0 [tilespmem:s0+$0x0], $0x1;
	_ =	sdelay $0x4  }
0x10e: {  	(v2sf) =	vpush @!p0 v1, $0x0;
	_ =	sdelay $0xe  }
.Ltmp12:
0x10f: {  	s9 =	spop @!p0 (v2sf);
	(pc) =	sbr.rel @p1 .LBB2_15-.Ltmp12, $4  }
0x110: {  	p2 =	seq.s32 @!p0 s5, s9  }
0x111: {  	p2 =	por !p2, p0  }
0x112: {  	s6 =	simm.s32 @p2 $0xFFFFFFFF  }
0x113: {  	s6 =	smov.u32 @p0 s8  }
.LBB2_16:
0x114: {  	p0 =	sne.s32 s6, $0xFFFFFFFF  }
.Ltmp13:
0x115: {  	_ = 	snop;
	(pc) =	sbr.rel @!p0 .LBB2_17-.Ltmp13, $1  }
0x116: {  	_ =	sdelay $0x3  }
0x117: {  	v0 =	vld.msk [tilespmem:s4+$0xE0], $0x1;
	v1 =	vmov s6  }
.Ltmp14:
0x118: {  	_ = 	snop;
	(pc) =	sbr.rel .LBB2_19-.Ltmp14, $2  }
0x119: {  	_ =	sdelay $0x2  }
0x11a: {  	[tilespmem:v1+s3+$0x0], v0 =	vst.idx.ret.add.f32.msk $0x1, v0  }
.LBB2_20:
0x11b: {  	p0 =	slt.s32 s2, $0x1  }
.Ltmp15:
0x11c: {  	_ = 	snop;
	(pc) =	sbr.rel @p0 .LBB2_24-.Ltmp15, $3  }
0x11d: {  	_ =	sdelay $0x1  }
0x11e: {  	s0 =	simm.s32 $0x6  }
0x11f: {  	s3 =	simm.s32 $0x0;
	[sflag:s0] =	ssyncpa.u1 $0x1  }
0x120: {  	s0 =	simm.s32 $0xC0  }
0x121: {  	v0 =	vld.msk [tilespmem:s0+$0x0], $0x1;
	_ =	sdelay $0x4  }
0x122: {  	(v2sf) =	vpush v0, $0x0;
	_ =	sdelay $0xe  }
0x123: {  	s2 =	sadd.s32 $0xFFFFFFFF, s2;
	s4 =	spop (v2sf)  }
0x124: {  	p1 =	sne.s32 s2, $0x0;
	p0 =	sgt.u32 s4, $0x27FF  }
.Ltmp16:
0x125: {  	s5 =	sshrl.u32 @!p0 s4, $0x3;
	(pc) =	sbr.rel @!p1 .LBB2_23-.Ltmp16, $4  }
0x126: {  	s0 =	simm.s32 $0xE0;
	s4 =	sand.u32 @!p0 $0x7, s4;
	s5 =	sadd.s32 @!p0 s1, s5  }
0x127: {  	[hbm4b:s5+s4] =	stream.linear.scatter @!p0 [tilespmem:s0], [sflag:$0x5], $0x1, $0x38;
	[tilespmem:$0xD410] =	vst v63  }
0x128: {  	s5 =	simm.s32 $0x0  }
0x129: {  	s4 =	simm.s32 $0xC1;
	s5 =	simm.s32 @!p0 $0x4  }
.LBB2_22:
0x12a: {  	v0 =	vld.msk [tilespmem:s4+$0x0], $0x1;
	s2 =	sadd.s32 $0xFFFFFFFF, s2;
	s3 =	sadd.s32 s3, s5  }
0x12b: {  	p0 =	sne.s32 s2, $0x0;
	_ =	sdelay $0x3  }
0x12c: {  	(v2sf) =	vpush v0, $0x0;
	_ =	sdelay $0xe  }
.Ltmp17:
0x12d: {  	s6 =	spop (v2sf);
	(pc) =	sbr.rel @p0 .LBB2_22-.Ltmp17, $4  }
0x12e: {  	s5 =	simm.s32 $0x0;
	p1 =	sgt.u32 s6, $0x27FF  }
0x12f: {  	s0 =	sadd.s32 $0x1, s0;
	s5 =	simm.s32 @!p1 $0x4;
	s7 =	sshrl.u32 @!p1 s6, $0x3  }
0x130: {  	s4 =	sadd.s32 $0x1, s4;
	s6 =	sand.u32 @!p1 $0x7, s6;
	s7 =	sadd.s32 @!p1 s1, s7  }
0x131: {  	[hbm4b:s7+s6] =	stream.linear.scatter @!p1 [tilespmem:s0], [sflag:$0x5], $0x1, $0x38;
	[tilespmem:$0xD410] =	vst v63  }
.LBB2_23:
0x132: {  	s0 =	sadd.s32 s3, s5  }
0x133: {  	s3 =	sshrl.u32 s0, $0x2  }
.LBB2_24:
0x134: {  	s0 =	simm.s32 $0x5  }
0x135: {  	_ =	swait.ge [sflag:s0], s3  }
0x136: {  	s1 =	ssub.s32 $0x0, s3;
	[sflag:s0] =	ssyncset.done $0x0  }
0x137: {  	[sflag:s0] =	ssyncadd.s32 s1  }
0x138: {  	[sflag:s0] =	ssyncpa.u1 $0x1  }
0x139: {  	s29 =	simm.s32 $0x1;
	_ =	sfence  }
0x13a: {  	s30 =	simm.s32 $0x2;
	[sflag:s29] =	ssyncpa.u1 $0x1  }
0x13b: {  	[sflag:s30] =	ssyncpa.u1 $0x1  }
0x13c: {  	_ =	strace $0x90000047  }
0x13d: {  	[bflag:$0x2] =	sbarrier.arrive $0xFFFF  }
0x13e: {  	s31 =	rddreg [dreg:$0x1]  }
0x13f: {  	s0 =	sadd.s32 $0x100000, s31  }
0x140: {  	[sflag:s0] =	ssyncadd.tile.s32 $0x1;
	_ =	shalt  }
.Lfunc_end2:
_tile_overlayer_lowered:
.L_overlay_start_2:
0x141: {  	(tag) =	ssettag $0x2  }
0x142: {  	s0 =	rddreg [dreg:$0x0];
	s2 =	stileid.u32  }
0x143: {  	s1 =	rddreg [dreg:$0x1];
	p0 =	sne.s32 s2, $0x0  }
0x144: {  	s3 =	rddreg [dreg:$0x2];
	[bflag:$0x3] =	sbarrier.arrive $0xFFFF;
	s2 =	simm.s32 @!p0 $0x1C01  }
0x145: {  	[timem:s3], [sflag:s2] =	dma.local @!p0 [hbm:s0], s1  }
0x146: {  	s0 =	simm.s32 @!p0 $0x1  }
0x147: {  	_ =	swait.ge @!p0 [sflag:s0], s1  }
0x148: {  	s1 =	ssub.s32 @!p0 $0x0, s1;
	[sflag:s0] =	ssyncset.done @!p0 $0x0  }
0x149: {  	[sflag:s0] =	ssyncadd.s32 @!p0 s1  }
0x14a: {  	[bflag:$0x3] =	sbarrier.arrive $0xFFFF  }
0x14b: {  	_ =	shalt  }

</sc_bundles>
